<compile_context>
chip_gen: v7x
topology: tpu7x:2x2x1
jax: 0.10.2.dev20260603
libtpu: 0.0.44.dev20260713+nightly
codegen_flags: <defaults>
</compile_context>

<pallas_src>
import functools

import jax
import jax.numpy as jnp
import numpy as np
from jax import lax
from jax.experimental import pallas as pl
from jax.experimental.pallas import tpu as pltpu
from jax.experimental.pallas import tpu_sc as plsc

B = 32
N = 1024
KNN = 5
NC, NS, L = 2, 16, 16
NW = NC * NS
RPT = N // NW
NG = RPT // L
SUB, LANE = 8, 128
BIG = 3.0e38
SELFD = 1.0e9


def _knn_body(xs_hbm, ys_hbm, sq_hbm, out_hbm, xv, yv, sv, ov):
    wid = lax.axis_index("s") * NC + lax.axis_index("c")
    pltpu.sync_copy(xs_hbm, xv)
    pltpu.sync_copy(ys_hbm, yv)
    pltpu.sync_copy(sq_hbm, sv)

    @pl.loop(0, B)
    def _rb(b):
        @pl.loop(0, N // L)
        def _rc(c):
            sl = (b, pl.ds(c * L, L))
            for vref in (xv, yv):
                u = lax.bitcast_convert_type(vref[sl], jnp.uint32)
                u = (u + (np.uint32(0x7FFF) + ((u >> np.uint32(16))
                                               & np.uint32(1)))) & np.uint32(0xFFFF0000)
                vref[sl] = lax.bitcast_convert_type(u, jnp.float32)

    r0 = wid * RPT
    iot = lax.iota(jnp.int32, L)

    @pl.loop(0, B)
    def _batch(b):
        xq, yq, sq, rid = [], [], [], []
        for g in range(NG):
            base = r0 + g * L
            xq.append(xv[b, pl.ds(base, L)] * -2.0)
            yq.append(yv[b, pl.ds(base, L)] * -2.0)
            sq.append(sv[b, pl.ds(base, L)])
            rid.append(iot + base)

        big = jnp.full((L,), BIG, jnp.float32)
        zero = jnp.zeros((L,), jnp.int32)
        init = tuple([big] * (KNN * NG) + [zero] * (KNN * NG))

        def cbody(c, st):
            keys = [list(st[g * KNN:(g + 1) * KNN]) for g in range(NG)]
            ids = [list(st[(NG + g) * KNN:(NG + g + 1) * KNN]) for g in range(NG)]
            cb = c * L
            xc = xv[b, pl.ds(cb, L)]
            yc = yv[b, pl.ds(cb, L)]
            sc = sv[b, pl.ds(cb, L)]
            for l in range(L):
                xj = xc[l]
                yj = yc[l]
                sj = sc[l]
                jv = cb + l
                for g in range(NG):
                    d2 = (sq[g] + sj) + (xq[g] * xj + yq[g] * yj)
                    d2 = jnp.where(rid[g] == jv, SELFD, d2)
                    m = [d2 < keys[g][lvl] for lvl in range(KNN)]
                    for lvl in range(KNN - 1, 0, -1):
                        keys[g][lvl] = jnp.minimum(
                            keys[g][lvl], jnp.maximum(keys[g][lvl - 1], d2))
                        ids[g][lvl] = jnp.where(
                            m[lvl],
                            jnp.where(m[lvl - 1], ids[g][lvl - 1], jv),
                            ids[g][lvl])
                    keys[g][0] = jnp.minimum(keys[g][0], d2)
                    ids[g][0] = jnp.where(m[0], jv, ids[g][0])
            return tuple(keys[0] + keys[1] + ids[0] + ids[1])

        st = lax.fori_loop(0, N // L, cbody, init, unroll=2)
        for g in range(NG):
            for lvl in range(KNN):
                ov[b, lvl, pl.ds(g * L, L)] = st[(NG + g) * KNN + lvl]

    pltpu.sync_copy(ov, out_hbm.at[wid])


_knn_call = functools.partial(
    pl.kernel,
    out_type=jax.ShapeDtypeStruct((NW, B, KNN, RPT), jnp.int32),
    mesh=plsc.VectorSubcoreMesh(core_axis_name="c", subcore_axis_name="s"),
    scratch_types=[
        pltpu.VMEM((B, N), jnp.float32),
        pltpu.VMEM((B, N), jnp.float32),
        pltpu.VMEM((B, N), jnp.float32),
        pltpu.VMEM((B, KNN, RPT), jnp.int32),
    ],
)(_knn_body)


def _r16(v):
    u = lax.bitcast_convert_type(v, jnp.int32)
    u = (u + (np.int32(0x7FFF) + ((u >> 16) & np.int32(1)))) & np.int32(-65536)
    return lax.bitcast_convert_type(u, jnp.float32)


def _enc_body(xs_ref, ys_ref, dem_ref, cap_ref, cur_ref, dep_ref,
              wamp_ref, bamp_ref, w1_ref, b1_ref, w2_ref, b2_ref,
              feat_ref, psi_ref):
    x = xs_ref[0]
    y = ys_ref[0]
    dem = dem_ref[0]
    cap = cap_ref[0]
    pid = pl.program_id(0)
    cx, cy = cur_ref[pid, 0], cur_ref[pid, 1]
    dx, dy = dep_ref[pid, 0], dep_ref[pid, 1]
    txd, tyd = x - dx, y - dy
    d_dep = jnp.sqrt(txd * txd + tyd * tyd + 1e-12)
    txc, tyc = x - cx, y - cy
    d_cur = jnp.sqrt(txc * txc + tyc * tyc + 1e-12)
    nid = (lax.broadcasted_iota(jnp.int32, (SUB, LANE), 0) * LANE
           + lax.broadcasted_iota(jnp.int32, (SUB, LANE), 1))
    is_dep = jnp.where(nid == 0, 1.0, 0.0).astype(jnp.float32)
    dn = dem / cap
    feats = [x, y, dn, d_dep, is_dep, d_cur]
    for f in range(6):
        feat_ref[0, f] = feats[f]
    fb = [_r16(f) for f in feats]
    pa = fb[0] * wamp_ref[0, 0]
    pb = fb[0] * wamp_ref[0, 1]
    for f in range(1, 6):
        pa = pa + fb[f] * wamp_ref[f, 0]
        pb = pb + fb[f] * wamp_ref[f, 1]
    pa = pa + bamp_ref[0]
    pb = pb + bamp_ref[1]
    nrm = jnp.sqrt(pa * pa + pb * pb) + 1e-8
    pa = pa / nrm
    pb = pb / nrm
    theta = jnp.full_like(x, 0.0) + b2_ref[0]
    for j in range(16):
        h = fb[0] * w1_ref[0, j]
        for f in range(1, 6):
            h = h + fb[f] * w1_ref[f, j]
        h = h + b1_ref[j]
        theta = theta + _r16(jnp.tanh(h)) * w2_ref[j, 0]
    c, s = jnp.cos(theta), jnp.sin(theta)
    psi_ref[0, 0] = c * pa - s * pb
    psi_ref[0, 1] = s * pa + c * pb


_enc_call = pl.pallas_call(
    _enc_body,
    grid=(B,),
    in_specs=[
        pl.BlockSpec((1, SUB, LANE), lambda b: (b, 0, 0)),
        pl.BlockSpec((1, SUB, LANE), lambda b: (b, 0, 0)),
        pl.BlockSpec((1, SUB, LANE), lambda b: (b, 0, 0)),
        pl.BlockSpec(memory_space=pltpu.SMEM),
        pl.BlockSpec(memory_space=pltpu.SMEM),
        pl.BlockSpec(memory_space=pltpu.SMEM),
        pl.BlockSpec(memory_space=pltpu.SMEM),
        pl.BlockSpec(memory_space=pltpu.SMEM),
        pl.BlockSpec(memory_space=pltpu.SMEM),
        pl.BlockSpec(memory_space=pltpu.SMEM),
        pl.BlockSpec(memory_space=pltpu.SMEM),
        pl.BlockSpec(memory_space=pltpu.SMEM),
    ],
    out_specs=[
        pl.BlockSpec((1, 6, SUB, LANE), lambda b: (b, 0, 0, 0)),
        pl.BlockSpec((1, 2, SUB, LANE), lambda b: (b, 0, 0, 0)),
    ],
    out_shape=[
        jax.ShapeDtypeStruct((B, 6, SUB, LANE), jnp.float32),
        jax.ShapeDtypeStruct((B, 2, SUB, LANE), jnp.float32),
    ],
)


def kernel(coords, demands, capacity, current_node_coords,
           W_amp, b_amp, W1, b1, W2, b2):
    xs = coords[..., 0]
    ys = coords[..., 1]
    sq = jnp.sum(coords ** 2, axis=-1)
    depot = coords[:, 0, :]

    knn_t = _knn_call(xs, ys, sq)
    knn = jnp.transpose(knn_t, (1, 0, 3, 2)).reshape(B, N, KNN)

    feat_t, psi_t = _enc_call(
        xs.reshape(B, SUB, LANE), ys.reshape(B, SUB, LANE),
        demands.reshape(B, SUB, LANE), capacity, current_node_coords, depot,
        W_amp, b_amp, W1, b1, W2, b2)
    features = jnp.transpose(feat_t.reshape(B, 6, N), (0, 2, 1))
    psi_prime = jnp.transpose(psi_t.reshape(B, 2, N), (0, 2, 1))
    return psi_prime, features, knn

# --- scband reference (transcript-rebuilt; emitter-appended) ---
"""Pipeline reference for scband-full-encoder-4226247819610 (READ-ONLY COPY).

The authoritative reference and input builder live on the scoring server;
editing this copy changes nothing except your own understanding.
"""

import jax, jax.numpy as jnp
import numpy as np

B, NP1 = 32, 1024
INPUT_DIM, AMP_DIM, HIDDEN_DIM, KNN_K = 6, 2, 16, 5


def setup_inputs(seed: int = 0) -> dict:
    key = jax.random.key(seed)
    ks = jax.random.split(key, 8)
    coords = jax.random.uniform(ks[0], (B, NP1, 2), dtype=jnp.float32)
    demands = jax.random.uniform(ks[1], (B, NP1), dtype=jnp.float32)
    capacity = jnp.ones((1,), dtype=jnp.float32)
    current_node_coords = jax.random.uniform(ks[2], (B, 2), dtype=jnp.float32)
    W_amp = jax.random.normal(ks[3], (INPUT_DIM, AMP_DIM), dtype=jnp.float32) * 0.4
    b_amp = jnp.zeros((AMP_DIM,), dtype=jnp.float32)
    W1 = jax.random.normal(ks[4], (INPUT_DIM, HIDDEN_DIM), dtype=jnp.float32) * 0.4
    b1 = jnp.zeros((HIDDEN_DIM,), dtype=jnp.float32)
    W2 = jax.random.normal(ks[5], (HIDDEN_DIM, 1), dtype=jnp.float32) * 0.25
    b2 = jnp.zeros((1,), dtype=jnp.float32)
    return {"coords": coords, "demands": demands, "capacity": capacity,
            "current_node_coords": current_node_coords,
            "W_amp": W_amp, "b_amp": b_amp, "W1": W1, "b1": b1, "W2": W2, "b2": b2}


def _build_features(coords, demands, capacity, current_node_coords):
    # FeatureBuilder: 6D node features [x, y, demand/cap, dist_to_depot, is_depot, dist_to_current]
    depot = coords[:, 0:1, :]
    d_depot = jnp.sqrt(jnp.sum((coords - depot) ** 2, axis=-1) + 1e-12)
    d_curr = jnp.sqrt(jnp.sum((coords - current_node_coords[:, None, :]) ** 2, axis=-1) + 1e-12)
    is_depot = jnp.zeros(coords.shape[:2], dtype=coords.dtype).at[:, 0].set(1.0)
    demand_norm = demands / capacity[0]
    return jnp.stack([coords[..., 0], coords[..., 1], demand_norm, d_depot, is_depot, d_curr], axis=-1)


def _qap_encode(features, W_amp, b_amp, W1, b1, W2, b2):
    # AmplitudeProjection: linear -> unit norm in amplitude space
    psi = features @ W_amp + b_amp
    psi = psi / (jnp.linalg.norm(psi, axis=-1, keepdims=True) + 1e-8)
    # RotationMLP: 2-layer MLP producing a rotation angle per node
    h = jnp.tanh(features @ W1 + b1)
    theta = (h @ W2 + b2)[..., 0]
    # apply_rotation: 2D rotation of psi by theta (norm-preserving)
    c, s = jnp.cos(theta), jnp.sin(theta)
    x, y = psi[..., 0], psi[..., 1]
    return jnp.stack([c * x - s * y, s * x + c * y], axis=-1)


def _compute_knn(coords, k):
    # spatial kNN over euclidean distance, no self-loops
    sq = jnp.sum(coords ** 2, axis=-1)
    d2 = sq[:, :, None] + sq[:, None, :] - 2.0 * jnp.einsum('bnd,bmd->bnm', coords, coords)
    n = coords.shape[1]
    d2 = d2 + jnp.eye(n, dtype=coords.dtype) * 1e9
    _, idx = jax.lax.top_k(-d2, k)
    return idx


def reference(coords, demands, capacity, current_node_coords, W_amp, b_amp, W1, b1, W2, b2):
    features = _build_features(coords, demands, capacity, current_node_coords)
    psi_prime = _qap_encode(features, W_amp, b_amp, W1, b1, W2, b2)
    knn_indices = _compute_knn(coords, KNN_K)
    return psi_prime, features, knn_indices

if __name__ == "__main__":
    import jax
    _d = setup_inputs()
    print(jax.jit(kernel)(*tuple(_d.values())))

</pallas_src>

<mosaic_0001>
#map = affine_map<(d0, d1) -> (0, 0)>
#map1 = affine_map<(d0, d1) -> (0, 0, 0, 0)>
module attributes {stable_mosaic.version = 14 : i64} {
  func.func @_knn_body(%arg0: i32, %arg1: i32, %arg2: memref<32x1024xf32, #tpu.memory_space<hbm>>, %arg3: memref<32x1024xf32, #tpu.memory_space<hbm>>, %arg4: memref<32x1024xf32, #tpu.memory_space<hbm>>, %arg5: memref<32x32x5x32xi32, #tpu.memory_space<hbm>>, %arg6: memref<32x1024xf32, #tpu.memory_space<vmem>>, %arg7: memref<32x1024xf32, #tpu.memory_space<vmem>>, %arg8: memref<32x1024xf32, #tpu.memory_space<vmem>>, %arg9: memref<32x5x32xi32, #tpu.memory_space<vmem>>) attributes {dimension_semantics = [#tpu.dimension_semantics<core_parallel>, #tpu.dimension_semantics<subcore_parallel>], iteration_bounds = array<i64: 2, 16>, scalar_prefetch = 0 : i64, scratch_operands = 4 : i64, tpu.core_type = #tpu.core_type<sc_vector_subcore>, window_params = [{transform_indices = #map}, {transform_indices = #map}, {transform_indices = #map}, {transform_indices = #map1}]} {
    %mul3A = arith.constant 2 : i32
    %mul3A_0 = arith.muli %arg1, %mul3A : i32
    %add3A = arith.addi %mul3A_0, %arg0 : i32
    "tpu.region"() ({
      %run_scoped3A = tpu.sem_alloc : memref<!tpu.dma_semaphore, #tpu.memory_space<semaphore_mem>>
      tpu.enqueue_dma source(%arg2 : memref<32x1024xf32, #tpu.memory_space<hbm>>) target(%arg6 : memref<32x1024xf32, #tpu.memory_space<vmem>>) target_semaphore(%run_scoped3A : memref<!tpu.dma_semaphore, #tpu.memory_space<semaphore_mem>>)
      tpu.wait_dma2 semaphore(%run_scoped3A : memref<!tpu.dma_semaphore, #tpu.memory_space<semaphore_mem>>) src(%arg2 : memref<32x1024xf32, #tpu.memory_space<hbm>>) dst(%arg6 : memref<32x1024xf32, #tpu.memory_space<vmem>>)
      tpu.yield
    }) : () -> ()
    "tpu.region"() ({
      %run_scoped3A = tpu.sem_alloc : memref<!tpu.dma_semaphore, #tpu.memory_space<semaphore_mem>>
      tpu.enqueue_dma source(%arg3 : memref<32x1024xf32, #tpu.memory_space<hbm>>) target(%arg7 : memref<32x1024xf32, #tpu.memory_space<vmem>>) target_semaphore(%run_scoped3A : memref<!tpu.dma_semaphore, #tpu.memory_space<semaphore_mem>>)
      tpu.wait_dma2 semaphore(%run_scoped3A : memref<!tpu.dma_semaphore, #tpu.memory_space<semaphore_mem>>) src(%arg3 : memref<32x1024xf32, #tpu.memory_space<hbm>>) dst(%arg7 : memref<32x1024xf32, #tpu.memory_space<vmem>>)
      tpu.yield
    }) : () -> ()
    "tpu.region"() ({
      %run_scoped3A = tpu.sem_alloc : memref<!tpu.dma_semaphore, #tpu.memory_space<semaphore_mem>>
      tpu.enqueue_dma source(%arg4 : memref<32x1024xf32, #tpu.memory_space<hbm>>) target(%arg8 : memref<32x1024xf32, #tpu.memory_space<vmem>>) target_semaphore(%run_scoped3A : memref<!tpu.dma_semaphore, #tpu.memory_space<semaphore_mem>>)
      tpu.wait_dma2 semaphore(%run_scoped3A : memref<!tpu.dma_semaphore, #tpu.memory_space<semaphore_mem>>) src(%arg4 : memref<32x1024xf32, #tpu.memory_space<hbm>>) dst(%arg8 : memref<32x1024xf32, #tpu.memory_space<vmem>>)
      tpu.yield
    }) : () -> ()
    %scan3A = arith.constant 0 : i32
    %scan3A_1 = arith.constant 32 : i32
    %scan3A_2 = arith.addi %scan3A, %scan3A_1 : i32
    %scan3A_3 = arith.constant 1 : i32
    scf.for %scan3A_12 = %scan3A to %scan3A_2 step %scan3A_3  : i32 {
      %mul3A_13 = arith.constant 1 : i32
      %mul3A_14 = arith.muli %scan3A_12, %mul3A_13 : i32
      %add3A_15 = arith.constant 0 : i32
      %add3A_16 = arith.addi %add3A_15, %mul3A_14 : i32
      %scan3A_17 = arith.constant 0 : i32
      %scan3A_18 = arith.constant 64 : i32
      %scan3A_19 = arith.addi %scan3A_17, %scan3A_18 : i32
      %scan3A_20 = arith.constant 1 : i32
      scf.for %scan3A_22 = %scan3A_17 to %scan3A_19 step %scan3A_20  : i32 {
        %mul3A_23 = arith.constant 1 : i32
        %mul3A_24 = arith.muli %scan3A_22, %mul3A_23 : i32
        %add3A_25 = arith.constant 0 : i32
        %add3A_26 = arith.addi %add3A_25, %mul3A_24 : i32
        %mul3A_27 = arith.constant 16 : i32
        %mul3A_28 = arith.muli %add3A_26, %mul3A_27 : i32
        %get3A = arith.index_cast %add3A_16 : i32 to index
        %get3A_29 = arith.index_cast %mul3A_28 : i32 to index
        %get3A_30 = tpu.vector_load %arg6[%get3A, %get3A_29] {strides = array<i32>} : memref<32x1024xf32, #tpu.memory_space<vmem>>, vector<1x16xf32>,
        %get3A_31 = vector.shape_cast %get3A_30 : vector<1x16xf32> to vector<16xf32>
        %bitcast_convert_type3A = tpu.bitcast %get3A_31 : vector<16xf32> -> vector<16xi32>
        %shift_right_logical3A = arith.constant 16 : i32
        %shift_right_logical3A_32 = vector.broadcast %shift_right_logical3A : i32 to vector<16xi32>
        %shift_right_logical3A_33 = arith.shrui %bitcast_convert_type3A, %shift_right_logical3A_32 : vector<16xi32>
        %and3A = arith.constant 1 : i32
        %and3A_34 = vector.broadcast %and3A : i32 to vector<16xi32>
        %and3A_35 = arith.andi %shift_right_logical3A_33, %and3A_34 : vector<16xi32>
        %add3A_36 = arith.constant 32767 : i32
        %add3A_37 = vector.broadcast %add3A_36 : i32 to vector<16xi32>
        %add3A_38 = arith.addi %add3A_37, %and3A_35 : vector<16xi32>
        %add3A_39 = arith.addi %bitcast_convert_type3A, %add3A_38 : vector<16xi32>
        %and3A_40 = arith.constant -65536 : i32
        %and3A_41 = vector.broadcast %and3A_40 : i32 to vector<16xi32>
        %and3A_42 = arith.andi %add3A_39, %and3A_41 : vector<16xi32>
        %bitcast_convert_type3A_43 = tpu.bitcast %and3A_42 : vector<16xi32> -> vector<16xf32>
        %swap3A = arith.index_cast %add3A_16 : i32 to index
        %swap3A_44 = arith.index_cast %mul3A_28 : i32 to index
        %swap3A_45 = tpu.vector_load %arg6[%swap3A, %swap3A_44] {strides = array<i32>} : memref<32x1024xf32, #tpu.memory_space<vmem>>, vector<1x16xf32>,
        %swap3A_46 = vector.shape_cast %swap3A_45 : vector<1x16xf32> to vector<16xf32>
        %swap3A_47 = vector.shape_cast %bitcast_convert_type3A_43 : vector<16xf32> to vector<1x16xf32>
        tpu.vector_store %arg6[%swap3A, %swap3A_44], %swap3A_47 {strides = array<i32>} : memref<32x1024xf32, #tpu.memory_space<vmem>>, vector<1x16xf32>,
        %get3A_48 = arith.index_cast %add3A_16 : i32 to index
        %get3A_49 = arith.index_cast %mul3A_28 : i32 to index
        %get3A_50 = tpu.vector_load %arg7[%get3A_48, %get3A_49] {strides = array<i32>} : memref<32x1024xf32, #tpu.memory_space<vmem>>, vector<1x16xf32>,
        %get3A_51 = vector.shape_cast %get3A_50 : vector<1x16xf32> to vector<16xf32>
        %bitcast_convert_type3A_52 = tpu.bitcast %get3A_51 : vector<16xf32> -> vector<16xi32>
        %shift_right_logical3A_53 = arith.constant 16 : i32
        %shift_right_logical3A_54 = vector.broadcast %shift_right_logical3A_53 : i32 to vector<16xi32>
        %shift_right_logical3A_55 = arith.shrui %bitcast_convert_type3A_52, %shift_right_logical3A_54 : vector<16xi32>
        %and3A_56 = arith.constant 1 : i32
        %and3A_57 = vector.broadcast %and3A_56 : i32 to vector<16xi32>
        %and3A_58 = arith.andi %shift_right_logical3A_55, %and3A_57 : vector<16xi32>
        %add3A_59 = arith.constant 32767 : i32
        %add3A_60 = vector.broadcast %add3A_59 : i32 to vector<16xi32>
        %add3A_61 = arith.addi %add3A_60, %and3A_58 : vector<16xi32>
        %add3A_62 = arith.addi %bitcast_convert_type3A_52, %add3A_61 : vector<16xi32>
        %and3A_63 = arith.constant -65536 : i32
        %and3A_64 = vector.broadcast %and3A_63 : i32 to vector<16xi32>
        %and3A_65 = arith.andi %add3A_62, %and3A_64 : vector<16xi32>
        %bitcast_convert_type3A_66 = tpu.bitcast %and3A_65 : vector<16xi32> -> vector<16xf32>
        %swap3A_67 = arith.index_cast %add3A_16 : i32 to index
        %swap3A_68 = arith.index_cast %mul3A_28 : i32 to index
        %swap3A_69 = tpu.vector_load %arg7[%swap3A_67, %swap3A_68] {strides = array<i32>} : memref<32x1024xf32, #tpu.memory_space<vmem>>, vector<1x16xf32>,
        %swap3A_70 = vector.shape_cast %swap3A_69 : vector<1x16xf32> to vector<16xf32>
        %swap3A_71 = vector.shape_cast %bitcast_convert_type3A_66 : vector<16xf32> to vector<1x16xf32>
        tpu.vector_store %arg7[%swap3A_67, %swap3A_68], %swap3A_71 {strides = array<i32>} : memref<32x1024xf32, #tpu.memory_space<vmem>>, vector<1x16xf32>,
      }
      %scan3A_21 = arith.constant 64 : i32
    }
    %scan3A_4 = arith.constant 32 : i32
    %mul3A_5 = arith.constant 32 : i32
    %mul3A_6 = arith.muli %add3A, %mul3A_5 : i32
    %iota3A = tpu.iota {dimensions = array<i32: 0>} : vector<16xi32>
    %scan3A_7 = arith.constant 0 : i32
    %scan3A_8 = arith.constant 32 : i32
    %scan3A_9 = arith.addi %scan3A_7, %scan3A_8 : i32
    %scan3A_10 = arith.constant 1 : i32
    scf.for %scan3A_12 = %scan3A_7 to %scan3A_9 step %scan3A_10  : i32 {
      %mul3A_13 = arith.constant 1 : i32
      %mul3A_14 = arith.muli %scan3A_12, %mul3A_13 : i32
      %add3A_15 = arith.constant 0 : i32
      %add3A_16 = arith.addi %add3A_15, %mul3A_14 : i32
      %add3A_17 = arith.constant 0 : i32
      %add3A_18 = arith.addi %mul3A_6, %add3A_17 : i32
      %get3A = arith.index_cast %add3A_16 : i32 to index
      %get3A_19 = arith.index_cast %add3A_18 : i32 to index
      %get3A_20 = tpu.vector_load %arg6[%get3A, %get3A_19] {strides = array<i32>} : memref<32x1024xf32, #tpu.memory_space<vmem>>, vector<1x16xf32>,
      %get3A_21 = vector.shape_cast %get3A_20 : vector<1x16xf32> to vector<16xf32>
      %mul3A_22 = arith.constant -2.000000e+00 : f32
      %mul3A_23 = vector.broadcast %mul3A_22 : f32 to vector<16xf32>
      %mul3A_24 = arith.mulf %get3A_21, %mul3A_23 : vector<16xf32>
      %get3A_25 = arith.index_cast %add3A_16 : i32 to index
      %get3A_26 = arith.index_cast %add3A_18 : i32 to index
      %get3A_27 = tpu.vector_load %arg7[%get3A_25, %get3A_26] {strides = array<i32>} : memref<32x1024xf32, #tpu.memory_space<vmem>>, vector<1x16xf32>,
      %get3A_28 = vector.shape_cast %get3A_27 : vector<1x16xf32> to vector<16xf32>
      %mul3A_29 = arith.constant -2.000000e+00 : f32
      %mul3A_30 = vector.broadcast %mul3A_29 : f32 to vector<16xf32>
      %mul3A_31 = arith.mulf %get3A_28, %mul3A_30 : vector<16xf32>
      %get3A_32 = arith.index_cast %add3A_16 : i32 to index
      %get3A_33 = arith.index_cast %add3A_18 : i32 to index
      %get3A_34 = tpu.vector_load %arg8[%get3A_32, %get3A_33] {strides = array<i32>} : memref<32x1024xf32, #tpu.memory_space<vmem>>, vector<1x16xf32>,
      %get3A_35 = vector.shape_cast %get3A_34 : vector<1x16xf32> to vector<16xf32>
      %add3A_36 = vector.broadcast %add3A_18 : i32 to vector<16xi32>
      %add3A_37 = arith.addi %iota3A, %add3A_36 : vector<16xi32>
      %add3A_38 = arith.constant 16 : i32
      %add3A_39 = arith.addi %mul3A_6, %add3A_38 : i32
      %get3A_40 = arith.index_cast %add3A_16 : i32 to index
      %get3A_41 = arith.index_cast %add3A_39 : i32 to index
      %get3A_42 = tpu.vector_load %arg6[%get3A_40, %get3A_41] {strides = array<i32>} : memref<32x1024xf32, #tpu.memory_space<vmem>>, vector<1x16xf32>,
      %get3A_43 = vector.shape_cast %get3A_42 : vector<1x16xf32> to vector<16xf32>
      %mul3A_44 = arith.constant -2.000000e+00 : f32
      %mul3A_45 = vector.broadcast %mul3A_44 : f32 to vector<16xf32>
      %mul3A_46 = arith.mulf %get3A_43, %mul3A_45 : vector<16xf32>
      %get3A_47 = arith.index_cast %add3A_16 : i32 to index
      %get3A_48 = arith.index_cast %add3A_39 : i32 to index
      %get3A_49 = tpu.vector_load %arg7[%get3A_47, %get3A_48] {strides = array<i32>} : memref<32x1024xf32, #tpu.memory_space<vmem>>, vector<1x16xf32>,
      %get3A_50 = vector.shape_cast %get3A_49 : vector<1x16xf32> to vector<16xf32>
      %mul3A_51 = arith.constant -2.000000e+00 : f32
      %mul3A_52 = vector.broadcast %mul3A_51 : f32 to vector<16xf32>
      %mul3A_53 = arith.mulf %get3A_50, %mul3A_52 : vector<16xf32>
      %get3A_54 = arith.index_cast %add3A_16 : i32 to index
      %get3A_55 = arith.index_cast %add3A_39 : i32 to index
      %get3A_56 = tpu.vector_load %arg8[%get3A_54, %get3A_55] {strides = array<i32>} : memref<32x1024xf32, #tpu.memory_space<vmem>>, vector<1x16xf32>,
      %get3A_57 = vector.shape_cast %get3A_56 : vector<1x16xf32> to vector<16xf32>
      %add3A_58 = vector.broadcast %add3A_39 : i32 to vector<16xi32>
      %add3A_59 = arith.addi %iota3A, %add3A_58 : vector<16xi32>
      %broadcast_in_dim3A = arith.constant 3.000000e+38 : f32
      %broadcast_in_dim3A_60 = vector.broadcast %broadcast_in_dim3A : f32 to vector<16xf32>
      %broadcast_in_dim3A_61 = arith.constant 0 : i32
      %broadcast_in_dim3A_62 = vector.broadcast %broadcast_in_dim3A_61 : i32 to vector<16xi32>
      %scan3A_63 = arith.constant 0 : i32
      %scan3A_64 = arith.constant 64 : i32
      %scan3A_65 = arith.addi %scan3A_63, %scan3A_64 : i32
      %scan3A_66 = arith.constant 2 : i32
      %scan3A_67:20 = scf.for %scan3A_138 = %scan3A_63 to %scan3A_65 step %scan3A_66 iter_args(%scan3A_139 = %broadcast_in_dim3A_60, %scan3A_140 = %broadcast_in_dim3A_60, %scan3A_141 = %broadcast_in_dim3A_60, %scan3A_142 = %broadcast_in_dim3A_60, %scan3A_143 = %broadcast_in_dim3A_60, %scan3A_144 = %broadcast_in_dim3A_60, %scan3A_145 = %broadcast_in_dim3A_60, %scan3A_146 = %broadcast_in_dim3A_60, %scan3A_147 = %broadcast_in_dim3A_60, %scan3A_148 = %broadcast_in_dim3A_60, %scan3A_149 = %broadcast_in_dim3A_62, %scan3A_150 = %broadcast_in_dim3A_62, %scan3A_151 = %broadcast_in_dim3A_62, %scan3A_152 = %broadcast_in_dim3A_62, %scan3A_153 = %broadcast_in_dim3A_62, %scan3A_154 = %broadcast_in_dim3A_62, %scan3A_155 = %broadcast_in_dim3A_62, %scan3A_156 = %broadcast_in_dim3A_62, %scan3A_157 = %broadcast_in_dim3A_62, %scan3A_158 = %broadcast_in_dim3A_62) -> (vector<16xf32>, vector<16xf32>, vector<16xf32>, vector<16xf32>, vector<16xf32>, vector<16xf32>, vector<16xf32>, vector<16xf32>, vector<16xf32>, vector<16xf32>, vector<16xi32>, vector<16xi32>, vector<16xi32>, vector<16xi32>, vector<16xi32>, vector<16xi32>, vector<16xi32>, vector<16xi32>, vector<16xi32>, vector<16xi32>)  : i32 {
        %mul3A_159 = arith.constant 16 : i32
        %mul3A_160 = arith.muli %scan3A_138, %mul3A_159 : i32
        %get3A_161 = arith.index_cast %add3A_16 : i32 to index
        %get3A_162 = arith.index_cast %mul3A_160 : i32 to index
        %get3A_163 = tpu.vector_load %arg6[%get3A_161, %get3A_162] {strides = array<i32>} : memref<32x1024xf32, #tpu.memory_space<vmem>>, vector<1x16xf32>,
        %get3A_164 = vector.shape_cast %get3A_163 : vector<1x16xf32> to vector<16xf32>
        %get3A_165 = arith.index_cast %add3A_16 : i32 to index
        %get3A_166 = arith.index_cast %mul3A_160 : i32 to index
        %get3A_167 = tpu.vector_load %arg7[%get3A_165, %get3A_166] {strides = array<i32>} : memref<32x1024xf32, #tpu.memory_space<vmem>>, vector<1x16xf32>,
        %get3A_168 = vector.shape_cast %get3A_167 : vector<1x16xf32> to vector<16xf32>
        %get3A_169 = arith.index_cast %add3A_16 : i32 to index
        %get3A_170 = arith.index_cast %mul3A_160 : i32 to index
        %get3A_171 = tpu.vector_load %arg8[%get3A_169, %get3A_170] {strides = array<i32>} : memref<32x1024xf32, #tpu.memory_space<vmem>>, vector<1x16xf32>,
        %get3A_172 = vector.shape_cast %get3A_171 : vector<1x16xf32> to vector<16xf32>
        %slice3A = vector.extract_strided_slice %get3A_164 {offsets = [0], sizes = [1], strides = [1]} : vector<16xf32> to vector<1xf32>
        %squeeze3A = vector.extract %slice3A[0] : f32 from vector<1xf32>
        %slice3A_173 = vector.extract_strided_slice %get3A_168 {offsets = [0], sizes = [1], strides = [1]} : vector<16xf32> to vector<1xf32>
        %squeeze3A_174 = vector.extract %slice3A_173[0] : f32 from vector<1xf32>
        %slice3A_175 = vector.extract_strided_slice %get3A_172 {offsets = [0], sizes = [1], strides = [1]} : vector<16xf32> to vector<1xf32>
        %squeeze3A_176 = vector.extract %slice3A_175[0] : f32 from vector<1xf32>
        %add3A_177 = arith.constant 0 : i32
        %add3A_178 = arith.addi %mul3A_160, %add3A_177 : i32
        %add3A_179 = vector.broadcast %squeeze3A_176 : f32 to vector<16xf32>
        %add3A_180 = arith.addf %get3A_35, %add3A_179 : vector<16xf32>
        %mul3A_181 = vector.broadcast %squeeze3A : f32 to vector<16xf32>
        %mul3A_182 = arith.mulf %mul3A_24, %mul3A_181 : vector<16xf32>
        %mul3A_183 = vector.broadcast %squeeze3A_174 : f32 to vector<16xf32>
        %mul3A_184 = arith.mulf %mul3A_31, %mul3A_183 : vector<16xf32>
        %add3A_185 = arith.addf %mul3A_182, %mul3A_184 : vector<16xf32>
        %add3A_186 = arith.addf %add3A_180, %add3A_185 : vector<16xf32>
        %eq3A = vector.broadcast %add3A_178 : i32 to vector<16xi32>
        %eq3A_187 = arith.cmpi eq, %add3A_37, %eq3A : vector<16xi32>
        %jit3A = arith.constant 1.000000e+09 : f32
        %broadcast_in_dim3A_188 = vector.broadcast %jit3A : f32 to vector<16xf32>
        %select_n3A = arith.select %eq3A_187, %broadcast_in_dim3A_188, %add3A_186 : vector<16xi1>, vector<16xf32>
        %lt3A = arith.cmpf olt, %select_n3A, %scan3A_139 : vector<16xf32>
        %lt3A_189 = arith.cmpf olt, %select_n3A, %scan3A_140 : vector<16xf32>
        %lt3A_190 = arith.cmpf olt, %select_n3A, %scan3A_141 : vector<16xf32>
        %lt3A_191 = arith.cmpf olt, %select_n3A, %scan3A_142 : vector<16xf32>
        %lt3A_192 = arith.cmpf olt, %select_n3A, %scan3A_143 : vector<16xf32>
        %max3A = arith.maximumf %scan3A_142, %select_n3A : vector<16xf32>
        %min3A = arith.minimumf %scan3A_143, %max3A : vector<16xf32>
        %broadcast_in_dim3A_193 = vector.broadcast %add3A_178 : i32 to vector<16xi32>
        %select_n3A_194 = arith.select %lt3A_191, %scan3A_152, %broadcast_in_dim3A_193 : vector<16xi1>, vector<16xi32>
        %select_n3A_195 = arith.select %lt3A_192, %select_n3A_194, %scan3A_153 : vector<16xi1>, vector<16xi32>
        %max3A_196 = arith.maximumf %scan3A_141, %select_n3A : vector<16xf32>
        %min3A_197 = arith.minimumf %scan3A_142, %max3A_196 : vector<16xf32>
        %broadcast_in_dim3A_198 = vector.broadcast %add3A_178 : i32 to vector<16xi32>
        %select_n3A_199 = arith.select %lt3A_190, %scan3A_151, %broadcast_in_dim3A_198 : vector<16xi1>, vector<16xi32>
        %select_n3A_200 = arith.select %lt3A_191, %select_n3A_199, %scan3A_152 : vector<16xi1>, vector<16xi32>
        %max3A_201 = arith.maximumf %scan3A_140, %select_n3A : vector<16xf32>
        %min3A_202 = arith.minimumf %scan3A_141, %max3A_201 : vector<16xf32>
        %broadcast_in_dim3A_203 = vector.broadcast %add3A_178 : i32 to vector<16xi32>
        %select_n3A_204 = arith.select %lt3A_189, %scan3A_150, %broadcast_in_dim3A_203 : vector<16xi1>, vector<16xi32>
        %select_n3A_205 = arith.select %lt3A_190, %select_n3A_204, %scan3A_151 : vector<16xi1>, vector<16xi32>
        %max3A_206 = arith.maximumf %scan3A_139, %select_n3A : vector<16xf32>
        %min3A_207 = arith.minimumf %scan3A_140, %max3A_206 : vector<16xf32>
        %broadcast_in_dim3A_208 = vector.broadcast %add3A_178 : i32 to vector<16xi32>
        %select_n3A_209 = arith.select %lt3A, %scan3A_149, %broadcast_in_dim3A_208 : vector<16xi1>, vector<16xi32>
        %select_n3A_210 = arith.select %lt3A_189, %select_n3A_209, %scan3A_150 : vector<16xi1>, vector<16xi32>
        %min3A_211 = arith.minimumf %scan3A_139, %select_n3A : vector<16xf32>
        %broadcast_in_dim3A_212 = vector.broadcast %add3A_178 : i32 to vector<16xi32>
        %select_n3A_213 = arith.select %lt3A, %broadcast_in_dim3A_212, %scan3A_149 : vector<16xi1>, vector<16xi32>
        %add3A_214 = vector.broadcast %squeeze3A_176 : f32 to vector<16xf32>
        %add3A_215 = arith.addf %get3A_57, %add3A_214 : vector<16xf32>
        %mul3A_216 = vector.broadcast %squeeze3A : f32 to vector<16xf32>
        %mul3A_217 = arith.mulf %mul3A_46, %mul3A_216 : vector<16xf32>
        %mul3A_218 = vector.broadcast %squeeze3A_174 : f32 to vector<16xf32>
        %mul3A_219 = arith.mulf %mul3A_53, %mul3A_218 : vector<16xf32>
        %add3A_220 = arith.addf %mul3A_217, %mul3A_219 : vector<16xf32>
        %add3A_221 = arith.addf %add3A_215, %add3A_220 : vector<16xf32>
        %eq3A_222 = vector.broadcast %add3A_178 : i32 to vector<16xi32>
        %eq3A_223 = arith.cmpi eq, %add3A_59, %eq3A_222 : vector<16xi32>
        %jit3A_224 = arith.constant 1.000000e+09 : f32
        %broadcast_in_dim3A_225 = vector.broadcast %jit3A_224 : f32 to vector<16xf32>
        %select_n3A_226 = arith.select %eq3A_223, %broadcast_in_dim3A_225, %add3A_221 : vector<16xi1>, vector<16xf32>
        %lt3A_227 = arith.cmpf olt, %select_n3A_226, %scan3A_144 : vector<16xf32>
        %lt3A_228 = arith.cmpf olt, %select_n3A_226, %scan3A_145 : vector<16xf32>
        %lt3A_229 = arith.cmpf olt, %select_n3A_226, %scan3A_146 : vector<16xf32>
        %lt3A_230 = arith.cmpf olt, %select_n3A_226, %scan3A_147 : vector<16xf32>
        %lt3A_231 = arith.cmpf olt, %select_n3A_226, %scan3A_148 : vector<16xf32>
        %max3A_232 = arith.maximumf %scan3A_147, %select_n3A_226 : vector<16xf32>
        %min3A_233 = arith.minimumf %scan3A_148, %max3A_232 : vector<16xf32>
        %broadcast_in_dim3A_234 = vector.broadcast %add3A_178 : i32 to vector<16xi32>
        %select_n3A_235 = arith.select %lt3A_230, %scan3A_157, %broadcast_in_dim3A_234 : vector<16xi1>, vector<16xi32>
        %select_n3A_236 = arith.select %lt3A_231, %select_n3A_235, %scan3A_158 : vector<16xi1>, vector<16xi32>
        %max3A_237 = arith.maximumf %scan3A_146, %select_n3A_226 : vector<16xf32>
        %min3A_238 = arith.minimumf %scan3A_147, %max3A_237 : vector<16xf32>
        %broadcast_in_dim3A_239 = vector.broadcast %add3A_178 : i32 to vector<16xi32>
        %select_n3A_240 = arith.select %lt3A_229, %scan3A_156, %broadcast_in_dim3A_239 : vector<16xi1>, vector<16xi32>
        %select_n3A_241 = arith.select %lt3A_230, %select_n3A_240, %scan3A_157 : vector<16xi1>, vector<16xi32>
        %max3A_242 = arith.maximumf %scan3A_145, %select_n3A_226 : vector<16xf32>
        %min3A_243 = arith.minimumf %scan3A_146, %max3A_242 : vector<16xf32>
        %broadcast_in_dim3A_244 = vector.broadcast %add3A_178 : i32 to vector<16xi32>
        %select_n3A_245 = arith.select %lt3A_228, %scan3A_155, %broadcast_in_dim3A_244 : vector<16xi1>, vector<16xi32>
        %select_n3A_246 = arith.select %lt3A_229, %select_n3A_245, %scan3A_156 : vector<16xi1>, vector<16xi32>
        %max3A_247 = arith.maximumf %scan3A_144, %select_n3A_226 : vector<16xf32>
        %min3A_248 = arith.minimumf %scan3A_145, %max3A_247 : vector<16xf32>
        %broadcast_in_dim3A_249 = vector.broadcast %add3A_178 : i32 to vector<16xi32>
        %select_n3A_250 = arith.select %lt3A_227, %scan3A_154, %broadcast_in_dim3A_249 : vector<16xi1>, vector<16xi32>
        %select_n3A_251 = arith.select %lt3A_228, %select_n3A_250, %scan3A_155 : vector<16xi1>, vector<16xi32>
        %min3A_252 = arith.minimumf %scan3A_144, %select_n3A_226 : vector<16xf32>
        %broadcast_in_dim3A_253 = vector.broadcast %add3A_178 : i32 to vector<16xi32>
        %select_n3A_254 = arith.select %lt3A_227, %broadcast_in_dim3A_253, %scan3A_154 : vector<16xi1>, vector<16xi32>
        %slice3A_255 = vector.extract_strided_slice %get3A_164 {offsets = [1], sizes = [1], strides = [1]} : vector<16xf32> to vector<1xf32>
        %squeeze3A_256 = vector.extract %slice3A_255[0] : f32 from vector<1xf32>
        %slice3A_257 = vector.extract_strided_slice %get3A_168 {offsets = [1], sizes = [1], strides = [1]} : vector<16xf32> to vector<1xf32>
        %squeeze3A_258 = vector.extract %slice3A_257[0] : f32 from vector<1xf32>
        %slice3A_259 = vector.extract_strided_slice %get3A_172 {offsets = [1], sizes = [1], strides = [1]} : vector<16xf32> to vector<1xf32>
        %squeeze3A_260 = vector.extract %slice3A_259[0] : f32 from vector<1xf32>
        %add3A_261 = arith.constant 1 : i32
        %add3A_262 = arith.addi %mul3A_160, %add3A_261 : i32
        %add3A_263 = vector.broadcast %squeeze3A_260 : f32 to vector<16xf32>
        %add3A_264 = arith.addf %get3A_35, %add3A_263 : vector<16xf32>
        %mul3A_265 = vector.broadcast %squeeze3A_256 : f32 to vector<16xf32>
        %mul3A_266 = arith.mulf %mul3A_24, %mul3A_265 : vector<16xf32>
        %mul3A_267 = vector.broadcast %squeeze3A_258 : f32 to vector<16xf32>
        %mul3A_268 = arith.mulf %mul3A_31, %mul3A_267 : vector<16xf32>
        %add3A_269 = arith.addf %mul3A_266, %mul3A_268 : vector<16xf32>
        %add3A_270 = arith.addf %add3A_264, %add3A_269 : vector<16xf32>
        %eq3A_271 = vector.broadcast %add3A_262 : i32 to vector<16xi32>
        %eq3A_272 = arith.cmpi eq, %add3A_37, %eq3A_271 : vector<16xi32>
        %jit3A_273 = arith.constant 1.000000e+09 : f32
        %broadcast_in_dim3A_274 = vector.broadcast %jit3A_273 : f32 to vector<16xf32>
        %select_n3A_275 = arith.select %eq3A_272, %broadcast_in_dim3A_274, %add3A_270 : vector<16xi1>, vector<16xf32>
        %lt3A_276 = arith.cmpf olt, %select_n3A_275, %min3A_211 : vector<16xf32>
        %lt3A_277 = arith.cmpf olt, %select_n3A_275, %min3A_207 : vector<16xf32>
        %lt3A_278 = arith.cmpf olt, %select_n3A_275, %min3A_202 : vector<16xf32>
        %lt3A_279 = arith.cmpf olt, %select_n3A_275, %min3A_197 : vector<16xf32>
        %lt3A_280 = arith.cmpf olt, %select_n3A_275, %min3A : vector<16xf32>
        %max3A_281 = arith.maximumf %min3A_197, %select_n3A_275 : vector<16xf32>
        %min3A_282 = arith.minimumf %min3A, %max3A_281 : vector<16xf32>
        %broadcast_in_dim3A_283 = vector.broadcast %add3A_262 : i32 to vector<16xi32>
        %select_n3A_284 = arith.select %lt3A_279, %select_n3A_200, %broadcast_in_dim3A_283 : vector<16xi1>, vector<16xi32>
        %select_n3A_285 = arith.select %lt3A_280, %select_n3A_284, %select_n3A_195 : vector<16xi1>, vector<16xi32>
        %max3A_286 = arith.maximumf %min3A_202, %select_n3A_275 : vector<16xf32>
        %min3A_287 = arith.minimumf %min3A_197, %max3A_286 : vector<16xf32>
        %broadcast_in_dim3A_288 = vector.broadcast %add3A_262 : i32 to vector<16xi32>
        %select_n3A_289 = arith.select %lt3A_278, %select_n3A_205, %broadcast_in_dim3A_288 : vector<16xi1>, vector<16xi32>
        %select_n3A_290 = arith.select %lt3A_279, %select_n3A_289, %select_n3A_200 : vector<16xi1>, vector<16xi32>
        %max3A_291 = arith.maximumf %min3A_207, %select_n3A_275 : vector<16xf32>
        %min3A_292 = arith.minimumf %min3A_202, %max3A_291 : vector<16xf32>
        %broadcast_in_dim3A_293 = vector.broadcast %add3A_262 : i32 to vector<16xi32>
        %select_n3A_294 = arith.select %lt3A_277, %select_n3A_210, %broadcast_in_dim3A_293 : vector<16xi1>, vector<16xi32>
        %select_n3A_295 = arith.select %lt3A_278, %select_n3A_294, %select_n3A_205 : vector<16xi1>, vector<16xi32>
        %max3A_296 = arith.maximumf %min3A_211, %select_n3A_275 : vector<16xf32>
        %min3A_297 = arith.minimumf %min3A_207, %max3A_296 : vector<16xf32>
        %broadcast_in_dim3A_298 = vector.broadcast %add3A_262 : i32 to vector<16xi32>
        %select_n3A_299 = arith.select %lt3A_276, %select_n3A_213, %broadcast_in_dim3A_298 : vector<16xi1>, vector<16xi32>
        %select_n3A_300 = arith.select %lt3A_277, %select_n3A_299, %select_n3A_210 : vector<16xi1>, vector<16xi32>
        %min3A_301 = arith.minimumf %min3A_211, %select_n3A_275 : vector<16xf32>
        %broadcast_in_dim3A_302 = vector.broadcast %add3A_262 : i32 to vector<16xi32>
        %select_n3A_303 = arith.select %lt3A_276, %broadcast_in_dim3A_302, %select_n3A_213 : vector<16xi1>, vector<16xi32>
        %add3A_304 = vector.broadcast %squeeze3A_260 : f32 to vector<16xf32>
        %add3A_305 = arith.addf %get3A_57, %add3A_304 : vector<16xf32>
        %mul3A_306 = vector.broadcast %squeeze3A_256 : f32 to vector<16xf32>
        %mul3A_307 = arith.mulf %mul3A_46, %mul3A_306 : vector<16xf32>
        %mul3A_308 = vector.broadcast %squeeze3A_258 : f32 to vector<16xf32>
        %mul3A_309 = arith.mulf %mul3A_53, %mul3A_308 : vector<16xf32>
        %add3A_310 = arith.addf %mul3A_307, %mul3A_309 : vector<16xf32>
        %add3A_311 = arith.addf %add3A_305, %add3A_310 : vector<16xf32>
        %eq3A_312 = vector.broadcast %add3A_262 : i32 to vector<16xi32>
        %eq3A_313 = arith.cmpi eq, %add3A_59, %eq3A_312 : vector<16xi32>
        %jit3A_314 = arith.constant 1.000000e+09 : f32
        %broadcast_in_dim3A_315 = vector.broadcast %jit3A_314 : f32 to vector<16xf32>
        %select_n3A_316 = arith.select %eq3A_313, %broadcast_in_dim3A_315, %add3A_311 : vector<16xi1>, vector<16xf32>
        %lt3A_317 = arith.cmpf olt, %select_n3A_316, %min3A_252 : vector<16xf32>
        %lt3A_318 = arith.cmpf olt, %select_n3A_316, %min3A_248 : vector<16xf32>
        %lt3A_319 = arith.cmpf olt, %select_n3A_316, %min3A_243 : vector<16xf32>
        %lt3A_320 = arith.cmpf olt, %select_n3A_316, %min3A_238 : vector<16xf32>
        %lt3A_321 = arith.cmpf olt, %select_n3A_316, %min3A_233 : vector<16xf32>
        %max3A_322 = arith.maximumf %min3A_238, %select_n3A_316 : vector<16xf32>
        %min3A_323 = arith.minimumf %min3A_233, %max3A_322 : vector<16xf32>
        %broadcast_in_dim3A_324 = vector.broadcast %add3A_262 : i32 to vector<16xi32>
        %select_n3A_325 = arith.select %lt3A_320, %select_n3A_241, %broadcast_in_dim3A_324 : vector<16xi1>, vector<16xi32>
        %select_n3A_326 = arith.select %lt3A_321, %select_n3A_325, %select_n3A_236 : vector<16xi1>, vector<16xi32>
        %max3A_327 = arith.maximumf %min3A_243, %select_n3A_316 : vector<16xf32>
        %min3A_328 = arith.minimumf %min3A_238, %max3A_327 : vector<16xf32>
        %broadcast_in_dim3A_329 = vector.broadcast %add3A_262 : i32 to vector<16xi32>
        %select_n3A_330 = arith.select %lt3A_319, %select_n3A_246, %broadcast_in_dim3A_329 : vector<16xi1>, vector<16xi32>
        %select_n3A_331 = arith.select %lt3A_320, %select_n3A_330, %select_n3A_241 : vector<16xi1>, vector<16xi32>
        %max3A_332 = arith.maximumf %min3A_248, %select_n3A_316 : vector<16xf32>
        %min3A_333 = arith.minimumf %min3A_243, %max3A_332 : vector<16xf32>
        %broadcast_in_dim3A_334 = vector.broadcast %add3A_262 : i32 to vector<16xi32>
        %select_n3A_335 = arith.select %lt3A_318, %select_n3A_251, %broadcast_in_dim3A_334 : vector<16xi1>, vector<16xi32>
        %select_n3A_336 = arith.select %lt3A_319, %select_n3A_335, %select_n3A_246 : vector<16xi1>, vector<16xi32>
        %max3A_337 = arith.maximumf %min3A_252, %select_n3A_316 : vector<16xf32>
        %min3A_338 = arith.minimumf %min3A_248, %max3A_337 : vector<16xf32>
        %broadcast_in_dim3A_339 = vector.broadcast %add3A_262 : i32 to vector<16xi32>
        %select_n3A_340 = arith.select %lt3A_317, %select_n3A_254, %broadcast_in_dim3A_339 : vector<16xi1>, vector<16xi32>
        %select_n3A_341 = arith.select %lt3A_318, %select_n3A_340, %select_n3A_251 : vector<16xi1>, vector<16xi32>
        %min3A_342 = arith.minimumf %min3A_252, %select_n3A_316 : vector<16xf32>
        %broadcast_in_dim3A_343 = vector.broadcast %add3A_262 : i32 to vector<16xi32>
        %select_n3A_344 = arith.select %lt3A_317, %broadcast_in_dim3A_343, %select_n3A_254 : vector<16xi1>, vector<16xi32>
        %slice3A_345 = vector.extract_strided_slice %get3A_164 {offsets = [2], sizes = [1], strides = [1]} : vector<16xf32> to vector<1xf32>
        %squeeze3A_346 = vector.extract %slice3A_345[0] : f32 from vector<1xf32>
        %slice3A_347 = vector.extract_strided_slice %get3A_168 {offsets = [2], sizes = [1], strides = [1]} : vector<16xf32> to vector<1xf32>
        %squeeze3A_348 = vector.extract %slice3A_347[0] : f32 from vector<1xf32>
        %slice3A_349 = vector.extract_strided_slice %get3A_172 {offsets = [2], sizes = [1], strides = [1]} : vector<16xf32> to vector<1xf32>
        %squeeze3A_350 = vector.extract %slice3A_349[0] : f32 from vector<1xf32>
        %add3A_351 = arith.constant 2 : i32
        %add3A_352 = arith.addi %mul3A_160, %add3A_351 : i32
        %add3A_353 = vector.broadcast %squeeze3A_350 : f32 to vector<16xf32>
        %add3A_354 = arith.addf %get3A_35, %add3A_353 : vector<16xf32>
        %mul3A_355 = vector.broadcast %squeeze3A_346 : f32 to vector<16xf32>
        %mul3A_356 = arith.mulf %mul3A_24, %mul3A_355 : vector<16xf32>
        %mul3A_357 = vector.broadcast %squeeze3A_348 : f32 to vector<16xf32>
        %mul3A_358 = arith.mulf %mul3A_31, %mul3A_357 : vector<16xf32>
        %add3A_359 = arith.addf %mul3A_356, %mul3A_358 : vector<16xf32>
        %add3A_360 = arith.addf %add3A_354, %add3A_359 : vector<16xf32>
        %eq3A_361 = vector.broadcast %add3A_352 : i32 to vector<16xi32>
        %eq3A_362 = arith.cmpi eq, %add3A_37, %eq3A_361 : vector<16xi32>
        %jit3A_363 = arith.constant 1.000000e+09 : f32
        %broadcast_in_dim3A_364 = vector.broadcast %jit3A_363 : f32 to vector<16xf32>
        %select_n3A_365 = arith.select %eq3A_362, %broadcast_in_dim3A_364, %add3A_360 : vector<16xi1>, vector<16xf32>
        %lt3A_366 = arith.cmpf olt, %select_n3A_365, %min3A_301 : vector<16xf32>
        %lt3A_367 = arith.cmpf olt, %select_n3A_365, %min3A_297 : vector<16xf32>
        %lt3A_368 = arith.cmpf olt, %select_n3A_365, %min3A_292 : vector<16xf32>
        %lt3A_369 = arith.cmpf olt, %select_n3A_365, %min3A_287 : vector<16xf32>
        %lt3A_370 = arith.cmpf olt, %select_n3A_365, %min3A_282 : vector<16xf32>
        %max3A_371 = arith.maximumf %min3A_287, %select_n3A_365 : vector<16xf32>
        %min3A_372 = arith.minimumf %min3A_282, %max3A_371 : vector<16xf32>
        %broadcast_in_dim3A_373 = vector.broadcast %add3A_352 : i32 to vector<16xi32>
        %select_n3A_374 = arith.select %lt3A_369, %select_n3A_290, %broadcast_in_dim3A_373 : vector<16xi1>, vector<16xi32>
        %select_n3A_375 = arith.select %lt3A_370, %select_n3A_374, %select_n3A_285 : vector<16xi1>, vector<16xi32>
        %max3A_376 = arith.maximumf %min3A_292, %select_n3A_365 : vector<16xf32>
        %min3A_377 = arith.minimumf %min3A_287, %max3A_376 : vector<16xf32>
        %broadcast_in_dim3A_378 = vector.broadcast %add3A_352 : i32 to vector<16xi32>
        %select_n3A_379 = arith.select %lt3A_368, %select_n3A_295, %broadcast_in_dim3A_378 : vector<16xi1>, vector<16xi32>
        %select_n3A_380 = arith.select %lt3A_369, %select_n3A_379, %select_n3A_290 : vector<16xi1>, vector<16xi32>
        %max3A_381 = arith.maximumf %min3A_297, %select_n3A_365 : vector<16xf32>
        %min3A_382 = arith.minimumf %min3A_292, %max3A_381 : vector<16xf32>
        %broadcast_in_dim3A_383 = vector.broadcast %add3A_352 : i32 to vector<16xi32>
        %select_n3A_384 = arith.select %lt3A_367, %select_n3A_300, %broadcast_in_dim3A_383 : vector<16xi1>, vector<16xi32>
        %select_n3A_385 = arith.select %lt3A_368, %select_n3A_384, %select_n3A_295 : vector<16xi1>, vector<16xi32>
        %max3A_386 = arith.maximumf %min3A_301, %select_n3A_365 : vector<16xf32>
        %min3A_387 = arith.minimumf %min3A_297, %max3A_386 : vector<16xf32>
        %broadcast_in_dim3A_388 = vector.broadcast %add3A_352 : i32 to vector<16xi32>
        %select_n3A_389 = arith.select %lt3A_366, %select_n3A_303, %broadcast_in_dim3A_388 : vector<16xi1>, vector<16xi32>
        %select_n3A_390 = arith.select %lt3A_367, %select_n3A_389, %select_n3A_300 : vector<16xi1>, vector<16xi32>
        %min3A_391 = arith.minimumf %min3A_301, %select_n3A_365 : vector<16xf32>
        %broadcast_in_dim3A_392 = vector.broadcast %add3A_352 : i32 to vector<16xi32>
        %select_n3A_393 = arith.select %lt3A_366, %broadcast_in_dim3A_392, %select_n3A_303 : vector<16xi1>, vector<16xi32>
        %add3A_394 = vector.broadcast %squeeze3A_350 : f32 to vector<16xf32>
        %add3A_395 = arith.addf %get3A_57, %add3A_394 : vector<16xf32>
        %mul3A_396 = vector.broadcast %squeeze3A_346 : f32 to vector<16xf32>
        %mul3A_397 = arith.mulf %mul3A_46, %mul3A_396 : vector<16xf32>
        %mul3A_398 = vector.broadcast %squeeze3A_348 : f32 to vector<16xf32>
        %mul3A_399 = arith.mulf %mul3A_53, %mul3A_398 : vector<16xf32>
        %add3A_400 = arith.addf %mul3A_397, %mul3A_399 : vector<16xf32>
        %add3A_401 = arith.addf %add3A_395, %add3A_400 : vector<16xf32>
        %eq3A_402 = vector.broadcast %add3A_352 : i32 to vector<16xi32>
        %eq3A_403 = arith.cmpi eq, %add3A_59, %eq3A_402 : vector<16xi32>
        %jit3A_404 = arith.constant 1.000000e+09 : f32
        %broadcast_in_dim3A_405 = vector.broadcast %jit3A_404 : f32 to vector<16xf32>
        %select_n3A_406 = arith.select %eq3A_403, %broadcast_in_dim3A_405, %add3A_401 : vector<16xi1>, vector<16xf32>
        %lt3A_407 = arith.cmpf olt, %select_n3A_406, %min3A_342 : vector<16xf32>
        %lt3A_408 = arith.cmpf olt, %select_n3A_406, %min3A_338 : vector<16xf32>
        %lt3A_409 = arith.cmpf olt, %select_n3A_406, %min3A_333 : vector<16xf32>
        %lt3A_410 = arith.cmpf olt, %select_n3A_406, %min3A_328 : vector<16xf32>
        %lt3A_411 = arith.cmpf olt, %select_n3A_406, %min3A_323 : vector<16xf32>
        %max3A_412 = arith.maximumf %min3A_328, %select_n3A_406 : vector<16xf32>
        %min3A_413 = arith.minimumf %min3A_323, %max3A_412 : vector<16xf32>
        %broadcast_in_dim3A_414 = vector.broadcast %add3A_352 : i32 to vector<16xi32>
        %select_n3A_415 = arith.select %lt3A_410, %select_n3A_331, %broadcast_in_dim3A_414 : vector<16xi1>, vector<16xi32>
        %select_n3A_416 = arith.select %lt3A_411, %select_n3A_415, %select_n3A_326 : vector<16xi1>, vector<16xi32>
        %max3A_417 = arith.maximumf %min3A_333, %select_n3A_406 : vector<16xf32>
        %min3A_418 = arith.minimumf %min3A_328, %max3A_417 : vector<16xf32>
        %broadcast_in_dim3A_419 = vector.broadcast %add3A_352 : i32 to vector<16xi32>
        %select_n3A_420 = arith.select %lt3A_409, %select_n3A_336, %broadcast_in_dim3A_419 : vector<16xi1>, vector<16xi32>
        %select_n3A_421 = arith.select %lt3A_410, %select_n3A_420, %select_n3A_331 : vector<16xi1>, vector<16xi32>
        %max3A_422 = arith.maximumf %min3A_338, %select_n3A_406 : vector<16xf32>
        %min3A_423 = arith.minimumf %min3A_333, %max3A_422 : vector<16xf32>
        %broadcast_in_dim3A_424 = vector.broadcast %add3A_352 : i32 to vector<16xi32>
        %select_n3A_425 = arith.select %lt3A_408, %select_n3A_341, %broadcast_in_dim3A_424 : vector<16xi1>, vector<16xi32>
        %select_n3A_426 = arith.select %lt3A_409, %select_n3A_425, %select_n3A_336 : vector<16xi1>, vector<16xi32>
        %max3A_427 = arith.maximumf %min3A_342, %select_n3A_406 : vector<16xf32>
        %min3A_428 = arith.minimumf %min3A_338, %max3A_427 : vector<16xf32>
        %broadcast_in_dim3A_429 = vector.broadcast %add3A_352 : i32 to vector<16xi32>
        %select_n3A_430 = arith.select %lt3A_407, %select_n3A_344, %broadcast_in_dim3A_429 : vector<16xi1>, vector<16xi32>
        %select_n3A_431 = arith.select %lt3A_408, %select_n3A_430, %select_n3A_341 : vector<16xi1>, vector<16xi32>
        %min3A_432 = arith.minimumf %min3A_342, %select_n3A_406 : vector<16xf32>
        %broadcast_in_dim3A_433 = vector.broadcast %add3A_352 : i32 to vector<16xi32>
        %select_n3A_434 = arith.select %lt3A_407, %broadcast_in_dim3A_433, %select_n3A_344 : vector<16xi1>, vector<16xi32>
        %slice3A_435 = vector.extract_strided_slice %get3A_164 {offsets = [3], sizes = [1], strides = [1]} : vector<16xf32> to vector<1xf32>
        %squeeze3A_436 = vector.extract %slice3A_435[0] : f32 from vector<1xf32>
        %slice3A_437 = vector.extract_strided_slice %get3A_168 {offsets = [3], sizes = [1], strides = [1]} : vector<16xf32> to vector<1xf32>
        %squeeze3A_438 = vector.extract %slice3A_437[0] : f32 from vector<1xf32>
        %slice3A_439 = vector.extract_strided_slice %get3A_172 {offsets = [3], sizes = [1], strides = [1]} : vector<16xf32> to vector<1xf32>
        %squeeze3A_440 = vector.extract %slice3A_439[0] : f32 from vector<1xf32>
        %add3A_441 = arith.constant 3 : i32
        %add3A_442 = arith.addi %mul3A_160, %add3A_441 : i32
        %add3A_443 = vector.broadcast %squeeze3A_440 : f32 to vector<16xf32>
        %add3A_444 = arith.addf %get3A_35, %add3A_443 : vector<16xf32>
        %mul3A_445 = vector.broadcast %squeeze3A_436 : f32 to vector<16xf32>
        %mul3A_446 = arith.mulf %mul3A_24, %mul3A_445 : vector<16xf32>
        %mul3A_447 = vector.broadcast %squeeze3A_438 : f32 to vector<16xf32>
        %mul3A_448 = arith.mulf %mul3A_31, %mul3A_447 : vector<16xf32>
        %add3A_449 = arith.addf %mul3A_446, %mul3A_448 : vector<16xf32>
        %add3A_450 = arith.addf %add3A_444, %add3A_449 : vector<16xf32>
        %eq3A_451 = vector.broadcast %add3A_442 : i32 to vector<16xi32>
        %eq3A_452 = arith.cmpi eq, %add3A_37, %eq3A_451 : vector<16xi32>
        %jit3A_453 = arith.constant 1.000000e+09 : f32
        %broadcast_in_dim3A_454 = vector.broadcast %jit3A_453 : f32 to vector<16xf32>
        %select_n3A_455 = arith.select %eq3A_452, %broadcast_in_dim3A_454, %add3A_450 : vector<16xi1>, vector<16xf32>
        %lt3A_456 = arith.cmpf olt, %select_n3A_455, %min3A_391 : vector<16xf32>
        %lt3A_457 = arith.cmpf olt, %select_n3A_455, %min3A_387 : vector<16xf32>
        %lt3A_458 = arith.cmpf olt, %select_n3A_455, %min3A_382 : vector<16xf32>
        %lt3A_459 = arith.cmpf olt, %select_n3A_455, %min3A_377 : vector<16xf32>
        %lt3A_460 = arith.cmpf olt, %select_n3A_455, %min3A_372 : vector<16xf32>
        %max3A_461 = arith.maximumf %min3A_377, %select_n3A_455 : vector<16xf32>
        %min3A_462 = arith.minimumf %min3A_372, %max3A_461 : vector<16xf32>
        %broadcast_in_dim3A_463 = vector.broadcast %add3A_442 : i32 to vector<16xi32>
        %select_n3A_464 = arith.select %lt3A_459, %select_n3A_380, %broadcast_in_dim3A_463 : vector<16xi1>, vector<16xi32>
        %select_n3A_465 = arith.select %lt3A_460, %select_n3A_464, %select_n3A_375 : vector<16xi1>, vector<16xi32>
        %max3A_466 = arith.maximumf %min3A_382, %select_n3A_455 : vector<16xf32>
        %min3A_467 = arith.minimumf %min3A_377, %max3A_466 : vector<16xf32>
        %broadcast_in_dim3A_468 = vector.broadcast %add3A_442 : i32 to vector<16xi32>
        %select_n3A_469 = arith.select %lt3A_458, %select_n3A_385, %broadcast_in_dim3A_468 : vector<16xi1>, vector<16xi32>
        %select_n3A_470 = arith.select %lt3A_459, %select_n3A_469, %select_n3A_380 : vector<16xi1>, vector<16xi32>
        %max3A_471 = arith.maximumf %min3A_387, %select_n3A_455 : vector<16xf32>
        %min3A_472 = arith.minimumf %min3A_382, %max3A_471 : vector<16xf32>
        %broadcast_in_dim3A_473 = vector.broadcast %add3A_442 : i32 to vector<16xi32>
        %select_n3A_474 = arith.select %lt3A_457, %select_n3A_390, %broadcast_in_dim3A_473 : vector<16xi1>, vector<16xi32>
        %select_n3A_475 = arith.select %lt3A_458, %select_n3A_474, %select_n3A_385 : vector<16xi1>, vector<16xi32>
        %max3A_476 = arith.maximumf %min3A_391, %select_n3A_455 : vector<16xf32>
        %min3A_477 = arith.minimumf %min3A_387, %max3A_476 : vector<16xf32>
        %broadcast_in_dim3A_478 = vector.broadcast %add3A_442 : i32 to vector<16xi32>
        %select_n3A_479 = arith.select %lt3A_456, %select_n3A_393, %broadcast_in_dim3A_478 : vector<16xi1>, vector<16xi32>
        %select_n3A_480 = arith.select %lt3A_457, %select_n3A_479, %select_n3A_390 : vector<16xi1>, vector<16xi32>
        %min3A_481 = arith.minimumf %min3A_391, %select_n3A_455 : vector<16xf32>
        %broadcast_in_dim3A_482 = vector.broadcast %add3A_442 : i32 to vector<16xi32>
        %select_n3A_483 = arith.select %lt3A_456, %broadcast_in_dim3A_482, %select_n3A_393 : vector<16xi1>, vector<16xi32>
        %add3A_484 = vector.broadcast %squeeze3A_440 : f32 to vector<16xf32>
        %add3A_485 = arith.addf %get3A_57, %add3A_484 : vector<16xf32>
        %mul3A_486 = vector.broadcast %squeeze3A_436 : f32 to vector<16xf32>
        %mul3A_487 = arith.mulf %mul3A_46, %mul3A_486 : vector<16xf32>
        %mul3A_488 = vector.broadcast %squeeze3A_438 : f32 to vector<16xf32>
        %mul3A_489 = arith.mulf %mul3A_53, %mul3A_488 : vector<16xf32>
        %add3A_490 = arith.addf %mul3A_487, %mul3A_489 : vector<16xf32>
        %add3A_491 = arith.addf %add3A_485, %add3A_490 : vector<16xf32>
        %eq3A_492 = vector.broadcast %add3A_442 : i32 to vector<16xi32>
        %eq3A_493 = arith.cmpi eq, %add3A_59, %eq3A_492 : vector<16xi32>
        %jit3A_494 = arith.constant 1.000000e+09 : f32
        %broadcast_in_dim3A_495 = vector.broadcast %jit3A_494 : f32 to vector<16xf32>
        %select_n3A_496 = arith.select %eq3A_493, %broadcast_in_dim3A_495, %add3A_491 : vector<16xi1>, vector<16xf32>
        %lt3A_497 = arith.cmpf olt, %select_n3A_496, %min3A_432 : vector<16xf32>
        %lt3A_498 = arith.cmpf olt, %select_n3A_496, %min3A_428 : vector<16xf32>
        %lt3A_499 = arith.cmpf olt, %select_n3A_496, %min3A_423 : vector<16xf32>
        %lt3A_500 = arith.cmpf olt, %select_n3A_496, %min3A_418 : vector<16xf32>
        %lt3A_501 = arith.cmpf olt, %select_n3A_496, %min3A_413 : vector<16xf32>
        %max3A_502 = arith.maximumf %min3A_418, %select_n3A_496 : vector<16xf32>
        %min3A_503 = arith.minimumf %min3A_413, %max3A_502 : vector<16xf32>
        %broadcast_in_dim3A_504 = vector.broadcast %add3A_442 : i32 to vector<16xi32>
        %select_n3A_505 = arith.select %lt3A_500, %select_n3A_421, %broadcast_in_dim3A_504 : vector<16xi1>, vector<16xi32>
        %select_n3A_506 = arith.select %lt3A_501, %select_n3A_505, %select_n3A_416 : vector<16xi1>, vector<16xi32>
        %max3A_507 = arith.maximumf %min3A_423, %select_n3A_496 : vector<16xf32>
        %min3A_508 = arith.minimumf %min3A_418, %max3A_507 : vector<16xf32>
        %broadcast_in_dim3A_509 = vector.broadcast %add3A_442 : i32 to vector<16xi32>
        %select_n3A_510 = arith.select %lt3A_499, %select_n3A_426, %broadcast_in_dim3A_509 : vector<16xi1>, vector<16xi32>
        %select_n3A_511 = arith.select %lt3A_500, %select_n3A_510, %select_n3A_421 : vector<16xi1>, vector<16xi32>
        %max3A_512 = arith.maximumf %min3A_428, %select_n3A_496 : vector<16xf32>
        %min3A_513 = arith.minimumf %min3A_423, %max3A_512 : vector<16xf32>
        %broadcast_in_dim3A_514 = vector.broadcast %add3A_442 : i32 to vector<16xi32>
        %select_n3A_515 = arith.select %lt3A_498, %select_n3A_431, %broadcast_in_dim3A_514 : vector<16xi1>, vector<16xi32>
        %select_n3A_516 = arith.select %lt3A_499, %select_n3A_515, %select_n3A_426 : vector<16xi1>, vector<16xi32>
        %max3A_517 = arith.maximumf %min3A_432, %select_n3A_496 : vector<16xf32>
        %min3A_518 = arith.minimumf %min3A_428, %max3A_517 : vector<16xf32>
        %broadcast_in_dim3A_519 = vector.broadcast %add3A_442 : i32 to vector<16xi32>
        %select_n3A_520 = arith.select %lt3A_497, %select_n3A_434, %broadcast_in_dim3A_519 : vector<16xi1>, vector<16xi32>
        %select_n3A_521 = arith.select %lt3A_498, %select_n3A_520, %select_n3A_431 : vector<16xi1>, vector<16xi32>
        %min3A_522 = arith.minimumf %min3A_432, %select_n3A_496 : vector<16xf32>
        %broadcast_in_dim3A_523 = vector.broadcast %add3A_442 : i32 to vector<16xi32>
        %select_n3A_524 = arith.select %lt3A_497, %broadcast_in_dim3A_523, %select_n3A_434 : vector<16xi1>, vector<16xi32>
        %slice3A_525 = vector.extract_strided_slice %get3A_164 {offsets = [4], sizes = [1], strides = [1]} : vector<16xf32> to vector<1xf32>
        %squeeze3A_526 = vector.extract %slice3A_525[0] : f32 from vector<1xf32>
        %slice3A_527 = vector.extract_strided_slice %get3A_168 {offsets = [4], sizes = [1], strides = [1]} : vector<16xf32> to vector<1xf32>
        %squeeze3A_528 = vector.extract %slice3A_527[0] : f32 from vector<1xf32>
        %slice3A_529 = vector.extract_strided_slice %get3A_172 {offsets = [4], sizes = [1], strides = [1]} : vector<16xf32> to vector<1xf32>
        %squeeze3A_530 = vector.extract %slice3A_529[0] : f32 from vector<1xf32>
        %add3A_531 = arith.constant 4 : i32
        %add3A_532 = arith.addi %mul3A_160, %add3A_531 : i32
        %add3A_533 = vector.broadcast %squeeze3A_530 : f32 to vector<16xf32>
        %add3A_534 = arith.addf %get3A_35, %add3A_533 : vector<16xf32>
        %mul3A_535 = vector.broadcast %squeeze3A_526 : f32 to vector<16xf32>
        %mul3A_536 = arith.mulf %mul3A_24, %mul3A_535 : vector<16xf32>
        %mul3A_537 = vector.broadcast %squeeze3A_528 : f32 to vector<16xf32>
        %mul3A_538 = arith.mulf %mul3A_31, %mul3A_537 : vector<16xf32>
        %add3A_539 = arith.addf %mul3A_536, %mul3A_538 : vector<16xf32>
        %add3A_540 = arith.addf %add3A_534, %add3A_539 : vector<16xf32>
        %eq3A_541 = vector.broadcast %add3A_532 : i32 to vector<16xi32>
        %eq3A_542 = arith.cmpi eq, %add3A_37, %eq3A_541 : vector<16xi32>
        %jit3A_543 = arith.constant 1.000000e+09 : f32
        %broadcast_in_dim3A_544 = vector.broadcast %jit3A_543 : f32 to vector<16xf32>
        %select_n3A_545 = arith.select %eq3A_542, %broadcast_in_dim3A_544, %add3A_540 : vector<16xi1>, vector<16xf32>
        %lt3A_546 = arith.cmpf olt, %select_n3A_545, %min3A_481 : vector<16xf32>
        %lt3A_547 = arith.cmpf olt, %select_n3A_545, %min3A_477 : vector<16xf32>
        %lt3A_548 = arith.cmpf olt, %select_n3A_545, %min3A_472 : vector<16xf32>
        %lt3A_549 = arith.cmpf olt, %select_n3A_545, %min3A_467 : vector<16xf32>
        %lt3A_550 = arith.cmpf olt, %select_n3A_545, %min3A_462 : vector<16xf32>
        %max3A_551 = arith.maximumf %min3A_467, %select_n3A_545 : vector<16xf32>
        %min3A_552 = arith.minimumf %min3A_462, %max3A_551 : vector<16xf32>
        %broadcast_in_dim3A_553 = vector.broadcast %add3A_532 : i32 to vector<16xi32>
        %select_n3A_554 = arith.select %lt3A_549, %select_n3A_470, %broadcast_in_dim3A_553 : vector<16xi1>, vector<16xi32>
        %select_n3A_555 = arith.select %lt3A_550, %select_n3A_554, %select_n3A_465 : vector<16xi1>, vector<16xi32>
        %max3A_556 = arith.maximumf %min3A_472, %select_n3A_545 : vector<16xf32>
        %min3A_557 = arith.minimumf %min3A_467, %max3A_556 : vector<16xf32>
        %broadcast_in_dim3A_558 = vector.broadcast %add3A_532 : i32 to vector<16xi32>
        %select_n3A_559 = arith.select %lt3A_548, %select_n3A_475, %broadcast_in_dim3A_558 : vector<16xi1>, vector<16xi32>
        %select_n3A_560 = arith.select %lt3A_549, %select_n3A_559, %select_n3A_470 : vector<16xi1>, vector<16xi32>
        %max3A_561 = arith.maximumf %min3A_477, %select_n3A_545 : vector<16xf32>
        %min3A_562 = arith.minimumf %min3A_472, %max3A_561 : vector<16xf32>
        %broadcast_in_dim3A_563 = vector.broadcast %add3A_532 : i32 to vector<16xi32>
        %select_n3A_564 = arith.select %lt3A_547, %select_n3A_480, %broadcast_in_dim3A_563 : vector<16xi1>, vector<16xi32>
        %select_n3A_565 = arith.select %lt3A_548, %select_n3A_564, %select_n3A_475 : vector<16xi1>, vector<16xi32>
        %max3A_566 = arith.maximumf %min3A_481, %select_n3A_545 : vector<16xf32>
        %min3A_567 = arith.minimumf %min3A_477, %max3A_566 : vector<16xf32>
        %broadcast_in_dim3A_568 = vector.broadcast %add3A_532 : i32 to vector<16xi32>
        %select_n3A_569 = arith.select %lt3A_546, %select_n3A_483, %broadcast_in_dim3A_568 : vector<16xi1>, vector<16xi32>
        %select_n3A_570 = arith.select %lt3A_547, %select_n3A_569, %select_n3A_480 : vector<16xi1>, vector<16xi32>
        %min3A_571 = arith.minimumf %min3A_481, %select_n3A_545 : vector<16xf32>
        %broadcast_in_dim3A_572 = vector.broadcast %add3A_532 : i32 to vector<16xi32>
        %select_n3A_573 = arith.select %lt3A_546, %broadcast_in_dim3A_572, %select_n3A_483 : vector<16xi1>, vector<16xi32>
        %add3A_574 = vector.broadcast %squeeze3A_530 : f32 to vector<16xf32>
        %add3A_575 = arith.addf %get3A_57, %add3A_574 : vector<16xf32>
        %mul3A_576 = vector.broadcast %squeeze3A_526 : f32 to vector<16xf32>
        %mul3A_577 = arith.mulf %mul3A_46, %mul3A_576 : vector<16xf32>
        %mul3A_578 = vector.broadcast %squeeze3A_528 : f32 to vector<16xf32>
        %mul3A_579 = arith.mulf %mul3A_53, %mul3A_578 : vector<16xf32>
        %add3A_580 = arith.addf %mul3A_577, %mul3A_579 : vector<16xf32>
        %add3A_581 = arith.addf %add3A_575, %add3A_580 : vector<16xf32>
        %eq3A_582 = vector.broadcast %add3A_532 : i32 to vector<16xi32>
        %eq3A_583 = arith.cmpi eq, %add3A_59, %eq3A_582 : vector<16xi32>
        %jit3A_584 = arith.constant 1.000000e+09 : f32
        %broadcast_in_dim3A_585 = vector.broadcast %jit3A_584 : f32 to vector<16xf32>
        %select_n3A_586 = arith.select %eq3A_583, %broadcast_in_dim3A_585, %add3A_581 : vector<16xi1>, vector<16xf32>
        %lt3A_587 = arith.cmpf olt, %select_n3A_586, %min3A_522 : vector<16xf32>
        %lt3A_588 = arith.cmpf olt, %select_n3A_586, %min3A_518 : vector<16xf32>
        %lt3A_589 = arith.cmpf olt, %select_n3A_586, %min3A_513 : vector<16xf32>
        %lt3A_590 = arith.cmpf olt, %select_n3A_586, %min3A_508 : vector<16xf32>
        %lt3A_591 = arith.cmpf olt, %select_n3A_586, %min3A_503 : vector<16xf32>
        %max3A_592 = arith.maximumf %min3A_508, %select_n3A_586 : vector<16xf32>
        %min3A_593 = arith.minimumf %min3A_503, %max3A_592 : vector<16xf32>
        %broadcast_in_dim3A_594 = vector.broadcast %add3A_532 : i32 to vector<16xi32>
        %select_n3A_595 = arith.select %lt3A_590, %select_n3A_511, %broadcast_in_dim3A_594 : vector<16xi1>, vector<16xi32>
        %select_n3A_596 = arith.select %lt3A_591, %select_n3A_595, %select_n3A_506 : vector<16xi1>, vector<16xi32>
        %max3A_597 = arith.maximumf %min3A_513, %select_n3A_586 : vector<16xf32>
        %min3A_598 = arith.minimumf %min3A_508, %max3A_597 : vector<16xf32>
        %broadcast_in_dim3A_599 = vector.broadcast %add3A_532 : i32 to vector<16xi32>
        %select_n3A_600 = arith.select %lt3A_589, %select_n3A_516, %broadcast_in_dim3A_599 : vector<16xi1>, vector<16xi32>
        %select_n3A_601 = arith.select %lt3A_590, %select_n3A_600, %select_n3A_511 : vector<16xi1>, vector<16xi32>
        %max3A_602 = arith.maximumf %min3A_518, %select_n3A_586 : vector<16xf32>
        %min3A_603 = arith.minimumf %min3A_513, %max3A_602 : vector<16xf32>
        %broadcast_in_dim3A_604 = vector.broadcast %add3A_532 : i32 to vector<16xi32>
        %select_n3A_605 = arith.select %lt3A_588, %select_n3A_521, %broadcast_in_dim3A_604 : vector<16xi1>, vector<16xi32>
        %select_n3A_606 = arith.select %lt3A_589, %select_n3A_605, %select_n3A_516 : vector<16xi1>, vector<16xi32>
        %max3A_607 = arith.maximumf %min3A_522, %select_n3A_586 : vector<16xf32>
        %min3A_608 = arith.minimumf %min3A_518, %max3A_607 : vector<16xf32>
        %broadcast_in_dim3A_609 = vector.broadcast %add3A_532 : i32 to vector<16xi32>
        %select_n3A_610 = arith.select %lt3A_587, %select_n3A_524, %broadcast_in_dim3A_609 : vector<16xi1>, vector<16xi32>
        %select_n3A_611 = arith.select %lt3A_588, %select_n3A_610, %select_n3A_521 : vector<16xi1>, vector<16xi32>
        %min3A_612 = arith.minimumf %min3A_522, %select_n3A_586 : vector<16xf32>
        %broadcast_in_dim3A_613 = vector.broadcast %add3A_532 : i32 to vector<16xi32>
        %select_n3A_614 = arith.select %lt3A_587, %broadcast_in_dim3A_613, %select_n3A_524 : vector<16xi1>, vector<16xi32>
        %slice3A_615 = vector.extract_strided_slice %get3A_164 {offsets = [5], sizes = [1], strides = [1]} : vector<16xf32> to vector<1xf32>
        %squeeze3A_616 = vector.extract %slice3A_615[0] : f32 from vector<1xf32>
        %slice3A_617 = vector.extract_strided_slice %get3A_168 {offsets = [5], sizes = [1], strides = [1]} : vector<16xf32> to vector<1xf32>
        %squeeze3A_618 = vector.extract %slice3A_617[0] : f32 from vector<1xf32>
        %slice3A_619 = vector.extract_strided_slice %get3A_172 {offsets = [5], sizes = [1], strides = [1]} : vector<16xf32> to vector<1xf32>
        %squeeze3A_620 = vector.extract %slice3A_619[0] : f32 from vector<1xf32>
        %add3A_621 = arith.constant 5 : i32
        %add3A_622 = arith.addi %mul3A_160, %add3A_621 : i32
        %add3A_623 = vector.broadcast %squeeze3A_620 : f32 to vector<16xf32>
        %add3A_624 = arith.addf %get3A_35, %add3A_623 : vector<16xf32>
        %mul3A_625 = vector.broadcast %squeeze3A_616 : f32 to vector<16xf32>
        %mul3A_626 = arith.mulf %mul3A_24, %mul3A_625 : vector<16xf32>
        %mul3A_627 = vector.broadcast %squeeze3A_618 : f32 to vector<16xf32>
        %mul3A_628 = arith.mulf %mul3A_31, %mul3A_627 : vector<16xf32>
        %add3A_629 = arith.addf %mul3A_626, %mul3A_628 : vector<16xf32>
        %add3A_630 = arith.addf %add3A_624, %add3A_629 : vector<16xf32>
        %eq3A_631 = vector.broadcast %add3A_622 : i32 to vector<16xi32>
        %eq3A_632 = arith.cmpi eq, %add3A_37, %eq3A_631 : vector<16xi32>
        %jit3A_633 = arith.constant 1.000000e+09 : f32
        %broadcast_in_dim3A_634 = vector.broadcast %jit3A_633 : f32 to vector<16xf32>
        %select_n3A_635 = arith.select %eq3A_632, %broadcast_in_dim3A_634, %add3A_630 : vector<16xi1>, vector<16xf32>
        %lt3A_636 = arith.cmpf olt, %select_n3A_635, %min3A_571 : vector<16xf32>
        %lt3A_637 = arith.cmpf olt, %select_n3A_635, %min3A_567 : vector<16xf32>
        %lt3A_638 = arith.cmpf olt, %select_n3A_635, %min3A_562 : vector<16xf32>
        %lt3A_639 = arith.cmpf olt, %select_n3A_635, %min3A_557 : vector<16xf32>
        %lt3A_640 = arith.cmpf olt, %select_n3A_635, %min3A_552 : vector<16xf32>
        %max3A_641 = arith.maximumf %min3A_557, %select_n3A_635 : vector<16xf32>
        %min3A_642 = arith.minimumf %min3A_552, %max3A_641 : vector<16xf32>
        %broadcast_in_dim3A_643 = vector.broadcast %add3A_622 : i32 to vector<16xi32>
        %select_n3A_644 = arith.select %lt3A_639, %select_n3A_560, %broadcast_in_dim3A_643 : vector<16xi1>, vector<16xi32>
        %select_n3A_645 = arith.select %lt3A_640, %select_n3A_644, %select_n3A_555 : vector<16xi1>, vector<16xi32>
        %max3A_646 = arith.maximumf %min3A_562, %select_n3A_635 : vector<16xf32>
        %min3A_647 = arith.minimumf %min3A_557, %max3A_646 : vector<16xf32>
        %broadcast_in_dim3A_648 = vector.broadcast %add3A_622 : i32 to vector<16xi32>
        %select_n3A_649 = arith.select %lt3A_638, %select_n3A_565, %broadcast_in_dim3A_648 : vector<16xi1>, vector<16xi32>
        %select_n3A_650 = arith.select %lt3A_639, %select_n3A_649, %select_n3A_560 : vector<16xi1>, vector<16xi32>
        %max3A_651 = arith.maximumf %min3A_567, %select_n3A_635 : vector<16xf32>
        %min3A_652 = arith.minimumf %min3A_562, %max3A_651 : vector<16xf32>
        %broadcast_in_dim3A_653 = vector.broadcast %add3A_622 : i32 to vector<16xi32>
        %select_n3A_654 = arith.select %lt3A_637, %select_n3A_570, %broadcast_in_dim3A_653 : vector<16xi1>, vector<16xi32>
        %select_n3A_655 = arith.select %lt3A_638, %select_n3A_654, %select_n3A_565 : vector<16xi1>, vector<16xi32>
        %max3A_656 = arith.maximumf %min3A_571, %select_n3A_635 : vector<16xf32>
        %min3A_657 = arith.minimumf %min3A_567, %max3A_656 : vector<16xf32>
        %broadcast_in_dim3A_658 = vector.broadcast %add3A_622 : i32 to vector<16xi32>
        %select_n3A_659 = arith.select %lt3A_636, %select_n3A_573, %broadcast_in_dim3A_658 : vector<16xi1>, vector<16xi32>
        %select_n3A_660 = arith.select %lt3A_637, %select_n3A_659, %select_n3A_570 : vector<16xi1>, vector<16xi32>
        %min3A_661 = arith.minimumf %min3A_571, %select_n3A_635 : vector<16xf32>
        %broadcast_in_dim3A_662 = vector.broadcast %add3A_622 : i32 to vector<16xi32>
        %select_n3A_663 = arith.select %lt3A_636, %broadcast_in_dim3A_662, %select_n3A_573 : vector<16xi1>, vector<16xi32>
        %add3A_664 = vector.broadcast %squeeze3A_620 : f32 to vector<16xf32>
        %add3A_665 = arith.addf %get3A_57, %add3A_664 : vector<16xf32>
        %mul3A_666 = vector.broadcast %squeeze3A_616 : f32 to vector<16xf32>
        %mul3A_667 = arith.mulf %mul3A_46, %mul3A_666 : vector<16xf32>
        %mul3A_668 = vector.broadcast %squeeze3A_618 : f32 to vector<16xf32>
        %mul3A_669 = arith.mulf %mul3A_53, %mul3A_668 : vector<16xf32>
        %add3A_670 = arith.addf %mul3A_667, %mul3A_669 : vector<16xf32>
        %add3A_671 = arith.addf %add3A_665, %add3A_670 : vector<16xf32>
        %eq3A_672 = vector.broadcast %add3A_622 : i32 to vector<16xi32>
        %eq3A_673 = arith.cmpi eq, %add3A_59, %eq3A_672 : vector<16xi32>
        %jit3A_674 = arith.constant 1.000000e+09 : f32
        %broadcast_in_dim3A_675 = vector.broadcast %jit3A_674 : f32 to vector<16xf32>
        %select_n3A_676 = arith.select %eq3A_673, %broadcast_in_dim3A_675, %add3A_671 : vector<16xi1>, vector<16xf32>
        %lt3A_677 = arith.cmpf olt, %select_n3A_676, %min3A_612 : vector<16xf32>
        %lt3A_678 = arith.cmpf olt, %select_n3A_676, %min3A_608 : vector<16xf32>
        %lt3A_679 = arith.cmpf olt, %select_n3A_676, %min3A_603 : vector<16xf32>
        %lt3A_680 = arith.cmpf olt, %select_n3A_676, %min3A_598 : vector<16xf32>
        %lt3A_681 = arith.cmpf olt, %select_n3A_676, %min3A_593 : vector<16xf32>
        %max3A_682 = arith.maximumf %min3A_598, %select_n3A_676 : vector<16xf32>
        %min3A_683 = arith.minimumf %min3A_593, %max3A_682 : vector<16xf32>
        %broadcast_in_dim3A_684 = vector.broadcast %add3A_622 : i32 to vector<16xi32>
        %select_n3A_685 = arith.select %lt3A_680, %select_n3A_601, %broadcast_in_dim3A_684 : vector<16xi1>, vector<16xi32>
        %select_n3A_686 = arith.select %lt3A_681, %select_n3A_685, %select_n3A_596 : vector<16xi1>, vector<16xi32>
        %max3A_687 = arith.maximumf %min3A_603, %select_n3A_676 : vector<16xf32>
        %min3A_688 = arith.minimumf %min3A_598, %max3A_687 : vector<16xf32>
        %broadcast_in_dim3A_689 = vector.broadcast %add3A_622 : i32 to vector<16xi32>
        %select_n3A_690 = arith.select %lt3A_679, %select_n3A_606, %broadcast_in_dim3A_689 : vector<16xi1>, vector<16xi32>
        %select_n3A_691 = arith.select %lt3A_680, %select_n3A_690, %select_n3A_601 : vector<16xi1>, vector<16xi32>
        %max3A_692 = arith.maximumf %min3A_608, %select_n3A_676 : vector<16xf32>
        %min3A_693 = arith.minimumf %min3A_603, %max3A_692 : vector<16xf32>
        %broadcast_in_dim3A_694 = vector.broadcast %add3A_622 : i32 to vector<16xi32>
        %select_n3A_695 = arith.select %lt3A_678, %select_n3A_611, %broadcast_in_dim3A_694 : vector<16xi1>, vector<16xi32>
        %select_n3A_696 = arith.select %lt3A_679, %select_n3A_695, %select_n3A_606 : vector<16xi1>, vector<16xi32>
        %max3A_697 = arith.maximumf %min3A_612, %select_n3A_676 : vector<16xf32>
        %min3A_698 = arith.minimumf %min3A_608, %max3A_697 : vector<16xf32>
        %broadcast_in_dim3A_699 = vector.broadcast %add3A_622 : i32 to vector<16xi32>
        %select_n3A_700 = arith.select %lt3A_677, %select_n3A_614, %broadcast_in_dim3A_699 : vector<16xi1>, vector<16xi32>
        %select_n3A_701 = arith.select %lt3A_678, %select_n3A_700, %select_n3A_611 : vector<16xi1>, vector<16xi32>
        %min3A_702 = arith.minimumf %min3A_612, %select_n3A_676 : vector<16xf32>
        %broadcast_in_dim3A_703 = vector.broadcast %add3A_622 : i32 to vector<16xi32>
        %select_n3A_704 = arith.select %lt3A_677, %broadcast_in_dim3A_703, %select_n3A_614 : vector<16xi1>, vector<16xi32>
        %slice3A_705 = vector.extract_strided_slice %get3A_164 {offsets = [6], sizes = [1], strides = [1]} : vector<16xf32> to vector<1xf32>
        %squeeze3A_706 = vector.extract %slice3A_705[0] : f32 from vector<1xf32>
        %slice3A_707 = vector.extract_strided_slice %get3A_168 {offsets = [6], sizes = [1], strides = [1]} : vector<16xf32> to vector<1xf32>
        %squeeze3A_708 = vector.extract %slice3A_707[0] : f32 from vector<1xf32>
        %slice3A_709 = vector.extract_strided_slice %get3A_172 {offsets = [6], sizes = [1], strides = [1]} : vector<16xf32> to vector<1xf32>
        %squeeze3A_710 = vector.extract %slice3A_709[0] : f32 from vector<1xf32>
        %add3A_711 = arith.constant 6 : i32
        %add3A_712 = arith.addi %mul3A_160, %add3A_711 : i32
        %add3A_713 = vector.broadcast %squeeze3A_710 : f32 to vector<16xf32>
        %add3A_714 = arith.addf %get3A_35, %add3A_713 : vector<16xf32>
        %mul3A_715 = vector.broadcast %squeeze3A_706 : f32 to vector<16xf32>
        %mul3A_716 = arith.mulf %mul3A_24, %mul3A_715 : vector<16xf32>
        %mul3A_717 = vector.broadcast %squeeze3A_708 : f32 to vector<16xf32>
        %mul3A_718 = arith.mulf %mul3A_31, %mul3A_717 : vector<16xf32>
        %add3A_719 = arith.addf %mul3A_716, %mul3A_718 : vector<16xf32>
        %add3A_720 = arith.addf %add3A_714, %add3A_719 : vector<16xf32>
        %eq3A_721 = vector.broadcast %add3A_712 : i32 to vector<16xi32>
        %eq3A_722 = arith.cmpi eq, %add3A_37, %eq3A_721 : vector<16xi32>
        %jit3A_723 = arith.constant 1.000000e+09 : f32
        %broadcast_in_dim3A_724 = vector.broadcast %jit3A_723 : f32 to vector<16xf32>
        %select_n3A_725 = arith.select %eq3A_722, %broadcast_in_dim3A_724, %add3A_720 : vector<16xi1>, vector<16xf32>
        %lt3A_726 = arith.cmpf olt, %select_n3A_725, %min3A_661 : vector<16xf32>
        %lt3A_727 = arith.cmpf olt, %select_n3A_725, %min3A_657 : vector<16xf32>
        %lt3A_728 = arith.cmpf olt, %select_n3A_725, %min3A_652 : vector<16xf32>
        %lt3A_729 = arith.cmpf olt, %select_n3A_725, %min3A_647 : vector<16xf32>
        %lt3A_730 = arith.cmpf olt, %select_n3A_725, %min3A_642 : vector<16xf32>
        %max3A_731 = arith.maximumf %min3A_647, %select_n3A_725 : vector<16xf32>
        %min3A_732 = arith.minimumf %min3A_642, %max3A_731 : vector<16xf32>
        %broadcast_in_dim3A_733 = vector.broadcast %add3A_712 : i32 to vector<16xi32>
        %select_n3A_734 = arith.select %lt3A_729, %select_n3A_650, %broadcast_in_dim3A_733 : vector<16xi1>, vector<16xi32>
        %select_n3A_735 = arith.select %lt3A_730, %select_n3A_734, %select_n3A_645 : vector<16xi1>, vector<16xi32>
        %max3A_736 = arith.maximumf %min3A_652, %select_n3A_725 : vector<16xf32>
        %min3A_737 = arith.minimumf %min3A_647, %max3A_736 : vector<16xf32>
        %broadcast_in_dim3A_738 = vector.broadcast %add3A_712 : i32 to vector<16xi32>
        %select_n3A_739 = arith.select %lt3A_728, %select_n3A_655, %broadcast_in_dim3A_738 : vector<16xi1>, vector<16xi32>
        %select_n3A_740 = arith.select %lt3A_729, %select_n3A_739, %select_n3A_650 : vector<16xi1>, vector<16xi32>
        %max3A_741 = arith.maximumf %min3A_657, %select_n3A_725 : vector<16xf32>
        %min3A_742 = arith.minimumf %min3A_652, %max3A_741 : vector<16xf32>
        %broadcast_in_dim3A_743 = vector.broadcast %add3A_712 : i32 to vector<16xi32>
        %select_n3A_744 = arith.select %lt3A_727, %select_n3A_660, %broadcast_in_dim3A_743 : vector<16xi1>, vector<16xi32>
        %select_n3A_745 = arith.select %lt3A_728, %select_n3A_744, %select_n3A_655 : vector<16xi1>, vector<16xi32>
        %max3A_746 = arith.maximumf %min3A_661, %select_n3A_725 : vector<16xf32>
        %min3A_747 = arith.minimumf %min3A_657, %max3A_746 : vector<16xf32>
        %broadcast_in_dim3A_748 = vector.broadcast %add3A_712 : i32 to vector<16xi32>
        %select_n3A_749 = arith.select %lt3A_726, %select_n3A_663, %broadcast_in_dim3A_748 : vector<16xi1>, vector<16xi32>
        %select_n3A_750 = arith.select %lt3A_727, %select_n3A_749, %select_n3A_660 : vector<16xi1>, vector<16xi32>
        %min3A_751 = arith.minimumf %min3A_661, %select_n3A_725 : vector<16xf32>
        %broadcast_in_dim3A_752 = vector.broadcast %add3A_712 : i32 to vector<16xi32>
        %select_n3A_753 = arith.select %lt3A_726, %broadcast_in_dim3A_752, %select_n3A_663 : vector<16xi1>, vector<16xi32>
        %add3A_754 = vector.broadcast %squeeze3A_710 : f32 to vector<16xf32>
        %add3A_755 = arith.addf %get3A_57, %add3A_754 : vector<16xf32>
        %mul3A_756 = vector.broadcast %squeeze3A_706 : f32 to vector<16xf32>
        %mul3A_757 = arith.mulf %mul3A_46, %mul3A_756 : vector<16xf32>
        %mul3A_758 = vector.broadcast %squeeze3A_708 : f32 to vector<16xf32>
        %mul3A_759 = arith.mulf %mul3A_53, %mul3A_758 : vector<16xf32>
        %add3A_760 = arith.addf %mul3A_757, %mul3A_759 : vector<16xf32>
        %add3A_761 = arith.addf %add3A_755, %add3A_760 : vector<16xf32>
        %eq3A_762 = vector.broadcast %add3A_712 : i32 to vector<16xi32>
        %eq3A_763 = arith.cmpi eq, %add3A_59, %eq3A_762 : vector<16xi32>
        %jit3A_764 = arith.constant 1.000000e+09 : f32
        %broadcast_in_dim3A_765 = vector.broadcast %jit3A_764 : f32 to vector<16xf32>
        %select_n3A_766 = arith.select %eq3A_763, %broadcast_in_dim3A_765, %add3A_761 : vector<16xi1>, vector<16xf32>
        %lt3A_767 = arith.cmpf olt, %select_n3A_766, %min3A_702 : vector<16xf32>
        %lt3A_768 = arith.cmpf olt, %select_n3A_766, %min3A_698 : vector<16xf32>
        %lt3A_769 = arith.cmpf olt, %select_n3A_766, %min3A_693 : vector<16xf32>
        %lt3A_770 = arith.cmpf olt, %select_n3A_766, %min3A_688 : vector<16xf32>
        %lt3A_771 = arith.cmpf olt, %select_n3A_766, %min3A_683 : vector<16xf32>
        %max3A_772 = arith.maximumf %min3A_688, %select_n3A_766 : vector<16xf32>
        %min3A_773 = arith.minimumf %min3A_683, %max3A_772 : vector<16xf32>
        %broadcast_in_dim3A_774 = vector.broadcast %add3A_712 : i32 to vector<16xi32>
        %select_n3A_775 = arith.select %lt3A_770, %select_n3A_691, %broadcast_in_dim3A_774 : vector<16xi1>, vector<16xi32>
        %select_n3A_776 = arith.select %lt3A_771, %select_n3A_775, %select_n3A_686 : vector<16xi1>, vector<16xi32>
        %max3A_777 = arith.maximumf %min3A_693, %select_n3A_766 : vector<16xf32>
        %min3A_778 = arith.minimumf %min3A_688, %max3A_777 : vector<16xf32>
        %broadcast_in_dim3A_779 = vector.broadcast %add3A_712 : i32 to vector<16xi32>
        %select_n3A_780 = arith.select %lt3A_769, %select_n3A_696, %broadcast_in_dim3A_779 : vector<16xi1>, vector<16xi32>
        %select_n3A_781 = arith.select %lt3A_770, %select_n3A_780, %select_n3A_691 : vector<16xi1>, vector<16xi32>
        %max3A_782 = arith.maximumf %min3A_698, %select_n3A_766 : vector<16xf32>
        %min3A_783 = arith.minimumf %min3A_693, %max3A_782 : vector<16xf32>
        %broadcast_in_dim3A_784 = vector.broadcast %add3A_712 : i32 to vector<16xi32>
        %select_n3A_785 = arith.select %lt3A_768, %select_n3A_701, %broadcast_in_dim3A_784 : vector<16xi1>, vector<16xi32>
        %select_n3A_786 = arith.select %lt3A_769, %select_n3A_785, %select_n3A_696 : vector<16xi1>, vector<16xi32>
        %max3A_787 = arith.maximumf %min3A_702, %select_n3A_766 : vector<16xf32>
        %min3A_788 = arith.minimumf %min3A_698, %max3A_787 : vector<16xf32>
        %broadcast_in_dim3A_789 = vector.broadcast %add3A_712 : i32 to vector<16xi32>
        %select_n3A_790 = arith.select %lt3A_767, %select_n3A_704, %broadcast_in_dim3A_789 : vector<16xi1>, vector<16xi32>
        %select_n3A_791 = arith.select %lt3A_768, %select_n3A_790, %select_n3A_701 : vector<16xi1>, vector<16xi32>
        %min3A_792 = arith.minimumf %min3A_702, %select_n3A_766 : vector<16xf32>
        %broadcast_in_dim3A_793 = vector.broadcast %add3A_712 : i32 to vector<16xi32>
        %select_n3A_794 = arith.select %lt3A_767, %broadcast_in_dim3A_793, %select_n3A_704 : vector<16xi1>, vector<16xi32>
        %slice3A_795 = vector.extract_strided_slice %get3A_164 {offsets = [7], sizes = [1], strides = [1]} : vector<16xf32> to vector<1xf32>
        %squeeze3A_796 = vector.extract %slice3A_795[0] : f32 from vector<1xf32>
        %slice3A_797 = vector.extract_strided_slice %get3A_168 {offsets = [7], sizes = [1], strides = [1]} : vector<16xf32> to vector<1xf32>
        %squeeze3A_798 = vector.extract %slice3A_797[0] : f32 from vector<1xf32>
        %slice3A_799 = vector.extract_strided_slice %get3A_172 {offsets = [7], sizes = [1], strides = [1]} : vector<16xf32> to vector<1xf32>
        %squeeze3A_800 = vector.extract %slice3A_799[0] : f32 from vector<1xf32>
        %add3A_801 = arith.constant 7 : i32
        %add3A_802 = arith.addi %mul3A_160, %add3A_801 : i32
        %add3A_803 = vector.broadcast %squeeze3A_800 : f32 to vector<16xf32>
        %add3A_804 = arith.addf %get3A_35, %add3A_803 : vector<16xf32>
        %mul3A_805 = vector.broadcast %squeeze3A_796 : f32 to vector<16xf32>
        %mul3A_806 = arith.mulf %mul3A_24, %mul3A_805 : vector<16xf32>
        %mul3A_807 = vector.broadcast %squeeze3A_798 : f32 to vector<16xf32>
        %mul3A_808 = arith.mulf %mul3A_31, %mul3A_807 : vector<16xf32>
        %add3A_809 = arith.addf %mul3A_806, %mul3A_808 : vector<16xf32>
        %add3A_810 = arith.addf %add3A_804, %add3A_809 : vector<16xf32>
        %eq3A_811 = vector.broadcast %add3A_802 : i32 to vector<16xi32>
        %eq3A_812 = arith.cmpi eq, %add3A_37, %eq3A_811 : vector<16xi32>
        %jit3A_813 = arith.constant 1.000000e+09 : f32
        %broadcast_in_dim3A_814 = vector.broadcast %jit3A_813 : f32 to vector<16xf32>
        %select_n3A_815 = arith.select %eq3A_812, %broadcast_in_dim3A_814, %add3A_810 : vector<16xi1>, vector<16xf32>
        %lt3A_816 = arith.cmpf olt, %select_n3A_815, %min3A_751 : vector<16xf32>
        %lt3A_817 = arith.cmpf olt, %select_n3A_815, %min3A_747 : vector<16xf32>
        %lt3A_818 = arith.cmpf olt, %select_n3A_815, %min3A_742 : vector<16xf32>
        %lt3A_819 = arith.cmpf olt, %select_n3A_815, %min3A_737 : vector<16xf32>
        %lt3A_820 = arith.cmpf olt, %select_n3A_815, %min3A_732 : vector<16xf32>
        %max3A_821 = arith.maximumf %min3A_737, %select_n3A_815 : vector<16xf32>
        %min3A_822 = arith.minimumf %min3A_732, %max3A_821 : vector<16xf32>
        %broadcast_in_dim3A_823 = vector.broadcast %add3A_802 : i32 to vector<16xi32>
        %select_n3A_824 = arith.select %lt3A_819, %select_n3A_740, %broadcast_in_dim3A_823 : vector<16xi1>, vector<16xi32>
        %select_n3A_825 = arith.select %lt3A_820, %select_n3A_824, %select_n3A_735 : vector<16xi1>, vector<16xi32>
        %max3A_826 = arith.maximumf %min3A_742, %select_n3A_815 : vector<16xf32>
        %min3A_827 = arith.minimumf %min3A_737, %max3A_826 : vector<16xf32>
        %broadcast_in_dim3A_828 = vector.broadcast %add3A_802 : i32 to vector<16xi32>
        %select_n3A_829 = arith.select %lt3A_818, %select_n3A_745, %broadcast_in_dim3A_828 : vector<16xi1>, vector<16xi32>
        %select_n3A_830 = arith.select %lt3A_819, %select_n3A_829, %select_n3A_740 : vector<16xi1>, vector<16xi32>
        %max3A_831 = arith.maximumf %min3A_747, %select_n3A_815 : vector<16xf32>
        %min3A_832 = arith.minimumf %min3A_742, %max3A_831 : vector<16xf32>
        %broadcast_in_dim3A_833 = vector.broadcast %add3A_802 : i32 to vector<16xi32>
        %select_n3A_834 = arith.select %lt3A_817, %select_n3A_750, %broadcast_in_dim3A_833 : vector<16xi1>, vector<16xi32>
        %select_n3A_835 = arith.select %lt3A_818, %select_n3A_834, %select_n3A_745 : vector<16xi1>, vector<16xi32>
        %max3A_836 = arith.maximumf %min3A_751, %select_n3A_815 : vector<16xf32>
        %min3A_837 = arith.minimumf %min3A_747, %max3A_836 : vector<16xf32>
        %broadcast_in_dim3A_838 = vector.broadcast %add3A_802 : i32 to vector<16xi32>
        %select_n3A_839 = arith.select %lt3A_816, %select_n3A_753, %broadcast_in_dim3A_838 : vector<16xi1>, vector<16xi32>
        %select_n3A_840 = arith.select %lt3A_817, %select_n3A_839, %select_n3A_750 : vector<16xi1>, vector<16xi32>
        %min3A_841 = arith.minimumf %min3A_751, %select_n3A_815 : vector<16xf32>
        %broadcast_in_dim3A_842 = vector.broadcast %add3A_802 : i32 to vector<16xi32>
        %select_n3A_843 = arith.select %lt3A_816, %broadcast_in_dim3A_842, %select_n3A_753 : vector<16xi1>, vector<16xi32>
        %add3A_844 = vector.broadcast %squeeze3A_800 : f32 to vector<16xf32>
        %add3A_845 = arith.addf %get3A_57, %add3A_844 : vector<16xf32>
        %mul3A_846 = vector.broadcast %squeeze3A_796 : f32 to vector<16xf32>
        %mul3A_847 = arith.mulf %mul3A_46, %mul3A_846 : vector<16xf32>
        %mul3A_848 = vector.broadcast %squeeze3A_798 : f32 to vector<16xf32>
        %mul3A_849 = arith.mulf %mul3A_53, %mul3A_848 : vector<16xf32>
        %add3A_850 = arith.addf %mul3A_847, %mul3A_849 : vector<16xf32>
        %add3A_851 = arith.addf %add3A_845, %add3A_850 : vector<16xf32>
        %eq3A_852 = vector.broadcast %add3A_802 : i32 to vector<16xi32>
        %eq3A_853 = arith.cmpi eq, %add3A_59, %eq3A_852 : vector<16xi32>
        %jit3A_854 = arith.constant 1.000000e+09 : f32
        %broadcast_in_dim3A_855 = vector.broadcast %jit3A_854 : f32 to vector<16xf32>
        %select_n3A_856 = arith.select %eq3A_853, %broadcast_in_dim3A_855, %add3A_851 : vector<16xi1>, vector<16xf32>
        %lt3A_857 = arith.cmpf olt, %select_n3A_856, %min3A_792 : vector<16xf32>
        %lt3A_858 = arith.cmpf olt, %select_n3A_856, %min3A_788 : vector<16xf32>
        %lt3A_859 = arith.cmpf olt, %select_n3A_856, %min3A_783 : vector<16xf32>
        %lt3A_860 = arith.cmpf olt, %select_n3A_856, %min3A_778 : vector<16xf32>
        %lt3A_861 = arith.cmpf olt, %select_n3A_856, %min3A_773 : vector<16xf32>
        %max3A_862 = arith.maximumf %min3A_778, %select_n3A_856 : vector<16xf32>
        %min3A_863 = arith.minimumf %min3A_773, %max3A_862 : vector<16xf32>
        %broadcast_in_dim3A_864 = vector.broadcast %add3A_802 : i32 to vector<16xi32>
        %select_n3A_865 = arith.select %lt3A_860, %select_n3A_781, %broadcast_in_dim3A_864 : vector<16xi1>, vector<16xi32>
        %select_n3A_866 = arith.select %lt3A_861, %select_n3A_865, %select_n3A_776 : vector<16xi1>, vector<16xi32>
        %max3A_867 = arith.maximumf %min3A_783, %select_n3A_856 : vector<16xf32>
        %min3A_868 = arith.minimumf %min3A_778, %max3A_867 : vector<16xf32>
        %broadcast_in_dim3A_869 = vector.broadcast %add3A_802 : i32 to vector<16xi32>
        %select_n3A_870 = arith.select %lt3A_859, %select_n3A_786, %broadcast_in_dim3A_869 : vector<16xi1>, vector<16xi32>
        %select_n3A_871 = arith.select %lt3A_860, %select_n3A_870, %select_n3A_781 : vector<16xi1>, vector<16xi32>
        %max3A_872 = arith.maximumf %min3A_788, %select_n3A_856 : vector<16xf32>
        %min3A_873 = arith.minimumf %min3A_783, %max3A_872 : vector<16xf32>
        %broadcast_in_dim3A_874 = vector.broadcast %add3A_802 : i32 to vector<16xi32>
        %select_n3A_875 = arith.select %lt3A_858, %select_n3A_791, %broadcast_in_dim3A_874 : vector<16xi1>, vector<16xi32>
        %select_n3A_876 = arith.select %lt3A_859, %select_n3A_875, %select_n3A_786 : vector<16xi1>, vector<16xi32>
        %max3A_877 = arith.maximumf %min3A_792, %select_n3A_856 : vector<16xf32>
        %min3A_878 = arith.minimumf %min3A_788, %max3A_877 : vector<16xf32>
        %broadcast_in_dim3A_879 = vector.broadcast %add3A_802 : i32 to vector<16xi32>
        %select_n3A_880 = arith.select %lt3A_857, %select_n3A_794, %broadcast_in_dim3A_879 : vector<16xi1>, vector<16xi32>
        %select_n3A_881 = arith.select %lt3A_858, %select_n3A_880, %select_n3A_791 : vector<16xi1>, vector<16xi32>
        %min3A_882 = arith.minimumf %min3A_792, %select_n3A_856 : vector<16xf32>
        %broadcast_in_dim3A_883 = vector.broadcast %add3A_802 : i32 to vector<16xi32>
        %select_n3A_884 = arith.select %lt3A_857, %broadcast_in_dim3A_883, %select_n3A_794 : vector<16xi1>, vector<16xi32>
        %slice3A_885 = vector.extract_strided_slice %get3A_164 {offsets = [8], sizes = [1], strides = [1]} : vector<16xf32> to vector<1xf32>
        %squeeze3A_886 = vector.extract %slice3A_885[0] : f32 from vector<1xf32>
        %slice3A_887 = vector.extract_strided_slice %get3A_168 {offsets = [8], sizes = [1], strides = [1]} : vector<16xf32> to vector<1xf32>
        %squeeze3A_888 = vector.extract %slice3A_887[0] : f32 from vector<1xf32>
        %slice3A_889 = vector.extract_strided_slice %get3A_172 {offsets = [8], sizes = [1], strides = [1]} : vector<16xf32> to vector<1xf32>
        %squeeze3A_890 = vector.extract %slice3A_889[0] : f32 from vector<1xf32>
        %add3A_891 = arith.constant 8 : i32
        %add3A_892 = arith.addi %mul3A_160, %add3A_891 : i32
        %add3A_893 = vector.broadcast %squeeze3A_890 : f32 to vector<16xf32>
        %add3A_894 = arith.addf %get3A_35, %add3A_893 : vector<16xf32>
        %mul3A_895 = vector.broadcast %squeeze3A_886 : f32 to vector<16xf32>
        %mul3A_896 = arith.mulf %mul3A_24, %mul3A_895 : vector<16xf32>
        %mul3A_897 = vector.broadcast %squeeze3A_888 : f32 to vector<16xf32>
        %mul3A_898 = arith.mulf %mul3A_31, %mul3A_897 : vector<16xf32>
        %add3A_899 = arith.addf %mul3A_896, %mul3A_898 : vector<16xf32>
        %add3A_900 = arith.addf %add3A_894, %add3A_899 : vector<16xf32>
        %eq3A_901 = vector.broadcast %add3A_892 : i32 to vector<16xi32>
        %eq3A_902 = arith.cmpi eq, %add3A_37, %eq3A_901 : vector<16xi32>
        %jit3A_903 = arith.constant 1.000000e+09 : f32
        %broadcast_in_dim3A_904 = vector.broadcast %jit3A_903 : f32 to vector<16xf32>
        %select_n3A_905 = arith.select %eq3A_902, %broadcast_in_dim3A_904, %add3A_900 : vector<16xi1>, vector<16xf32>
        %lt3A_906 = arith.cmpf olt, %select_n3A_905, %min3A_841 : vector<16xf32>
        %lt3A_907 = arith.cmpf olt, %select_n3A_905, %min3A_837 : vector<16xf32>
        %lt3A_908 = arith.cmpf olt, %select_n3A_905, %min3A_832 : vector<16xf32>
        %lt3A_909 = arith.cmpf olt, %select_n3A_905, %min3A_827 : vector<16xf32>
        %lt3A_910 = arith.cmpf olt, %select_n3A_905, %min3A_822 : vector<16xf32>
        %max3A_911 = arith.maximumf %min3A_827, %select_n3A_905 : vector<16xf32>
        %min3A_912 = arith.minimumf %min3A_822, %max3A_911 : vector<16xf32>
        %broadcast_in_dim3A_913 = vector.broadcast %add3A_892 : i32 to vector<16xi32>
        %select_n3A_914 = arith.select %lt3A_909, %select_n3A_830, %broadcast_in_dim3A_913 : vector<16xi1>, vector<16xi32>
        %select_n3A_915 = arith.select %lt3A_910, %select_n3A_914, %select_n3A_825 : vector<16xi1>, vector<16xi32>
        %max3A_916 = arith.maximumf %min3A_832, %select_n3A_905 : vector<16xf32>
        %min3A_917 = arith.minimumf %min3A_827, %max3A_916 : vector<16xf32>
        %broadcast_in_dim3A_918 = vector.broadcast %add3A_892 : i32 to vector<16xi32>
        %select_n3A_919 = arith.select %lt3A_908, %select_n3A_835, %broadcast_in_dim3A_918 : vector<16xi1>, vector<16xi32>
        %select_n3A_920 = arith.select %lt3A_909, %select_n3A_919, %select_n3A_830 : vector<16xi1>, vector<16xi32>
        %max3A_921 = arith.maximumf %min3A_837, %select_n3A_905 : vector<16xf32>
        %min3A_922 = arith.minimumf %min3A_832, %max3A_921 : vector<16xf32>
        %broadcast_in_dim3A_923 = vector.broadcast %add3A_892 : i32 to vector<16xi32>
        %select_n3A_924 = arith.select %lt3A_907, %select_n3A_840, %broadcast_in_dim3A_923 : vector<16xi1>, vector<16xi32>
        %select_n3A_925 = arith.select %lt3A_908, %select_n3A_924, %select_n3A_835 : vector<16xi1>, vector<16xi32>
        %max3A_926 = arith.maximumf %min3A_841, %select_n3A_905 : vector<16xf32>
        %min3A_927 = arith.minimumf %min3A_837, %max3A_926 : vector<16xf32>
        %broadcast_in_dim3A_928 = vector.broadcast %add3A_892 : i32 to vector<16xi32>
        %select_n3A_929 = arith.select %lt3A_906, %select_n3A_843, %broadcast_in_dim3A_928 : vector<16xi1>, vector<16xi32>
        %select_n3A_930 = arith.select %lt3A_907, %select_n3A_929, %select_n3A_840 : vector<16xi1>, vector<16xi32>
        %min3A_931 = arith.minimumf %min3A_841, %select_n3A_905 : vector<16xf32>
        %broadcast_in_dim3A_932 = vector.broadcast %add3A_892 : i32 to vector<16xi32>
        %select_n3A_933 = arith.select %lt3A_906, %broadcast_in_dim3A_932, %select_n3A_843 : vector<16xi1>, vector<16xi32>
        %add3A_934 = vector.broadcast %squeeze3A_890 : f32 to vector<16xf32>
        %add3A_935 = arith.addf %get3A_57, %add3A_934 : vector<16xf32>
        %mul3A_936 = vector.broadcast %squeeze3A_886 : f32 to vector<16xf32>
        %mul3A_937 = arith.mulf %mul3A_46, %mul3A_936 : vector<16xf32>
        %mul3A_938 = vector.broadcast %squeeze3A_888 : f32 to vector<16xf32>
        %mul3A_939 = arith.mulf %mul3A_53, %mul3A_938 : vector<16xf32>
        %add3A_940 = arith.addf %mul3A_937, %mul3A_939 : vector<16xf32>
        %add3A_941 = arith.addf %add3A_935, %add3A_940 : vector<16xf32>
        %eq3A_942 = vector.broadcast %add3A_892 : i32 to vector<16xi32>
        %eq3A_943 = arith.cmpi eq, %add3A_59, %eq3A_942 : vector<16xi32>
        %jit3A_944 = arith.constant 1.000000e+09 : f32
        %broadcast_in_dim3A_945 = vector.broadcast %jit3A_944 : f32 to vector<16xf32>
        %select_n3A_946 = arith.select %eq3A_943, %broadcast_in_dim3A_945, %add3A_941 : vector<16xi1>, vector<16xf32>
        %lt3A_947 = arith.cmpf olt, %select_n3A_946, %min3A_882 : vector<16xf32>
        %lt3A_948 = arith.cmpf olt, %select_n3A_946, %min3A_878 : vector<16xf32>
        %lt3A_949 = arith.cmpf olt, %select_n3A_946, %min3A_873 : vector<16xf32>
        %lt3A_950 = arith.cmpf olt, %select_n3A_946, %min3A_868 : vector<16xf32>
        %lt3A_951 = arith.cmpf olt, %select_n3A_946, %min3A_863 : vector<16xf32>
        %max3A_952 = arith.maximumf %min3A_868, %select_n3A_946 : vector<16xf32>
        %min3A_953 = arith.minimumf %min3A_863, %max3A_952 : vector<16xf32>
        %broadcast_in_dim3A_954 = vector.broadcast %add3A_892 : i32 to vector<16xi32>
        %select_n3A_955 = arith.select %lt3A_950, %select_n3A_871, %broadcast_in_dim3A_954 : vector<16xi1>, vector<16xi32>
        %select_n3A_956 = arith.select %lt3A_951, %select_n3A_955, %select_n3A_866 : vector<16xi1>, vector<16xi32>
        %max3A_957 = arith.maximumf %min3A_873, %select_n3A_946 : vector<16xf32>
        %min3A_958 = arith.minimumf %min3A_868, %max3A_957 : vector<16xf32>
        %broadcast_in_dim3A_959 = vector.broadcast %add3A_892 : i32 to vector<16xi32>
        %select_n3A_960 = arith.select %lt3A_949, %select_n3A_876, %broadcast_in_dim3A_959 : vector<16xi1>, vector<16xi32>
        %select_n3A_961 = arith.select %lt3A_950, %select_n3A_960, %select_n3A_871 : vector<16xi1>, vector<16xi32>
        %max3A_962 = arith.maximumf %min3A_878, %select_n3A_946 : vector<16xf32>
        %min3A_963 = arith.minimumf %min3A_873, %max3A_962 : vector<16xf32>
        %broadcast_in_dim3A_964 = vector.broadcast %add3A_892 : i32 to vector<16xi32>
        %select_n3A_965 = arith.select %lt3A_948, %select_n3A_881, %broadcast_in_dim3A_964 : vector<16xi1>, vector<16xi32>
        %select_n3A_966 = arith.select %lt3A_949, %select_n3A_965, %select_n3A_876 : vector<16xi1>, vector<16xi32>
        %max3A_967 = arith.maximumf %min3A_882, %select_n3A_946 : vector<16xf32>
        %min3A_968 = arith.minimumf %min3A_878, %max3A_967 : vector<16xf32>
        %broadcast_in_dim3A_969 = vector.broadcast %add3A_892 : i32 to vector<16xi32>
        %select_n3A_970 = arith.select %lt3A_947, %select_n3A_884, %broadcast_in_dim3A_969 : vector<16xi1>, vector<16xi32>
        %select_n3A_971 = arith.select %lt3A_948, %select_n3A_970, %select_n3A_881 : vector<16xi1>, vector<16xi32>
        %min3A_972 = arith.minimumf %min3A_882, %select_n3A_946 : vector<16xf32>
        %broadcast_in_dim3A_973 = vector.broadcast %add3A_892 : i32 to vector<16xi32>
        %select_n3A_974 = arith.select %lt3A_947, %broadcast_in_dim3A_973, %select_n3A_884 : vector<16xi1>, vector<16xi32>
        %slice3A_975 = vector.extract_strided_slice %get3A_164 {offsets = [9], sizes = [1], strides = [1]} : vector<16xf32> to vector<1xf32>
        %squeeze3A_976 = vector.extract %slice3A_975[0] : f32 from vector<1xf32>
        %slice3A_977 = vector.extract_strided_slice %get3A_168 {offsets = [9], sizes = [1], strides = [1]} : vector<16xf32> to vector<1xf32>
        %squeeze3A_978 = vector.extract %slice3A_977[0] : f32 from vector<1xf32>
        %slice3A_979 = vector.extract_strided_slice %get3A_172 {offsets = [9], sizes = [1], strides = [1]} : vector<16xf32> to vector<1xf32>
        %squeeze3A_980 = vector.extract %slice3A_979[0] : f32 from vector<1xf32>
        %add3A_981 = arith.constant 9 : i32
        %add3A_982 = arith.addi %mul3A_160, %add3A_981 : i32
        %add3A_983 = vector.broadcast %squeeze3A_980 : f32 to vector<16xf32>
        %add3A_984 = arith.addf %get3A_35, %add3A_983 : vector<16xf32>
        %mul3A_985 = vector.broadcast %squeeze3A_976 : f32 to vector<16xf32>
        %mul3A_986 = arith.mulf %mul3A_24, %mul3A_985 : vector<16xf32>
        %mul3A_987 = vector.broadcast %squeeze3A_978 : f32 to vector<16xf32>
        %mul3A_988 = arith.mulf %mul3A_31, %mul3A_987 : vector<16xf32>
        %add3A_989 = arith.addf %mul3A_986, %mul3A_988 : vector<16xf32>
        %add3A_990 = arith.addf %add3A_984, %add3A_989 : vector<16xf32>
        %eq3A_991 = vector.broadcast %add3A_982 : i32 to vector<16xi32>
        %eq3A_992 = arith.cmpi eq, %add3A_37, %eq3A_991 : vector<16xi32>
        %jit3A_993 = arith.constant 1.000000e+09 : f32
        %broadcast_in_dim3A_994 = vector.broadcast %jit3A_993 : f32 to vector<16xf32>
        %select_n3A_995 = arith.select %eq3A_992, %broadcast_in_dim3A_994, %add3A_990 : vector<16xi1>, vector<16xf32>
        %lt3A_996 = arith.cmpf olt, %select_n3A_995, %min3A_931 : vector<16xf32>
        %lt3A_997 = arith.cmpf olt, %select_n3A_995, %min3A_927 : vector<16xf32>
        %lt3A_998 = arith.cmpf olt, %select_n3A_995, %min3A_922 : vector<16xf32>
        %lt3A_999 = arith.cmpf olt, %select_n3A_995, %min3A_917 : vector<16xf32>
        %lt3A_1000 = arith.cmpf olt, %select_n3A_995, %min3A_912 : vector<16xf32>
        %max3A_1001 = arith.maximumf %min3A_917, %select_n3A_995 : vector<16xf32>
        %min3A_1002 = arith.minimumf %min3A_912, %max3A_1001 : vector<16xf32>
        %broadcast_in_dim3A_1003 = vector.broadcast %add3A_982 : i32 to vector<16xi32>
        %select_n3A_1004 = arith.select %lt3A_999, %select_n3A_920, %broadcast_in_dim3A_1003 : vector<16xi1>, vector<16xi32>
        %select_n3A_1005 = arith.select %lt3A_1000, %select_n3A_1004, %select_n3A_915 : vector<16xi1>, vector<16xi32>
        %max3A_1006 = arith.maximumf %min3A_922, %select_n3A_995 : vector<16xf32>
        %min3A_1007 = arith.minimumf %min3A_917, %max3A_1006 : vector<16xf32>
        %broadcast_in_dim3A_1008 = vector.broadcast %add3A_982 : i32 to vector<16xi32>
        %select_n3A_1009 = arith.select %lt3A_998, %select_n3A_925, %broadcast_in_dim3A_1008 : vector<16xi1>, vector<16xi32>
        %select_n3A_1010 = arith.select %lt3A_999, %select_n3A_1009, %select_n3A_920 : vector<16xi1>, vector<16xi32>
        %max3A_1011 = arith.maximumf %min3A_927, %select_n3A_995 : vector<16xf32>
        %min3A_1012 = arith.minimumf %min3A_922, %max3A_1011 : vector<16xf32>
        %broadcast_in_dim3A_1013 = vector.broadcast %add3A_982 : i32 to vector<16xi32>
        %select_n3A_1014 = arith.select %lt3A_997, %select_n3A_930, %broadcast_in_dim3A_1013 : vector<16xi1>, vector<16xi32>
        %select_n3A_1015 = arith.select %lt3A_998, %select_n3A_1014, %select_n3A_925 : vector<16xi1>, vector<16xi32>
        %max3A_1016 = arith.maximumf %min3A_931, %select_n3A_995 : vector<16xf32>
        %min3A_1017 = arith.minimumf %min3A_927, %max3A_1016 : vector<16xf32>
        %broadcast_in_dim3A_1018 = vector.broadcast %add3A_982 : i32 to vector<16xi32>
        %select_n3A_1019 = arith.select %lt3A_996, %select_n3A_933, %broadcast_in_dim3A_1018 : vector<16xi1>, vector<16xi32>
        %select_n3A_1020 = arith.select %lt3A_997, %select_n3A_1019, %select_n3A_930 : vector<16xi1>, vector<16xi32>
        %min3A_1021 = arith.minimumf %min3A_931, %select_n3A_995 : vector<16xf32>
        %broadcast_in_dim3A_1022 = vector.broadcast %add3A_982 : i32 to vector<16xi32>
        %select_n3A_1023 = arith.select %lt3A_996, %broadcast_in_dim3A_1022, %select_n3A_933 : vector<16xi1>, vector<16xi32>
        %add3A_1024 = vector.broadcast %squeeze3A_980 : f32 to vector<16xf32>
        %add3A_1025 = arith.addf %get3A_57, %add3A_1024 : vector<16xf32>
        %mul3A_1026 = vector.broadcast %squeeze3A_976 : f32 to vector<16xf32>
        %mul3A_1027 = arith.mulf %mul3A_46, %mul3A_1026 : vector<16xf32>
        %mul3A_1028 = vector.broadcast %squeeze3A_978 : f32 to vector<16xf32>
        %mul3A_1029 = arith.mulf %mul3A_53, %mul3A_1028 : vector<16xf32>
        %add3A_1030 = arith.addf %mul3A_1027, %mul3A_1029 : vector<16xf32>
        %add3A_1031 = arith.addf %add3A_1025, %add3A_1030 : vector<16xf32>
        %eq3A_1032 = vector.broadcast %add3A_982 : i32 to vector<16xi32>
        %eq3A_1033 = arith.cmpi eq, %add3A_59, %eq3A_1032 : vector<16xi32>
        %jit3A_1034 = arith.constant 1.000000e+09 : f32
        %broadcast_in_dim3A_1035 = vector.broadcast %jit3A_1034 : f32 to vector<16xf32>
        %select_n3A_1036 = arith.select %eq3A_1033, %broadcast_in_dim3A_1035, %add3A_1031 : vector<16xi1>, vector<16xf32>
        %lt3A_1037 = arith.cmpf olt, %select_n3A_1036, %min3A_972 : vector<16xf32>
        %lt3A_1038 = arith.cmpf olt, %select_n3A_1036, %min3A_968 : vector<16xf32>
        %lt3A_1039 = arith.cmpf olt, %select_n3A_1036, %min3A_963 : vector<16xf32>
        %lt3A_1040 = arith.cmpf olt, %select_n3A_1036, %min3A_958 : vector<16xf32>
        %lt3A_1041 = arith.cmpf olt, %select_n3A_1036, %min3A_953 : vector<16xf32>
        %max3A_1042 = arith.maximumf %min3A_958, %select_n3A_1036 : vector<16xf32>
        %min3A_1043 = arith.minimumf %min3A_953, %max3A_1042 : vector<16xf32>
        %broadcast_in_dim3A_1044 = vector.broadcast %add3A_982 : i32 to vector<16xi32>
        %select_n3A_1045 = arith.select %lt3A_1040, %select_n3A_961, %broadcast_in_dim3A_1044 : vector<16xi1>, vector<16xi32>
        %select_n3A_1046 = arith.select %lt3A_1041, %select_n3A_1045, %select_n3A_956 : vector<16xi1>, vector<16xi32>
        %max3A_1047 = arith.maximumf %min3A_963, %select_n3A_1036 : vector<16xf32>
        %min3A_1048 = arith.minimumf %min3A_958, %max3A_1047 : vector<16xf32>
        %broadcast_in_dim3A_1049 = vector.broadcast %add3A_982 : i32 to vector<16xi32>
        %select_n3A_1050 = arith.select %lt3A_1039, %select_n3A_966, %broadcast_in_dim3A_1049 : vector<16xi1>, vector<16xi32>
        %select_n3A_1051 = arith.select %lt3A_1040, %select_n3A_1050, %select_n3A_961 : vector<16xi1>, vector<16xi32>
        %max3A_1052 = arith.maximumf %min3A_968, %select_n3A_1036 : vector<16xf32>
        %min3A_1053 = arith.minimumf %min3A_963, %max3A_1052 : vector<16xf32>
        %broadcast_in_dim3A_1054 = vector.broadcast %add3A_982 : i32 to vector<16xi32>
        %select_n3A_1055 = arith.select %lt3A_1038, %select_n3A_971, %broadcast_in_dim3A_1054 : vector<16xi1>, vector<16xi32>
        %select_n3A_1056 = arith.select %lt3A_1039, %select_n3A_1055, %select_n3A_966 : vector<16xi1>, vector<16xi32>
        %max3A_1057 = arith.maximumf %min3A_972, %select_n3A_1036 : vector<16xf32>
        %min3A_1058 = arith.minimumf %min3A_968, %max3A_1057 : vector<16xf32>
        %broadcast_in_dim3A_1059 = vector.broadcast %add3A_982 : i32 to vector<16xi32>
        %select_n3A_1060 = arith.select %lt3A_1037, %select_n3A_974, %broadcast_in_dim3A_1059 : vector<16xi1>, vector<16xi32>
        %select_n3A_1061 = arith.select %lt3A_1038, %select_n3A_1060, %select_n3A_971 : vector<16xi1>, vector<16xi32>
        %min3A_1062 = arith.minimumf %min3A_972, %select_n3A_1036 : vector<16xf32>
        %broadcast_in_dim3A_1063 = vector.broadcast %add3A_982 : i32 to vector<16xi32>
        %select_n3A_1064 = arith.select %lt3A_1037, %broadcast_in_dim3A_1063, %select_n3A_974 : vector<16xi1>, vector<16xi32>
        %slice3A_1065 = vector.extract_strided_slice %get3A_164 {offsets = [10], sizes = [1], strides = [1]} : vector<16xf32> to vector<1xf32>
        %squeeze3A_1066 = vector.extract %slice3A_1065[0] : f32 from vector<1xf32>
        %slice3A_1067 = vector.extract_strided_slice %get3A_168 {offsets = [10], sizes = [1], strides = [1]} : vector<16xf32> to vector<1xf32>
        %squeeze3A_1068 = vector.extract %slice3A_1067[0] : f32 from vector<1xf32>
        %slice3A_1069 = vector.extract_strided_slice %get3A_172 {offsets = [10], sizes = [1], strides = [1]} : vector<16xf32> to vector<1xf32>
        %squeeze3A_1070 = vector.extract %slice3A_1069[0] : f32 from vector<1xf32>
        %add3A_1071 = arith.constant 10 : i32
        %add3A_1072 = arith.addi %mul3A_160, %add3A_1071 : i32
        %add3A_1073 = vector.broadcast %squeeze3A_1070 : f32 to vector<16xf32>
        %add3A_1074 = arith.addf %get3A_35, %add3A_1073 : vector<16xf32>
        %mul3A_1075 = vector.broadcast %squeeze3A_1066 : f32 to vector<16xf32>
        %mul3A_1076 = arith.mulf %mul3A_24, %mul3A_1075 : vector<16xf32>
        %mul3A_1077 = vector.broadcast %squeeze3A_1068 : f32 to vector<16xf32>
        %mul3A_1078 = arith.mulf %mul3A_31, %mul3A_1077 : vector<16xf32>
        %add3A_1079 = arith.addf %mul3A_1076, %mul3A_1078 : vector<16xf32>
        %add3A_1080 = arith.addf %add3A_1074, %add3A_1079 : vector<16xf32>
        %eq3A_1081 = vector.broadcast %add3A_1072 : i32 to vector<16xi32>
        %eq3A_1082 = arith.cmpi eq, %add3A_37, %eq3A_1081 : vector<16xi32>
        %jit3A_1083 = arith.constant 1.000000e+09 : f32
        %broadcast_in_dim3A_1084 = vector.broadcast %jit3A_1083 : f32 to vector<16xf32>
        %select_n3A_1085 = arith.select %eq3A_1082, %broadcast_in_dim3A_1084, %add3A_1080 : vector<16xi1>, vector<16xf32>
        %lt3A_1086 = arith.cmpf olt, %select_n3A_1085, %min3A_1021 : vector<16xf32>
        %lt3A_1087 = arith.cmpf olt, %select_n3A_1085, %min3A_1017 : vector<16xf32>
        %lt3A_1088 = arith.cmpf olt, %select_n3A_1085, %min3A_1012 : vector<16xf32>
        %lt3A_1089 = arith.cmpf olt, %select_n3A_1085, %min3A_1007 : vector<16xf32>
        %lt3A_1090 = arith.cmpf olt, %select_n3A_1085, %min3A_1002 : vector<16xf32>
        %max3A_1091 = arith.maximumf %min3A_1007, %select_n3A_1085 : vector<16xf32>
        %min3A_1092 = arith.minimumf %min3A_1002, %max3A_1091 : vector<16xf32>
        %broadcast_in_dim3A_1093 = vector.broadcast %add3A_1072 : i32 to vector<16xi32>
        %select_n3A_1094 = arith.select %lt3A_1089, %select_n3A_1010, %broadcast_in_dim3A_1093 : vector<16xi1>, vector<16xi32>
        %select_n3A_1095 = arith.select %lt3A_1090, %select_n3A_1094, %select_n3A_1005 : vector<16xi1>, vector<16xi32>
        %max3A_1096 = arith.maximumf %min3A_1012, %select_n3A_1085 : vector<16xf32>
        %min3A_1097 = arith.minimumf %min3A_1007, %max3A_1096 : vector<16xf32>
        %broadcast_in_dim3A_1098 = vector.broadcast %add3A_1072 : i32 to vector<16xi32>
        %select_n3A_1099 = arith.select %lt3A_1088, %select_n3A_1015, %broadcast_in_dim3A_1098 : vector<16xi1>, vector<16xi32>
        %select_n3A_1100 = arith.select %lt3A_1089, %select_n3A_1099, %select_n3A_1010 : vector<16xi1>, vector<16xi32>
        %max3A_1101 = arith.maximumf %min3A_1017, %select_n3A_1085 : vector<16xf32>
        %min3A_1102 = arith.minimumf %min3A_1012, %max3A_1101 : vector<16xf32>
        %broadcast_in_dim3A_1103 = vector.broadcast %add3A_1072 : i32 to vector<16xi32>
        %select_n3A_1104 = arith.select %lt3A_1087, %select_n3A_1020, %broadcast_in_dim3A_1103 : vector<16xi1>, vector<16xi32>
        %select_n3A_1105 = arith.select %lt3A_1088, %select_n3A_1104, %select_n3A_1015 : vector<16xi1>, vector<16xi32>
        %max3A_1106 = arith.maximumf %min3A_1021, %select_n3A_1085 : vector<16xf32>
        %min3A_1107 = arith.minimumf %min3A_1017, %max3A_1106 : vector<16xf32>
        %broadcast_in_dim3A_1108 = vector.broadcast %add3A_1072 : i32 to vector<16xi32>
        %select_n3A_1109 = arith.select %lt3A_1086, %select_n3A_1023, %broadcast_in_dim3A_1108 : vector<16xi1>, vector<16xi32>
        %select_n3A_1110 = arith.select %lt3A_1087, %select_n3A_1109, %select_n3A_1020 : vector<16xi1>, vector<16xi32>
        %min3A_1111 = arith.minimumf %min3A_1021, %select_n3A_1085 : vector<16xf32>
        %broadcast_in_dim3A_1112 = vector.broadcast %add3A_1072 : i32 to vector<16xi32>
        %select_n3A_1113 = arith.select %lt3A_1086, %broadcast_in_dim3A_1112, %select_n3A_1023 : vector<16xi1>, vector<16xi32>
        %add3A_1114 = vector.broadcast %squeeze3A_1070 : f32 to vector<16xf32>
        %add3A_1115 = arith.addf %get3A_57, %add3A_1114 : vector<16xf32>
        %mul3A_1116 = vector.broadcast %squeeze3A_1066 : f32 to vector<16xf32>
        %mul3A_1117 = arith.mulf %mul3A_46, %mul3A_1116 : vector<16xf32>
        %mul3A_1118 = vector.broadcast %squeeze3A_1068 : f32 to vector<16xf32>
        %mul3A_1119 = arith.mulf %mul3A_53, %mul3A_1118 : vector<16xf32>
        %add3A_1120 = arith.addf %mul3A_1117, %mul3A_1119 : vector<16xf32>
        %add3A_1121 = arith.addf %add3A_1115, %add3A_1120 : vector<16xf32>
        %eq3A_1122 = vector.broadcast %add3A_1072 : i32 to vector<16xi32>
        %eq3A_1123 = arith.cmpi eq, %add3A_59, %eq3A_1122 : vector<16xi32>
        %jit3A_1124 = arith.constant 1.000000e+09 : f32
        %broadcast_in_dim3A_1125 = vector.broadcast %jit3A_1124 : f32 to vector<16xf32>
        %select_n3A_1126 = arith.select %eq3A_1123, %broadcast_in_dim3A_1125, %add3A_1121 : vector<16xi1>, vector<16xf32>
        %lt3A_1127 = arith.cmpf olt, %select_n3A_1126, %min3A_1062 : vector<16xf32>
        %lt3A_1128 = arith.cmpf olt, %select_n3A_1126, %min3A_1058 : vector<16xf32>
        %lt3A_1129 = arith.cmpf olt, %select_n3A_1126, %min3A_1053 : vector<16xf32>
        %lt3A_1130 = arith.cmpf olt, %select_n3A_1126, %min3A_1048 : vector<16xf32>
        %lt3A_1131 = arith.cmpf olt, %select_n3A_1126, %min3A_1043 : vector<16xf32>
        %max3A_1132 = arith.maximumf %min3A_1048, %select_n3A_1126 : vector<16xf32>
        %min3A_1133 = arith.minimumf %min3A_1043, %max3A_1132 : vector<16xf32>
        %broadcast_in_dim3A_1134 = vector.broadcast %add3A_1072 : i32 to vector<16xi32>
        %select_n3A_1135 = arith.select %lt3A_1130, %select_n3A_1051, %broadcast_in_dim3A_1134 : vector<16xi1>, vector<16xi32>
        %select_n3A_1136 = arith.select %lt3A_1131, %select_n3A_1135, %select_n3A_1046 : vector<16xi1>, vector<16xi32>
        %max3A_1137 = arith.maximumf %min3A_1053, %select_n3A_1126 : vector<16xf32>
        %min3A_1138 = arith.minimumf %min3A_1048, %max3A_1137 : vector<16xf32>
        %broadcast_in_dim3A_1139 = vector.broadcast %add3A_1072 : i32 to vector<16xi32>
        %select_n3A_1140 = arith.select %lt3A_1129, %select_n3A_1056, %broadcast_in_dim3A_1139 : vector<16xi1>, vector<16xi32>
        %select_n3A_1141 = arith.select %lt3A_1130, %select_n3A_1140, %select_n3A_1051 : vector<16xi1>, vector<16xi32>
        %max3A_1142 = arith.maximumf %min3A_1058, %select_n3A_1126 : vector<16xf32>
        %min3A_1143 = arith.minimumf %min3A_1053, %max3A_1142 : vector<16xf32>
        %broadcast_in_dim3A_1144 = vector.broadcast %add3A_1072 : i32 to vector<16xi32>
        %select_n3A_1145 = arith.select %lt3A_1128, %select_n3A_1061, %broadcast_in_dim3A_1144 : vector<16xi1>, vector<16xi32>
        %select_n3A_1146 = arith.select %lt3A_1129, %select_n3A_1145, %select_n3A_1056 : vector<16xi1>, vector<16xi32>
        %max3A_1147 = arith.maximumf %min3A_1062, %select_n3A_1126 : vector<16xf32>
        %min3A_1148 = arith.minimumf %min3A_1058, %max3A_1147 : vector<16xf32>
        %broadcast_in_dim3A_1149 = vector.broadcast %add3A_1072 : i32 to vector<16xi32>
        %select_n3A_1150 = arith.select %lt3A_1127, %select_n3A_1064, %broadcast_in_dim3A_1149 : vector<16xi1>, vector<16xi32>
        %select_n3A_1151 = arith.select %lt3A_1128, %select_n3A_1150, %select_n3A_1061 : vector<16xi1>, vector<16xi32>
        %min3A_1152 = arith.minimumf %min3A_1062, %select_n3A_1126 : vector<16xf32>
        %broadcast_in_dim3A_1153 = vector.broadcast %add3A_1072 : i32 to vector<16xi32>
        %select_n3A_1154 = arith.select %lt3A_1127, %broadcast_in_dim3A_1153, %select_n3A_1064 : vector<16xi1>, vector<16xi32>
        %slice3A_1155 = vector.extract_strided_slice %get3A_164 {offsets = [11], sizes = [1], strides = [1]} : vector<16xf32> to vector<1xf32>
        %squeeze3A_1156 = vector.extract %slice3A_1155[0] : f32 from vector<1xf32>
        %slice3A_1157 = vector.extract_strided_slice %get3A_168 {offsets = [11], sizes = [1], strides = [1]} : vector<16xf32> to vector<1xf32>
        %squeeze3A_1158 = vector.extract %slice3A_1157[0] : f32 from vector<1xf32>
        %slice3A_1159 = vector.extract_strided_slice %get3A_172 {offsets = [11], sizes = [1], strides = [1]} : vector<16xf32> to vector<1xf32>
        %squeeze3A_1160 = vector.extract %slice3A_1159[0] : f32 from vector<1xf32>
        %add3A_1161 = arith.constant 11 : i32
        %add3A_1162 = arith.addi %mul3A_160, %add3A_1161 : i32
        %add3A_1163 = vector.broadcast %squeeze3A_1160 : f32 to vector<16xf32>
        %add3A_1164 = arith.addf %get3A_35, %add3A_1163 : vector<16xf32>
        %mul3A_1165 = vector.broadcast %squeeze3A_1156 : f32 to vector<16xf32>
        %mul3A_1166 = arith.mulf %mul3A_24, %mul3A_1165 : vector<16xf32>
        %mul3A_1167 = vector.broadcast %squeeze3A_1158 : f32 to vector<16xf32>
        %mul3A_1168 = arith.mulf %mul3A_31, %mul3A_1167 : vector<16xf32>
        %add3A_1169 = arith.addf %mul3A_1166, %mul3A_1168 : vector<16xf32>
        %add3A_1170 = arith.addf %add3A_1164, %add3A_1169 : vector<16xf32>
        %eq3A_1171 = vector.broadcast %add3A_1162 : i32 to vector<16xi32>
        %eq3A_1172 = arith.cmpi eq, %add3A_37, %eq3A_1171 : vector<16xi32>
        %jit3A_1173 = arith.constant 1.000000e+09 : f32
        %broadcast_in_dim3A_1174 = vector.broadcast %jit3A_1173 : f32 to vector<16xf32>
        %select_n3A_1175 = arith.select %eq3A_1172, %broadcast_in_dim3A_1174, %add3A_1170 : vector<16xi1>, vector<16xf32>
        %lt3A_1176 = arith.cmpf olt, %select_n3A_1175, %min3A_1111 : vector<16xf32>
        %lt3A_1177 = arith.cmpf olt, %select_n3A_1175, %min3A_1107 : vector<16xf32>
        %lt3A_1178 = arith.cmpf olt, %select_n3A_1175, %min3A_1102 : vector<16xf32>
        %lt3A_1179 = arith.cmpf olt, %select_n3A_1175, %min3A_1097 : vector<16xf32>
        %lt3A_1180 = arith.cmpf olt, %select_n3A_1175, %min3A_1092 : vector<16xf32>
        %max3A_1181 = arith.maximumf %min3A_1097, %select_n3A_1175 : vector<16xf32>
        %min3A_1182 = arith.minimumf %min3A_1092, %max3A_1181 : vector<16xf32>
        %broadcast_in_dim3A_1183 = vector.broadcast %add3A_1162 : i32 to vector<16xi32>
        %select_n3A_1184 = arith.select %lt3A_1179, %select_n3A_1100, %broadcast_in_dim3A_1183 : vector<16xi1>, vector<16xi32>
        %select_n3A_1185 = arith.select %lt3A_1180, %select_n3A_1184, %select_n3A_1095 : vector<16xi1>, vector<16xi32>
        %max3A_1186 = arith.maximumf %min3A_1102, %select_n3A_1175 : vector<16xf32>
        %min3A_1187 = arith.minimumf %min3A_1097, %max3A_1186 : vector<16xf32>
        %broadcast_in_dim3A_1188 = vector.broadcast %add3A_1162 : i32 to vector<16xi32>
        %select_n3A_1189 = arith.select %lt3A_1178, %select_n3A_1105, %broadcast_in_dim3A_1188 : vector<16xi1>, vector<16xi32>
        %select_n3A_1190 = arith.select %lt3A_1179, %select_n3A_1189, %select_n3A_1100 : vector<16xi1>, vector<16xi32>
        %max3A_1191 = arith.maximumf %min3A_1107, %select_n3A_1175 : vector<16xf32>
        %min3A_1192 = arith.minimumf %min3A_1102, %max3A_1191 : vector<16xf32>
        %broadcast_in_dim3A_1193 = vector.broadcast %add3A_1162 : i32 to vector<16xi32>
        %select_n3A_1194 = arith.select %lt3A_1177, %select_n3A_1110, %broadcast_in_dim3A_1193 : vector<16xi1>, vector<16xi32>
        %select_n3A_1195 = arith.select %lt3A_1178, %select_n3A_1194, %select_n3A_1105 : vector<16xi1>, vector<16xi32>
        %max3A_1196 = arith.maximumf %min3A_1111, %select_n3A_1175 : vector<16xf32>
        %min3A_1197 = arith.minimumf %min3A_1107, %max3A_1196 : vector<16xf32>
        %broadcast_in_dim3A_1198 = vector.broadcast %add3A_1162 : i32 to vector<16xi32>
        %select_n3A_1199 = arith.select %lt3A_1176, %select_n3A_1113, %broadcast_in_dim3A_1198 : vector<16xi1>, vector<16xi32>
        %select_n3A_1200 = arith.select %lt3A_1177, %select_n3A_1199, %select_n3A_1110 : vector<16xi1>, vector<16xi32>
        %min3A_1201 = arith.minimumf %min3A_1111, %select_n3A_1175 : vector<16xf32>
        %broadcast_in_dim3A_1202 = vector.broadcast %add3A_1162 : i32 to vector<16xi32>
        %select_n3A_1203 = arith.select %lt3A_1176, %broadcast_in_dim3A_1202, %select_n3A_1113 : vector<16xi1>, vector<16xi32>
        %add3A_1204 = vector.broadcast %squeeze3A_1160 : f32 to vector<16xf32>
        %add3A_1205 = arith.addf %get3A_57, %add3A_1204 : vector<16xf32>
        %mul3A_1206 = vector.broadcast %squeeze3A_1156 : f32 to vector<16xf32>
        %mul3A_1207 = arith.mulf %mul3A_46, %mul3A_1206 : vector<16xf32>
        %mul3A_1208 = vector.broadcast %squeeze3A_1158 : f32 to vector<16xf32>
        %mul3A_1209 = arith.mulf %mul3A_53, %mul3A_1208 : vector<16xf32>
        %add3A_1210 = arith.addf %mul3A_1207, %mul3A_1209 : vector<16xf32>
        %add3A_1211 = arith.addf %add3A_1205, %add3A_1210 : vector<16xf32>
        %eq3A_1212 = vector.broadcast %add3A_1162 : i32 to vector<16xi32>
        %eq3A_1213 = arith.cmpi eq, %add3A_59, %eq3A_1212 : vector<16xi32>
        %jit3A_1214 = arith.constant 1.000000e+09 : f32
        %broadcast_in_dim3A_1215 = vector.broadcast %jit3A_1214 : f32 to vector<16xf32>
        %select_n3A_1216 = arith.select %eq3A_1213, %broadcast_in_dim3A_1215, %add3A_1211 : vector<16xi1>, vector<16xf32>
        %lt3A_1217 = arith.cmpf olt, %select_n3A_1216, %min3A_1152 : vector<16xf32>
        %lt3A_1218 = arith.cmpf olt, %select_n3A_1216, %min3A_1148 : vector<16xf32>
        %lt3A_1219 = arith.cmpf olt, %select_n3A_1216, %min3A_1143 : vector<16xf32>
        %lt3A_1220 = arith.cmpf olt, %select_n3A_1216, %min3A_1138 : vector<16xf32>
        %lt3A_1221 = arith.cmpf olt, %select_n3A_1216, %min3A_1133 : vector<16xf32>
        %max3A_1222 = arith.maximumf %min3A_1138, %select_n3A_1216 : vector<16xf32>
        %min3A_1223 = arith.minimumf %min3A_1133, %max3A_1222 : vector<16xf32>
        %broadcast_in_dim3A_1224 = vector.broadcast %add3A_1162 : i32 to vector<16xi32>
        %select_n3A_1225 = arith.select %lt3A_1220, %select_n3A_1141, %broadcast_in_dim3A_1224 : vector<16xi1>, vector<16xi32>
        %select_n3A_1226 = arith.select %lt3A_1221, %select_n3A_1225, %select_n3A_1136 : vector<16xi1>, vector<16xi32>
        %max3A_1227 = arith.maximumf %min3A_1143, %select_n3A_1216 : vector<16xf32>
        %min3A_1228 = arith.minimumf %min3A_1138, %max3A_1227 : vector<16xf32>
        %broadcast_in_dim3A_1229 = vector.broadcast %add3A_1162 : i32 to vector<16xi32>
        %select_n3A_1230 = arith.select %lt3A_1219, %select_n3A_1146, %broadcast_in_dim3A_1229 : vector<16xi1>, vector<16xi32>
        %select_n3A_1231 = arith.select %lt3A_1220, %select_n3A_1230, %select_n3A_1141 : vector<16xi1>, vector<16xi32>
        %max3A_1232 = arith.maximumf %min3A_1148, %select_n3A_1216 : vector<16xf32>
        %min3A_1233 = arith.minimumf %min3A_1143, %max3A_1232 : vector<16xf32>
        %broadcast_in_dim3A_1234 = vector.broadcast %add3A_1162 : i32 to vector<16xi32>
        %select_n3A_1235 = arith.select %lt3A_1218, %select_n3A_1151, %broadcast_in_dim3A_1234 : vector<16xi1>, vector<16xi32>
        %select_n3A_1236 = arith.select %lt3A_1219, %select_n3A_1235, %select_n3A_1146 : vector<16xi1>, vector<16xi32>
        %max3A_1237 = arith.maximumf %min3A_1152, %select_n3A_1216 : vector<16xf32>
        %min3A_1238 = arith.minimumf %min3A_1148, %max3A_1237 : vector<16xf32>
        %broadcast_in_dim3A_1239 = vector.broadcast %add3A_1162 : i32 to vector<16xi32>
        %select_n3A_1240 = arith.select %lt3A_1217, %select_n3A_1154, %broadcast_in_dim3A_1239 : vector<16xi1>, vector<16xi32>
        %select_n3A_1241 = arith.select %lt3A_1218, %select_n3A_1240, %select_n3A_1151 : vector<16xi1>, vector<16xi32>
        %min3A_1242 = arith.minimumf %min3A_1152, %select_n3A_1216 : vector<16xf32>
        %broadcast_in_dim3A_1243 = vector.broadcast %add3A_1162 : i32 to vector<16xi32>
        %select_n3A_1244 = arith.select %lt3A_1217, %broadcast_in_dim3A_1243, %select_n3A_1154 : vector<16xi1>, vector<16xi32>
        %slice3A_1245 = vector.extract_strided_slice %get3A_164 {offsets = [12], sizes = [1], strides = [1]} : vector<16xf32> to vector<1xf32>
        %squeeze3A_1246 = vector.extract %slice3A_1245[0] : f32 from vector<1xf32>
        %slice3A_1247 = vector.extract_strided_slice %get3A_168 {offsets = [12], sizes = [1], strides = [1]} : vector<16xf32> to vector<1xf32>
        %squeeze3A_1248 = vector.extract %slice3A_1247[0] : f32 from vector<1xf32>
        %slice3A_1249 = vector.extract_strided_slice %get3A_172 {offsets = [12], sizes = [1], strides = [1]} : vector<16xf32> to vector<1xf32>
        %squeeze3A_1250 = vector.extract %slice3A_1249[0] : f32 from vector<1xf32>
        %add3A_1251 = arith.constant 12 : i32
        %add3A_1252 = arith.addi %mul3A_160, %add3A_1251 : i32
        %add3A_1253 = vector.broadcast %squeeze3A_1250 : f32 to vector<16xf32>
        %add3A_1254 = arith.addf %get3A_35, %add3A_1253 : vector<16xf32>
        %mul3A_1255 = vector.broadcast %squeeze3A_1246 : f32 to vector<16xf32>
        %mul3A_1256 = arith.mulf %mul3A_24, %mul3A_1255 : vector<16xf32>
        %mul3A_1257 = vector.broadcast %squeeze3A_1248 : f32 to vector<16xf32>
        %mul3A_1258 = arith.mulf %mul3A_31, %mul3A_1257 : vector<16xf32>
        %add3A_1259 = arith.addf %mul3A_1256, %mul3A_1258 : vector<16xf32>
        %add3A_1260 = arith.addf %add3A_1254, %add3A_1259 : vector<16xf32>
        %eq3A_1261 = vector.broadcast %add3A_1252 : i32 to vector<16xi32>
        %eq3A_1262 = arith.cmpi eq, %add3A_37, %eq3A_1261 : vector<16xi32>
        %jit3A_1263 = arith.constant 1.000000e+09 : f32
        %broadcast_in_dim3A_1264 = vector.broadcast %jit3A_1263 : f32 to vector<16xf32>
        %select_n3A_1265 = arith.select %eq3A_1262, %broadcast_in_dim3A_1264, %add3A_1260 : vector<16xi1>, vector<16xf32>
        %lt3A_1266 = arith.cmpf olt, %select_n3A_1265, %min3A_1201 : vector<16xf32>
        %lt3A_1267 = arith.cmpf olt, %select_n3A_1265, %min3A_1197 : vector<16xf32>
        %lt3A_1268 = arith.cmpf olt, %select_n3A_1265, %min3A_1192 : vector<16xf32>
        %lt3A_1269 = arith.cmpf olt, %select_n3A_1265, %min3A_1187 : vector<16xf32>
        %lt3A_1270 = arith.cmpf olt, %select_n3A_1265, %min3A_1182 : vector<16xf32>
        %max3A_1271 = arith.maximumf %min3A_1187, %select_n3A_1265 : vector<16xf32>
        %min3A_1272 = arith.minimumf %min3A_1182, %max3A_1271 : vector<16xf32>
        %broadcast_in_dim3A_1273 = vector.broadcast %add3A_1252 : i32 to vector<16xi32>
        %select_n3A_1274 = arith.select %lt3A_1269, %select_n3A_1190, %broadcast_in_dim3A_1273 : vector<16xi1>, vector<16xi32>
        %select_n3A_1275 = arith.select %lt3A_1270, %select_n3A_1274, %select_n3A_1185 : vector<16xi1>, vector<16xi32>
        %max3A_1276 = arith.maximumf %min3A_1192, %select_n3A_1265 : vector<16xf32>
        %min3A_1277 = arith.minimumf %min3A_1187, %max3A_1276 : vector<16xf32>
        %broadcast_in_dim3A_1278 = vector.broadcast %add3A_1252 : i32 to vector<16xi32>
        %select_n3A_1279 = arith.select %lt3A_1268, %select_n3A_1195, %broadcast_in_dim3A_1278 : vector<16xi1>, vector<16xi32>
        %select_n3A_1280 = arith.select %lt3A_1269, %select_n3A_1279, %select_n3A_1190 : vector<16xi1>, vector<16xi32>
        %max3A_1281 = arith.maximumf %min3A_1197, %select_n3A_1265 : vector<16xf32>
        %min3A_1282 = arith.minimumf %min3A_1192, %max3A_1281 : vector<16xf32>
        %broadcast_in_dim3A_1283 = vector.broadcast %add3A_1252 : i32 to vector<16xi32>
        %select_n3A_1284 = arith.select %lt3A_1267, %select_n3A_1200, %broadcast_in_dim3A_1283 : vector<16xi1>, vector<16xi32>
        %select_n3A_1285 = arith.select %lt3A_1268, %select_n3A_1284, %select_n3A_1195 : vector<16xi1>, vector<16xi32>
        %max3A_1286 = arith.maximumf %min3A_1201, %select_n3A_1265 : vector<16xf32>
        %min3A_1287 = arith.minimumf %min3A_1197, %max3A_1286 : vector<16xf32>
        %broadcast_in_dim3A_1288 = vector.broadcast %add3A_1252 : i32 to vector<16xi32>
        %select_n3A_1289 = arith.select %lt3A_1266, %select_n3A_1203, %broadcast_in_dim3A_1288 : vector<16xi1>, vector<16xi32>
        %select_n3A_1290 = arith.select %lt3A_1267, %select_n3A_1289, %select_n3A_1200 : vector<16xi1>, vector<16xi32>
        %min3A_1291 = arith.minimumf %min3A_1201, %select_n3A_1265 : vector<16xf32>
        %broadcast_in_dim3A_1292 = vector.broadcast %add3A_1252 : i32 to vector<16xi32>
        %select_n3A_1293 = arith.select %lt3A_1266, %broadcast_in_dim3A_1292, %select_n3A_1203 : vector<16xi1>, vector<16xi32>
        %add3A_1294 = vector.broadcast %squeeze3A_1250 : f32 to vector<16xf32>
        %add3A_1295 = arith.addf %get3A_57, %add3A_1294 : vector<16xf32>
        %mul3A_1296 = vector.broadcast %squeeze3A_1246 : f32 to vector<16xf32>
        %mul3A_1297 = arith.mulf %mul3A_46, %mul3A_1296 : vector<16xf32>
        %mul3A_1298 = vector.broadcast %squeeze3A_1248 : f32 to vector<16xf32>
        %mul3A_1299 = arith.mulf %mul3A_53, %mul3A_1298 : vector<16xf32>
        %add3A_1300 = arith.addf %mul3A_1297, %mul3A_1299 : vector<16xf32>
        %add3A_1301 = arith.addf %add3A_1295, %add3A_1300 : vector<16xf32>
        %eq3A_1302 = vector.broadcast %add3A_1252 : i32 to vector<16xi32>
        %eq3A_1303 = arith.cmpi eq, %add3A_59, %eq3A_1302 : vector<16xi32>
        %jit3A_1304 = arith.constant 1.000000e+09 : f32
        %broadcast_in_dim3A_1305 = vector.broadcast %jit3A_1304 : f32 to vector<16xf32>
        %select_n3A_1306 = arith.select %eq3A_1303, %broadcast_in_dim3A_1305, %add3A_1301 : vector<16xi1>, vector<16xf32>
        %lt3A_1307 = arith.cmpf olt, %select_n3A_1306, %min3A_1242 : vector<16xf32>
        %lt3A_1308 = arith.cmpf olt, %select_n3A_1306, %min3A_1238 : vector<16xf32>
        %lt3A_1309 = arith.cmpf olt, %select_n3A_1306, %min3A_1233 : vector<16xf32>
        %lt3A_1310 = arith.cmpf olt, %select_n3A_1306, %min3A_1228 : vector<16xf32>
        %lt3A_1311 = arith.cmpf olt, %select_n3A_1306, %min3A_1223 : vector<16xf32>
        %max3A_1312 = arith.maximumf %min3A_1228, %select_n3A_1306 : vector<16xf32>
        %min3A_1313 = arith.minimumf %min3A_1223, %max3A_1312 : vector<16xf32>
        %broadcast_in_dim3A_1314 = vector.broadcast %add3A_1252 : i32 to vector<16xi32>
        %select_n3A_1315 = arith.select %lt3A_1310, %select_n3A_1231, %broadcast_in_dim3A_1314 : vector<16xi1>, vector<16xi32>
        %select_n3A_1316 = arith.select %lt3A_1311, %select_n3A_1315, %select_n3A_1226 : vector<16xi1>, vector<16xi32>
        %max3A_1317 = arith.maximumf %min3A_1233, %select_n3A_1306 : vector<16xf32>
        %min3A_1318 = arith.minimumf %min3A_1228, %max3A_1317 : vector<16xf32>
        %broadcast_in_dim3A_1319 = vector.broadcast %add3A_1252 : i32 to vector<16xi32>
        %select_n3A_1320 = arith.select %lt3A_1309, %select_n3A_1236, %broadcast_in_dim3A_1319 : vector<16xi1>, vector<16xi32>
        %select_n3A_1321 = arith.select %lt3A_1310, %select_n3A_1320, %select_n3A_1231 : vector<16xi1>, vector<16xi32>
        %max3A_1322 = arith.maximumf %min3A_1238, %select_n3A_1306 : vector<16xf32>
        %min3A_1323 = arith.minimumf %min3A_1233, %max3A_1322 : vector<16xf32>
        %broadcast_in_dim3A_1324 = vector.broadcast %add3A_1252 : i32 to vector<16xi32>
        %select_n3A_1325 = arith.select %lt3A_1308, %select_n3A_1241, %broadcast_in_dim3A_1324 : vector<16xi1>, vector<16xi32>
        %select_n3A_1326 = arith.select %lt3A_1309, %select_n3A_1325, %select_n3A_1236 : vector<16xi1>, vector<16xi32>
        %max3A_1327 = arith.maximumf %min3A_1242, %select_n3A_1306 : vector<16xf32>
        %min3A_1328 = arith.minimumf %min3A_1238, %max3A_1327 : vector<16xf32>
        %broadcast_in_dim3A_1329 = vector.broadcast %add3A_1252 : i32 to vector<16xi32>
        %select_n3A_1330 = arith.select %lt3A_1307, %select_n3A_1244, %broadcast_in_dim3A_1329 : vector<16xi1>, vector<16xi32>
        %select_n3A_1331 = arith.select %lt3A_1308, %select_n3A_1330, %select_n3A_1241 : vector<16xi1>, vector<16xi32>
        %min3A_1332 = arith.minimumf %min3A_1242, %select_n3A_1306 : vector<16xf32>
        %broadcast_in_dim3A_1333 = vector.broadcast %add3A_1252 : i32 to vector<16xi32>
        %select_n3A_1334 = arith.select %lt3A_1307, %broadcast_in_dim3A_1333, %select_n3A_1244 : vector<16xi1>, vector<16xi32>
        %slice3A_1335 = vector.extract_strided_slice %get3A_164 {offsets = [13], sizes = [1], strides = [1]} : vector<16xf32> to vector<1xf32>
        %squeeze3A_1336 = vector.extract %slice3A_1335[0] : f32 from vector<1xf32>
        %slice3A_1337 = vector.extract_strided_slice %get3A_168 {offsets = [13], sizes = [1], strides = [1]} : vector<16xf32> to vector<1xf32>
        %squeeze3A_1338 = vector.extract %slice3A_1337[0] : f32 from vector<1xf32>
        %slice3A_1339 = vector.extract_strided_slice %get3A_172 {offsets = [13], sizes = [1], strides = [1]} : vector<16xf32> to vector<1xf32>
        %squeeze3A_1340 = vector.extract %slice3A_1339[0] : f32 from vector<1xf32>
        %add3A_1341 = arith.constant 13 : i32
        %add3A_1342 = arith.addi %mul3A_160, %add3A_1341 : i32
        %add3A_1343 = vector.broadcast %squeeze3A_1340 : f32 to vector<16xf32>
        %add3A_1344 = arith.addf %get3A_35, %add3A_1343 : vector<16xf32>
        %mul3A_1345 = vector.broadcast %squeeze3A_1336 : f32 to vector<16xf32>
        %mul3A_1346 = arith.mulf %mul3A_24, %mul3A_1345 : vector<16xf32>
        %mul3A_1347 = vector.broadcast %squeeze3A_1338 : f32 to vector<16xf32>
        %mul3A_1348 = arith.mulf %mul3A_31, %mul3A_1347 : vector<16xf32>
        %add3A_1349 = arith.addf %mul3A_1346, %mul3A_1348 : vector<16xf32>
        %add3A_1350 = arith.addf %add3A_1344, %add3A_1349 : vector<16xf32>
        %eq3A_1351 = vector.broadcast %add3A_1342 : i32 to vector<16xi32>
        %eq3A_1352 = arith.cmpi eq, %add3A_37, %eq3A_1351 : vector<16xi32>
        %jit3A_1353 = arith.constant 1.000000e+09 : f32
        %broadcast_in_dim3A_1354 = vector.broadcast %jit3A_1353 : f32 to vector<16xf32>
        %select_n3A_1355 = arith.select %eq3A_1352, %broadcast_in_dim3A_1354, %add3A_1350 : vector<16xi1>, vector<16xf32>
        %lt3A_1356 = arith.cmpf olt, %select_n3A_1355, %min3A_1291 : vector<16xf32>
        %lt3A_1357 = arith.cmpf olt, %select_n3A_1355, %min3A_1287 : vector<16xf32>
        %lt3A_1358 = arith.cmpf olt, %select_n3A_1355, %min3A_1282 : vector<16xf32>
        %lt3A_1359 = arith.cmpf olt, %select_n3A_1355, %min3A_1277 : vector<16xf32>
        %lt3A_1360 = arith.cmpf olt, %select_n3A_1355, %min3A_1272 : vector<16xf32>
        %max3A_1361 = arith.maximumf %min3A_1277, %select_n3A_1355 : vector<16xf32>
        %min3A_1362 = arith.minimumf %min3A_1272, %max3A_1361 : vector<16xf32>
        %broadcast_in_dim3A_1363 = vector.broadcast %add3A_1342 : i32 to vector<16xi32>
        %select_n3A_1364 = arith.select %lt3A_1359, %select_n3A_1280, %broadcast_in_dim3A_1363 : vector<16xi1>, vector<16xi32>
        %select_n3A_1365 = arith.select %lt3A_1360, %select_n3A_1364, %select_n3A_1275 : vector<16xi1>, vector<16xi32>
        %max3A_1366 = arith.maximumf %min3A_1282, %select_n3A_1355 : vector<16xf32>
        %min3A_1367 = arith.minimumf %min3A_1277, %max3A_1366 : vector<16xf32>
        %broadcast_in_dim3A_1368 = vector.broadcast %add3A_1342 : i32 to vector<16xi32>
        %select_n3A_1369 = arith.select %lt3A_1358, %select_n3A_1285, %broadcast_in_dim3A_1368 : vector<16xi1>, vector<16xi32>
        %select_n3A_1370 = arith.select %lt3A_1359, %select_n3A_1369, %select_n3A_1280 : vector<16xi1>, vector<16xi32>
        %max3A_1371 = arith.maximumf %min3A_1287, %select_n3A_1355 : vector<16xf32>
        %min3A_1372 = arith.minimumf %min3A_1282, %max3A_1371 : vector<16xf32>
        %broadcast_in_dim3A_1373 = vector.broadcast %add3A_1342 : i32 to vector<16xi32>
        %select_n3A_1374 = arith.select %lt3A_1357, %select_n3A_1290, %broadcast_in_dim3A_1373 : vector<16xi1>, vector<16xi32>
        %select_n3A_1375 = arith.select %lt3A_1358, %select_n3A_1374, %select_n3A_1285 : vector<16xi1>, vector<16xi32>
        %max3A_1376 = arith.maximumf %min3A_1291, %select_n3A_1355 : vector<16xf32>
        %min3A_1377 = arith.minimumf %min3A_1287, %max3A_1376 : vector<16xf32>
        %broadcast_in_dim3A_1378 = vector.broadcast %add3A_1342 : i32 to vector<16xi32>
        %select_n3A_1379 = arith.select %lt3A_1356, %select_n3A_1293, %broadcast_in_dim3A_1378 : vector<16xi1>, vector<16xi32>
        %select_n3A_1380 = arith.select %lt3A_1357, %select_n3A_1379, %select_n3A_1290 : vector<16xi1>, vector<16xi32>
        %min3A_1381 = arith.minimumf %min3A_1291, %select_n3A_1355 : vector<16xf32>
        %broadcast_in_dim3A_1382 = vector.broadcast %add3A_1342 : i32 to vector<16xi32>
        %select_n3A_1383 = arith.select %lt3A_1356, %broadcast_in_dim3A_1382, %select_n3A_1293 : vector<16xi1>, vector<16xi32>
        %add3A_1384 = vector.broadcast %squeeze3A_1340 : f32 to vector<16xf32>
        %add3A_1385 = arith.addf %get3A_57, %add3A_1384 : vector<16xf32>
        %mul3A_1386 = vector.broadcast %squeeze3A_1336 : f32 to vector<16xf32>
        %mul3A_1387 = arith.mulf %mul3A_46, %mul3A_1386 : vector<16xf32>
        %mul3A_1388 = vector.broadcast %squeeze3A_1338 : f32 to vector<16xf32>
        %mul3A_1389 = arith.mulf %mul3A_53, %mul3A_1388 : vector<16xf32>
        %add3A_1390 = arith.addf %mul3A_1387, %mul3A_1389 : vector<16xf32>
        %add3A_1391 = arith.addf %add3A_1385, %add3A_1390 : vector<16xf32>
        %eq3A_1392 = vector.broadcast %add3A_1342 : i32 to vector<16xi32>
        %eq3A_1393 = arith.cmpi eq, %add3A_59, %eq3A_1392 : vector<16xi32>
        %jit3A_1394 = arith.constant 1.000000e+09 : f32
        %broadcast_in_dim3A_1395 = vector.broadcast %jit3A_1394 : f32 to vector<16xf32>
        %select_n3A_1396 = arith.select %eq3A_1393, %broadcast_in_dim3A_1395, %add3A_1391 : vector<16xi1>, vector<16xf32>
        %lt3A_1397 = arith.cmpf olt, %select_n3A_1396, %min3A_1332 : vector<16xf32>
        %lt3A_1398 = arith.cmpf olt, %select_n3A_1396, %min3A_1328 : vector<16xf32>
        %lt3A_1399 = arith.cmpf olt, %select_n3A_1396, %min3A_1323 : vector<16xf32>
        %lt3A_1400 = arith.cmpf olt, %select_n3A_1396, %min3A_1318 : vector<16xf32>
        %lt3A_1401 = arith.cmpf olt, %select_n3A_1396, %min3A_1313 : vector<16xf32>
        %max3A_1402 = arith.maximumf %min3A_1318, %select_n3A_1396 : vector<16xf32>
        %min3A_1403 = arith.minimumf %min3A_1313, %max3A_1402 : vector<16xf32>
        %broadcast_in_dim3A_1404 = vector.broadcast %add3A_1342 : i32 to vector<16xi32>
        %select_n3A_1405 = arith.select %lt3A_1400, %select_n3A_1321, %broadcast_in_dim3A_1404 : vector<16xi1>, vector<16xi32>
        %select_n3A_1406 = arith.select %lt3A_1401, %select_n3A_1405, %select_n3A_1316 : vector<16xi1>, vector<16xi32>
        %max3A_1407 = arith.maximumf %min3A_1323, %select_n3A_1396 : vector<16xf32>
        %min3A_1408 = arith.minimumf %min3A_1318, %max3A_1407 : vector<16xf32>
        %broadcast_in_dim3A_1409 = vector.broadcast %add3A_1342 : i32 to vector<16xi32>
        %select_n3A_1410 = arith.select %lt3A_1399, %select_n3A_1326, %broadcast_in_dim3A_1409 : vector<16xi1>, vector<16xi32>
        %select_n3A_1411 = arith.select %lt3A_1400, %select_n3A_1410, %select_n3A_1321 : vector<16xi1>, vector<16xi32>
        %max3A_1412 = arith.maximumf %min3A_1328, %select_n3A_1396 : vector<16xf32>
        %min3A_1413 = arith.minimumf %min3A_1323, %max3A_1412 : vector<16xf32>
        %broadcast_in_dim3A_1414 = vector.broadcast %add3A_1342 : i32 to vector<16xi32>
        %select_n3A_1415 = arith.select %lt3A_1398, %select_n3A_1331, %broadcast_in_dim3A_1414 : vector<16xi1>, vector<16xi32>
        %select_n3A_1416 = arith.select %lt3A_1399, %select_n3A_1415, %select_n3A_1326 : vector<16xi1>, vector<16xi32>
        %max3A_1417 = arith.maximumf %min3A_1332, %select_n3A_1396 : vector<16xf32>
        %min3A_1418 = arith.minimumf %min3A_1328, %max3A_1417 : vector<16xf32>
        %broadcast_in_dim3A_1419 = vector.broadcast %add3A_1342 : i32 to vector<16xi32>
        %select_n3A_1420 = arith.select %lt3A_1397, %select_n3A_1334, %broadcast_in_dim3A_1419 : vector<16xi1>, vector<16xi32>
        %select_n3A_1421 = arith.select %lt3A_1398, %select_n3A_1420, %select_n3A_1331 : vector<16xi1>, vector<16xi32>
        %min3A_1422 = arith.minimumf %min3A_1332, %select_n3A_1396 : vector<16xf32>
        %broadcast_in_dim3A_1423 = vector.broadcast %add3A_1342 : i32 to vector<16xi32>
        %select_n3A_1424 = arith.select %lt3A_1397, %broadcast_in_dim3A_1423, %select_n3A_1334 : vector<16xi1>, vector<16xi32>
        %slice3A_1425 = vector.extract_strided_slice %get3A_164 {offsets = [14], sizes = [1], strides = [1]} : vector<16xf32> to vector<1xf32>
        %squeeze3A_1426 = vector.extract %slice3A_1425[0] : f32 from vector<1xf32>
        %slice3A_1427 = vector.extract_strided_slice %get3A_168 {offsets = [14], sizes = [1], strides = [1]} : vector<16xf32> to vector<1xf32>
        %squeeze3A_1428 = vector.extract %slice3A_1427[0] : f32 from vector<1xf32>
        %slice3A_1429 = vector.extract_strided_slice %get3A_172 {offsets = [14], sizes = [1], strides = [1]} : vector<16xf32> to vector<1xf32>
        %squeeze3A_1430 = vector.extract %slice3A_1429[0] : f32 from vector<1xf32>
        %add3A_1431 = arith.constant 14 : i32
        %add3A_1432 = arith.addi %mul3A_160, %add3A_1431 : i32
        %add3A_1433 = vector.broadcast %squeeze3A_1430 : f32 to vector<16xf32>
        %add3A_1434 = arith.addf %get3A_35, %add3A_1433 : vector<16xf32>
        %mul3A_1435 = vector.broadcast %squeeze3A_1426 : f32 to vector<16xf32>
        %mul3A_1436 = arith.mulf %mul3A_24, %mul3A_1435 : vector<16xf32>
        %mul3A_1437 = vector.broadcast %squeeze3A_1428 : f32 to vector<16xf32>
        %mul3A_1438 = arith.mulf %mul3A_31, %mul3A_1437 : vector<16xf32>
        %add3A_1439 = arith.addf %mul3A_1436, %mul3A_1438 : vector<16xf32>
        %add3A_1440 = arith.addf %add3A_1434, %add3A_1439 : vector<16xf32>
        %eq3A_1441 = vector.broadcast %add3A_1432 : i32 to vector<16xi32>
        %eq3A_1442 = arith.cmpi eq, %add3A_37, %eq3A_1441 : vector<16xi32>
        %jit3A_1443 = arith.constant 1.000000e+09 : f32
        %broadcast_in_dim3A_1444 = vector.broadcast %jit3A_1443 : f32 to vector<16xf32>
        %select_n3A_1445 = arith.select %eq3A_1442, %broadcast_in_dim3A_1444, %add3A_1440 : vector<16xi1>, vector<16xf32>
        %lt3A_1446 = arith.cmpf olt, %select_n3A_1445, %min3A_1381 : vector<16xf32>
        %lt3A_1447 = arith.cmpf olt, %select_n3A_1445, %min3A_1377 : vector<16xf32>
        %lt3A_1448 = arith.cmpf olt, %select_n3A_1445, %min3A_1372 : vector<16xf32>
        %lt3A_1449 = arith.cmpf olt, %select_n3A_1445, %min3A_1367 : vector<16xf32>
        %lt3A_1450 = arith.cmpf olt, %select_n3A_1445, %min3A_1362 : vector<16xf32>
        %max3A_1451 = arith.maximumf %min3A_1367, %select_n3A_1445 : vector<16xf32>
        %min3A_1452 = arith.minimumf %min3A_1362, %max3A_1451 : vector<16xf32>
        %broadcast_in_dim3A_1453 = vector.broadcast %add3A_1432 : i32 to vector<16xi32>
        %select_n3A_1454 = arith.select %lt3A_1449, %select_n3A_1370, %broadcast_in_dim3A_1453 : vector<16xi1>, vector<16xi32>
        %select_n3A_1455 = arith.select %lt3A_1450, %select_n3A_1454, %select_n3A_1365 : vector<16xi1>, vector<16xi32>
        %max3A_1456 = arith.maximumf %min3A_1372, %select_n3A_1445 : vector<16xf32>
        %min3A_1457 = arith.minimumf %min3A_1367, %max3A_1456 : vector<16xf32>
        %broadcast_in_dim3A_1458 = vector.broadcast %add3A_1432 : i32 to vector<16xi32>
        %select_n3A_1459 = arith.select %lt3A_1448, %select_n3A_1375, %broadcast_in_dim3A_1458 : vector<16xi1>, vector<16xi32>
        %select_n3A_1460 = arith.select %lt3A_1449, %select_n3A_1459, %select_n3A_1370 : vector<16xi1>, vector<16xi32>
        %max3A_1461 = arith.maximumf %min3A_1377, %select_n3A_1445 : vector<16xf32>
        %min3A_1462 = arith.minimumf %min3A_1372, %max3A_1461 : vector<16xf32>
        %broadcast_in_dim3A_1463 = vector.broadcast %add3A_1432 : i32 to vector<16xi32>
        %select_n3A_1464 = arith.select %lt3A_1447, %select_n3A_1380, %broadcast_in_dim3A_1463 : vector<16xi1>, vector<16xi32>
        %select_n3A_1465 = arith.select %lt3A_1448, %select_n3A_1464, %select_n3A_1375 : vector<16xi1>, vector<16xi32>
        %max3A_1466 = arith.maximumf %min3A_1381, %select_n3A_1445 : vector<16xf32>
        %min3A_1467 = arith.minimumf %min3A_1377, %max3A_1466 : vector<16xf32>
        %broadcast_in_dim3A_1468 = vector.broadcast %add3A_1432 : i32 to vector<16xi32>
        %select_n3A_1469 = arith.select %lt3A_1446, %select_n3A_1383, %broadcast_in_dim3A_1468 : vector<16xi1>, vector<16xi32>
        %select_n3A_1470 = arith.select %lt3A_1447, %select_n3A_1469, %select_n3A_1380 : vector<16xi1>, vector<16xi32>
        %min3A_1471 = arith.minimumf %min3A_1381, %select_n3A_1445 : vector<16xf32>
        %broadcast_in_dim3A_1472 = vector.broadcast %add3A_1432 : i32 to vector<16xi32>
        %select_n3A_1473 = arith.select %lt3A_1446, %broadcast_in_dim3A_1472, %select_n3A_1383 : vector<16xi1>, vector<16xi32>
        %add3A_1474 = vector.broadcast %squeeze3A_1430 : f32 to vector<16xf32>
        %add3A_1475 = arith.addf %get3A_57, %add3A_1474 : vector<16xf32>
        %mul3A_1476 = vector.broadcast %squeeze3A_1426 : f32 to vector<16xf32>
        %mul3A_1477 = arith.mulf %mul3A_46, %mul3A_1476 : vector<16xf32>
        %mul3A_1478 = vector.broadcast %squeeze3A_1428 : f32 to vector<16xf32>
        %mul3A_1479 = arith.mulf %mul3A_53, %mul3A_1478 : vector<16xf32>
        %add3A_1480 = arith.addf %mul3A_1477, %mul3A_1479 : vector<16xf32>
        %add3A_1481 = arith.addf %add3A_1475, %add3A_1480 : vector<16xf32>
        %eq3A_1482 = vector.broadcast %add3A_1432 : i32 to vector<16xi32>
        %eq3A_1483 = arith.cmpi eq, %add3A_59, %eq3A_1482 : vector<16xi32>
        %jit3A_1484 = arith.constant 1.000000e+09 : f32
        %broadcast_in_dim3A_1485 = vector.broadcast %jit3A_1484 : f32 to vector<16xf32>
        %select_n3A_1486 = arith.select %eq3A_1483, %broadcast_in_dim3A_1485, %add3A_1481 : vector<16xi1>, vector<16xf32>
        %lt3A_1487 = arith.cmpf olt, %select_n3A_1486, %min3A_1422 : vector<16xf32>
        %lt3A_1488 = arith.cmpf olt, %select_n3A_1486, %min3A_1418 : vector<16xf32>
        %lt3A_1489 = arith.cmpf olt, %select_n3A_1486, %min3A_1413 : vector<16xf32>
        %lt3A_1490 = arith.cmpf olt, %select_n3A_1486, %min3A_1408 : vector<16xf32>
        %lt3A_1491 = arith.cmpf olt, %select_n3A_1486, %min3A_1403 : vector<16xf32>
        %max3A_1492 = arith.maximumf %min3A_1408, %select_n3A_1486 : vector<16xf32>
        %min3A_1493 = arith.minimumf %min3A_1403, %max3A_1492 : vector<16xf32>
        %broadcast_in_dim3A_1494 = vector.broadcast %add3A_1432 : i32 to vector<16xi32>
        %select_n3A_1495 = arith.select %lt3A_1490, %select_n3A_1411, %broadcast_in_dim3A_1494 : vector<16xi1>, vector<16xi32>
        %select_n3A_1496 = arith.select %lt3A_1491, %select_n3A_1495, %select_n3A_1406 : vector<16xi1>, vector<16xi32>
        %max3A_1497 = arith.maximumf %min3A_1413, %select_n3A_1486 : vector<16xf32>
        %min3A_1498 = arith.minimumf %min3A_1408, %max3A_1497 : vector<16xf32>
        %broadcast_in_dim3A_1499 = vector.broadcast %add3A_1432 : i32 to vector<16xi32>
        %select_n3A_1500 = arith.select %lt3A_1489, %select_n3A_1416, %broadcast_in_dim3A_1499 : vector<16xi1>, vector<16xi32>
        %select_n3A_1501 = arith.select %lt3A_1490, %select_n3A_1500, %select_n3A_1411 : vector<16xi1>, vector<16xi32>
        %max3A_1502 = arith.maximumf %min3A_1418, %select_n3A_1486 : vector<16xf32>
        %min3A_1503 = arith.minimumf %min3A_1413, %max3A_1502 : vector<16xf32>
        %broadcast_in_dim3A_1504 = vector.broadcast %add3A_1432 : i32 to vector<16xi32>
        %select_n3A_1505 = arith.select %lt3A_1488, %select_n3A_1421, %broadcast_in_dim3A_1504 : vector<16xi1>, vector<16xi32>
        %select_n3A_1506 = arith.select %lt3A_1489, %select_n3A_1505, %select_n3A_1416 : vector<16xi1>, vector<16xi32>
        %max3A_1507 = arith.maximumf %min3A_1422, %select_n3A_1486 : vector<16xf32>
        %min3A_1508 = arith.minimumf %min3A_1418, %max3A_1507 : vector<16xf32>
        %broadcast_in_dim3A_1509 = vector.broadcast %add3A_1432 : i32 to vector<16xi32>
        %select_n3A_1510 = arith.select %lt3A_1487, %select_n3A_1424, %broadcast_in_dim3A_1509 : vector<16xi1>, vector<16xi32>
        %select_n3A_1511 = arith.select %lt3A_1488, %select_n3A_1510, %select_n3A_1421 : vector<16xi1>, vector<16xi32>
        %min3A_1512 = arith.minimumf %min3A_1422, %select_n3A_1486 : vector<16xf32>
        %broadcast_in_dim3A_1513 = vector.broadcast %add3A_1432 : i32 to vector<16xi32>
        %select_n3A_1514 = arith.select %lt3A_1487, %broadcast_in_dim3A_1513, %select_n3A_1424 : vector<16xi1>, vector<16xi32>
        %slice3A_1515 = vector.extract_strided_slice %get3A_164 {offsets = [15], sizes = [1], strides = [1]} : vector<16xf32> to vector<1xf32>
        %squeeze3A_1516 = vector.extract %slice3A_1515[0] : f32 from vector<1xf32>
        %slice3A_1517 = vector.extract_strided_slice %get3A_168 {offsets = [15], sizes = [1], strides = [1]} : vector<16xf32> to vector<1xf32>
        %squeeze3A_1518 = vector.extract %slice3A_1517[0] : f32 from vector<1xf32>
        %slice3A_1519 = vector.extract_strided_slice %get3A_172 {offsets = [15], sizes = [1], strides = [1]} : vector<16xf32> to vector<1xf32>
        %squeeze3A_1520 = vector.extract %slice3A_1519[0] : f32 from vector<1xf32>
        %add3A_1521 = arith.constant 15 : i32
        %add3A_1522 = arith.addi %mul3A_160, %add3A_1521 : i32
        %add3A_1523 = vector.broadcast %squeeze3A_1520 : f32 to vector<16xf32>
        %add3A_1524 = arith.addf %get3A_35, %add3A_1523 : vector<16xf32>
        %mul3A_1525 = vector.broadcast %squeeze3A_1516 : f32 to vector<16xf32>
        %mul3A_1526 = arith.mulf %mul3A_24, %mul3A_1525 : vector<16xf32>
        %mul3A_1527 = vector.broadcast %squeeze3A_1518 : f32 to vector<16xf32>
        %mul3A_1528 = arith.mulf %mul3A_31, %mul3A_1527 : vector<16xf32>
        %add3A_1529 = arith.addf %mul3A_1526, %mul3A_1528 : vector<16xf32>
        %add3A_1530 = arith.addf %add3A_1524, %add3A_1529 : vector<16xf32>
        %eq3A_1531 = vector.broadcast %add3A_1522 : i32 to vector<16xi32>
        %eq3A_1532 = arith.cmpi eq, %add3A_37, %eq3A_1531 : vector<16xi32>
        %jit3A_1533 = arith.constant 1.000000e+09 : f32
        %broadcast_in_dim3A_1534 = vector.broadcast %jit3A_1533 : f32 to vector<16xf32>
        %select_n3A_1535 = arith.select %eq3A_1532, %broadcast_in_dim3A_1534, %add3A_1530 : vector<16xi1>, vector<16xf32>
        %lt3A_1536 = arith.cmpf olt, %select_n3A_1535, %min3A_1471 : vector<16xf32>
        %lt3A_1537 = arith.cmpf olt, %select_n3A_1535, %min3A_1467 : vector<16xf32>
        %lt3A_1538 = arith.cmpf olt, %select_n3A_1535, %min3A_1462 : vector<16xf32>
        %lt3A_1539 = arith.cmpf olt, %select_n3A_1535, %min3A_1457 : vector<16xf32>
        %lt3A_1540 = arith.cmpf olt, %select_n3A_1535, %min3A_1452 : vector<16xf32>
        %max3A_1541 = arith.maximumf %min3A_1457, %select_n3A_1535 : vector<16xf32>
        %min3A_1542 = arith.minimumf %min3A_1452, %max3A_1541 : vector<16xf32>
        %broadcast_in_dim3A_1543 = vector.broadcast %add3A_1522 : i32 to vector<16xi32>
        %select_n3A_1544 = arith.select %lt3A_1539, %select_n3A_1460, %broadcast_in_dim3A_1543 : vector<16xi1>, vector<16xi32>
        %select_n3A_1545 = arith.select %lt3A_1540, %select_n3A_1544, %select_n3A_1455 : vector<16xi1>, vector<16xi32>
        %max3A_1546 = arith.maximumf %min3A_1462, %select_n3A_1535 : vector<16xf32>
        %min3A_1547 = arith.minimumf %min3A_1457, %max3A_1546 : vector<16xf32>
        %broadcast_in_dim3A_1548 = vector.broadcast %add3A_1522 : i32 to vector<16xi32>
        %select_n3A_1549 = arith.select %lt3A_1538, %select_n3A_1465, %broadcast_in_dim3A_1548 : vector<16xi1>, vector<16xi32>
        %select_n3A_1550 = arith.select %lt3A_1539, %select_n3A_1549, %select_n3A_1460 : vector<16xi1>, vector<16xi32>
        %max3A_1551 = arith.maximumf %min3A_1467, %select_n3A_1535 : vector<16xf32>
        %min3A_1552 = arith.minimumf %min3A_1462, %max3A_1551 : vector<16xf32>
        %broadcast_in_dim3A_1553 = vector.broadcast %add3A_1522 : i32 to vector<16xi32>
        %select_n3A_1554 = arith.select %lt3A_1537, %select_n3A_1470, %broadcast_in_dim3A_1553 : vector<16xi1>, vector<16xi32>
        %select_n3A_1555 = arith.select %lt3A_1538, %select_n3A_1554, %select_n3A_1465 : vector<16xi1>, vector<16xi32>
        %max3A_1556 = arith.maximumf %min3A_1471, %select_n3A_1535 : vector<16xf32>
        %min3A_1557 = arith.minimumf %min3A_1467, %max3A_1556 : vector<16xf32>
        %broadcast_in_dim3A_1558 = vector.broadcast %add3A_1522 : i32 to vector<16xi32>
        %select_n3A_1559 = arith.select %lt3A_1536, %select_n3A_1473, %broadcast_in_dim3A_1558 : vector<16xi1>, vector<16xi32>
        %select_n3A_1560 = arith.select %lt3A_1537, %select_n3A_1559, %select_n3A_1470 : vector<16xi1>, vector<16xi32>
        %min3A_1561 = arith.minimumf %min3A_1471, %select_n3A_1535 : vector<16xf32>
        %broadcast_in_dim3A_1562 = vector.broadcast %add3A_1522 : i32 to vector<16xi32>
        %select_n3A_1563 = arith.select %lt3A_1536, %broadcast_in_dim3A_1562, %select_n3A_1473 : vector<16xi1>, vector<16xi32>
        %add3A_1564 = vector.broadcast %squeeze3A_1520 : f32 to vector<16xf32>
        %add3A_1565 = arith.addf %get3A_57, %add3A_1564 : vector<16xf32>
        %mul3A_1566 = vector.broadcast %squeeze3A_1516 : f32 to vector<16xf32>
        %mul3A_1567 = arith.mulf %mul3A_46, %mul3A_1566 : vector<16xf32>
        %mul3A_1568 = vector.broadcast %squeeze3A_1518 : f32 to vector<16xf32>
        %mul3A_1569 = arith.mulf %mul3A_53, %mul3A_1568 : vector<16xf32>
        %add3A_1570 = arith.addf %mul3A_1567, %mul3A_1569 : vector<16xf32>
        %add3A_1571 = arith.addf %add3A_1565, %add3A_1570 : vector<16xf32>
        %eq3A_1572 = vector.broadcast %add3A_1522 : i32 to vector<16xi32>
        %eq3A_1573 = arith.cmpi eq, %add3A_59, %eq3A_1572 : vector<16xi32>
        %jit3A_1574 = arith.constant 1.000000e+09 : f32
        %broadcast_in_dim3A_1575 = vector.broadcast %jit3A_1574 : f32 to vector<16xf32>
        %select_n3A_1576 = arith.select %eq3A_1573, %broadcast_in_dim3A_1575, %add3A_1571 : vector<16xi1>, vector<16xf32>
        %lt3A_1577 = arith.cmpf olt, %select_n3A_1576, %min3A_1512 : vector<16xf32>
        %lt3A_1578 = arith.cmpf olt, %select_n3A_1576, %min3A_1508 : vector<16xf32>
        %lt3A_1579 = arith.cmpf olt, %select_n3A_1576, %min3A_1503 : vector<16xf32>
        %lt3A_1580 = arith.cmpf olt, %select_n3A_1576, %min3A_1498 : vector<16xf32>
        %lt3A_1581 = arith.cmpf olt, %select_n3A_1576, %min3A_1493 : vector<16xf32>
        %max3A_1582 = arith.maximumf %min3A_1498, %select_n3A_1576 : vector<16xf32>
        %min3A_1583 = arith.minimumf %min3A_1493, %max3A_1582 : vector<16xf32>
        %broadcast_in_dim3A_1584 = vector.broadcast %add3A_1522 : i32 to vector<16xi32>
        %select_n3A_1585 = arith.select %lt3A_1580, %select_n3A_1501, %broadcast_in_dim3A_1584 : vector<16xi1>, vector<16xi32>
        %select_n3A_1586 = arith.select %lt3A_1581, %select_n3A_1585, %select_n3A_1496 : vector<16xi1>, vector<16xi32>
        %max3A_1587 = arith.maximumf %min3A_1503, %select_n3A_1576 : vector<16xf32>
        %min3A_1588 = arith.minimumf %min3A_1498, %max3A_1587 : vector<16xf32>
        %broadcast_in_dim3A_1589 = vector.broadcast %add3A_1522 : i32 to vector<16xi32>
        %select_n3A_1590 = arith.select %lt3A_1579, %select_n3A_1506, %broadcast_in_dim3A_1589 : vector<16xi1>, vector<16xi32>
        %select_n3A_1591 = arith.select %lt3A_1580, %select_n3A_1590, %select_n3A_1501 : vector<16xi1>, vector<16xi32>
        %max3A_1592 = arith.maximumf %min3A_1508, %select_n3A_1576 : vector<16xf32>
        %min3A_1593 = arith.minimumf %min3A_1503, %max3A_1592 : vector<16xf32>
        %broadcast_in_dim3A_1594 = vector.broadcast %add3A_1522 : i32 to vector<16xi32>
        %select_n3A_1595 = arith.select %lt3A_1578, %select_n3A_1511, %broadcast_in_dim3A_1594 : vector<16xi1>, vector<16xi32>
        %select_n3A_1596 = arith.select %lt3A_1579, %select_n3A_1595, %select_n3A_1506 : vector<16xi1>, vector<16xi32>
        %max3A_1597 = arith.maximumf %min3A_1512, %select_n3A_1576 : vector<16xf32>
        %min3A_1598 = arith.minimumf %min3A_1508, %max3A_1597 : vector<16xf32>
        %broadcast_in_dim3A_1599 = vector.broadcast %add3A_1522 : i32 to vector<16xi32>
        %select_n3A_1600 = arith.select %lt3A_1577, %select_n3A_1514, %broadcast_in_dim3A_1599 : vector<16xi1>, vector<16xi32>
        %select_n3A_1601 = arith.select %lt3A_1578, %select_n3A_1600, %select_n3A_1511 : vector<16xi1>, vector<16xi32>
        %min3A_1602 = arith.minimumf %min3A_1512, %select_n3A_1576 : vector<16xf32>
        %broadcast_in_dim3A_1603 = vector.broadcast %add3A_1522 : i32 to vector<16xi32>
        %select_n3A_1604 = arith.select %lt3A_1577, %broadcast_in_dim3A_1603, %select_n3A_1514 : vector<16xi1>, vector<16xi32>
        %scan3A_1605 = arith.constant 1 : i32
        %scan3A_1606 = arith.addi %scan3A_138, %scan3A_1605 : i32
        %mul3A_1607 = arith.constant 16 : i32
        %mul3A_1608 = arith.muli %scan3A_1606, %mul3A_1607 : i32
        %get3A_1609 = arith.index_cast %add3A_16 : i32 to index
        %get3A_1610 = arith.index_cast %mul3A_1608 : i32 to index
        %get3A_1611 = tpu.vector_load %arg6[%get3A_1609, %get3A_1610] {strides = array<i32>} : memref<32x1024xf32, #tpu.memory_space<vmem>>, vector<1x16xf32>,
        %get3A_1612 = vector.shape_cast %get3A_1611 : vector<1x16xf32> to vector<16xf32>
        %get3A_1613 = arith.index_cast %add3A_16 : i32 to index
        %get3A_1614 = arith.index_cast %mul3A_1608 : i32 to index
        %get3A_1615 = tpu.vector_load %arg7[%get3A_1613, %get3A_1614] {strides = array<i32>} : memref<32x1024xf32, #tpu.memory_space<vmem>>, vector<1x16xf32>,
        %get3A_1616 = vector.shape_cast %get3A_1615 : vector<1x16xf32> to vector<16xf32>
        %get3A_1617 = arith.index_cast %add3A_16 : i32 to index
        %get3A_1618 = arith.index_cast %mul3A_1608 : i32 to index
        %get3A_1619 = tpu.vector_load %arg8[%get3A_1617, %get3A_1618] {strides = array<i32>} : memref<32x1024xf32, #tpu.memory_space<vmem>>, vector<1x16xf32>,
        %get3A_1620 = vector.shape_cast %get3A_1619 : vector<1x16xf32> to vector<16xf32>
        %slice3A_1621 = vector.extract_strided_slice %get3A_1612 {offsets = [0], sizes = [1], strides = [1]} : vector<16xf32> to vector<1xf32>
        %squeeze3A_1622 = vector.extract %slice3A_1621[0] : f32 from vector<1xf32>
        %slice3A_1623 = vector.extract_strided_slice %get3A_1616 {offsets = [0], sizes = [1], strides = [1]} : vector<16xf32> to vector<1xf32>
        %squeeze3A_1624 = vector.extract %slice3A_1623[0] : f32 from vector<1xf32>
        %slice3A_1625 = vector.extract_strided_slice %get3A_1620 {offsets = [0], sizes = [1], strides = [1]} : vector<16xf32> to vector<1xf32>
        %squeeze3A_1626 = vector.extract %slice3A_1625[0] : f32 from vector<1xf32>
        %add3A_1627 = arith.constant 0 : i32
        %add3A_1628 = arith.addi %mul3A_1608, %add3A_1627 : i32
        %add3A_1629 = vector.broadcast %squeeze3A_1626 : f32 to vector<16xf32>
        %add3A_1630 = arith.addf %get3A_35, %add3A_1629 : vector<16xf32>
        %mul3A_1631 = vector.broadcast %squeeze3A_1622 : f32 to vector<16xf32>
        %mul3A_1632 = arith.mulf %mul3A_24, %mul3A_1631 : vector<16xf32>
        %mul3A_1633 = vector.broadcast %squeeze3A_1624 : f32 to vector<16xf32>
        %mul3A_1634 = arith.mulf %mul3A_31, %mul3A_1633 : vector<16xf32>
        %add3A_1635 = arith.addf %mul3A_1632, %mul3A_1634 : vector<16xf32>
        %add3A_1636 = arith.addf %add3A_1630, %add3A_1635 : vector<16xf32>
        %eq3A_1637 = vector.broadcast %add3A_1628 : i32 to vector<16xi32>
        %eq3A_1638 = arith.cmpi eq, %add3A_37, %eq3A_1637 : vector<16xi32>
        %jit3A_1639 = arith.constant 1.000000e+09 : f32
        %broadcast_in_dim3A_1640 = vector.broadcast %jit3A_1639 : f32 to vector<16xf32>
        %select_n3A_1641 = arith.select %eq3A_1638, %broadcast_in_dim3A_1640, %add3A_1636 : vector<16xi1>, vector<16xf32>
        %lt3A_1642 = arith.cmpf olt, %select_n3A_1641, %min3A_1561 : vector<16xf32>
        %lt3A_1643 = arith.cmpf olt, %select_n3A_1641, %min3A_1557 : vector<16xf32>
        %lt3A_1644 = arith.cmpf olt, %select_n3A_1641, %min3A_1552 : vector<16xf32>
        %lt3A_1645 = arith.cmpf olt, %select_n3A_1641, %min3A_1547 : vector<16xf32>
        %lt3A_1646 = arith.cmpf olt, %select_n3A_1641, %min3A_1542 : vector<16xf32>
        %max3A_1647 = arith.maximumf %min3A_1547, %select_n3A_1641 : vector<16xf32>
        %min3A_1648 = arith.minimumf %min3A_1542, %max3A_1647 : vector<16xf32>
        %broadcast_in_dim3A_1649 = vector.broadcast %add3A_1628 : i32 to vector<16xi32>
        %select_n3A_1650 = arith.select %lt3A_1645, %select_n3A_1550, %broadcast_in_dim3A_1649 : vector<16xi1>, vector<16xi32>
        %select_n3A_1651 = arith.select %lt3A_1646, %select_n3A_1650, %select_n3A_1545 : vector<16xi1>, vector<16xi32>
        %max3A_1652 = arith.maximumf %min3A_1552, %select_n3A_1641 : vector<16xf32>
        %min3A_1653 = arith.minimumf %min3A_1547, %max3A_1652 : vector<16xf32>
        %broadcast_in_dim3A_1654 = vector.broadcast %add3A_1628 : i32 to vector<16xi32>
        %select_n3A_1655 = arith.select %lt3A_1644, %select_n3A_1555, %broadcast_in_dim3A_1654 : vector<16xi1>, vector<16xi32>
        %select_n3A_1656 = arith.select %lt3A_1645, %select_n3A_1655, %select_n3A_1550 : vector<16xi1>, vector<16xi32>
        %max3A_1657 = arith.maximumf %min3A_1557, %select_n3A_1641 : vector<16xf32>
        %min3A_1658 = arith.minimumf %min3A_1552, %max3A_1657 : vector<16xf32>
        %broadcast_in_dim3A_1659 = vector.broadcast %add3A_1628 : i32 to vector<16xi32>
        %select_n3A_1660 = arith.select %lt3A_1643, %select_n3A_1560, %broadcast_in_dim3A_1659 : vector<16xi1>, vector<16xi32>
        %select_n3A_1661 = arith.select %lt3A_1644, %select_n3A_1660, %select_n3A_1555 : vector<16xi1>, vector<16xi32>
        %max3A_1662 = arith.maximumf %min3A_1561, %select_n3A_1641 : vector<16xf32>
        %min3A_1663 = arith.minimumf %min3A_1557, %max3A_1662 : vector<16xf32>
        %broadcast_in_dim3A_1664 = vector.broadcast %add3A_1628 : i32 to vector<16xi32>
        %select_n3A_1665 = arith.select %lt3A_1642, %select_n3A_1563, %broadcast_in_dim3A_1664 : vector<16xi1>, vector<16xi32>
        %select_n3A_1666 = arith.select %lt3A_1643, %select_n3A_1665, %select_n3A_1560 : vector<16xi1>, vector<16xi32>
        %min3A_1667 = arith.minimumf %min3A_1561, %select_n3A_1641 : vector<16xf32>
        %broadcast_in_dim3A_1668 = vector.broadcast %add3A_1628 : i32 to vector<16xi32>
        %select_n3A_1669 = arith.select %lt3A_1642, %broadcast_in_dim3A_1668, %select_n3A_1563 : vector<16xi1>, vector<16xi32>
        %add3A_1670 = vector.broadcast %squeeze3A_1626 : f32 to vector<16xf32>
        %add3A_1671 = arith.addf %get3A_57, %add3A_1670 : vector<16xf32>
        %mul3A_1672 = vector.broadcast %squeeze3A_1622 : f32 to vector<16xf32>
        %mul3A_1673 = arith.mulf %mul3A_46, %mul3A_1672 : vector<16xf32>
        %mul3A_1674 = vector.broadcast %squeeze3A_1624 : f32 to vector<16xf32>
        %mul3A_1675 = arith.mulf %mul3A_53, %mul3A_1674 : vector<16xf32>
        %add3A_1676 = arith.addf %mul3A_1673, %mul3A_1675 : vector<16xf32>
        %add3A_1677 = arith.addf %add3A_1671, %add3A_1676 : vector<16xf32>
        %eq3A_1678 = vector.broadcast %add3A_1628 : i32 to vector<16xi32>
        %eq3A_1679 = arith.cmpi eq, %add3A_59, %eq3A_1678 : vector<16xi32>
        %jit3A_1680 = arith.constant 1.000000e+09 : f32
        %broadcast_in_dim3A_1681 = vector.broadcast %jit3A_1680 : f32 to vector<16xf32>
        %select_n3A_1682 = arith.select %eq3A_1679, %broadcast_in_dim3A_1681, %add3A_1677 : vector<16xi1>, vector<16xf32>
        %lt3A_1683 = arith.cmpf olt, %select_n3A_1682, %min3A_1602 : vector<16xf32>
        %lt3A_1684 = arith.cmpf olt, %select_n3A_1682, %min3A_1598 : vector<16xf32>
        %lt3A_1685 = arith.cmpf olt, %select_n3A_1682, %min3A_1593 : vector<16xf32>
        %lt3A_1686 = arith.cmpf olt, %select_n3A_1682, %min3A_1588 : vector<16xf32>
        %lt3A_1687 = arith.cmpf olt, %select_n3A_1682, %min3A_1583 : vector<16xf32>
        %max3A_1688 = arith.maximumf %min3A_1588, %select_n3A_1682 : vector<16xf32>
        %min3A_1689 = arith.minimumf %min3A_1583, %max3A_1688 : vector<16xf32>
        %broadcast_in_dim3A_1690 = vector.broadcast %add3A_1628 : i32 to vector<16xi32>
        %select_n3A_1691 = arith.select %lt3A_1686, %select_n3A_1591, %broadcast_in_dim3A_1690 : vector<16xi1>, vector<16xi32>
        %select_n3A_1692 = arith.select %lt3A_1687, %select_n3A_1691, %select_n3A_1586 : vector<16xi1>, vector<16xi32>
        %max3A_1693 = arith.maximumf %min3A_1593, %select_n3A_1682 : vector<16xf32>
        %min3A_1694 = arith.minimumf %min3A_1588, %max3A_1693 : vector<16xf32>
        %broadcast_in_dim3A_1695 = vector.broadcast %add3A_1628 : i32 to vector<16xi32>
        %select_n3A_1696 = arith.select %lt3A_1685, %select_n3A_1596, %broadcast_in_dim3A_1695 : vector<16xi1>, vector<16xi32>
        %select_n3A_1697 = arith.select %lt3A_1686, %select_n3A_1696, %select_n3A_1591 : vector<16xi1>, vector<16xi32>
        %max3A_1698 = arith.maximumf %min3A_1598, %select_n3A_1682 : vector<16xf32>
        %min3A_1699 = arith.minimumf %min3A_1593, %max3A_1698 : vector<16xf32>
        %broadcast_in_dim3A_1700 = vector.broadcast %add3A_1628 : i32 to vector<16xi32>
        %select_n3A_1701 = arith.select %lt3A_1684, %select_n3A_1601, %broadcast_in_dim3A_1700 : vector<16xi1>, vector<16xi32>
        %select_n3A_1702 = arith.select %lt3A_1685, %select_n3A_1701, %select_n3A_1596 : vector<16xi1>, vector<16xi32>
        %max3A_1703 = arith.maximumf %min3A_1602, %select_n3A_1682 : vector<16xf32>
        %min3A_1704 = arith.minimumf %min3A_1598, %max3A_1703 : vector<16xf32>
        %broadcast_in_dim3A_1705 = vector.broadcast %add3A_1628 : i32 to vector<16xi32>
        %select_n3A_1706 = arith.select %lt3A_1683, %select_n3A_1604, %broadcast_in_dim3A_1705 : vector<16xi1>, vector<16xi32>
        %select_n3A_1707 = arith.select %lt3A_1684, %select_n3A_1706, %select_n3A_1601 : vector<16xi1>, vector<16xi32>
        %min3A_1708 = arith.minimumf %min3A_1602, %select_n3A_1682 : vector<16xf32>
        %broadcast_in_dim3A_1709 = vector.broadcast %add3A_1628 : i32 to vector<16xi32>
        %select_n3A_1710 = arith.select %lt3A_1683, %broadcast_in_dim3A_1709, %select_n3A_1604 : vector<16xi1>, vector<16xi32>
        %slice3A_1711 = vector.extract_strided_slice %get3A_1612 {offsets = [1], sizes = [1], strides = [1]} : vector<16xf32> to vector<1xf32>
        %squeeze3A_1712 = vector.extract %slice3A_1711[0] : f32 from vector<1xf32>
        %slice3A_1713 = vector.extract_strided_slice %get3A_1616 {offsets = [1], sizes = [1], strides = [1]} : vector<16xf32> to vector<1xf32>
        %squeeze3A_1714 = vector.extract %slice3A_1713[0] : f32 from vector<1xf32>
        %slice3A_1715 = vector.extract_strided_slice %get3A_1620 {offsets = [1], sizes = [1], strides = [1]} : vector<16xf32> to vector<1xf32>
        %squeeze3A_1716 = vector.extract %slice3A_1715[0] : f32 from vector<1xf32>
        %add3A_1717 = arith.constant 1 : i32
        %add3A_1718 = arith.addi %mul3A_1608, %add3A_1717 : i32
        %add3A_1719 = vector.broadcast %squeeze3A_1716 : f32 to vector<16xf32>
        %add3A_1720 = arith.addf %get3A_35, %add3A_1719 : vector<16xf32>
        %mul3A_1721 = vector.broadcast %squeeze3A_1712 : f32 to vector<16xf32>
        %mul3A_1722 = arith.mulf %mul3A_24, %mul3A_1721 : vector<16xf32>
        %mul3A_1723 = vector.broadcast %squeeze3A_1714 : f32 to vector<16xf32>
        %mul3A_1724 = arith.mulf %mul3A_31, %mul3A_1723 : vector<16xf32>
        %add3A_1725 = arith.addf %mul3A_1722, %mul3A_1724 : vector<16xf32>
        %add3A_1726 = arith.addf %add3A_1720, %add3A_1725 : vector<16xf32>
        %eq3A_1727 = vector.broadcast %add3A_1718 : i32 to vector<16xi32>
        %eq3A_1728 = arith.cmpi eq, %add3A_37, %eq3A_1727 : vector<16xi32>
        %jit3A_1729 = arith.constant 1.000000e+09 : f32
        %broadcast_in_dim3A_1730 = vector.broadcast %jit3A_1729 : f32 to vector<16xf32>
        %select_n3A_1731 = arith.select %eq3A_1728, %broadcast_in_dim3A_1730, %add3A_1726 : vector<16xi1>, vector<16xf32>
        %lt3A_1732 = arith.cmpf olt, %select_n3A_1731, %min3A_1667 : vector<16xf32>
        %lt3A_1733 = arith.cmpf olt, %select_n3A_1731, %min3A_1663 : vector<16xf32>
        %lt3A_1734 = arith.cmpf olt, %select_n3A_1731, %min3A_1658 : vector<16xf32>
        %lt3A_1735 = arith.cmpf olt, %select_n3A_1731, %min3A_1653 : vector<16xf32>
        %lt3A_1736 = arith.cmpf olt, %select_n3A_1731, %min3A_1648 : vector<16xf32>
        %max3A_1737 = arith.maximumf %min3A_1653, %select_n3A_1731 : vector<16xf32>
        %min3A_1738 = arith.minimumf %min3A_1648, %max3A_1737 : vector<16xf32>
        %broadcast_in_dim3A_1739 = vector.broadcast %add3A_1718 : i32 to vector<16xi32>
        %select_n3A_1740 = arith.select %lt3A_1735, %select_n3A_1656, %broadcast_in_dim3A_1739 : vector<16xi1>, vector<16xi32>
        %select_n3A_1741 = arith.select %lt3A_1736, %select_n3A_1740, %select_n3A_1651 : vector<16xi1>, vector<16xi32>
        %max3A_1742 = arith.maximumf %min3A_1658, %select_n3A_1731 : vector<16xf32>
        %min3A_1743 = arith.minimumf %min3A_1653, %max3A_1742 : vector<16xf32>
        %broadcast_in_dim3A_1744 = vector.broadcast %add3A_1718 : i32 to vector<16xi32>
        %select_n3A_1745 = arith.select %lt3A_1734, %select_n3A_1661, %broadcast_in_dim3A_1744 : vector<16xi1>, vector<16xi32>
        %select_n3A_1746 = arith.select %lt3A_1735, %select_n3A_1745, %select_n3A_1656 : vector<16xi1>, vector<16xi32>
        %max3A_1747 = arith.maximumf %min3A_1663, %select_n3A_1731 : vector<16xf32>
        %min3A_1748 = arith.minimumf %min3A_1658, %max3A_1747 : vector<16xf32>
        %broadcast_in_dim3A_1749 = vector.broadcast %add3A_1718 : i32 to vector<16xi32>
        %select_n3A_1750 = arith.select %lt3A_1733, %select_n3A_1666, %broadcast_in_dim3A_1749 : vector<16xi1>, vector<16xi32>
        %select_n3A_1751 = arith.select %lt3A_1734, %select_n3A_1750, %select_n3A_1661 : vector<16xi1>, vector<16xi32>
        %max3A_1752 = arith.maximumf %min3A_1667, %select_n3A_1731 : vector<16xf32>
        %min3A_1753 = arith.minimumf %min3A_1663, %max3A_1752 : vector<16xf32>
        %broadcast_in_dim3A_1754 = vector.broadcast %add3A_1718 : i32 to vector<16xi32>
        %select_n3A_1755 = arith.select %lt3A_1732, %select_n3A_1669, %broadcast_in_dim3A_1754 : vector<16xi1>, vector<16xi32>
        %select_n3A_1756 = arith.select %lt3A_1733, %select_n3A_1755, %select_n3A_1666 : vector<16xi1>, vector<16xi32>
        %min3A_1757 = arith.minimumf %min3A_1667, %select_n3A_1731 : vector<16xf32>
        %broadcast_in_dim3A_1758 = vector.broadcast %add3A_1718 : i32 to vector<16xi32>
        %select_n3A_1759 = arith.select %lt3A_1732, %broadcast_in_dim3A_1758, %select_n3A_1669 : vector<16xi1>, vector<16xi32>
        %add3A_1760 = vector.broadcast %squeeze3A_1716 : f32 to vector<16xf32>
        %add3A_1761 = arith.addf %get3A_57, %add3A_1760 : vector<16xf32>
        %mul3A_1762 = vector.broadcast %squeeze3A_1712 : f32 to vector<16xf32>
        %mul3A_1763 = arith.mulf %mul3A_46, %mul3A_1762 : vector<16xf32>
        %mul3A_1764 = vector.broadcast %squeeze3A_1714 : f32 to vector<16xf32>
        %mul3A_1765 = arith.mulf %mul3A_53, %mul3A_1764 : vector<16xf32>
        %add3A_1766 = arith.addf %mul3A_1763, %mul3A_1765 : vector<16xf32>
        %add3A_1767 = arith.addf %add3A_1761, %add3A_1766 : vector<16xf32>
        %eq3A_1768 = vector.broadcast %add3A_1718 : i32 to vector<16xi32>
        %eq3A_1769 = arith.cmpi eq, %add3A_59, %eq3A_1768 : vector<16xi32>
        %jit3A_1770 = arith.constant 1.000000e+09 : f32
        %broadcast_in_dim3A_1771 = vector.broadcast %jit3A_1770 : f32 to vector<16xf32>
        %select_n3A_1772 = arith.select %eq3A_1769, %broadcast_in_dim3A_1771, %add3A_1767 : vector<16xi1>, vector<16xf32>
        %lt3A_1773 = arith.cmpf olt, %select_n3A_1772, %min3A_1708 : vector<16xf32>
        %lt3A_1774 = arith.cmpf olt, %select_n3A_1772, %min3A_1704 : vector<16xf32>
        %lt3A_1775 = arith.cmpf olt, %select_n3A_1772, %min3A_1699 : vector<16xf32>
        %lt3A_1776 = arith.cmpf olt, %select_n3A_1772, %min3A_1694 : vector<16xf32>
        %lt3A_1777 = arith.cmpf olt, %select_n3A_1772, %min3A_1689 : vector<16xf32>
        %max3A_1778 = arith.maximumf %min3A_1694, %select_n3A_1772 : vector<16xf32>
        %min3A_1779 = arith.minimumf %min3A_1689, %max3A_1778 : vector<16xf32>
        %broadcast_in_dim3A_1780 = vector.broadcast %add3A_1718 : i32 to vector<16xi32>
        %select_n3A_1781 = arith.select %lt3A_1776, %select_n3A_1697, %broadcast_in_dim3A_1780 : vector<16xi1>, vector<16xi32>
        %select_n3A_1782 = arith.select %lt3A_1777, %select_n3A_1781, %select_n3A_1692 : vector<16xi1>, vector<16xi32>
        %max3A_1783 = arith.maximumf %min3A_1699, %select_n3A_1772 : vector<16xf32>
        %min3A_1784 = arith.minimumf %min3A_1694, %max3A_1783 : vector<16xf32>
        %broadcast_in_dim3A_1785 = vector.broadcast %add3A_1718 : i32 to vector<16xi32>
        %select_n3A_1786 = arith.select %lt3A_1775, %select_n3A_1702, %broadcast_in_dim3A_1785 : vector<16xi1>, vector<16xi32>
        %select_n3A_1787 = arith.select %lt3A_1776, %select_n3A_1786, %select_n3A_1697 : vector<16xi1>, vector<16xi32>
        %max3A_1788 = arith.maximumf %min3A_1704, %select_n3A_1772 : vector<16xf32>
        %min3A_1789 = arith.minimumf %min3A_1699, %max3A_1788 : vector<16xf32>
        %broadcast_in_dim3A_1790 = vector.broadcast %add3A_1718 : i32 to vector<16xi32>
        %select_n3A_1791 = arith.select %lt3A_1774, %select_n3A_1707, %broadcast_in_dim3A_1790 : vector<16xi1>, vector<16xi32>
        %select_n3A_1792 = arith.select %lt3A_1775, %select_n3A_1791, %select_n3A_1702 : vector<16xi1>, vector<16xi32>
        %max3A_1793 = arith.maximumf %min3A_1708, %select_n3A_1772 : vector<16xf32>
        %min3A_1794 = arith.minimumf %min3A_1704, %max3A_1793 : vector<16xf32>
        %broadcast_in_dim3A_1795 = vector.broadcast %add3A_1718 : i32 to vector<16xi32>
        %select_n3A_1796 = arith.select %lt3A_1773, %select_n3A_1710, %broadcast_in_dim3A_1795 : vector<16xi1>, vector<16xi32>
        %select_n3A_1797 = arith.select %lt3A_1774, %select_n3A_1796, %select_n3A_1707 : vector<16xi1>, vector<16xi32>
        %min3A_1798 = arith.minimumf %min3A_1708, %select_n3A_1772 : vector<16xf32>
        %broadcast_in_dim3A_1799 = vector.broadcast %add3A_1718 : i32 to vector<16xi32>
        %select_n3A_1800 = arith.select %lt3A_1773, %broadcast_in_dim3A_1799, %select_n3A_1710 : vector<16xi1>, vector<16xi32>
        %slice3A_1801 = vector.extract_strided_slice %get3A_1612 {offsets = [2], sizes = [1], strides = [1]} : vector<16xf32> to vector<1xf32>
        %squeeze3A_1802 = vector.extract %slice3A_1801[0] : f32 from vector<1xf32>
        %slice3A_1803 = vector.extract_strided_slice %get3A_1616 {offsets = [2], sizes = [1], strides = [1]} : vector<16xf32> to vector<1xf32>
        %squeeze3A_1804 = vector.extract %slice3A_1803[0] : f32 from vector<1xf32>
        %slice3A_1805 = vector.extract_strided_slice %get3A_1620 {offsets = [2], sizes = [1], strides = [1]} : vector<16xf32> to vector<1xf32>
        %squeeze3A_1806 = vector.extract %slice3A_1805[0] : f32 from vector<1xf32>
        %add3A_1807 = arith.constant 2 : i32
        %add3A_1808 = arith.addi %mul3A_1608, %add3A_1807 : i32
        %add3A_1809 = vector.broadcast %squeeze3A_1806 : f32 to vector<16xf32>
        %add3A_1810 = arith.addf %get3A_35, %add3A_1809 : vector<16xf32>
        %mul3A_1811 = vector.broadcast %squeeze3A_1802 : f32 to vector<16xf32>
        %mul3A_1812 = arith.mulf %mul3A_24, %mul3A_1811 : vector<16xf32>
        %mul3A_1813 = vector.broadcast %squeeze3A_1804 : f32 to vector<16xf32>
        %mul3A_1814 = arith.mulf %mul3A_31, %mul3A_1813 : vector<16xf32>
        %add3A_1815 = arith.addf %mul3A_1812, %mul3A_1814 : vector<16xf32>
        %add3A_1816 = arith.addf %add3A_1810, %add3A_1815 : vector<16xf32>
        %eq3A_1817 = vector.broadcast %add3A_1808 : i32 to vector<16xi32>
        %eq3A_1818 = arith.cmpi eq, %add3A_37, %eq3A_1817 : vector<16xi32>
        %jit3A_1819 = arith.constant 1.000000e+09 : f32
        %broadcast_in_dim3A_1820 = vector.broadcast %jit3A_1819 : f32 to vector<16xf32>
        %select_n3A_1821 = arith.select %eq3A_1818, %broadcast_in_dim3A_1820, %add3A_1816 : vector<16xi1>, vector<16xf32>
        %lt3A_1822 = arith.cmpf olt, %select_n3A_1821, %min3A_1757 : vector<16xf32>
        %lt3A_1823 = arith.cmpf olt, %select_n3A_1821, %min3A_1753 : vector<16xf32>
        %lt3A_1824 = arith.cmpf olt, %select_n3A_1821, %min3A_1748 : vector<16xf32>
        %lt3A_1825 = arith.cmpf olt, %select_n3A_1821, %min3A_1743 : vector<16xf32>
        %lt3A_1826 = arith.cmpf olt, %select_n3A_1821, %min3A_1738 : vector<16xf32>
        %max3A_1827 = arith.maximumf %min3A_1743, %select_n3A_1821 : vector<16xf32>
        %min3A_1828 = arith.minimumf %min3A_1738, %max3A_1827 : vector<16xf32>
        %broadcast_in_dim3A_1829 = vector.broadcast %add3A_1808 : i32 to vector<16xi32>
        %select_n3A_1830 = arith.select %lt3A_1825, %select_n3A_1746, %broadcast_in_dim3A_1829 : vector<16xi1>, vector<16xi32>
        %select_n3A_1831 = arith.select %lt3A_1826, %select_n3A_1830, %select_n3A_1741 : vector<16xi1>, vector<16xi32>
        %max3A_1832 = arith.maximumf %min3A_1748, %select_n3A_1821 : vector<16xf32>
        %min3A_1833 = arith.minimumf %min3A_1743, %max3A_1832 : vector<16xf32>
        %broadcast_in_dim3A_1834 = vector.broadcast %add3A_1808 : i32 to vector<16xi32>
        %select_n3A_1835 = arith.select %lt3A_1824, %select_n3A_1751, %broadcast_in_dim3A_1834 : vector<16xi1>, vector<16xi32>
        %select_n3A_1836 = arith.select %lt3A_1825, %select_n3A_1835, %select_n3A_1746 : vector<16xi1>, vector<16xi32>
        %max3A_1837 = arith.maximumf %min3A_1753, %select_n3A_1821 : vector<16xf32>
        %min3A_1838 = arith.minimumf %min3A_1748, %max3A_1837 : vector<16xf32>
        %broadcast_in_dim3A_1839 = vector.broadcast %add3A_1808 : i32 to vector<16xi32>
        %select_n3A_1840 = arith.select %lt3A_1823, %select_n3A_1756, %broadcast_in_dim3A_1839 : vector<16xi1>, vector<16xi32>
        %select_n3A_1841 = arith.select %lt3A_1824, %select_n3A_1840, %select_n3A_1751 : vector<16xi1>, vector<16xi32>
        %max3A_1842 = arith.maximumf %min3A_1757, %select_n3A_1821 : vector<16xf32>
        %min3A_1843 = arith.minimumf %min3A_1753, %max3A_1842 : vector<16xf32>
        %broadcast_in_dim3A_1844 = vector.broadcast %add3A_1808 : i32 to vector<16xi32>
        %select_n3A_1845 = arith.select %lt3A_1822, %select_n3A_1759, %broadcast_in_dim3A_1844 : vector<16xi1>, vector<16xi32>
        %select_n3A_1846 = arith.select %lt3A_1823, %select_n3A_1845, %select_n3A_1756 : vector<16xi1>, vector<16xi32>
        %min3A_1847 = arith.minimumf %min3A_1757, %select_n3A_1821 : vector<16xf32>
        %broadcast_in_dim3A_1848 = vector.broadcast %add3A_1808 : i32 to vector<16xi32>
        %select_n3A_1849 = arith.select %lt3A_1822, %broadcast_in_dim3A_1848, %select_n3A_1759 : vector<16xi1>, vector<16xi32>
        %add3A_1850 = vector.broadcast %squeeze3A_1806 : f32 to vector<16xf32>
        %add3A_1851 = arith.addf %get3A_57, %add3A_1850 : vector<16xf32>
        %mul3A_1852 = vector.broadcast %squeeze3A_1802 : f32 to vector<16xf32>
        %mul3A_1853 = arith.mulf %mul3A_46, %mul3A_1852 : vector<16xf32>
        %mul3A_1854 = vector.broadcast %squeeze3A_1804 : f32 to vector<16xf32>
        %mul3A_1855 = arith.mulf %mul3A_53, %mul3A_1854 : vector<16xf32>
        %add3A_1856 = arith.addf %mul3A_1853, %mul3A_1855 : vector<16xf32>
        %add3A_1857 = arith.addf %add3A_1851, %add3A_1856 : vector<16xf32>
        %eq3A_1858 = vector.broadcast %add3A_1808 : i32 to vector<16xi32>
        %eq3A_1859 = arith.cmpi eq, %add3A_59, %eq3A_1858 : vector<16xi32>
        %jit3A_1860 = arith.constant 1.000000e+09 : f32
        %broadcast_in_dim3A_1861 = vector.broadcast %jit3A_1860 : f32 to vector<16xf32>
        %select_n3A_1862 = arith.select %eq3A_1859, %broadcast_in_dim3A_1861, %add3A_1857 : vector<16xi1>, vector<16xf32>
        %lt3A_1863 = arith.cmpf olt, %select_n3A_1862, %min3A_1798 : vector<16xf32>
        %lt3A_1864 = arith.cmpf olt, %select_n3A_1862, %min3A_1794 : vector<16xf32>
        %lt3A_1865 = arith.cmpf olt, %select_n3A_1862, %min3A_1789 : vector<16xf32>
        %lt3A_1866 = arith.cmpf olt, %select_n3A_1862, %min3A_1784 : vector<16xf32>
        %lt3A_1867 = arith.cmpf olt, %select_n3A_1862, %min3A_1779 : vector<16xf32>
        %max3A_1868 = arith.maximumf %min3A_1784, %select_n3A_1862 : vector<16xf32>
        %min3A_1869 = arith.minimumf %min3A_1779, %max3A_1868 : vector<16xf32>
        %broadcast_in_dim3A_1870 = vector.broadcast %add3A_1808 : i32 to vector<16xi32>
        %select_n3A_1871 = arith.select %lt3A_1866, %select_n3A_1787, %broadcast_in_dim3A_1870 : vector<16xi1>, vector<16xi32>
        %select_n3A_1872 = arith.select %lt3A_1867, %select_n3A_1871, %select_n3A_1782 : vector<16xi1>, vector<16xi32>
        %max3A_1873 = arith.maximumf %min3A_1789, %select_n3A_1862 : vector<16xf32>
        %min3A_1874 = arith.minimumf %min3A_1784, %max3A_1873 : vector<16xf32>
        %broadcast_in_dim3A_1875 = vector.broadcast %add3A_1808 : i32 to vector<16xi32>
        %select_n3A_1876 = arith.select %lt3A_1865, %select_n3A_1792, %broadcast_in_dim3A_1875 : vector<16xi1>, vector<16xi32>
        %select_n3A_1877 = arith.select %lt3A_1866, %select_n3A_1876, %select_n3A_1787 : vector<16xi1>, vector<16xi32>
        %max3A_1878 = arith.maximumf %min3A_1794, %select_n3A_1862 : vector<16xf32>
        %min3A_1879 = arith.minimumf %min3A_1789, %max3A_1878 : vector<16xf32>
        %broadcast_in_dim3A_1880 = vector.broadcast %add3A_1808 : i32 to vector<16xi32>
        %select_n3A_1881 = arith.select %lt3A_1864, %select_n3A_1797, %broadcast_in_dim3A_1880 : vector<16xi1>, vector<16xi32>
        %select_n3A_1882 = arith.select %lt3A_1865, %select_n3A_1881, %select_n3A_1792 : vector<16xi1>, vector<16xi32>
        %max3A_1883 = arith.maximumf %min3A_1798, %select_n3A_1862 : vector<16xf32>
        %min3A_1884 = arith.minimumf %min3A_1794, %max3A_1883 : vector<16xf32>
        %broadcast_in_dim3A_1885 = vector.broadcast %add3A_1808 : i32 to vector<16xi32>
        %select_n3A_1886 = arith.select %lt3A_1863, %select_n3A_1800, %broadcast_in_dim3A_1885 : vector<16xi1>, vector<16xi32>
        %select_n3A_1887 = arith.select %lt3A_1864, %select_n3A_1886, %select_n3A_1797 : vector<16xi1>, vector<16xi32>
        %min3A_1888 = arith.minimumf %min3A_1798, %select_n3A_1862 : vector<16xf32>
        %broadcast_in_dim3A_1889 = vector.broadcast %add3A_1808 : i32 to vector<16xi32>
        %select_n3A_1890 = arith.select %lt3A_1863, %broadcast_in_dim3A_1889, %select_n3A_1800 : vector<16xi1>, vector<16xi32>
        %slice3A_1891 = vector.extract_strided_slice %get3A_1612 {offsets = [3], sizes = [1], strides = [1]} : vector<16xf32> to vector<1xf32>
        %squeeze3A_1892 = vector.extract %slice3A_1891[0] : f32 from vector<1xf32>
        %slice3A_1893 = vector.extract_strided_slice %get3A_1616 {offsets = [3], sizes = [1], strides = [1]} : vector<16xf32> to vector<1xf32>
        %squeeze3A_1894 = vector.extract %slice3A_1893[0] : f32 from vector<1xf32>
        %slice3A_1895 = vector.extract_strided_slice %get3A_1620 {offsets = [3], sizes = [1], strides = [1]} : vector<16xf32> to vector<1xf32>
        %squeeze3A_1896 = vector.extract %slice3A_1895[0] : f32 from vector<1xf32>
        %add3A_1897 = arith.constant 3 : i32
        %add3A_1898 = arith.addi %mul3A_1608, %add3A_1897 : i32
        %add3A_1899 = vector.broadcast %squeeze3A_1896 : f32 to vector<16xf32>
        %add3A_1900 = arith.addf %get3A_35, %add3A_1899 : vector<16xf32>
        %mul3A_1901 = vector.broadcast %squeeze3A_1892 : f32 to vector<16xf32>
        %mul3A_1902 = arith.mulf %mul3A_24, %mul3A_1901 : vector<16xf32>
        %mul3A_1903 = vector.broadcast %squeeze3A_1894 : f32 to vector<16xf32>
        %mul3A_1904 = arith.mulf %mul3A_31, %mul3A_1903 : vector<16xf32>
        %add3A_1905 = arith.addf %mul3A_1902, %mul3A_1904 : vector<16xf32>
        %add3A_1906 = arith.addf %add3A_1900, %add3A_1905 : vector<16xf32>
        %eq3A_1907 = vector.broadcast %add3A_1898 : i32 to vector<16xi32>
        %eq3A_1908 = arith.cmpi eq, %add3A_37, %eq3A_1907 : vector<16xi32>
        %jit3A_1909 = arith.constant 1.000000e+09 : f32
        %broadcast_in_dim3A_1910 = vector.broadcast %jit3A_1909 : f32 to vector<16xf32>
        %select_n3A_1911 = arith.select %eq3A_1908, %broadcast_in_dim3A_1910, %add3A_1906 : vector<16xi1>, vector<16xf32>
        %lt3A_1912 = arith.cmpf olt, %select_n3A_1911, %min3A_1847 : vector<16xf32>
        %lt3A_1913 = arith.cmpf olt, %select_n3A_1911, %min3A_1843 : vector<16xf32>
        %lt3A_1914 = arith.cmpf olt, %select_n3A_1911, %min3A_1838 : vector<16xf32>
        %lt3A_1915 = arith.cmpf olt, %select_n3A_1911, %min3A_1833 : vector<16xf32>
        %lt3A_1916 = arith.cmpf olt, %select_n3A_1911, %min3A_1828 : vector<16xf32>
        %max3A_1917 = arith.maximumf %min3A_1833, %select_n3A_1911 : vector<16xf32>
        %min3A_1918 = arith.minimumf %min3A_1828, %max3A_1917 : vector<16xf32>
        %broadcast_in_dim3A_1919 = vector.broadcast %add3A_1898 : i32 to vector<16xi32>
        %select_n3A_1920 = arith.select %lt3A_1915, %select_n3A_1836, %broadcast_in_dim3A_1919 : vector<16xi1>, vector<16xi32>
        %select_n3A_1921 = arith.select %lt3A_1916, %select_n3A_1920, %select_n3A_1831 : vector<16xi1>, vector<16xi32>
        %max3A_1922 = arith.maximumf %min3A_1838, %select_n3A_1911 : vector<16xf32>
        %min3A_1923 = arith.minimumf %min3A_1833, %max3A_1922 : vector<16xf32>
        %broadcast_in_dim3A_1924 = vector.broadcast %add3A_1898 : i32 to vector<16xi32>
        %select_n3A_1925 = arith.select %lt3A_1914, %select_n3A_1841, %broadcast_in_dim3A_1924 : vector<16xi1>, vector<16xi32>
        %select_n3A_1926 = arith.select %lt3A_1915, %select_n3A_1925, %select_n3A_1836 : vector<16xi1>, vector<16xi32>
        %max3A_1927 = arith.maximumf %min3A_1843, %select_n3A_1911 : vector<16xf32>
        %min3A_1928 = arith.minimumf %min3A_1838, %max3A_1927 : vector<16xf32>
        %broadcast_in_dim3A_1929 = vector.broadcast %add3A_1898 : i32 to vector<16xi32>
        %select_n3A_1930 = arith.select %lt3A_1913, %select_n3A_1846, %broadcast_in_dim3A_1929 : vector<16xi1>, vector<16xi32>
        %select_n3A_1931 = arith.select %lt3A_1914, %select_n3A_1930, %select_n3A_1841 : vector<16xi1>, vector<16xi32>
        %max3A_1932 = arith.maximumf %min3A_1847, %select_n3A_1911 : vector<16xf32>
        %min3A_1933 = arith.minimumf %min3A_1843, %max3A_1932 : vector<16xf32>
        %broadcast_in_dim3A_1934 = vector.broadcast %add3A_1898 : i32 to vector<16xi32>
        %select_n3A_1935 = arith.select %lt3A_1912, %select_n3A_1849, %broadcast_in_dim3A_1934 : vector<16xi1>, vector<16xi32>
        %select_n3A_1936 = arith.select %lt3A_1913, %select_n3A_1935, %select_n3A_1846 : vector<16xi1>, vector<16xi32>
        %min3A_1937 = arith.minimumf %min3A_1847, %select_n3A_1911 : vector<16xf32>
        %broadcast_in_dim3A_1938 = vector.broadcast %add3A_1898 : i32 to vector<16xi32>
        %select_n3A_1939 = arith.select %lt3A_1912, %broadcast_in_dim3A_1938, %select_n3A_1849 : vector<16xi1>, vector<16xi32>
        %add3A_1940 = vector.broadcast %squeeze3A_1896 : f32 to vector<16xf32>
        %add3A_1941 = arith.addf %get3A_57, %add3A_1940 : vector<16xf32>
        %mul3A_1942 = vector.broadcast %squeeze3A_1892 : f32 to vector<16xf32>
        %mul3A_1943 = arith.mulf %mul3A_46, %mul3A_1942 : vector<16xf32>
        %mul3A_1944 = vector.broadcast %squeeze3A_1894 : f32 to vector<16xf32>
        %mul3A_1945 = arith.mulf %mul3A_53, %mul3A_1944 : vector<16xf32>
        %add3A_1946 = arith.addf %mul3A_1943, %mul3A_1945 : vector<16xf32>
        %add3A_1947 = arith.addf %add3A_1941, %add3A_1946 : vector<16xf32>
        %eq3A_1948 = vector.broadcast %add3A_1898 : i32 to vector<16xi32>
        %eq3A_1949 = arith.cmpi eq, %add3A_59, %eq3A_1948 : vector<16xi32>
        %jit3A_1950 = arith.constant 1.000000e+09 : f32
        %broadcast_in_dim3A_1951 = vector.broadcast %jit3A_1950 : f32 to vector<16xf32>
        %select_n3A_1952 = arith.select %eq3A_1949, %broadcast_in_dim3A_1951, %add3A_1947 : vector<16xi1>, vector<16xf32>
        %lt3A_1953 = arith.cmpf olt, %select_n3A_1952, %min3A_1888 : vector<16xf32>
        %lt3A_1954 = arith.cmpf olt, %select_n3A_1952, %min3A_1884 : vector<16xf32>
        %lt3A_1955 = arith.cmpf olt, %select_n3A_1952, %min3A_1879 : vector<16xf32>
        %lt3A_1956 = arith.cmpf olt, %select_n3A_1952, %min3A_1874 : vector<16xf32>
        %lt3A_1957 = arith.cmpf olt, %select_n3A_1952, %min3A_1869 : vector<16xf32>
        %max3A_1958 = arith.maximumf %min3A_1874, %select_n3A_1952 : vector<16xf32>
        %min3A_1959 = arith.minimumf %min3A_1869, %max3A_1958 : vector<16xf32>
        %broadcast_in_dim3A_1960 = vector.broadcast %add3A_1898 : i32 to vector<16xi32>
        %select_n3A_1961 = arith.select %lt3A_1956, %select_n3A_1877, %broadcast_in_dim3A_1960 : vector<16xi1>, vector<16xi32>
        %select_n3A_1962 = arith.select %lt3A_1957, %select_n3A_1961, %select_n3A_1872 : vector<16xi1>, vector<16xi32>
        %max3A_1963 = arith.maximumf %min3A_1879, %select_n3A_1952 : vector<16xf32>
        %min3A_1964 = arith.minimumf %min3A_1874, %max3A_1963 : vector<16xf32>
        %broadcast_in_dim3A_1965 = vector.broadcast %add3A_1898 : i32 to vector<16xi32>
        %select_n3A_1966 = arith.select %lt3A_1955, %select_n3A_1882, %broadcast_in_dim3A_1965 : vector<16xi1>, vector<16xi32>
        %select_n3A_1967 = arith.select %lt3A_1956, %select_n3A_1966, %select_n3A_1877 : vector<16xi1>, vector<16xi32>
        %max3A_1968 = arith.maximumf %min3A_1884, %select_n3A_1952 : vector<16xf32>
        %min3A_1969 = arith.minimumf %min3A_1879, %max3A_1968 : vector<16xf32>
        %broadcast_in_dim3A_1970 = vector.broadcast %add3A_1898 : i32 to vector<16xi32>
        %select_n3A_1971 = arith.select %lt3A_1954, %select_n3A_1887, %broadcast_in_dim3A_1970 : vector<16xi1>, vector<16xi32>
        %select_n3A_1972 = arith.select %lt3A_1955, %select_n3A_1971, %select_n3A_1882 : vector<16xi1>, vector<16xi32>
        %max3A_1973 = arith.maximumf %min3A_1888, %select_n3A_1952 : vector<16xf32>
        %min3A_1974 = arith.minimumf %min3A_1884, %max3A_1973 : vector<16xf32>
        %broadcast_in_dim3A_1975 = vector.broadcast %add3A_1898 : i32 to vector<16xi32>
        %select_n3A_1976 = arith.select %lt3A_1953, %select_n3A_1890, %broadcast_in_dim3A_1975 : vector<16xi1>, vector<16xi32>
        %select_n3A_1977 = arith.select %lt3A_1954, %select_n3A_1976, %select_n3A_1887 : vector<16xi1>, vector<16xi32>
        %min3A_1978 = arith.minimumf %min3A_1888, %select_n3A_1952 : vector<16xf32>
        %broadcast_in_dim3A_1979 = vector.broadcast %add3A_1898 : i32 to vector<16xi32>
        %select_n3A_1980 = arith.select %lt3A_1953, %broadcast_in_dim3A_1979, %select_n3A_1890 : vector<16xi1>, vector<16xi32>
        %slice3A_1981 = vector.extract_strided_slice %get3A_1612 {offsets = [4], sizes = [1], strides = [1]} : vector<16xf32> to vector<1xf32>
        %squeeze3A_1982 = vector.extract %slice3A_1981[0] : f32 from vector<1xf32>
        %slice3A_1983 = vector.extract_strided_slice %get3A_1616 {offsets = [4], sizes = [1], strides = [1]} : vector<16xf32> to vector<1xf32>
        %squeeze3A_1984 = vector.extract %slice3A_1983[0] : f32 from vector<1xf32>
        %slice3A_1985 = vector.extract_strided_slice %get3A_1620 {offsets = [4], sizes = [1], strides = [1]} : vector<16xf32> to vector<1xf32>
        %squeeze3A_1986 = vector.extract %slice3A_1985[0] : f32 from vector<1xf32>
        %add3A_1987 = arith.constant 4 : i32
        %add3A_1988 = arith.addi %mul3A_1608, %add3A_1987 : i32
        %add3A_1989 = vector.broadcast %squeeze3A_1986 : f32 to vector<16xf32>
        %add3A_1990 = arith.addf %get3A_35, %add3A_1989 : vector<16xf32>
        %mul3A_1991 = vector.broadcast %squeeze3A_1982 : f32 to vector<16xf32>
        %mul3A_1992 = arith.mulf %mul3A_24, %mul3A_1991 : vector<16xf32>
        %mul3A_1993 = vector.broadcast %squeeze3A_1984 : f32 to vector<16xf32>
        %mul3A_1994 = arith.mulf %mul3A_31, %mul3A_1993 : vector<16xf32>
        %add3A_1995 = arith.addf %mul3A_1992, %mul3A_1994 : vector<16xf32>
        %add3A_1996 = arith.addf %add3A_1990, %add3A_1995 : vector<16xf32>
        %eq3A_1997 = vector.broadcast %add3A_1988 : i32 to vector<16xi32>
        %eq3A_1998 = arith.cmpi eq, %add3A_37, %eq3A_1997 : vector<16xi32>
        %jit3A_1999 = arith.constant 1.000000e+09 : f32
        %broadcast_in_dim3A_2000 = vector.broadcast %jit3A_1999 : f32 to vector<16xf32>
        %select_n3A_2001 = arith.select %eq3A_1998, %broadcast_in_dim3A_2000, %add3A_1996 : vector<16xi1>, vector<16xf32>
        %lt3A_2002 = arith.cmpf olt, %select_n3A_2001, %min3A_1937 : vector<16xf32>
        %lt3A_2003 = arith.cmpf olt, %select_n3A_2001, %min3A_1933 : vector<16xf32>
        %lt3A_2004 = arith.cmpf olt, %select_n3A_2001, %min3A_1928 : vector<16xf32>
        %lt3A_2005 = arith.cmpf olt, %select_n3A_2001, %min3A_1923 : vector<16xf32>
        %lt3A_2006 = arith.cmpf olt, %select_n3A_2001, %min3A_1918 : vector<16xf32>
        %max3A_2007 = arith.maximumf %min3A_1923, %select_n3A_2001 : vector<16xf32>
        %min3A_2008 = arith.minimumf %min3A_1918, %max3A_2007 : vector<16xf32>
        %broadcast_in_dim3A_2009 = vector.broadcast %add3A_1988 : i32 to vector<16xi32>
        %select_n3A_2010 = arith.select %lt3A_2005, %select_n3A_1926, %broadcast_in_dim3A_2009 : vector<16xi1>, vector<16xi32>
        %select_n3A_2011 = arith.select %lt3A_2006, %select_n3A_2010, %select_n3A_1921 : vector<16xi1>, vector<16xi32>
        %max3A_2012 = arith.maximumf %min3A_1928, %select_n3A_2001 : vector<16xf32>
        %min3A_2013 = arith.minimumf %min3A_1923, %max3A_2012 : vector<16xf32>
        %broadcast_in_dim3A_2014 = vector.broadcast %add3A_1988 : i32 to vector<16xi32>
        %select_n3A_2015 = arith.select %lt3A_2004, %select_n3A_1931, %broadcast_in_dim3A_2014 : vector<16xi1>, vector<16xi32>
        %select_n3A_2016 = arith.select %lt3A_2005, %select_n3A_2015, %select_n3A_1926 : vector<16xi1>, vector<16xi32>
        %max3A_2017 = arith.maximumf %min3A_1933, %select_n3A_2001 : vector<16xf32>
        %min3A_2018 = arith.minimumf %min3A_1928, %max3A_2017 : vector<16xf32>
        %broadcast_in_dim3A_2019 = vector.broadcast %add3A_1988 : i32 to vector<16xi32>
        %select_n3A_2020 = arith.select %lt3A_2003, %select_n3A_1936, %broadcast_in_dim3A_2019 : vector<16xi1>, vector<16xi32>
        %select_n3A_2021 = arith.select %lt3A_2004, %select_n3A_2020, %select_n3A_1931 : vector<16xi1>, vector<16xi32>
        %max3A_2022 = arith.maximumf %min3A_1937, %select_n3A_2001 : vector<16xf32>
        %min3A_2023 = arith.minimumf %min3A_1933, %max3A_2022 : vector<16xf32>
        %broadcast_in_dim3A_2024 = vector.broadcast %add3A_1988 : i32 to vector<16xi32>
        %select_n3A_2025 = arith.select %lt3A_2002, %select_n3A_1939, %broadcast_in_dim3A_2024 : vector<16xi1>, vector<16xi32>
        %select_n3A_2026 = arith.select %lt3A_2003, %select_n3A_2025, %select_n3A_1936 : vector<16xi1>, vector<16xi32>
        %min3A_2027 = arith.minimumf %min3A_1937, %select_n3A_2001 : vector<16xf32>
        %broadcast_in_dim3A_2028 = vector.broadcast %add3A_1988 : i32 to vector<16xi32>
        %select_n3A_2029 = arith.select %lt3A_2002, %broadcast_in_dim3A_2028, %select_n3A_1939 : vector<16xi1>, vector<16xi32>
        %add3A_2030 = vector.broadcast %squeeze3A_1986 : f32 to vector<16xf32>
        %add3A_2031 = arith.addf %get3A_57, %add3A_2030 : vector<16xf32>
        %mul3A_2032 = vector.broadcast %squeeze3A_1982 : f32 to vector<16xf32>
        %mul3A_2033 = arith.mulf %mul3A_46, %mul3A_2032 : vector<16xf32>
        %mul3A_2034 = vector.broadcast %squeeze3A_1984 : f32 to vector<16xf32>
        %mul3A_2035 = arith.mulf %mul3A_53, %mul3A_2034 : vector<16xf32>
        %add3A_2036 = arith.addf %mul3A_2033, %mul3A_2035 : vector<16xf32>
        %add3A_2037 = arith.addf %add3A_2031, %add3A_2036 : vector<16xf32>
        %eq3A_2038 = vector.broadcast %add3A_1988 : i32 to vector<16xi32>
        %eq3A_2039 = arith.cmpi eq, %add3A_59, %eq3A_2038 : vector<16xi32>
        %jit3A_2040 = arith.constant 1.000000e+09 : f32
        %broadcast_in_dim3A_2041 = vector.broadcast %jit3A_2040 : f32 to vector<16xf32>
        %select_n3A_2042 = arith.select %eq3A_2039, %broadcast_in_dim3A_2041, %add3A_2037 : vector<16xi1>, vector<16xf32>
        %lt3A_2043 = arith.cmpf olt, %select_n3A_2042, %min3A_1978 : vector<16xf32>
        %lt3A_2044 = arith.cmpf olt, %select_n3A_2042, %min3A_1974 : vector<16xf32>
        %lt3A_2045 = arith.cmpf olt, %select_n3A_2042, %min3A_1969 : vector<16xf32>
        %lt3A_2046 = arith.cmpf olt, %select_n3A_2042, %min3A_1964 : vector<16xf32>
        %lt3A_2047 = arith.cmpf olt, %select_n3A_2042, %min3A_1959 : vector<16xf32>
        %max3A_2048 = arith.maximumf %min3A_1964, %select_n3A_2042 : vector<16xf32>
        %min3A_2049 = arith.minimumf %min3A_1959, %max3A_2048 : vector<16xf32>
        %broadcast_in_dim3A_2050 = vector.broadcast %add3A_1988 : i32 to vector<16xi32>
        %select_n3A_2051 = arith.select %lt3A_2046, %select_n3A_1967, %broadcast_in_dim3A_2050 : vector<16xi1>, vector<16xi32>
        %select_n3A_2052 = arith.select %lt3A_2047, %select_n3A_2051, %select_n3A_1962 : vector<16xi1>, vector<16xi32>
        %max3A_2053 = arith.maximumf %min3A_1969, %select_n3A_2042 : vector<16xf32>
        %min3A_2054 = arith.minimumf %min3A_1964, %max3A_2053 : vector<16xf32>
        %broadcast_in_dim3A_2055 = vector.broadcast %add3A_1988 : i32 to vector<16xi32>
        %select_n3A_2056 = arith.select %lt3A_2045, %select_n3A_1972, %broadcast_in_dim3A_2055 : vector<16xi1>, vector<16xi32>
        %select_n3A_2057 = arith.select %lt3A_2046, %select_n3A_2056, %select_n3A_1967 : vector<16xi1>, vector<16xi32>
        %max3A_2058 = arith.maximumf %min3A_1974, %select_n3A_2042 : vector<16xf32>
        %min3A_2059 = arith.minimumf %min3A_1969, %max3A_2058 : vector<16xf32>
        %broadcast_in_dim3A_2060 = vector.broadcast %add3A_1988 : i32 to vector<16xi32>
        %select_n3A_2061 = arith.select %lt3A_2044, %select_n3A_1977, %broadcast_in_dim3A_2060 : vector<16xi1>, vector<16xi32>
        %select_n3A_2062 = arith.select %lt3A_2045, %select_n3A_2061, %select_n3A_1972 : vector<16xi1>, vector<16xi32>
        %max3A_2063 = arith.maximumf %min3A_1978, %select_n3A_2042 : vector<16xf32>
        %min3A_2064 = arith.minimumf %min3A_1974, %max3A_2063 : vector<16xf32>
        %broadcast_in_dim3A_2065 = vector.broadcast %add3A_1988 : i32 to vector<16xi32>
        %select_n3A_2066 = arith.select %lt3A_2043, %select_n3A_1980, %broadcast_in_dim3A_2065 : vector<16xi1>, vector<16xi32>
        %select_n3A_2067 = arith.select %lt3A_2044, %select_n3A_2066, %select_n3A_1977 : vector<16xi1>, vector<16xi32>
        %min3A_2068 = arith.minimumf %min3A_1978, %select_n3A_2042 : vector<16xf32>
        %broadcast_in_dim3A_2069 = vector.broadcast %add3A_1988 : i32 to vector<16xi32>
        %select_n3A_2070 = arith.select %lt3A_2043, %broadcast_in_dim3A_2069, %select_n3A_1980 : vector<16xi1>, vector<16xi32>
        %slice3A_2071 = vector.extract_strided_slice %get3A_1612 {offsets = [5], sizes = [1], strides = [1]} : vector<16xf32> to vector<1xf32>
        %squeeze3A_2072 = vector.extract %slice3A_2071[0] : f32 from vector<1xf32>
        %slice3A_2073 = vector.extract_strided_slice %get3A_1616 {offsets = [5], sizes = [1], strides = [1]} : vector<16xf32> to vector<1xf32>
        %squeeze3A_2074 = vector.extract %slice3A_2073[0] : f32 from vector<1xf32>
        %slice3A_2075 = vector.extract_strided_slice %get3A_1620 {offsets = [5], sizes = [1], strides = [1]} : vector<16xf32> to vector<1xf32>
        %squeeze3A_2076 = vector.extract %slice3A_2075[0] : f32 from vector<1xf32>
        %add3A_2077 = arith.constant 5 : i32
        %add3A_2078 = arith.addi %mul3A_1608, %add3A_2077 : i32
        %add3A_2079 = vector.broadcast %squeeze3A_2076 : f32 to vector<16xf32>
        %add3A_2080 = arith.addf %get3A_35, %add3A_2079 : vector<16xf32>
        %mul3A_2081 = vector.broadcast %squeeze3A_2072 : f32 to vector<16xf32>
        %mul3A_2082 = arith.mulf %mul3A_24, %mul3A_2081 : vector<16xf32>
        %mul3A_2083 = vector.broadcast %squeeze3A_2074 : f32 to vector<16xf32>
        %mul3A_2084 = arith.mulf %mul3A_31, %mul3A_2083 : vector<16xf32>
        %add3A_2085 = arith.addf %mul3A_2082, %mul3A_2084 : vector<16xf32>
        %add3A_2086 = arith.addf %add3A_2080, %add3A_2085 : vector<16xf32>
        %eq3A_2087 = vector.broadcast %add3A_2078 : i32 to vector<16xi32>
        %eq3A_2088 = arith.cmpi eq, %add3A_37, %eq3A_2087 : vector<16xi32>
        %jit3A_2089 = arith.constant 1.000000e+09 : f32
        %broadcast_in_dim3A_2090 = vector.broadcast %jit3A_2089 : f32 to vector<16xf32>
        %select_n3A_2091 = arith.select %eq3A_2088, %broadcast_in_dim3A_2090, %add3A_2086 : vector<16xi1>, vector<16xf32>
        %lt3A_2092 = arith.cmpf olt, %select_n3A_2091, %min3A_2027 : vector<16xf32>
        %lt3A_2093 = arith.cmpf olt, %select_n3A_2091, %min3A_2023 : vector<16xf32>
        %lt3A_2094 = arith.cmpf olt, %select_n3A_2091, %min3A_2018 : vector<16xf32>
        %lt3A_2095 = arith.cmpf olt, %select_n3A_2091, %min3A_2013 : vector<16xf32>
        %lt3A_2096 = arith.cmpf olt, %select_n3A_2091, %min3A_2008 : vector<16xf32>
        %max3A_2097 = arith.maximumf %min3A_2013, %select_n3A_2091 : vector<16xf32>
        %min3A_2098 = arith.minimumf %min3A_2008, %max3A_2097 : vector<16xf32>
        %broadcast_in_dim3A_2099 = vector.broadcast %add3A_2078 : i32 to vector<16xi32>
        %select_n3A_2100 = arith.select %lt3A_2095, %select_n3A_2016, %broadcast_in_dim3A_2099 : vector<16xi1>, vector<16xi32>
        %select_n3A_2101 = arith.select %lt3A_2096, %select_n3A_2100, %select_n3A_2011 : vector<16xi1>, vector<16xi32>
        %max3A_2102 = arith.maximumf %min3A_2018, %select_n3A_2091 : vector<16xf32>
        %min3A_2103 = arith.minimumf %min3A_2013, %max3A_2102 : vector<16xf32>
        %broadcast_in_dim3A_2104 = vector.broadcast %add3A_2078 : i32 to vector<16xi32>
        %select_n3A_2105 = arith.select %lt3A_2094, %select_n3A_2021, %broadcast_in_dim3A_2104 : vector<16xi1>, vector<16xi32>
        %select_n3A_2106 = arith.select %lt3A_2095, %select_n3A_2105, %select_n3A_2016 : vector<16xi1>, vector<16xi32>
        %max3A_2107 = arith.maximumf %min3A_2023, %select_n3A_2091 : vector<16xf32>
        %min3A_2108 = arith.minimumf %min3A_2018, %max3A_2107 : vector<16xf32>
        %broadcast_in_dim3A_2109 = vector.broadcast %add3A_2078 : i32 to vector<16xi32>
        %select_n3A_2110 = arith.select %lt3A_2093, %select_n3A_2026, %broadcast_in_dim3A_2109 : vector<16xi1>, vector<16xi32>
        %select_n3A_2111 = arith.select %lt3A_2094, %select_n3A_2110, %select_n3A_2021 : vector<16xi1>, vector<16xi32>
        %max3A_2112 = arith.maximumf %min3A_2027, %select_n3A_2091 : vector<16xf32>
        %min3A_2113 = arith.minimumf %min3A_2023, %max3A_2112 : vector<16xf32>
        %broadcast_in_dim3A_2114 = vector.broadcast %add3A_2078 : i32 to vector<16xi32>
        %select_n3A_2115 = arith.select %lt3A_2092, %select_n3A_2029, %broadcast_in_dim3A_2114 : vector<16xi1>, vector<16xi32>
        %select_n3A_2116 = arith.select %lt3A_2093, %select_n3A_2115, %select_n3A_2026 : vector<16xi1>, vector<16xi32>
        %min3A_2117 = arith.minimumf %min3A_2027, %select_n3A_2091 : vector<16xf32>
        %broadcast_in_dim3A_2118 = vector.broadcast %add3A_2078 : i32 to vector<16xi32>
        %select_n3A_2119 = arith.select %lt3A_2092, %broadcast_in_dim3A_2118, %select_n3A_2029 : vector<16xi1>, vector<16xi32>
        %add3A_2120 = vector.broadcast %squeeze3A_2076 : f32 to vector<16xf32>
        %add3A_2121 = arith.addf %get3A_57, %add3A_2120 : vector<16xf32>
        %mul3A_2122 = vector.broadcast %squeeze3A_2072 : f32 to vector<16xf32>
        %mul3A_2123 = arith.mulf %mul3A_46, %mul3A_2122 : vector<16xf32>
        %mul3A_2124 = vector.broadcast %squeeze3A_2074 : f32 to vector<16xf32>
        %mul3A_2125 = arith.mulf %mul3A_53, %mul3A_2124 : vector<16xf32>
        %add3A_2126 = arith.addf %mul3A_2123, %mul3A_2125 : vector<16xf32>
        %add3A_2127 = arith.addf %add3A_2121, %add3A_2126 : vector<16xf32>
        %eq3A_2128 = vector.broadcast %add3A_2078 : i32 to vector<16xi32>
        %eq3A_2129 = arith.cmpi eq, %add3A_59, %eq3A_2128 : vector<16xi32>
        %jit3A_2130 = arith.constant 1.000000e+09 : f32
        %broadcast_in_dim3A_2131 = vector.broadcast %jit3A_2130 : f32 to vector<16xf32>
        %select_n3A_2132 = arith.select %eq3A_2129, %broadcast_in_dim3A_2131, %add3A_2127 : vector<16xi1>, vector<16xf32>
        %lt3A_2133 = arith.cmpf olt, %select_n3A_2132, %min3A_2068 : vector<16xf32>
        %lt3A_2134 = arith.cmpf olt, %select_n3A_2132, %min3A_2064 : vector<16xf32>
        %lt3A_2135 = arith.cmpf olt, %select_n3A_2132, %min3A_2059 : vector<16xf32>
        %lt3A_2136 = arith.cmpf olt, %select_n3A_2132, %min3A_2054 : vector<16xf32>
        %lt3A_2137 = arith.cmpf olt, %select_n3A_2132, %min3A_2049 : vector<16xf32>
        %max3A_2138 = arith.maximumf %min3A_2054, %select_n3A_2132 : vector<16xf32>
        %min3A_2139 = arith.minimumf %min3A_2049, %max3A_2138 : vector<16xf32>
        %broadcast_in_dim3A_2140 = vector.broadcast %add3A_2078 : i32 to vector<16xi32>
        %select_n3A_2141 = arith.select %lt3A_2136, %select_n3A_2057, %broadcast_in_dim3A_2140 : vector<16xi1>, vector<16xi32>
        %select_n3A_2142 = arith.select %lt3A_2137, %select_n3A_2141, %select_n3A_2052 : vector<16xi1>, vector<16xi32>
        %max3A_2143 = arith.maximumf %min3A_2059, %select_n3A_2132 : vector<16xf32>
        %min3A_2144 = arith.minimumf %min3A_2054, %max3A_2143 : vector<16xf32>
        %broadcast_in_dim3A_2145 = vector.broadcast %add3A_2078 : i32 to vector<16xi32>
        %select_n3A_2146 = arith.select %lt3A_2135, %select_n3A_2062, %broadcast_in_dim3A_2145 : vector<16xi1>, vector<16xi32>
        %select_n3A_2147 = arith.select %lt3A_2136, %select_n3A_2146, %select_n3A_2057 : vector<16xi1>, vector<16xi32>
        %max3A_2148 = arith.maximumf %min3A_2064, %select_n3A_2132 : vector<16xf32>
        %min3A_2149 = arith.minimumf %min3A_2059, %max3A_2148 : vector<16xf32>
        %broadcast_in_dim3A_2150 = vector.broadcast %add3A_2078 : i32 to vector<16xi32>
        %select_n3A_2151 = arith.select %lt3A_2134, %select_n3A_2067, %broadcast_in_dim3A_2150 : vector<16xi1>, vector<16xi32>
        %select_n3A_2152 = arith.select %lt3A_2135, %select_n3A_2151, %select_n3A_2062 : vector<16xi1>, vector<16xi32>
        %max3A_2153 = arith.maximumf %min3A_2068, %select_n3A_2132 : vector<16xf32>
        %min3A_2154 = arith.minimumf %min3A_2064, %max3A_2153 : vector<16xf32>
        %broadcast_in_dim3A_2155 = vector.broadcast %add3A_2078 : i32 to vector<16xi32>
        %select_n3A_2156 = arith.select %lt3A_2133, %select_n3A_2070, %broadcast_in_dim3A_2155 : vector<16xi1>, vector<16xi32>
        %select_n3A_2157 = arith.select %lt3A_2134, %select_n3A_2156, %select_n3A_2067 : vector<16xi1>, vector<16xi32>
        %min3A_2158 = arith.minimumf %min3A_2068, %select_n3A_2132 : vector<16xf32>
        %broadcast_in_dim3A_2159 = vector.broadcast %add3A_2078 : i32 to vector<16xi32>
        %select_n3A_2160 = arith.select %lt3A_2133, %broadcast_in_dim3A_2159, %select_n3A_2070 : vector<16xi1>, vector<16xi32>
        %slice3A_2161 = vector.extract_strided_slice %get3A_1612 {offsets = [6], sizes = [1], strides = [1]} : vector<16xf32> to vector<1xf32>
        %squeeze3A_2162 = vector.extract %slice3A_2161[0] : f32 from vector<1xf32>
        %slice3A_2163 = vector.extract_strided_slice %get3A_1616 {offsets = [6], sizes = [1], strides = [1]} : vector<16xf32> to vector<1xf32>
        %squeeze3A_2164 = vector.extract %slice3A_2163[0] : f32 from vector<1xf32>
        %slice3A_2165 = vector.extract_strided_slice %get3A_1620 {offsets = [6], sizes = [1], strides = [1]} : vector<16xf32> to vector<1xf32>
        %squeeze3A_2166 = vector.extract %slice3A_2165[0] : f32 from vector<1xf32>
        %add3A_2167 = arith.constant 6 : i32
        %add3A_2168 = arith.addi %mul3A_1608, %add3A_2167 : i32
        %add3A_2169 = vector.broadcast %squeeze3A_2166 : f32 to vector<16xf32>
        %add3A_2170 = arith.addf %get3A_35, %add3A_2169 : vector<16xf32>
        %mul3A_2171 = vector.broadcast %squeeze3A_2162 : f32 to vector<16xf32>
        %mul3A_2172 = arith.mulf %mul3A_24, %mul3A_2171 : vector<16xf32>
        %mul3A_2173 = vector.broadcast %squeeze3A_2164 : f32 to vector<16xf32>
        %mul3A_2174 = arith.mulf %mul3A_31, %mul3A_2173 : vector<16xf32>
        %add3A_2175 = arith.addf %mul3A_2172, %mul3A_2174 : vector<16xf32>
        %add3A_2176 = arith.addf %add3A_2170, %add3A_2175 : vector<16xf32>
        %eq3A_2177 = vector.broadcast %add3A_2168 : i32 to vector<16xi32>
        %eq3A_2178 = arith.cmpi eq, %add3A_37, %eq3A_2177 : vector<16xi32>
        %jit3A_2179 = arith.constant 1.000000e+09 : f32
        %broadcast_in_dim3A_2180 = vector.broadcast %jit3A_2179 : f32 to vector<16xf32>
        %select_n3A_2181 = arith.select %eq3A_2178, %broadcast_in_dim3A_2180, %add3A_2176 : vector<16xi1>, vector<16xf32>
        %lt3A_2182 = arith.cmpf olt, %select_n3A_2181, %min3A_2117 : vector<16xf32>
        %lt3A_2183 = arith.cmpf olt, %select_n3A_2181, %min3A_2113 : vector<16xf32>
        %lt3A_2184 = arith.cmpf olt, %select_n3A_2181, %min3A_2108 : vector<16xf32>
        %lt3A_2185 = arith.cmpf olt, %select_n3A_2181, %min3A_2103 : vector<16xf32>
        %lt3A_2186 = arith.cmpf olt, %select_n3A_2181, %min3A_2098 : vector<16xf32>
        %max3A_2187 = arith.maximumf %min3A_2103, %select_n3A_2181 : vector<16xf32>
        %min3A_2188 = arith.minimumf %min3A_2098, %max3A_2187 : vector<16xf32>
        %broadcast_in_dim3A_2189 = vector.broadcast %add3A_2168 : i32 to vector<16xi32>
        %select_n3A_2190 = arith.select %lt3A_2185, %select_n3A_2106, %broadcast_in_dim3A_2189 : vector<16xi1>, vector<16xi32>
        %select_n3A_2191 = arith.select %lt3A_2186, %select_n3A_2190, %select_n3A_2101 : vector<16xi1>, vector<16xi32>
        %max3A_2192 = arith.maximumf %min3A_2108, %select_n3A_2181 : vector<16xf32>
        %min3A_2193 = arith.minimumf %min3A_2103, %max3A_2192 : vector<16xf32>
        %broadcast_in_dim3A_2194 = vector.broadcast %add3A_2168 : i32 to vector<16xi32>
        %select_n3A_2195 = arith.select %lt3A_2184, %select_n3A_2111, %broadcast_in_dim3A_2194 : vector<16xi1>, vector<16xi32>
        %select_n3A_2196 = arith.select %lt3A_2185, %select_n3A_2195, %select_n3A_2106 : vector<16xi1>, vector<16xi32>
        %max3A_2197 = arith.maximumf %min3A_2113, %select_n3A_2181 : vector<16xf32>
        %min3A_2198 = arith.minimumf %min3A_2108, %max3A_2197 : vector<16xf32>
        %broadcast_in_dim3A_2199 = vector.broadcast %add3A_2168 : i32 to vector<16xi32>
        %select_n3A_2200 = arith.select %lt3A_2183, %select_n3A_2116, %broadcast_in_dim3A_2199 : vector<16xi1>, vector<16xi32>
        %select_n3A_2201 = arith.select %lt3A_2184, %select_n3A_2200, %select_n3A_2111 : vector<16xi1>, vector<16xi32>
        %max3A_2202 = arith.maximumf %min3A_2117, %select_n3A_2181 : vector<16xf32>
        %min3A_2203 = arith.minimumf %min3A_2113, %max3A_2202 : vector<16xf32>
        %broadcast_in_dim3A_2204 = vector.broadcast %add3A_2168 : i32 to vector<16xi32>
        %select_n3A_2205 = arith.select %lt3A_2182, %select_n3A_2119, %broadcast_in_dim3A_2204 : vector<16xi1>, vector<16xi32>
        %select_n3A_2206 = arith.select %lt3A_2183, %select_n3A_2205, %select_n3A_2116 : vector<16xi1>, vector<16xi32>
        %min3A_2207 = arith.minimumf %min3A_2117, %select_n3A_2181 : vector<16xf32>
        %broadcast_in_dim3A_2208 = vector.broadcast %add3A_2168 : i32 to vector<16xi32>
        %select_n3A_2209 = arith.select %lt3A_2182, %broadcast_in_dim3A_2208, %select_n3A_2119 : vector<16xi1>, vector<16xi32>
        %add3A_2210 = vector.broadcast %squeeze3A_2166 : f32 to vector<16xf32>
        %add3A_2211 = arith.addf %get3A_57, %add3A_2210 : vector<16xf32>
        %mul3A_2212 = vector.broadcast %squeeze3A_2162 : f32 to vector<16xf32>
        %mul3A_2213 = arith.mulf %mul3A_46, %mul3A_2212 : vector<16xf32>
        %mul3A_2214 = vector.broadcast %squeeze3A_2164 : f32 to vector<16xf32>
        %mul3A_2215 = arith.mulf %mul3A_53, %mul3A_2214 : vector<16xf32>
        %add3A_2216 = arith.addf %mul3A_2213, %mul3A_2215 : vector<16xf32>
        %add3A_2217 = arith.addf %add3A_2211, %add3A_2216 : vector<16xf32>
        %eq3A_2218 = vector.broadcast %add3A_2168 : i32 to vector<16xi32>
        %eq3A_2219 = arith.cmpi eq, %add3A_59, %eq3A_2218 : vector<16xi32>
        %jit3A_2220 = arith.constant 1.000000e+09 : f32
        %broadcast_in_dim3A_2221 = vector.broadcast %jit3A_2220 : f32 to vector<16xf32>
        %select_n3A_2222 = arith.select %eq3A_2219, %broadcast_in_dim3A_2221, %add3A_2217 : vector<16xi1>, vector<16xf32>
        %lt3A_2223 = arith.cmpf olt, %select_n3A_2222, %min3A_2158 : vector<16xf32>
        %lt3A_2224 = arith.cmpf olt, %select_n3A_2222, %min3A_2154 : vector<16xf32>
        %lt3A_2225 = arith.cmpf olt, %select_n3A_2222, %min3A_2149 : vector<16xf32>
        %lt3A_2226 = arith.cmpf olt, %select_n3A_2222, %min3A_2144 : vector<16xf32>
        %lt3A_2227 = arith.cmpf olt, %select_n3A_2222, %min3A_2139 : vector<16xf32>
        %max3A_2228 = arith.maximumf %min3A_2144, %select_n3A_2222 : vector<16xf32>
        %min3A_2229 = arith.minimumf %min3A_2139, %max3A_2228 : vector<16xf32>
        %broadcast_in_dim3A_2230 = vector.broadcast %add3A_2168 : i32 to vector<16xi32>
        %select_n3A_2231 = arith.select %lt3A_2226, %select_n3A_2147, %broadcast_in_dim3A_2230 : vector<16xi1>, vector<16xi32>
        %select_n3A_2232 = arith.select %lt3A_2227, %select_n3A_2231, %select_n3A_2142 : vector<16xi1>, vector<16xi32>
        %max3A_2233 = arith.maximumf %min3A_2149, %select_n3A_2222 : vector<16xf32>
        %min3A_2234 = arith.minimumf %min3A_2144, %max3A_2233 : vector<16xf32>
        %broadcast_in_dim3A_2235 = vector.broadcast %add3A_2168 : i32 to vector<16xi32>
        %select_n3A_2236 = arith.select %lt3A_2225, %select_n3A_2152, %broadcast_in_dim3A_2235 : vector<16xi1>, vector<16xi32>
        %select_n3A_2237 = arith.select %lt3A_2226, %select_n3A_2236, %select_n3A_2147 : vector<16xi1>, vector<16xi32>
        %max3A_2238 = arith.maximumf %min3A_2154, %select_n3A_2222 : vector<16xf32>
        %min3A_2239 = arith.minimumf %min3A_2149, %max3A_2238 : vector<16xf32>
        %broadcast_in_dim3A_2240 = vector.broadcast %add3A_2168 : i32 to vector<16xi32>
        %select_n3A_2241 = arith.select %lt3A_2224, %select_n3A_2157, %broadcast_in_dim3A_2240 : vector<16xi1>, vector<16xi32>
        %select_n3A_2242 = arith.select %lt3A_2225, %select_n3A_2241, %select_n3A_2152 : vector<16xi1>, vector<16xi32>
        %max3A_2243 = arith.maximumf %min3A_2158, %select_n3A_2222 : vector<16xf32>
        %min3A_2244 = arith.minimumf %min3A_2154, %max3A_2243 : vector<16xf32>
        %broadcast_in_dim3A_2245 = vector.broadcast %add3A_2168 : i32 to vector<16xi32>
        %select_n3A_2246 = arith.select %lt3A_2223, %select_n3A_2160, %broadcast_in_dim3A_2245 : vector<16xi1>, vector<16xi32>
        %select_n3A_2247 = arith.select %lt3A_2224, %select_n3A_2246, %select_n3A_2157 : vector<16xi1>, vector<16xi32>
        %min3A_2248 = arith.minimumf %min3A_2158, %select_n3A_2222 : vector<16xf32>
        %broadcast_in_dim3A_2249 = vector.broadcast %add3A_2168 : i32 to vector<16xi32>
        %select_n3A_2250 = arith.select %lt3A_2223, %broadcast_in_dim3A_2249, %select_n3A_2160 : vector<16xi1>, vector<16xi32>
        %slice3A_2251 = vector.extract_strided_slice %get3A_1612 {offsets = [7], sizes = [1], strides = [1]} : vector<16xf32> to vector<1xf32>
        %squeeze3A_2252 = vector.extract %slice3A_2251[0] : f32 from vector<1xf32>
        %slice3A_2253 = vector.extract_strided_slice %get3A_1616 {offsets = [7], sizes = [1], strides = [1]} : vector<16xf32> to vector<1xf32>
        %squeeze3A_2254 = vector.extract %slice3A_2253[0] : f32 from vector<1xf32>
        %slice3A_2255 = vector.extract_strided_slice %get3A_1620 {offsets = [7], sizes = [1], strides = [1]} : vector<16xf32> to vector<1xf32>
        %squeeze3A_2256 = vector.extract %slice3A_2255[0] : f32 from vector<1xf32>
        %add3A_2257 = arith.constant 7 : i32
        %add3A_2258 = arith.addi %mul3A_1608, %add3A_2257 : i32
        %add3A_2259 = vector.broadcast %squeeze3A_2256 : f32 to vector<16xf32>
        %add3A_2260 = arith.addf %get3A_35, %add3A_2259 : vector<16xf32>
        %mul3A_2261 = vector.broadcast %squeeze3A_2252 : f32 to vector<16xf32>
        %mul3A_2262 = arith.mulf %mul3A_24, %mul3A_2261 : vector<16xf32>
        %mul3A_2263 = vector.broadcast %squeeze3A_2254 : f32 to vector<16xf32>
        %mul3A_2264 = arith.mulf %mul3A_31, %mul3A_2263 : vector<16xf32>
        %add3A_2265 = arith.addf %mul3A_2262, %mul3A_2264 : vector<16xf32>
        %add3A_2266 = arith.addf %add3A_2260, %add3A_2265 : vector<16xf32>
        %eq3A_2267 = vector.broadcast %add3A_2258 : i32 to vector<16xi32>
        %eq3A_2268 = arith.cmpi eq, %add3A_37, %eq3A_2267 : vector<16xi32>
        %jit3A_2269 = arith.constant 1.000000e+09 : f32
        %broadcast_in_dim3A_2270 = vector.broadcast %jit3A_2269 : f32 to vector<16xf32>
        %select_n3A_2271 = arith.select %eq3A_2268, %broadcast_in_dim3A_2270, %add3A_2266 : vector<16xi1>, vector<16xf32>
        %lt3A_2272 = arith.cmpf olt, %select_n3A_2271, %min3A_2207 : vector<16xf32>
        %lt3A_2273 = arith.cmpf olt, %select_n3A_2271, %min3A_2203 : vector<16xf32>
        %lt3A_2274 = arith.cmpf olt, %select_n3A_2271, %min3A_2198 : vector<16xf32>
        %lt3A_2275 = arith.cmpf olt, %select_n3A_2271, %min3A_2193 : vector<16xf32>
        %lt3A_2276 = arith.cmpf olt, %select_n3A_2271, %min3A_2188 : vector<16xf32>
        %max3A_2277 = arith.maximumf %min3A_2193, %select_n3A_2271 : vector<16xf32>
        %min3A_2278 = arith.minimumf %min3A_2188, %max3A_2277 : vector<16xf32>
        %broadcast_in_dim3A_2279 = vector.broadcast %add3A_2258 : i32 to vector<16xi32>
        %select_n3A_2280 = arith.select %lt3A_2275, %select_n3A_2196, %broadcast_in_dim3A_2279 : vector<16xi1>, vector<16xi32>
        %select_n3A_2281 = arith.select %lt3A_2276, %select_n3A_2280, %select_n3A_2191 : vector<16xi1>, vector<16xi32>
        %max3A_2282 = arith.maximumf %min3A_2198, %select_n3A_2271 : vector<16xf32>
        %min3A_2283 = arith.minimumf %min3A_2193, %max3A_2282 : vector<16xf32>
        %broadcast_in_dim3A_2284 = vector.broadcast %add3A_2258 : i32 to vector<16xi32>
        %select_n3A_2285 = arith.select %lt3A_2274, %select_n3A_2201, %broadcast_in_dim3A_2284 : vector<16xi1>, vector<16xi32>
        %select_n3A_2286 = arith.select %lt3A_2275, %select_n3A_2285, %select_n3A_2196 : vector<16xi1>, vector<16xi32>
        %max3A_2287 = arith.maximumf %min3A_2203, %select_n3A_2271 : vector<16xf32>
        %min3A_2288 = arith.minimumf %min3A_2198, %max3A_2287 : vector<16xf32>
        %broadcast_in_dim3A_2289 = vector.broadcast %add3A_2258 : i32 to vector<16xi32>
        %select_n3A_2290 = arith.select %lt3A_2273, %select_n3A_2206, %broadcast_in_dim3A_2289 : vector<16xi1>, vector<16xi32>
        %select_n3A_2291 = arith.select %lt3A_2274, %select_n3A_2290, %select_n3A_2201 : vector<16xi1>, vector<16xi32>
        %max3A_2292 = arith.maximumf %min3A_2207, %select_n3A_2271 : vector<16xf32>
        %min3A_2293 = arith.minimumf %min3A_2203, %max3A_2292 : vector<16xf32>
        %broadcast_in_dim3A_2294 = vector.broadcast %add3A_2258 : i32 to vector<16xi32>
        %select_n3A_2295 = arith.select %lt3A_2272, %select_n3A_2209, %broadcast_in_dim3A_2294 : vector<16xi1>, vector<16xi32>
        %select_n3A_2296 = arith.select %lt3A_2273, %select_n3A_2295, %select_n3A_2206 : vector<16xi1>, vector<16xi32>
        %min3A_2297 = arith.minimumf %min3A_2207, %select_n3A_2271 : vector<16xf32>
        %broadcast_in_dim3A_2298 = vector.broadcast %add3A_2258 : i32 to vector<16xi32>
        %select_n3A_2299 = arith.select %lt3A_2272, %broadcast_in_dim3A_2298, %select_n3A_2209 : vector<16xi1>, vector<16xi32>
        %add3A_2300 = vector.broadcast %squeeze3A_2256 : f32 to vector<16xf32>
        %add3A_2301 = arith.addf %get3A_57, %add3A_2300 : vector<16xf32>
        %mul3A_2302 = vector.broadcast %squeeze3A_2252 : f32 to vector<16xf32>
        %mul3A_2303 = arith.mulf %mul3A_46, %mul3A_2302 : vector<16xf32>
        %mul3A_2304 = vector.broadcast %squeeze3A_2254 : f32 to vector<16xf32>
        %mul3A_2305 = arith.mulf %mul3A_53, %mul3A_2304 : vector<16xf32>
        %add3A_2306 = arith.addf %mul3A_2303, %mul3A_2305 : vector<16xf32>
        %add3A_2307 = arith.addf %add3A_2301, %add3A_2306 : vector<16xf32>
        %eq3A_2308 = vector.broadcast %add3A_2258 : i32 to vector<16xi32>
        %eq3A_2309 = arith.cmpi eq, %add3A_59, %eq3A_2308 : vector<16xi32>
        %jit3A_2310 = arith.constant 1.000000e+09 : f32
        %broadcast_in_dim3A_2311 = vector.broadcast %jit3A_2310 : f32 to vector<16xf32>
        %select_n3A_2312 = arith.select %eq3A_2309, %broadcast_in_dim3A_2311, %add3A_2307 : vector<16xi1>, vector<16xf32>
        %lt3A_2313 = arith.cmpf olt, %select_n3A_2312, %min3A_2248 : vector<16xf32>
        %lt3A_2314 = arith.cmpf olt, %select_n3A_2312, %min3A_2244 : vector<16xf32>
        %lt3A_2315 = arith.cmpf olt, %select_n3A_2312, %min3A_2239 : vector<16xf32>
        %lt3A_2316 = arith.cmpf olt, %select_n3A_2312, %min3A_2234 : vector<16xf32>
        %lt3A_2317 = arith.cmpf olt, %select_n3A_2312, %min3A_2229 : vector<16xf32>
        %max3A_2318 = arith.maximumf %min3A_2234, %select_n3A_2312 : vector<16xf32>
        %min3A_2319 = arith.minimumf %min3A_2229, %max3A_2318 : vector<16xf32>
        %broadcast_in_dim3A_2320 = vector.broadcast %add3A_2258 : i32 to vector<16xi32>
        %select_n3A_2321 = arith.select %lt3A_2316, %select_n3A_2237, %broadcast_in_dim3A_2320 : vector<16xi1>, vector<16xi32>
        %select_n3A_2322 = arith.select %lt3A_2317, %select_n3A_2321, %select_n3A_2232 : vector<16xi1>, vector<16xi32>
        %max3A_2323 = arith.maximumf %min3A_2239, %select_n3A_2312 : vector<16xf32>
        %min3A_2324 = arith.minimumf %min3A_2234, %max3A_2323 : vector<16xf32>
        %broadcast_in_dim3A_2325 = vector.broadcast %add3A_2258 : i32 to vector<16xi32>
        %select_n3A_2326 = arith.select %lt3A_2315, %select_n3A_2242, %broadcast_in_dim3A_2325 : vector<16xi1>, vector<16xi32>
        %select_n3A_2327 = arith.select %lt3A_2316, %select_n3A_2326, %select_n3A_2237 : vector<16xi1>, vector<16xi32>
        %max3A_2328 = arith.maximumf %min3A_2244, %select_n3A_2312 : vector<16xf32>
        %min3A_2329 = arith.minimumf %min3A_2239, %max3A_2328 : vector<16xf32>
        %broadcast_in_dim3A_2330 = vector.broadcast %add3A_2258 : i32 to vector<16xi32>
        %select_n3A_2331 = arith.select %lt3A_2314, %select_n3A_2247, %broadcast_in_dim3A_2330 : vector<16xi1>, vector<16xi32>
        %select_n3A_2332 = arith.select %lt3A_2315, %select_n3A_2331, %select_n3A_2242 : vector<16xi1>, vector<16xi32>
        %max3A_2333 = arith.maximumf %min3A_2248, %select_n3A_2312 : vector<16xf32>
        %min3A_2334 = arith.minimumf %min3A_2244, %max3A_2333 : vector<16xf32>
        %broadcast_in_dim3A_2335 = vector.broadcast %add3A_2258 : i32 to vector<16xi32>
        %select_n3A_2336 = arith.select %lt3A_2313, %select_n3A_2250, %broadcast_in_dim3A_2335 : vector<16xi1>, vector<16xi32>
        %select_n3A_2337 = arith.select %lt3A_2314, %select_n3A_2336, %select_n3A_2247 : vector<16xi1>, vector<16xi32>
        %min3A_2338 = arith.minimumf %min3A_2248, %select_n3A_2312 : vector<16xf32>
        %broadcast_in_dim3A_2339 = vector.broadcast %add3A_2258 : i32 to vector<16xi32>
        %select_n3A_2340 = arith.select %lt3A_2313, %broadcast_in_dim3A_2339, %select_n3A_2250 : vector<16xi1>, vector<16xi32>
        %slice3A_2341 = vector.extract_strided_slice %get3A_1612 {offsets = [8], sizes = [1], strides = [1]} : vector<16xf32> to vector<1xf32>
        %squeeze3A_2342 = vector.extract %slice3A_2341[0] : f32 from vector<1xf32>
        %slice3A_2343 = vector.extract_strided_slice %get3A_1616 {offsets = [8], sizes = [1], strides = [1]} : vector<16xf32> to vector<1xf32>
        %squeeze3A_2344 = vector.extract %slice3A_2343[0] : f32 from vector<1xf32>
        %slice3A_2345 = vector.extract_strided_slice %get3A_1620 {offsets = [8], sizes = [1], strides = [1]} : vector<16xf32> to vector<1xf32>
        %squeeze3A_2346 = vector.extract %slice3A_2345[0] : f32 from vector<1xf32>
        %add3A_2347 = arith.constant 8 : i32
        %add3A_2348 = arith.addi %mul3A_1608, %add3A_2347 : i32
        %add3A_2349 = vector.broadcast %squeeze3A_2346 : f32 to vector<16xf32>
        %add3A_2350 = arith.addf %get3A_35, %add3A_2349 : vector<16xf32>
        %mul3A_2351 = vector.broadcast %squeeze3A_2342 : f32 to vector<16xf32>
        %mul3A_2352 = arith.mulf %mul3A_24, %mul3A_2351 : vector<16xf32>
        %mul3A_2353 = vector.broadcast %squeeze3A_2344 : f32 to vector<16xf32>
        %mul3A_2354 = arith.mulf %mul3A_31, %mul3A_2353 : vector<16xf32>
        %add3A_2355 = arith.addf %mul3A_2352, %mul3A_2354 : vector<16xf32>
        %add3A_2356 = arith.addf %add3A_2350, %add3A_2355 : vector<16xf32>
        %eq3A_2357 = vector.broadcast %add3A_2348 : i32 to vector<16xi32>
        %eq3A_2358 = arith.cmpi eq, %add3A_37, %eq3A_2357 : vector<16xi32>
        %jit3A_2359 = arith.constant 1.000000e+09 : f32
        %broadcast_in_dim3A_2360 = vector.broadcast %jit3A_2359 : f32 to vector<16xf32>
        %select_n3A_2361 = arith.select %eq3A_2358, %broadcast_in_dim3A_2360, %add3A_2356 : vector<16xi1>, vector<16xf32>
        %lt3A_2362 = arith.cmpf olt, %select_n3A_2361, %min3A_2297 : vector<16xf32>
        %lt3A_2363 = arith.cmpf olt, %select_n3A_2361, %min3A_2293 : vector<16xf32>
        %lt3A_2364 = arith.cmpf olt, %select_n3A_2361, %min3A_2288 : vector<16xf32>
        %lt3A_2365 = arith.cmpf olt, %select_n3A_2361, %min3A_2283 : vector<16xf32>
        %lt3A_2366 = arith.cmpf olt, %select_n3A_2361, %min3A_2278 : vector<16xf32>
        %max3A_2367 = arith.maximumf %min3A_2283, %select_n3A_2361 : vector<16xf32>
        %min3A_2368 = arith.minimumf %min3A_2278, %max3A_2367 : vector<16xf32>
        %broadcast_in_dim3A_2369 = vector.broadcast %add3A_2348 : i32 to vector<16xi32>
        %select_n3A_2370 = arith.select %lt3A_2365, %select_n3A_2286, %broadcast_in_dim3A_2369 : vector<16xi1>, vector<16xi32>
        %select_n3A_2371 = arith.select %lt3A_2366, %select_n3A_2370, %select_n3A_2281 : vector<16xi1>, vector<16xi32>
        %max3A_2372 = arith.maximumf %min3A_2288, %select_n3A_2361 : vector<16xf32>
        %min3A_2373 = arith.minimumf %min3A_2283, %max3A_2372 : vector<16xf32>
        %broadcast_in_dim3A_2374 = vector.broadcast %add3A_2348 : i32 to vector<16xi32>
        %select_n3A_2375 = arith.select %lt3A_2364, %select_n3A_2291, %broadcast_in_dim3A_2374 : vector<16xi1>, vector<16xi32>
        %select_n3A_2376 = arith.select %lt3A_2365, %select_n3A_2375, %select_n3A_2286 : vector<16xi1>, vector<16xi32>
        %max3A_2377 = arith.maximumf %min3A_2293, %select_n3A_2361 : vector<16xf32>
        %min3A_2378 = arith.minimumf %min3A_2288, %max3A_2377 : vector<16xf32>
        %broadcast_in_dim3A_2379 = vector.broadcast %add3A_2348 : i32 to vector<16xi32>
        %select_n3A_2380 = arith.select %lt3A_2363, %select_n3A_2296, %broadcast_in_dim3A_2379 : vector<16xi1>, vector<16xi32>
        %select_n3A_2381 = arith.select %lt3A_2364, %select_n3A_2380, %select_n3A_2291 : vector<16xi1>, vector<16xi32>
        %max3A_2382 = arith.maximumf %min3A_2297, %select_n3A_2361 : vector<16xf32>
        %min3A_2383 = arith.minimumf %min3A_2293, %max3A_2382 : vector<16xf32>
        %broadcast_in_dim3A_2384 = vector.broadcast %add3A_2348 : i32 to vector<16xi32>
        %select_n3A_2385 = arith.select %lt3A_2362, %select_n3A_2299, %broadcast_in_dim3A_2384 : vector<16xi1>, vector<16xi32>
        %select_n3A_2386 = arith.select %lt3A_2363, %select_n3A_2385, %select_n3A_2296 : vector<16xi1>, vector<16xi32>
        %min3A_2387 = arith.minimumf %min3A_2297, %select_n3A_2361 : vector<16xf32>
        %broadcast_in_dim3A_2388 = vector.broadcast %add3A_2348 : i32 to vector<16xi32>
        %select_n3A_2389 = arith.select %lt3A_2362, %broadcast_in_dim3A_2388, %select_n3A_2299 : vector<16xi1>, vector<16xi32>
        %add3A_2390 = vector.broadcast %squeeze3A_2346 : f32 to vector<16xf32>
        %add3A_2391 = arith.addf %get3A_57, %add3A_2390 : vector<16xf32>
        %mul3A_2392 = vector.broadcast %squeeze3A_2342 : f32 to vector<16xf32>
        %mul3A_2393 = arith.mulf %mul3A_46, %mul3A_2392 : vector<16xf32>
        %mul3A_2394 = vector.broadcast %squeeze3A_2344 : f32 to vector<16xf32>
        %mul3A_2395 = arith.mulf %mul3A_53, %mul3A_2394 : vector<16xf32>
        %add3A_2396 = arith.addf %mul3A_2393, %mul3A_2395 : vector<16xf32>
        %add3A_2397 = arith.addf %add3A_2391, %add3A_2396 : vector<16xf32>
        %eq3A_2398 = vector.broadcast %add3A_2348 : i32 to vector<16xi32>
        %eq3A_2399 = arith.cmpi eq, %add3A_59, %eq3A_2398 : vector<16xi32>
        %jit3A_2400 = arith.constant 1.000000e+09 : f32
        %broadcast_in_dim3A_2401 = vector.broadcast %jit3A_2400 : f32 to vector<16xf32>
        %select_n3A_2402 = arith.select %eq3A_2399, %broadcast_in_dim3A_2401, %add3A_2397 : vector<16xi1>, vector<16xf32>
        %lt3A_2403 = arith.cmpf olt, %select_n3A_2402, %min3A_2338 : vector<16xf32>
        %lt3A_2404 = arith.cmpf olt, %select_n3A_2402, %min3A_2334 : vector<16xf32>
        %lt3A_2405 = arith.cmpf olt, %select_n3A_2402, %min3A_2329 : vector<16xf32>
        %lt3A_2406 = arith.cmpf olt, %select_n3A_2402, %min3A_2324 : vector<16xf32>
        %lt3A_2407 = arith.cmpf olt, %select_n3A_2402, %min3A_2319 : vector<16xf32>
        %max3A_2408 = arith.maximumf %min3A_2324, %select_n3A_2402 : vector<16xf32>
        %min3A_2409 = arith.minimumf %min3A_2319, %max3A_2408 : vector<16xf32>
        %broadcast_in_dim3A_2410 = vector.broadcast %add3A_2348 : i32 to vector<16xi32>
        %select_n3A_2411 = arith.select %lt3A_2406, %select_n3A_2327, %broadcast_in_dim3A_2410 : vector<16xi1>, vector<16xi32>
        %select_n3A_2412 = arith.select %lt3A_2407, %select_n3A_2411, %select_n3A_2322 : vector<16xi1>, vector<16xi32>
        %max3A_2413 = arith.maximumf %min3A_2329, %select_n3A_2402 : vector<16xf32>
        %min3A_2414 = arith.minimumf %min3A_2324, %max3A_2413 : vector<16xf32>
        %broadcast_in_dim3A_2415 = vector.broadcast %add3A_2348 : i32 to vector<16xi32>
        %select_n3A_2416 = arith.select %lt3A_2405, %select_n3A_2332, %broadcast_in_dim3A_2415 : vector<16xi1>, vector<16xi32>
        %select_n3A_2417 = arith.select %lt3A_2406, %select_n3A_2416, %select_n3A_2327 : vector<16xi1>, vector<16xi32>
        %max3A_2418 = arith.maximumf %min3A_2334, %select_n3A_2402 : vector<16xf32>
        %min3A_2419 = arith.minimumf %min3A_2329, %max3A_2418 : vector<16xf32>
        %broadcast_in_dim3A_2420 = vector.broadcast %add3A_2348 : i32 to vector<16xi32>
        %select_n3A_2421 = arith.select %lt3A_2404, %select_n3A_2337, %broadcast_in_dim3A_2420 : vector<16xi1>, vector<16xi32>
        %select_n3A_2422 = arith.select %lt3A_2405, %select_n3A_2421, %select_n3A_2332 : vector<16xi1>, vector<16xi32>
        %max3A_2423 = arith.maximumf %min3A_2338, %select_n3A_2402 : vector<16xf32>
        %min3A_2424 = arith.minimumf %min3A_2334, %max3A_2423 : vector<16xf32>
        %broadcast_in_dim3A_2425 = vector.broadcast %add3A_2348 : i32 to vector<16xi32>
        %select_n3A_2426 = arith.select %lt3A_2403, %select_n3A_2340, %broadcast_in_dim3A_2425 : vector<16xi1>, vector<16xi32>
        %select_n3A_2427 = arith.select %lt3A_2404, %select_n3A_2426, %select_n3A_2337 : vector<16xi1>, vector<16xi32>
        %min3A_2428 = arith.minimumf %min3A_2338, %select_n3A_2402 : vector<16xf32>
        %broadcast_in_dim3A_2429 = vector.broadcast %add3A_2348 : i32 to vector<16xi32>
        %select_n3A_2430 = arith.select %lt3A_2403, %broadcast_in_dim3A_2429, %select_n3A_2340 : vector<16xi1>, vector<16xi32>
        %slice3A_2431 = vector.extract_strided_slice %get3A_1612 {offsets = [9], sizes = [1], strides = [1]} : vector<16xf32> to vector<1xf32>
        %squeeze3A_2432 = vector.extract %slice3A_2431[0] : f32 from vector<1xf32>
        %slice3A_2433 = vector.extract_strided_slice %get3A_1616 {offsets = [9], sizes = [1], strides = [1]} : vector<16xf32> to vector<1xf32>
        %squeeze3A_2434 = vector.extract %slice3A_2433[0] : f32 from vector<1xf32>
        %slice3A_2435 = vector.extract_strided_slice %get3A_1620 {offsets = [9], sizes = [1], strides = [1]} : vector<16xf32> to vector<1xf32>
        %squeeze3A_2436 = vector.extract %slice3A_2435[0] : f32 from vector<1xf32>
        %add3A_2437 = arith.constant 9 : i32
        %add3A_2438 = arith.addi %mul3A_1608, %add3A_2437 : i32
        %add3A_2439 = vector.broadcast %squeeze3A_2436 : f32 to vector<16xf32>
        %add3A_2440 = arith.addf %get3A_35, %add3A_2439 : vector<16xf32>
        %mul3A_2441 = vector.broadcast %squeeze3A_2432 : f32 to vector<16xf32>
        %mul3A_2442 = arith.mulf %mul3A_24, %mul3A_2441 : vector<16xf32>
        %mul3A_2443 = vector.broadcast %squeeze3A_2434 : f32 to vector<16xf32>
        %mul3A_2444 = arith.mulf %mul3A_31, %mul3A_2443 : vector<16xf32>
        %add3A_2445 = arith.addf %mul3A_2442, %mul3A_2444 : vector<16xf32>
        %add3A_2446 = arith.addf %add3A_2440, %add3A_2445 : vector<16xf32>
        %eq3A_2447 = vector.broadcast %add3A_2438 : i32 to vector<16xi32>
        %eq3A_2448 = arith.cmpi eq, %add3A_37, %eq3A_2447 : vector<16xi32>
        %jit3A_2449 = arith.constant 1.000000e+09 : f32
        %broadcast_in_dim3A_2450 = vector.broadcast %jit3A_2449 : f32 to vector<16xf32>
        %select_n3A_2451 = arith.select %eq3A_2448, %broadcast_in_dim3A_2450, %add3A_2446 : vector<16xi1>, vector<16xf32>
        %lt3A_2452 = arith.cmpf olt, %select_n3A_2451, %min3A_2387 : vector<16xf32>
        %lt3A_2453 = arith.cmpf olt, %select_n3A_2451, %min3A_2383 : vector<16xf32>
        %lt3A_2454 = arith.cmpf olt, %select_n3A_2451, %min3A_2378 : vector<16xf32>
        %lt3A_2455 = arith.cmpf olt, %select_n3A_2451, %min3A_2373 : vector<16xf32>
        %lt3A_2456 = arith.cmpf olt, %select_n3A_2451, %min3A_2368 : vector<16xf32>
        %max3A_2457 = arith.maximumf %min3A_2373, %select_n3A_2451 : vector<16xf32>
        %min3A_2458 = arith.minimumf %min3A_2368, %max3A_2457 : vector<16xf32>
        %broadcast_in_dim3A_2459 = vector.broadcast %add3A_2438 : i32 to vector<16xi32>
        %select_n3A_2460 = arith.select %lt3A_2455, %select_n3A_2376, %broadcast_in_dim3A_2459 : vector<16xi1>, vector<16xi32>
        %select_n3A_2461 = arith.select %lt3A_2456, %select_n3A_2460, %select_n3A_2371 : vector<16xi1>, vector<16xi32>
        %max3A_2462 = arith.maximumf %min3A_2378, %select_n3A_2451 : vector<16xf32>
        %min3A_2463 = arith.minimumf %min3A_2373, %max3A_2462 : vector<16xf32>
        %broadcast_in_dim3A_2464 = vector.broadcast %add3A_2438 : i32 to vector<16xi32>
        %select_n3A_2465 = arith.select %lt3A_2454, %select_n3A_2381, %broadcast_in_dim3A_2464 : vector<16xi1>, vector<16xi32>
        %select_n3A_2466 = arith.select %lt3A_2455, %select_n3A_2465, %select_n3A_2376 : vector<16xi1>, vector<16xi32>
        %max3A_2467 = arith.maximumf %min3A_2383, %select_n3A_2451 : vector<16xf32>
        %min3A_2468 = arith.minimumf %min3A_2378, %max3A_2467 : vector<16xf32>
        %broadcast_in_dim3A_2469 = vector.broadcast %add3A_2438 : i32 to vector<16xi32>
        %select_n3A_2470 = arith.select %lt3A_2453, %select_n3A_2386, %broadcast_in_dim3A_2469 : vector<16xi1>, vector<16xi32>
        %select_n3A_2471 = arith.select %lt3A_2454, %select_n3A_2470, %select_n3A_2381 : vector<16xi1>, vector<16xi32>
        %max3A_2472 = arith.maximumf %min3A_2387, %select_n3A_2451 : vector<16xf32>
        %min3A_2473 = arith.minimumf %min3A_2383, %max3A_2472 : vector<16xf32>
        %broadcast_in_dim3A_2474 = vector.broadcast %add3A_2438 : i32 to vector<16xi32>
        %select_n3A_2475 = arith.select %lt3A_2452, %select_n3A_2389, %broadcast_in_dim3A_2474 : vector<16xi1>, vector<16xi32>
        %select_n3A_2476 = arith.select %lt3A_2453, %select_n3A_2475, %select_n3A_2386 : vector<16xi1>, vector<16xi32>
        %min3A_2477 = arith.minimumf %min3A_2387, %select_n3A_2451 : vector<16xf32>
        %broadcast_in_dim3A_2478 = vector.broadcast %add3A_2438 : i32 to vector<16xi32>
        %select_n3A_2479 = arith.select %lt3A_2452, %broadcast_in_dim3A_2478, %select_n3A_2389 : vector<16xi1>, vector<16xi32>
        %add3A_2480 = vector.broadcast %squeeze3A_2436 : f32 to vector<16xf32>
        %add3A_2481 = arith.addf %get3A_57, %add3A_2480 : vector<16xf32>
        %mul3A_2482 = vector.broadcast %squeeze3A_2432 : f32 to vector<16xf32>
        %mul3A_2483 = arith.mulf %mul3A_46, %mul3A_2482 : vector<16xf32>
        %mul3A_2484 = vector.broadcast %squeeze3A_2434 : f32 to vector<16xf32>
        %mul3A_2485 = arith.mulf %mul3A_53, %mul3A_2484 : vector<16xf32>
        %add3A_2486 = arith.addf %mul3A_2483, %mul3A_2485 : vector<16xf32>
        %add3A_2487 = arith.addf %add3A_2481, %add3A_2486 : vector<16xf32>
        %eq3A_2488 = vector.broadcast %add3A_2438 : i32 to vector<16xi32>
        %eq3A_2489 = arith.cmpi eq, %add3A_59, %eq3A_2488 : vector<16xi32>
        %jit3A_2490 = arith.constant 1.000000e+09 : f32
        %broadcast_in_dim3A_2491 = vector.broadcast %jit3A_2490 : f32 to vector<16xf32>
        %select_n3A_2492 = arith.select %eq3A_2489, %broadcast_in_dim3A_2491, %add3A_2487 : vector<16xi1>, vector<16xf32>
        %lt3A_2493 = arith.cmpf olt, %select_n3A_2492, %min3A_2428 : vector<16xf32>
        %lt3A_2494 = arith.cmpf olt, %select_n3A_2492, %min3A_2424 : vector<16xf32>
        %lt3A_2495 = arith.cmpf olt, %select_n3A_2492, %min3A_2419 : vector<16xf32>
        %lt3A_2496 = arith.cmpf olt, %select_n3A_2492, %min3A_2414 : vector<16xf32>
        %lt3A_2497 = arith.cmpf olt, %select_n3A_2492, %min3A_2409 : vector<16xf32>
        %max3A_2498 = arith.maximumf %min3A_2414, %select_n3A_2492 : vector<16xf32>
        %min3A_2499 = arith.minimumf %min3A_2409, %max3A_2498 : vector<16xf32>
        %broadcast_in_dim3A_2500 = vector.broadcast %add3A_2438 : i32 to vector<16xi32>
        %select_n3A_2501 = arith.select %lt3A_2496, %select_n3A_2417, %broadcast_in_dim3A_2500 : vector<16xi1>, vector<16xi32>
        %select_n3A_2502 = arith.select %lt3A_2497, %select_n3A_2501, %select_n3A_2412 : vector<16xi1>, vector<16xi32>
        %max3A_2503 = arith.maximumf %min3A_2419, %select_n3A_2492 : vector<16xf32>
        %min3A_2504 = arith.minimumf %min3A_2414, %max3A_2503 : vector<16xf32>
        %broadcast_in_dim3A_2505 = vector.broadcast %add3A_2438 : i32 to vector<16xi32>
        %select_n3A_2506 = arith.select %lt3A_2495, %select_n3A_2422, %broadcast_in_dim3A_2505 : vector<16xi1>, vector<16xi32>
        %select_n3A_2507 = arith.select %lt3A_2496, %select_n3A_2506, %select_n3A_2417 : vector<16xi1>, vector<16xi32>
        %max3A_2508 = arith.maximumf %min3A_2424, %select_n3A_2492 : vector<16xf32>
        %min3A_2509 = arith.minimumf %min3A_2419, %max3A_2508 : vector<16xf32>
        %broadcast_in_dim3A_2510 = vector.broadcast %add3A_2438 : i32 to vector<16xi32>
        %select_n3A_2511 = arith.select %lt3A_2494, %select_n3A_2427, %broadcast_in_dim3A_2510 : vector<16xi1>, vector<16xi32>
        %select_n3A_2512 = arith.select %lt3A_2495, %select_n3A_2511, %select_n3A_2422 : vector<16xi1>, vector<16xi32>
        %max3A_2513 = arith.maximumf %min3A_2428, %select_n3A_2492 : vector<16xf32>
        %min3A_2514 = arith.minimumf %min3A_2424, %max3A_2513 : vector<16xf32>
        %broadcast_in_dim3A_2515 = vector.broadcast %add3A_2438 : i32 to vector<16xi32>
        %select_n3A_2516 = arith.select %lt3A_2493, %select_n3A_2430, %broadcast_in_dim3A_2515 : vector<16xi1>, vector<16xi32>
        %select_n3A_2517 = arith.select %lt3A_2494, %select_n3A_2516, %select_n3A_2427 : vector<16xi1>, vector<16xi32>
        %min3A_2518 = arith.minimumf %min3A_2428, %select_n3A_2492 : vector<16xf32>
        %broadcast_in_dim3A_2519 = vector.broadcast %add3A_2438 : i32 to vector<16xi32>
        %select_n3A_2520 = arith.select %lt3A_2493, %broadcast_in_dim3A_2519, %select_n3A_2430 : vector<16xi1>, vector<16xi32>
        %slice3A_2521 = vector.extract_strided_slice %get3A_1612 {offsets = [10], sizes = [1], strides = [1]} : vector<16xf32> to vector<1xf32>
        %squeeze3A_2522 = vector.extract %slice3A_2521[0] : f32 from vector<1xf32>
        %slice3A_2523 = vector.extract_strided_slice %get3A_1616 {offsets = [10], sizes = [1], strides = [1]} : vector<16xf32> to vector<1xf32>
        %squeeze3A_2524 = vector.extract %slice3A_2523[0] : f32 from vector<1xf32>
        %slice3A_2525 = vector.extract_strided_slice %get3A_1620 {offsets = [10], sizes = [1], strides = [1]} : vector<16xf32> to vector<1xf32>
        %squeeze3A_2526 = vector.extract %slice3A_2525[0] : f32 from vector<1xf32>
        %add3A_2527 = arith.constant 10 : i32
        %add3A_2528 = arith.addi %mul3A_1608, %add3A_2527 : i32
        %add3A_2529 = vector.broadcast %squeeze3A_2526 : f32 to vector<16xf32>
        %add3A_2530 = arith.addf %get3A_35, %add3A_2529 : vector<16xf32>
        %mul3A_2531 = vector.broadcast %squeeze3A_2522 : f32 to vector<16xf32>
        %mul3A_2532 = arith.mulf %mul3A_24, %mul3A_2531 : vector<16xf32>
        %mul3A_2533 = vector.broadcast %squeeze3A_2524 : f32 to vector<16xf32>
        %mul3A_2534 = arith.mulf %mul3A_31, %mul3A_2533 : vector<16xf32>
        %add3A_2535 = arith.addf %mul3A_2532, %mul3A_2534 : vector<16xf32>
        %add3A_2536 = arith.addf %add3A_2530, %add3A_2535 : vector<16xf32>
        %eq3A_2537 = vector.broadcast %add3A_2528 : i32 to vector<16xi32>
        %eq3A_2538 = arith.cmpi eq, %add3A_37, %eq3A_2537 : vector<16xi32>
        %jit3A_2539 = arith.constant 1.000000e+09 : f32
        %broadcast_in_dim3A_2540 = vector.broadcast %jit3A_2539 : f32 to vector<16xf32>
        %select_n3A_2541 = arith.select %eq3A_2538, %broadcast_in_dim3A_2540, %add3A_2536 : vector<16xi1>, vector<16xf32>
        %lt3A_2542 = arith.cmpf olt, %select_n3A_2541, %min3A_2477 : vector<16xf32>
        %lt3A_2543 = arith.cmpf olt, %select_n3A_2541, %min3A_2473 : vector<16xf32>
        %lt3A_2544 = arith.cmpf olt, %select_n3A_2541, %min3A_2468 : vector<16xf32>
        %lt3A_2545 = arith.cmpf olt, %select_n3A_2541, %min3A_2463 : vector<16xf32>
        %lt3A_2546 = arith.cmpf olt, %select_n3A_2541, %min3A_2458 : vector<16xf32>
        %max3A_2547 = arith.maximumf %min3A_2463, %select_n3A_2541 : vector<16xf32>
        %min3A_2548 = arith.minimumf %min3A_2458, %max3A_2547 : vector<16xf32>
        %broadcast_in_dim3A_2549 = vector.broadcast %add3A_2528 : i32 to vector<16xi32>
        %select_n3A_2550 = arith.select %lt3A_2545, %select_n3A_2466, %broadcast_in_dim3A_2549 : vector<16xi1>, vector<16xi32>
        %select_n3A_2551 = arith.select %lt3A_2546, %select_n3A_2550, %select_n3A_2461 : vector<16xi1>, vector<16xi32>
        %max3A_2552 = arith.maximumf %min3A_2468, %select_n3A_2541 : vector<16xf32>
        %min3A_2553 = arith.minimumf %min3A_2463, %max3A_2552 : vector<16xf32>
        %broadcast_in_dim3A_2554 = vector.broadcast %add3A_2528 : i32 to vector<16xi32>
        %select_n3A_2555 = arith.select %lt3A_2544, %select_n3A_2471, %broadcast_in_dim3A_2554 : vector<16xi1>, vector<16xi32>
        %select_n3A_2556 = arith.select %lt3A_2545, %select_n3A_2555, %select_n3A_2466 : vector<16xi1>, vector<16xi32>
        %max3A_2557 = arith.maximumf %min3A_2473, %select_n3A_2541 : vector<16xf32>
        %min3A_2558 = arith.minimumf %min3A_2468, %max3A_2557 : vector<16xf32>
        %broadcast_in_dim3A_2559 = vector.broadcast %add3A_2528 : i32 to vector<16xi32>
        %select_n3A_2560 = arith.select %lt3A_2543, %select_n3A_2476, %broadcast_in_dim3A_2559 : vector<16xi1>, vector<16xi32>
        %select_n3A_2561 = arith.select %lt3A_2544, %select_n3A_2560, %select_n3A_2471 : vector<16xi1>, vector<16xi32>
        %max3A_2562 = arith.maximumf %min3A_2477, %select_n3A_2541 : vector<16xf32>
        %min3A_2563 = arith.minimumf %min3A_2473, %max3A_2562 : vector<16xf32>
        %broadcast_in_dim3A_2564 = vector.broadcast %add3A_2528 : i32 to vector<16xi32>
        %select_n3A_2565 = arith.select %lt3A_2542, %select_n3A_2479, %broadcast_in_dim3A_2564 : vector<16xi1>, vector<16xi32>
        %select_n3A_2566 = arith.select %lt3A_2543, %select_n3A_2565, %select_n3A_2476 : vector<16xi1>, vector<16xi32>
        %min3A_2567 = arith.minimumf %min3A_2477, %select_n3A_2541 : vector<16xf32>
        %broadcast_in_dim3A_2568 = vector.broadcast %add3A_2528 : i32 to vector<16xi32>
        %select_n3A_2569 = arith.select %lt3A_2542, %broadcast_in_dim3A_2568, %select_n3A_2479 : vector<16xi1>, vector<16xi32>
        %add3A_2570 = vector.broadcast %squeeze3A_2526 : f32 to vector<16xf32>
        %add3A_2571 = arith.addf %get3A_57, %add3A_2570 : vector<16xf32>
        %mul3A_2572 = vector.broadcast %squeeze3A_2522 : f32 to vector<16xf32>
        %mul3A_2573 = arith.mulf %mul3A_46, %mul3A_2572 : vector<16xf32>
        %mul3A_2574 = vector.broadcast %squeeze3A_2524 : f32 to vector<16xf32>
        %mul3A_2575 = arith.mulf %mul3A_53, %mul3A_2574 : vector<16xf32>
        %add3A_2576 = arith.addf %mul3A_2573, %mul3A_2575 : vector<16xf32>
        %add3A_2577 = arith.addf %add3A_2571, %add3A_2576 : vector<16xf32>
        %eq3A_2578 = vector.broadcast %add3A_2528 : i32 to vector<16xi32>
        %eq3A_2579 = arith.cmpi eq, %add3A_59, %eq3A_2578 : vector<16xi32>
        %jit3A_2580 = arith.constant 1.000000e+09 : f32
        %broadcast_in_dim3A_2581 = vector.broadcast %jit3A_2580 : f32 to vector<16xf32>
        %select_n3A_2582 = arith.select %eq3A_2579, %broadcast_in_dim3A_2581, %add3A_2577 : vector<16xi1>, vector<16xf32>
        %lt3A_2583 = arith.cmpf olt, %select_n3A_2582, %min3A_2518 : vector<16xf32>
        %lt3A_2584 = arith.cmpf olt, %select_n3A_2582, %min3A_2514 : vector<16xf32>
        %lt3A_2585 = arith.cmpf olt, %select_n3A_2582, %min3A_2509 : vector<16xf32>
        %lt3A_2586 = arith.cmpf olt, %select_n3A_2582, %min3A_2504 : vector<16xf32>
        %lt3A_2587 = arith.cmpf olt, %select_n3A_2582, %min3A_2499 : vector<16xf32>
        %max3A_2588 = arith.maximumf %min3A_2504, %select_n3A_2582 : vector<16xf32>
        %min3A_2589 = arith.minimumf %min3A_2499, %max3A_2588 : vector<16xf32>
        %broadcast_in_dim3A_2590 = vector.broadcast %add3A_2528 : i32 to vector<16xi32>
        %select_n3A_2591 = arith.select %lt3A_2586, %select_n3A_2507, %broadcast_in_dim3A_2590 : vector<16xi1>, vector<16xi32>
        %select_n3A_2592 = arith.select %lt3A_2587, %select_n3A_2591, %select_n3A_2502 : vector<16xi1>, vector<16xi32>
        %max3A_2593 = arith.maximumf %min3A_2509, %select_n3A_2582 : vector<16xf32>
        %min3A_2594 = arith.minimumf %min3A_2504, %max3A_2593 : vector<16xf32>
        %broadcast_in_dim3A_2595 = vector.broadcast %add3A_2528 : i32 to vector<16xi32>
        %select_n3A_2596 = arith.select %lt3A_2585, %select_n3A_2512, %broadcast_in_dim3A_2595 : vector<16xi1>, vector<16xi32>
        %select_n3A_2597 = arith.select %lt3A_2586, %select_n3A_2596, %select_n3A_2507 : vector<16xi1>, vector<16xi32>
        %max3A_2598 = arith.maximumf %min3A_2514, %select_n3A_2582 : vector<16xf32>
        %min3A_2599 = arith.minimumf %min3A_2509, %max3A_2598 : vector<16xf32>
        %broadcast_in_dim3A_2600 = vector.broadcast %add3A_2528 : i32 to vector<16xi32>
        %select_n3A_2601 = arith.select %lt3A_2584, %select_n3A_2517, %broadcast_in_dim3A_2600 : vector<16xi1>, vector<16xi32>
        %select_n3A_2602 = arith.select %lt3A_2585, %select_n3A_2601, %select_n3A_2512 : vector<16xi1>, vector<16xi32>
        %max3A_2603 = arith.maximumf %min3A_2518, %select_n3A_2582 : vector<16xf32>
        %min3A_2604 = arith.minimumf %min3A_2514, %max3A_2603 : vector<16xf32>
        %broadcast_in_dim3A_2605 = vector.broadcast %add3A_2528 : i32 to vector<16xi32>
        %select_n3A_2606 = arith.select %lt3A_2583, %select_n3A_2520, %broadcast_in_dim3A_2605 : vector<16xi1>, vector<16xi32>
        %select_n3A_2607 = arith.select %lt3A_2584, %select_n3A_2606, %select_n3A_2517 : vector<16xi1>, vector<16xi32>
        %min3A_2608 = arith.minimumf %min3A_2518, %select_n3A_2582 : vector<16xf32>
        %broadcast_in_dim3A_2609 = vector.broadcast %add3A_2528 : i32 to vector<16xi32>
        %select_n3A_2610 = arith.select %lt3A_2583, %broadcast_in_dim3A_2609, %select_n3A_2520 : vector<16xi1>, vector<16xi32>
        %slice3A_2611 = vector.extract_strided_slice %get3A_1612 {offsets = [11], sizes = [1], strides = [1]} : vector<16xf32> to vector<1xf32>
        %squeeze3A_2612 = vector.extract %slice3A_2611[0] : f32 from vector<1xf32>
        %slice3A_2613 = vector.extract_strided_slice %get3A_1616 {offsets = [11], sizes = [1], strides = [1]} : vector<16xf32> to vector<1xf32>
        %squeeze3A_2614 = vector.extract %slice3A_2613[0] : f32 from vector<1xf32>
        %slice3A_2615 = vector.extract_strided_slice %get3A_1620 {offsets = [11], sizes = [1], strides = [1]} : vector<16xf32> to vector<1xf32>
        %squeeze3A_2616 = vector.extract %slice3A_2615[0] : f32 from vector<1xf32>
        %add3A_2617 = arith.constant 11 : i32
        %add3A_2618 = arith.addi %mul3A_1608, %add3A_2617 : i32
        %add3A_2619 = vector.broadcast %squeeze3A_2616 : f32 to vector<16xf32>
        %add3A_2620 = arith.addf %get3A_35, %add3A_2619 : vector<16xf32>
        %mul3A_2621 = vector.broadcast %squeeze3A_2612 : f32 to vector<16xf32>
        %mul3A_2622 = arith.mulf %mul3A_24, %mul3A_2621 : vector<16xf32>
        %mul3A_2623 = vector.broadcast %squeeze3A_2614 : f32 to vector<16xf32>
        %mul3A_2624 = arith.mulf %mul3A_31, %mul3A_2623 : vector<16xf32>
        %add3A_2625 = arith.addf %mul3A_2622, %mul3A_2624 : vector<16xf32>
        %add3A_2626 = arith.addf %add3A_2620, %add3A_2625 : vector<16xf32>
        %eq3A_2627 = vector.broadcast %add3A_2618 : i32 to vector<16xi32>
        %eq3A_2628 = arith.cmpi eq, %add3A_37, %eq3A_2627 : vector<16xi32>
        %jit3A_2629 = arith.constant 1.000000e+09 : f32
        %broadcast_in_dim3A_2630 = vector.broadcast %jit3A_2629 : f32 to vector<16xf32>
        %select_n3A_2631 = arith.select %eq3A_2628, %broadcast_in_dim3A_2630, %add3A_2626 : vector<16xi1>, vector<16xf32>
        %lt3A_2632 = arith.cmpf olt, %select_n3A_2631, %min3A_2567 : vector<16xf32>
        %lt3A_2633 = arith.cmpf olt, %select_n3A_2631, %min3A_2563 : vector<16xf32>
        %lt3A_2634 = arith.cmpf olt, %select_n3A_2631, %min3A_2558 : vector<16xf32>
        %lt3A_2635 = arith.cmpf olt, %select_n3A_2631, %min3A_2553 : vector<16xf32>
        %lt3A_2636 = arith.cmpf olt, %select_n3A_2631, %min3A_2548 : vector<16xf32>
        %max3A_2637 = arith.maximumf %min3A_2553, %select_n3A_2631 : vector<16xf32>
        %min3A_2638 = arith.minimumf %min3A_2548, %max3A_2637 : vector<16xf32>
        %broadcast_in_dim3A_2639 = vector.broadcast %add3A_2618 : i32 to vector<16xi32>
        %select_n3A_2640 = arith.select %lt3A_2635, %select_n3A_2556, %broadcast_in_dim3A_2639 : vector<16xi1>, vector<16xi32>
        %select_n3A_2641 = arith.select %lt3A_2636, %select_n3A_2640, %select_n3A_2551 : vector<16xi1>, vector<16xi32>
        %max3A_2642 = arith.maximumf %min3A_2558, %select_n3A_2631 : vector<16xf32>
        %min3A_2643 = arith.minimumf %min3A_2553, %max3A_2642 : vector<16xf32>
        %broadcast_in_dim3A_2644 = vector.broadcast %add3A_2618 : i32 to vector<16xi32>
        %select_n3A_2645 = arith.select %lt3A_2634, %select_n3A_2561, %broadcast_in_dim3A_2644 : vector<16xi1>, vector<16xi32>
        %select_n3A_2646 = arith.select %lt3A_2635, %select_n3A_2645, %select_n3A_2556 : vector<16xi1>, vector<16xi32>
        %max3A_2647 = arith.maximumf %min3A_2563, %select_n3A_2631 : vector<16xf32>
        %min3A_2648 = arith.minimumf %min3A_2558, %max3A_2647 : vector<16xf32>
        %broadcast_in_dim3A_2649 = vector.broadcast %add3A_2618 : i32 to vector<16xi32>
        %select_n3A_2650 = arith.select %lt3A_2633, %select_n3A_2566, %broadcast_in_dim3A_2649 : vector<16xi1>, vector<16xi32>
        %select_n3A_2651 = arith.select %lt3A_2634, %select_n3A_2650, %select_n3A_2561 : vector<16xi1>, vector<16xi32>
        %max3A_2652 = arith.maximumf %min3A_2567, %select_n3A_2631 : vector<16xf32>
        %min3A_2653 = arith.minimumf %min3A_2563, %max3A_2652 : vector<16xf32>
        %broadcast_in_dim3A_2654 = vector.broadcast %add3A_2618 : i32 to vector<16xi32>
        %select_n3A_2655 = arith.select %lt3A_2632, %select_n3A_2569, %broadcast_in_dim3A_2654 : vector<16xi1>, vector<16xi32>
        %select_n3A_2656 = arith.select %lt3A_2633, %select_n3A_2655, %select_n3A_2566 : vector<16xi1>, vector<16xi32>
        %min3A_2657 = arith.minimumf %min3A_2567, %select_n3A_2631 : vector<16xf32>
        %broadcast_in_dim3A_2658 = vector.broadcast %add3A_2618 : i32 to vector<16xi32>
        %select_n3A_2659 = arith.select %lt3A_2632, %broadcast_in_dim3A_2658, %select_n3A_2569 : vector<16xi1>, vector<16xi32>
        %add3A_2660 = vector.broadcast %squeeze3A_2616 : f32 to vector<16xf32>
        %add3A_2661 = arith.addf %get3A_57, %add3A_2660 : vector<16xf32>
        %mul3A_2662 = vector.broadcast %squeeze3A_2612 : f32 to vector<16xf32>
        %mul3A_2663 = arith.mulf %mul3A_46, %mul3A_2662 : vector<16xf32>
        %mul3A_2664 = vector.broadcast %squeeze3A_2614 : f32 to vector<16xf32>
        %mul3A_2665 = arith.mulf %mul3A_53, %mul3A_2664 : vector<16xf32>
        %add3A_2666 = arith.addf %mul3A_2663, %mul3A_2665 : vector<16xf32>
        %add3A_2667 = arith.addf %add3A_2661, %add3A_2666 : vector<16xf32>
        %eq3A_2668 = vector.broadcast %add3A_2618 : i32 to vector<16xi32>
        %eq3A_2669 = arith.cmpi eq, %add3A_59, %eq3A_2668 : vector<16xi32>
        %jit3A_2670 = arith.constant 1.000000e+09 : f32
        %broadcast_in_dim3A_2671 = vector.broadcast %jit3A_2670 : f32 to vector<16xf32>
        %select_n3A_2672 = arith.select %eq3A_2669, %broadcast_in_dim3A_2671, %add3A_2667 : vector<16xi1>, vector<16xf32>
        %lt3A_2673 = arith.cmpf olt, %select_n3A_2672, %min3A_2608 : vector<16xf32>
        %lt3A_2674 = arith.cmpf olt, %select_n3A_2672, %min3A_2604 : vector<16xf32>
        %lt3A_2675 = arith.cmpf olt, %select_n3A_2672, %min3A_2599 : vector<16xf32>
        %lt3A_2676 = arith.cmpf olt, %select_n3A_2672, %min3A_2594 : vector<16xf32>
        %lt3A_2677 = arith.cmpf olt, %select_n3A_2672, %min3A_2589 : vector<16xf32>
        %max3A_2678 = arith.maximumf %min3A_2594, %select_n3A_2672 : vector<16xf32>
        %min3A_2679 = arith.minimumf %min3A_2589, %max3A_2678 : vector<16xf32>
        %broadcast_in_dim3A_2680 = vector.broadcast %add3A_2618 : i32 to vector<16xi32>
        %select_n3A_2681 = arith.select %lt3A_2676, %select_n3A_2597, %broadcast_in_dim3A_2680 : vector<16xi1>, vector<16xi32>
        %select_n3A_2682 = arith.select %lt3A_2677, %select_n3A_2681, %select_n3A_2592 : vector<16xi1>, vector<16xi32>
        %max3A_2683 = arith.maximumf %min3A_2599, %select_n3A_2672 : vector<16xf32>
        %min3A_2684 = arith.minimumf %min3A_2594, %max3A_2683 : vector<16xf32>
        %broadcast_in_dim3A_2685 = vector.broadcast %add3A_2618 : i32 to vector<16xi32>
        %select_n3A_2686 = arith.select %lt3A_2675, %select_n3A_2602, %broadcast_in_dim3A_2685 : vector<16xi1>, vector<16xi32>
        %select_n3A_2687 = arith.select %lt3A_2676, %select_n3A_2686, %select_n3A_2597 : vector<16xi1>, vector<16xi32>
        %max3A_2688 = arith.maximumf %min3A_2604, %select_n3A_2672 : vector<16xf32>
        %min3A_2689 = arith.minimumf %min3A_2599, %max3A_2688 : vector<16xf32>
        %broadcast_in_dim3A_2690 = vector.broadcast %add3A_2618 : i32 to vector<16xi32>
        %select_n3A_2691 = arith.select %lt3A_2674, %select_n3A_2607, %broadcast_in_dim3A_2690 : vector<16xi1>, vector<16xi32>
        %select_n3A_2692 = arith.select %lt3A_2675, %select_n3A_2691, %select_n3A_2602 : vector<16xi1>, vector<16xi32>
        %max3A_2693 = arith.maximumf %min3A_2608, %select_n3A_2672 : vector<16xf32>
        %min3A_2694 = arith.minimumf %min3A_2604, %max3A_2693 : vector<16xf32>
        %broadcast_in_dim3A_2695 = vector.broadcast %add3A_2618 : i32 to vector<16xi32>
        %select_n3A_2696 = arith.select %lt3A_2673, %select_n3A_2610, %broadcast_in_dim3A_2695 : vector<16xi1>, vector<16xi32>
        %select_n3A_2697 = arith.select %lt3A_2674, %select_n3A_2696, %select_n3A_2607 : vector<16xi1>, vector<16xi32>
        %min3A_2698 = arith.minimumf %min3A_2608, %select_n3A_2672 : vector<16xf32>
        %broadcast_in_dim3A_2699 = vector.broadcast %add3A_2618 : i32 to vector<16xi32>
        %select_n3A_2700 = arith.select %lt3A_2673, %broadcast_in_dim3A_2699, %select_n3A_2610 : vector<16xi1>, vector<16xi32>
        %slice3A_2701 = vector.extract_strided_slice %get3A_1612 {offsets = [12], sizes = [1], strides = [1]} : vector<16xf32> to vector<1xf32>
        %squeeze3A_2702 = vector.extract %slice3A_2701[0] : f32 from vector<1xf32>
        %slice3A_2703 = vector.extract_strided_slice %get3A_1616 {offsets = [12], sizes = [1], strides = [1]} : vector<16xf32> to vector<1xf32>
        %squeeze3A_2704 = vector.extract %slice3A_2703[0] : f32 from vector<1xf32>
        %slice3A_2705 = vector.extract_strided_slice %get3A_1620 {offsets = [12], sizes = [1], strides = [1]} : vector<16xf32> to vector<1xf32>
        %squeeze3A_2706 = vector.extract %slice3A_2705[0] : f32 from vector<1xf32>
        %add3A_2707 = arith.constant 12 : i32
        %add3A_2708 = arith.addi %mul3A_1608, %add3A_2707 : i32
        %add3A_2709 = vector.broadcast %squeeze3A_2706 : f32 to vector<16xf32>
        %add3A_2710 = arith.addf %get3A_35, %add3A_2709 : vector<16xf32>
        %mul3A_2711 = vector.broadcast %squeeze3A_2702 : f32 to vector<16xf32>
        %mul3A_2712 = arith.mulf %mul3A_24, %mul3A_2711 : vector<16xf32>
        %mul3A_2713 = vector.broadcast %squeeze3A_2704 : f32 to vector<16xf32>
        %mul3A_2714 = arith.mulf %mul3A_31, %mul3A_2713 : vector<16xf32>
        %add3A_2715 = arith.addf %mul3A_2712, %mul3A_2714 : vector<16xf32>
        %add3A_2716 = arith.addf %add3A_2710, %add3A_2715 : vector<16xf32>
        %eq3A_2717 = vector.broadcast %add3A_2708 : i32 to vector<16xi32>
        %eq3A_2718 = arith.cmpi eq, %add3A_37, %eq3A_2717 : vector<16xi32>
        %jit3A_2719 = arith.constant 1.000000e+09 : f32
        %broadcast_in_dim3A_2720 = vector.broadcast %jit3A_2719 : f32 to vector<16xf32>
        %select_n3A_2721 = arith.select %eq3A_2718, %broadcast_in_dim3A_2720, %add3A_2716 : vector<16xi1>, vector<16xf32>
        %lt3A_2722 = arith.cmpf olt, %select_n3A_2721, %min3A_2657 : vector<16xf32>
        %lt3A_2723 = arith.cmpf olt, %select_n3A_2721, %min3A_2653 : vector<16xf32>
        %lt3A_2724 = arith.cmpf olt, %select_n3A_2721, %min3A_2648 : vector<16xf32>
        %lt3A_2725 = arith.cmpf olt, %select_n3A_2721, %min3A_2643 : vector<16xf32>
        %lt3A_2726 = arith.cmpf olt, %select_n3A_2721, %min3A_2638 : vector<16xf32>
        %max3A_2727 = arith.maximumf %min3A_2643, %select_n3A_2721 : vector<16xf32>
        %min3A_2728 = arith.minimumf %min3A_2638, %max3A_2727 : vector<16xf32>
        %broadcast_in_dim3A_2729 = vector.broadcast %add3A_2708 : i32 to vector<16xi32>
        %select_n3A_2730 = arith.select %lt3A_2725, %select_n3A_2646, %broadcast_in_dim3A_2729 : vector<16xi1>, vector<16xi32>
        %select_n3A_2731 = arith.select %lt3A_2726, %select_n3A_2730, %select_n3A_2641 : vector<16xi1>, vector<16xi32>
        %max3A_2732 = arith.maximumf %min3A_2648, %select_n3A_2721 : vector<16xf32>
        %min3A_2733 = arith.minimumf %min3A_2643, %max3A_2732 : vector<16xf32>
        %broadcast_in_dim3A_2734 = vector.broadcast %add3A_2708 : i32 to vector<16xi32>
        %select_n3A_2735 = arith.select %lt3A_2724, %select_n3A_2651, %broadcast_in_dim3A_2734 : vector<16xi1>, vector<16xi32>
        %select_n3A_2736 = arith.select %lt3A_2725, %select_n3A_2735, %select_n3A_2646 : vector<16xi1>, vector<16xi32>
        %max3A_2737 = arith.maximumf %min3A_2653, %select_n3A_2721 : vector<16xf32>
        %min3A_2738 = arith.minimumf %min3A_2648, %max3A_2737 : vector<16xf32>
        %broadcast_in_dim3A_2739 = vector.broadcast %add3A_2708 : i32 to vector<16xi32>
        %select_n3A_2740 = arith.select %lt3A_2723, %select_n3A_2656, %broadcast_in_dim3A_2739 : vector<16xi1>, vector<16xi32>
        %select_n3A_2741 = arith.select %lt3A_2724, %select_n3A_2740, %select_n3A_2651 : vector<16xi1>, vector<16xi32>
        %max3A_2742 = arith.maximumf %min3A_2657, %select_n3A_2721 : vector<16xf32>
        %min3A_2743 = arith.minimumf %min3A_2653, %max3A_2742 : vector<16xf32>
        %broadcast_in_dim3A_2744 = vector.broadcast %add3A_2708 : i32 to vector<16xi32>
        %select_n3A_2745 = arith.select %lt3A_2722, %select_n3A_2659, %broadcast_in_dim3A_2744 : vector<16xi1>, vector<16xi32>
        %select_n3A_2746 = arith.select %lt3A_2723, %select_n3A_2745, %select_n3A_2656 : vector<16xi1>, vector<16xi32>
        %min3A_2747 = arith.minimumf %min3A_2657, %select_n3A_2721 : vector<16xf32>
        %broadcast_in_dim3A_2748 = vector.broadcast %add3A_2708 : i32 to vector<16xi32>
        %select_n3A_2749 = arith.select %lt3A_2722, %broadcast_in_dim3A_2748, %select_n3A_2659 : vector<16xi1>, vector<16xi32>
        %add3A_2750 = vector.broadcast %squeeze3A_2706 : f32 to vector<16xf32>
        %add3A_2751 = arith.addf %get3A_57, %add3A_2750 : vector<16xf32>
        %mul3A_2752 = vector.broadcast %squeeze3A_2702 : f32 to vector<16xf32>
        %mul3A_2753 = arith.mulf %mul3A_46, %mul3A_2752 : vector<16xf32>
        %mul3A_2754 = vector.broadcast %squeeze3A_2704 : f32 to vector<16xf32>
        %mul3A_2755 = arith.mulf %mul3A_53, %mul3A_2754 : vector<16xf32>
        %add3A_2756 = arith.addf %mul3A_2753, %mul3A_2755 : vector<16xf32>
        %add3A_2757 = arith.addf %add3A_2751, %add3A_2756 : vector<16xf32>
        %eq3A_2758 = vector.broadcast %add3A_2708 : i32 to vector<16xi32>
        %eq3A_2759 = arith.cmpi eq, %add3A_59, %eq3A_2758 : vector<16xi32>
        %jit3A_2760 = arith.constant 1.000000e+09 : f32
        %broadcast_in_dim3A_2761 = vector.broadcast %jit3A_2760 : f32 to vector<16xf32>
        %select_n3A_2762 = arith.select %eq3A_2759, %broadcast_in_dim3A_2761, %add3A_2757 : vector<16xi1>, vector<16xf32>
        %lt3A_2763 = arith.cmpf olt, %select_n3A_2762, %min3A_2698 : vector<16xf32>
        %lt3A_2764 = arith.cmpf olt, %select_n3A_2762, %min3A_2694 : vector<16xf32>
        %lt3A_2765 = arith.cmpf olt, %select_n3A_2762, %min3A_2689 : vector<16xf32>
        %lt3A_2766 = arith.cmpf olt, %select_n3A_2762, %min3A_2684 : vector<16xf32>
        %lt3A_2767 = arith.cmpf olt, %select_n3A_2762, %min3A_2679 : vector<16xf32>
        %max3A_2768 = arith.maximumf %min3A_2684, %select_n3A_2762 : vector<16xf32>
        %min3A_2769 = arith.minimumf %min3A_2679, %max3A_2768 : vector<16xf32>
        %broadcast_in_dim3A_2770 = vector.broadcast %add3A_2708 : i32 to vector<16xi32>
        %select_n3A_2771 = arith.select %lt3A_2766, %select_n3A_2687, %broadcast_in_dim3A_2770 : vector<16xi1>, vector<16xi32>
        %select_n3A_2772 = arith.select %lt3A_2767, %select_n3A_2771, %select_n3A_2682 : vector<16xi1>, vector<16xi32>
        %max3A_2773 = arith.maximumf %min3A_2689, %select_n3A_2762 : vector<16xf32>
        %min3A_2774 = arith.minimumf %min3A_2684, %max3A_2773 : vector<16xf32>
        %broadcast_in_dim3A_2775 = vector.broadcast %add3A_2708 : i32 to vector<16xi32>
        %select_n3A_2776 = arith.select %lt3A_2765, %select_n3A_2692, %broadcast_in_dim3A_2775 : vector<16xi1>, vector<16xi32>
        %select_n3A_2777 = arith.select %lt3A_2766, %select_n3A_2776, %select_n3A_2687 : vector<16xi1>, vector<16xi32>
        %max3A_2778 = arith.maximumf %min3A_2694, %select_n3A_2762 : vector<16xf32>
        %min3A_2779 = arith.minimumf %min3A_2689, %max3A_2778 : vector<16xf32>
        %broadcast_in_dim3A_2780 = vector.broadcast %add3A_2708 : i32 to vector<16xi32>
        %select_n3A_2781 = arith.select %lt3A_2764, %select_n3A_2697, %broadcast_in_dim3A_2780 : vector<16xi1>, vector<16xi32>
        %select_n3A_2782 = arith.select %lt3A_2765, %select_n3A_2781, %select_n3A_2692 : vector<16xi1>, vector<16xi32>
        %max3A_2783 = arith.maximumf %min3A_2698, %select_n3A_2762 : vector<16xf32>
        %min3A_2784 = arith.minimumf %min3A_2694, %max3A_2783 : vector<16xf32>
        %broadcast_in_dim3A_2785 = vector.broadcast %add3A_2708 : i32 to vector<16xi32>
        %select_n3A_2786 = arith.select %lt3A_2763, %select_n3A_2700, %broadcast_in_dim3A_2785 : vector<16xi1>, vector<16xi32>
        %select_n3A_2787 = arith.select %lt3A_2764, %select_n3A_2786, %select_n3A_2697 : vector<16xi1>, vector<16xi32>
        %min3A_2788 = arith.minimumf %min3A_2698, %select_n3A_2762 : vector<16xf32>
        %broadcast_in_dim3A_2789 = vector.broadcast %add3A_2708 : i32 to vector<16xi32>
        %select_n3A_2790 = arith.select %lt3A_2763, %broadcast_in_dim3A_2789, %select_n3A_2700 : vector<16xi1>, vector<16xi32>
        %slice3A_2791 = vector.extract_strided_slice %get3A_1612 {offsets = [13], sizes = [1], strides = [1]} : vector<16xf32> to vector<1xf32>
        %squeeze3A_2792 = vector.extract %slice3A_2791[0] : f32 from vector<1xf32>
        %slice3A_2793 = vector.extract_strided_slice %get3A_1616 {offsets = [13], sizes = [1], strides = [1]} : vector<16xf32> to vector<1xf32>
        %squeeze3A_2794 = vector.extract %slice3A_2793[0] : f32 from vector<1xf32>
        %slice3A_2795 = vector.extract_strided_slice %get3A_1620 {offsets = [13], sizes = [1], strides = [1]} : vector<16xf32> to vector<1xf32>
        %squeeze3A_2796 = vector.extract %slice3A_2795[0] : f32 from vector<1xf32>
        %add3A_2797 = arith.constant 13 : i32
        %add3A_2798 = arith.addi %mul3A_1608, %add3A_2797 : i32
        %add3A_2799 = vector.broadcast %squeeze3A_2796 : f32 to vector<16xf32>
        %add3A_2800 = arith.addf %get3A_35, %add3A_2799 : vector<16xf32>
        %mul3A_2801 = vector.broadcast %squeeze3A_2792 : f32 to vector<16xf32>
        %mul3A_2802 = arith.mulf %mul3A_24, %mul3A_2801 : vector<16xf32>
        %mul3A_2803 = vector.broadcast %squeeze3A_2794 : f32 to vector<16xf32>
        %mul3A_2804 = arith.mulf %mul3A_31, %mul3A_2803 : vector<16xf32>
        %add3A_2805 = arith.addf %mul3A_2802, %mul3A_2804 : vector<16xf32>
        %add3A_2806 = arith.addf %add3A_2800, %add3A_2805 : vector<16xf32>
        %eq3A_2807 = vector.broadcast %add3A_2798 : i32 to vector<16xi32>
        %eq3A_2808 = arith.cmpi eq, %add3A_37, %eq3A_2807 : vector<16xi32>
        %jit3A_2809 = arith.constant 1.000000e+09 : f32
        %broadcast_in_dim3A_2810 = vector.broadcast %jit3A_2809 : f32 to vector<16xf32>
        %select_n3A_2811 = arith.select %eq3A_2808, %broadcast_in_dim3A_2810, %add3A_2806 : vector<16xi1>, vector<16xf32>
        %lt3A_2812 = arith.cmpf olt, %select_n3A_2811, %min3A_2747 : vector<16xf32>
        %lt3A_2813 = arith.cmpf olt, %select_n3A_2811, %min3A_2743 : vector<16xf32>
        %lt3A_2814 = arith.cmpf olt, %select_n3A_2811, %min3A_2738 : vector<16xf32>
        %lt3A_2815 = arith.cmpf olt, %select_n3A_2811, %min3A_2733 : vector<16xf32>
        %lt3A_2816 = arith.cmpf olt, %select_n3A_2811, %min3A_2728 : vector<16xf32>
        %max3A_2817 = arith.maximumf %min3A_2733, %select_n3A_2811 : vector<16xf32>
        %min3A_2818 = arith.minimumf %min3A_2728, %max3A_2817 : vector<16xf32>
        %broadcast_in_dim3A_2819 = vector.broadcast %add3A_2798 : i32 to vector<16xi32>
        %select_n3A_2820 = arith.select %lt3A_2815, %select_n3A_2736, %broadcast_in_dim3A_2819 : vector<16xi1>, vector<16xi32>
        %select_n3A_2821 = arith.select %lt3A_2816, %select_n3A_2820, %select_n3A_2731 : vector<16xi1>, vector<16xi32>
        %max3A_2822 = arith.maximumf %min3A_2738, %select_n3A_2811 : vector<16xf32>
        %min3A_2823 = arith.minimumf %min3A_2733, %max3A_2822 : vector<16xf32>
        %broadcast_in_dim3A_2824 = vector.broadcast %add3A_2798 : i32 to vector<16xi32>
        %select_n3A_2825 = arith.select %lt3A_2814, %select_n3A_2741, %broadcast_in_dim3A_2824 : vector<16xi1>, vector<16xi32>
        %select_n3A_2826 = arith.select %lt3A_2815, %select_n3A_2825, %select_n3A_2736 : vector<16xi1>, vector<16xi32>
        %max3A_2827 = arith.maximumf %min3A_2743, %select_n3A_2811 : vector<16xf32>
        %min3A_2828 = arith.minimumf %min3A_2738, %max3A_2827 : vector<16xf32>
        %broadcast_in_dim3A_2829 = vector.broadcast %add3A_2798 : i32 to vector<16xi32>
        %select_n3A_2830 = arith.select %lt3A_2813, %select_n3A_2746, %broadcast_in_dim3A_2829 : vector<16xi1>, vector<16xi32>
        %select_n3A_2831 = arith.select %lt3A_2814, %select_n3A_2830, %select_n3A_2741 : vector<16xi1>, vector<16xi32>
        %max3A_2832 = arith.maximumf %min3A_2747, %select_n3A_2811 : vector<16xf32>
        %min3A_2833 = arith.minimumf %min3A_2743, %max3A_2832 : vector<16xf32>
        %broadcast_in_dim3A_2834 = vector.broadcast %add3A_2798 : i32 to vector<16xi32>
        %select_n3A_2835 = arith.select %lt3A_2812, %select_n3A_2749, %broadcast_in_dim3A_2834 : vector<16xi1>, vector<16xi32>
        %select_n3A_2836 = arith.select %lt3A_2813, %select_n3A_2835, %select_n3A_2746 : vector<16xi1>, vector<16xi32>
        %min3A_2837 = arith.minimumf %min3A_2747, %select_n3A_2811 : vector<16xf32>
        %broadcast_in_dim3A_2838 = vector.broadcast %add3A_2798 : i32 to vector<16xi32>
        %select_n3A_2839 = arith.select %lt3A_2812, %broadcast_in_dim3A_2838, %select_n3A_2749 : vector<16xi1>, vector<16xi32>
        %add3A_2840 = vector.broadcast %squeeze3A_2796 : f32 to vector<16xf32>
        %add3A_2841 = arith.addf %get3A_57, %add3A_2840 : vector<16xf32>
        %mul3A_2842 = vector.broadcast %squeeze3A_2792 : f32 to vector<16xf32>
        %mul3A_2843 = arith.mulf %mul3A_46, %mul3A_2842 : vector<16xf32>
        %mul3A_2844 = vector.broadcast %squeeze3A_2794 : f32 to vector<16xf32>
        %mul3A_2845 = arith.mulf %mul3A_53, %mul3A_2844 : vector<16xf32>
        %add3A_2846 = arith.addf %mul3A_2843, %mul3A_2845 : vector<16xf32>
        %add3A_2847 = arith.addf %add3A_2841, %add3A_2846 : vector<16xf32>
        %eq3A_2848 = vector.broadcast %add3A_2798 : i32 to vector<16xi32>
        %eq3A_2849 = arith.cmpi eq, %add3A_59, %eq3A_2848 : vector<16xi32>
        %jit3A_2850 = arith.constant 1.000000e+09 : f32
        %broadcast_in_dim3A_2851 = vector.broadcast %jit3A_2850 : f32 to vector<16xf32>
        %select_n3A_2852 = arith.select %eq3A_2849, %broadcast_in_dim3A_2851, %add3A_2847 : vector<16xi1>, vector<16xf32>
        %lt3A_2853 = arith.cmpf olt, %select_n3A_2852, %min3A_2788 : vector<16xf32>
        %lt3A_2854 = arith.cmpf olt, %select_n3A_2852, %min3A_2784 : vector<16xf32>
        %lt3A_2855 = arith.cmpf olt, %select_n3A_2852, %min3A_2779 : vector<16xf32>
        %lt3A_2856 = arith.cmpf olt, %select_n3A_2852, %min3A_2774 : vector<16xf32>
        %lt3A_2857 = arith.cmpf olt, %select_n3A_2852, %min3A_2769 : vector<16xf32>
        %max3A_2858 = arith.maximumf %min3A_2774, %select_n3A_2852 : vector<16xf32>
        %min3A_2859 = arith.minimumf %min3A_2769, %max3A_2858 : vector<16xf32>
        %broadcast_in_dim3A_2860 = vector.broadcast %add3A_2798 : i32 to vector<16xi32>
        %select_n3A_2861 = arith.select %lt3A_2856, %select_n3A_2777, %broadcast_in_dim3A_2860 : vector<16xi1>, vector<16xi32>
        %select_n3A_2862 = arith.select %lt3A_2857, %select_n3A_2861, %select_n3A_2772 : vector<16xi1>, vector<16xi32>
        %max3A_2863 = arith.maximumf %min3A_2779, %select_n3A_2852 : vector<16xf32>
        %min3A_2864 = arith.minimumf %min3A_2774, %max3A_2863 : vector<16xf32>
        %broadcast_in_dim3A_2865 = vector.broadcast %add3A_2798 : i32 to vector<16xi32>
        %select_n3A_2866 = arith.select %lt3A_2855, %select_n3A_2782, %broadcast_in_dim3A_2865 : vector<16xi1>, vector<16xi32>
        %select_n3A_2867 = arith.select %lt3A_2856, %select_n3A_2866, %select_n3A_2777 : vector<16xi1>, vector<16xi32>
        %max3A_2868 = arith.maximumf %min3A_2784, %select_n3A_2852 : vector<16xf32>
        %min3A_2869 = arith.minimumf %min3A_2779, %max3A_2868 : vector<16xf32>
        %broadcast_in_dim3A_2870 = vector.broadcast %add3A_2798 : i32 to vector<16xi32>
        %select_n3A_2871 = arith.select %lt3A_2854, %select_n3A_2787, %broadcast_in_dim3A_2870 : vector<16xi1>, vector<16xi32>
        %select_n3A_2872 = arith.select %lt3A_2855, %select_n3A_2871, %select_n3A_2782 : vector<16xi1>, vector<16xi32>
        %max3A_2873 = arith.maximumf %min3A_2788, %select_n3A_2852 : vector<16xf32>
        %min3A_2874 = arith.minimumf %min3A_2784, %max3A_2873 : vector<16xf32>
        %broadcast_in_dim3A_2875 = vector.broadcast %add3A_2798 : i32 to vector<16xi32>
        %select_n3A_2876 = arith.select %lt3A_2853, %select_n3A_2790, %broadcast_in_dim3A_2875 : vector<16xi1>, vector<16xi32>
        %select_n3A_2877 = arith.select %lt3A_2854, %select_n3A_2876, %select_n3A_2787 : vector<16xi1>, vector<16xi32>
        %min3A_2878 = arith.minimumf %min3A_2788, %select_n3A_2852 : vector<16xf32>
        %broadcast_in_dim3A_2879 = vector.broadcast %add3A_2798 : i32 to vector<16xi32>
        %select_n3A_2880 = arith.select %lt3A_2853, %broadcast_in_dim3A_2879, %select_n3A_2790 : vector<16xi1>, vector<16xi32>
        %slice3A_2881 = vector.extract_strided_slice %get3A_1612 {offsets = [14], sizes = [1], strides = [1]} : vector<16xf32> to vector<1xf32>
        %squeeze3A_2882 = vector.extract %slice3A_2881[0] : f32 from vector<1xf32>
        %slice3A_2883 = vector.extract_strided_slice %get3A_1616 {offsets = [14], sizes = [1], strides = [1]} : vector<16xf32> to vector<1xf32>
        %squeeze3A_2884 = vector.extract %slice3A_2883[0] : f32 from vector<1xf32>
        %slice3A_2885 = vector.extract_strided_slice %get3A_1620 {offsets = [14], sizes = [1], strides = [1]} : vector<16xf32> to vector<1xf32>
        %squeeze3A_2886 = vector.extract %slice3A_2885[0] : f32 from vector<1xf32>
        %add3A_2887 = arith.constant 14 : i32
        %add3A_2888 = arith.addi %mul3A_1608, %add3A_2887 : i32
        %add3A_2889 = vector.broadcast %squeeze3A_2886 : f32 to vector<16xf32>
        %add3A_2890 = arith.addf %get3A_35, %add3A_2889 : vector<16xf32>
        %mul3A_2891 = vector.broadcast %squeeze3A_2882 : f32 to vector<16xf32>
        %mul3A_2892 = arith.mulf %mul3A_24, %mul3A_2891 : vector<16xf32>
        %mul3A_2893 = vector.broadcast %squeeze3A_2884 : f32 to vector<16xf32>
        %mul3A_2894 = arith.mulf %mul3A_31, %mul3A_2893 : vector<16xf32>
        %add3A_2895 = arith.addf %mul3A_2892, %mul3A_2894 : vector<16xf32>
        %add3A_2896 = arith.addf %add3A_2890, %add3A_2895 : vector<16xf32>
        %eq3A_2897 = vector.broadcast %add3A_2888 : i32 to vector<16xi32>
        %eq3A_2898 = arith.cmpi eq, %add3A_37, %eq3A_2897 : vector<16xi32>
        %jit3A_2899 = arith.constant 1.000000e+09 : f32
        %broadcast_in_dim3A_2900 = vector.broadcast %jit3A_2899 : f32 to vector<16xf32>
        %select_n3A_2901 = arith.select %eq3A_2898, %broadcast_in_dim3A_2900, %add3A_2896 : vector<16xi1>, vector<16xf32>
        %lt3A_2902 = arith.cmpf olt, %select_n3A_2901, %min3A_2837 : vector<16xf32>
        %lt3A_2903 = arith.cmpf olt, %select_n3A_2901, %min3A_2833 : vector<16xf32>
        %lt3A_2904 = arith.cmpf olt, %select_n3A_2901, %min3A_2828 : vector<16xf32>
        %lt3A_2905 = arith.cmpf olt, %select_n3A_2901, %min3A_2823 : vector<16xf32>
        %lt3A_2906 = arith.cmpf olt, %select_n3A_2901, %min3A_2818 : vector<16xf32>
        %max3A_2907 = arith.maximumf %min3A_2823, %select_n3A_2901 : vector<16xf32>
        %min3A_2908 = arith.minimumf %min3A_2818, %max3A_2907 : vector<16xf32>
        %broadcast_in_dim3A_2909 = vector.broadcast %add3A_2888 : i32 to vector<16xi32>
        %select_n3A_2910 = arith.select %lt3A_2905, %select_n3A_2826, %broadcast_in_dim3A_2909 : vector<16xi1>, vector<16xi32>
        %select_n3A_2911 = arith.select %lt3A_2906, %select_n3A_2910, %select_n3A_2821 : vector<16xi1>, vector<16xi32>
        %max3A_2912 = arith.maximumf %min3A_2828, %select_n3A_2901 : vector<16xf32>
        %min3A_2913 = arith.minimumf %min3A_2823, %max3A_2912 : vector<16xf32>
        %broadcast_in_dim3A_2914 = vector.broadcast %add3A_2888 : i32 to vector<16xi32>
        %select_n3A_2915 = arith.select %lt3A_2904, %select_n3A_2831, %broadcast_in_dim3A_2914 : vector<16xi1>, vector<16xi32>
        %select_n3A_2916 = arith.select %lt3A_2905, %select_n3A_2915, %select_n3A_2826 : vector<16xi1>, vector<16xi32>
        %max3A_2917 = arith.maximumf %min3A_2833, %select_n3A_2901 : vector<16xf32>
        %min3A_2918 = arith.minimumf %min3A_2828, %max3A_2917 : vector<16xf32>
        %broadcast_in_dim3A_2919 = vector.broadcast %add3A_2888 : i32 to vector<16xi32>
        %select_n3A_2920 = arith.select %lt3A_2903, %select_n3A_2836, %broadcast_in_dim3A_2919 : vector<16xi1>, vector<16xi32>
        %select_n3A_2921 = arith.select %lt3A_2904, %select_n3A_2920, %select_n3A_2831 : vector<16xi1>, vector<16xi32>
        %max3A_2922 = arith.maximumf %min3A_2837, %select_n3A_2901 : vector<16xf32>
        %min3A_2923 = arith.minimumf %min3A_2833, %max3A_2922 : vector<16xf32>
        %broadcast_in_dim3A_2924 = vector.broadcast %add3A_2888 : i32 to vector<16xi32>
        %select_n3A_2925 = arith.select %lt3A_2902, %select_n3A_2839, %broadcast_in_dim3A_2924 : vector<16xi1>, vector<16xi32>
        %select_n3A_2926 = arith.select %lt3A_2903, %select_n3A_2925, %select_n3A_2836 : vector<16xi1>, vector<16xi32>
        %min3A_2927 = arith.minimumf %min3A_2837, %select_n3A_2901 : vector<16xf32>
        %broadcast_in_dim3A_2928 = vector.broadcast %add3A_2888 : i32 to vector<16xi32>
        %select_n3A_2929 = arith.select %lt3A_2902, %broadcast_in_dim3A_2928, %select_n3A_2839 : vector<16xi1>, vector<16xi32>
        %add3A_2930 = vector.broadcast %squeeze3A_2886 : f32 to vector<16xf32>
        %add3A_2931 = arith.addf %get3A_57, %add3A_2930 : vector<16xf32>
        %mul3A_2932 = vector.broadcast %squeeze3A_2882 : f32 to vector<16xf32>
        %mul3A_2933 = arith.mulf %mul3A_46, %mul3A_2932 : vector<16xf32>
        %mul3A_2934 = vector.broadcast %squeeze3A_2884 : f32 to vector<16xf32>
        %mul3A_2935 = arith.mulf %mul3A_53, %mul3A_2934 : vector<16xf32>
        %add3A_2936 = arith.addf %mul3A_2933, %mul3A_2935 : vector<16xf32>
        %add3A_2937 = arith.addf %add3A_2931, %add3A_2936 : vector<16xf32>
        %eq3A_2938 = vector.broadcast %add3A_2888 : i32 to vector<16xi32>
        %eq3A_2939 = arith.cmpi eq, %add3A_59, %eq3A_2938 : vector<16xi32>
        %jit3A_2940 = arith.constant 1.000000e+09 : f32
        %broadcast_in_dim3A_2941 = vector.broadcast %jit3A_2940 : f32 to vector<16xf32>
        %select_n3A_2942 = arith.select %eq3A_2939, %broadcast_in_dim3A_2941, %add3A_2937 : vector<16xi1>, vector<16xf32>
        %lt3A_2943 = arith.cmpf olt, %select_n3A_2942, %min3A_2878 : vector<16xf32>
        %lt3A_2944 = arith.cmpf olt, %select_n3A_2942, %min3A_2874 : vector<16xf32>
        %lt3A_2945 = arith.cmpf olt, %select_n3A_2942, %min3A_2869 : vector<16xf32>
        %lt3A_2946 = arith.cmpf olt, %select_n3A_2942, %min3A_2864 : vector<16xf32>
        %lt3A_2947 = arith.cmpf olt, %select_n3A_2942, %min3A_2859 : vector<16xf32>
        %max3A_2948 = arith.maximumf %min3A_2864, %select_n3A_2942 : vector<16xf32>
        %min3A_2949 = arith.minimumf %min3A_2859, %max3A_2948 : vector<16xf32>
        %broadcast_in_dim3A_2950 = vector.broadcast %add3A_2888 : i32 to vector<16xi32>
        %select_n3A_2951 = arith.select %lt3A_2946, %select_n3A_2867, %broadcast_in_dim3A_2950 : vector<16xi1>, vector<16xi32>
        %select_n3A_2952 = arith.select %lt3A_2947, %select_n3A_2951, %select_n3A_2862 : vector<16xi1>, vector<16xi32>
        %max3A_2953 = arith.maximumf %min3A_2869, %select_n3A_2942 : vector<16xf32>
        %min3A_2954 = arith.minimumf %min3A_2864, %max3A_2953 : vector<16xf32>
        %broadcast_in_dim3A_2955 = vector.broadcast %add3A_2888 : i32 to vector<16xi32>
        %select_n3A_2956 = arith.select %lt3A_2945, %select_n3A_2872, %broadcast_in_dim3A_2955 : vector<16xi1>, vector<16xi32>
        %select_n3A_2957 = arith.select %lt3A_2946, %select_n3A_2956, %select_n3A_2867 : vector<16xi1>, vector<16xi32>
        %max3A_2958 = arith.maximumf %min3A_2874, %select_n3A_2942 : vector<16xf32>
        %min3A_2959 = arith.minimumf %min3A_2869, %max3A_2958 : vector<16xf32>
        %broadcast_in_dim3A_2960 = vector.broadcast %add3A_2888 : i32 to vector<16xi32>
        %select_n3A_2961 = arith.select %lt3A_2944, %select_n3A_2877, %broadcast_in_dim3A_2960 : vector<16xi1>, vector<16xi32>
        %select_n3A_2962 = arith.select %lt3A_2945, %select_n3A_2961, %select_n3A_2872 : vector<16xi1>, vector<16xi32>
        %max3A_2963 = arith.maximumf %min3A_2878, %select_n3A_2942 : vector<16xf32>
        %min3A_2964 = arith.minimumf %min3A_2874, %max3A_2963 : vector<16xf32>
        %broadcast_in_dim3A_2965 = vector.broadcast %add3A_2888 : i32 to vector<16xi32>
        %select_n3A_2966 = arith.select %lt3A_2943, %select_n3A_2880, %broadcast_in_dim3A_2965 : vector<16xi1>, vector<16xi32>
        %select_n3A_2967 = arith.select %lt3A_2944, %select_n3A_2966, %select_n3A_2877 : vector<16xi1>, vector<16xi32>
        %min3A_2968 = arith.minimumf %min3A_2878, %select_n3A_2942 : vector<16xf32>
        %broadcast_in_dim3A_2969 = vector.broadcast %add3A_2888 : i32 to vector<16xi32>
        %select_n3A_2970 = arith.select %lt3A_2943, %broadcast_in_dim3A_2969, %select_n3A_2880 : vector<16xi1>, vector<16xi32>
        %slice3A_2971 = vector.extract_strided_slice %get3A_1612 {offsets = [15], sizes = [1], strides = [1]} : vector<16xf32> to vector<1xf32>
        %squeeze3A_2972 = vector.extract %slice3A_2971[0] : f32 from vector<1xf32>
        %slice3A_2973 = vector.extract_strided_slice %get3A_1616 {offsets = [15], sizes = [1], strides = [1]} : vector<16xf32> to vector<1xf32>
        %squeeze3A_2974 = vector.extract %slice3A_2973[0] : f32 from vector<1xf32>
        %slice3A_2975 = vector.extract_strided_slice %get3A_1620 {offsets = [15], sizes = [1], strides = [1]} : vector<16xf32> to vector<1xf32>
        %squeeze3A_2976 = vector.extract %slice3A_2975[0] : f32 from vector<1xf32>
        %add3A_2977 = arith.constant 15 : i32
        %add3A_2978 = arith.addi %mul3A_1608, %add3A_2977 : i32
        %add3A_2979 = vector.broadcast %squeeze3A_2976 : f32 to vector<16xf32>
        %add3A_2980 = arith.addf %get3A_35, %add3A_2979 : vector<16xf32>
        %mul3A_2981 = vector.broadcast %squeeze3A_2972 : f32 to vector<16xf32>
        %mul3A_2982 = arith.mulf %mul3A_24, %mul3A_2981 : vector<16xf32>
        %mul3A_2983 = vector.broadcast %squeeze3A_2974 : f32 to vector<16xf32>
        %mul3A_2984 = arith.mulf %mul3A_31, %mul3A_2983 : vector<16xf32>
        %add3A_2985 = arith.addf %mul3A_2982, %mul3A_2984 : vector<16xf32>
        %add3A_2986 = arith.addf %add3A_2980, %add3A_2985 : vector<16xf32>
        %eq3A_2987 = vector.broadcast %add3A_2978 : i32 to vector<16xi32>
        %eq3A_2988 = arith.cmpi eq, %add3A_37, %eq3A_2987 : vector<16xi32>
        %jit3A_2989 = arith.constant 1.000000e+09 : f32
        %broadcast_in_dim3A_2990 = vector.broadcast %jit3A_2989 : f32 to vector<16xf32>
        %select_n3A_2991 = arith.select %eq3A_2988, %broadcast_in_dim3A_2990, %add3A_2986 : vector<16xi1>, vector<16xf32>
        %lt3A_2992 = arith.cmpf olt, %select_n3A_2991, %min3A_2927 : vector<16xf32>
        %lt3A_2993 = arith.cmpf olt, %select_n3A_2991, %min3A_2923 : vector<16xf32>
        %lt3A_2994 = arith.cmpf olt, %select_n3A_2991, %min3A_2918 : vector<16xf32>
        %lt3A_2995 = arith.cmpf olt, %select_n3A_2991, %min3A_2913 : vector<16xf32>
        %lt3A_2996 = arith.cmpf olt, %select_n3A_2991, %min3A_2908 : vector<16xf32>
        %max3A_2997 = arith.maximumf %min3A_2913, %select_n3A_2991 : vector<16xf32>
        %min3A_2998 = arith.minimumf %min3A_2908, %max3A_2997 : vector<16xf32>
        %broadcast_in_dim3A_2999 = vector.broadcast %add3A_2978 : i32 to vector<16xi32>
        %select_n3A_3000 = arith.select %lt3A_2995, %select_n3A_2916, %broadcast_in_dim3A_2999 : vector<16xi1>, vector<16xi32>
        %select_n3A_3001 = arith.select %lt3A_2996, %select_n3A_3000, %select_n3A_2911 : vector<16xi1>, vector<16xi32>
        %max3A_3002 = arith.maximumf %min3A_2918, %select_n3A_2991 : vector<16xf32>
        %min3A_3003 = arith.minimumf %min3A_2913, %max3A_3002 : vector<16xf32>
        %broadcast_in_dim3A_3004 = vector.broadcast %add3A_2978 : i32 to vector<16xi32>
        %select_n3A_3005 = arith.select %lt3A_2994, %select_n3A_2921, %broadcast_in_dim3A_3004 : vector<16xi1>, vector<16xi32>
        %select_n3A_3006 = arith.select %lt3A_2995, %select_n3A_3005, %select_n3A_2916 : vector<16xi1>, vector<16xi32>
        %max3A_3007 = arith.maximumf %min3A_2923, %select_n3A_2991 : vector<16xf32>
        %min3A_3008 = arith.minimumf %min3A_2918, %max3A_3007 : vector<16xf32>
        %broadcast_in_dim3A_3009 = vector.broadcast %add3A_2978 : i32 to vector<16xi32>
        %select_n3A_3010 = arith.select %lt3A_2993, %select_n3A_2926, %broadcast_in_dim3A_3009 : vector<16xi1>, vector<16xi32>
        %select_n3A_3011 = arith.select %lt3A_2994, %select_n3A_3010, %select_n3A_2921 : vector<16xi1>, vector<16xi32>
        %max3A_3012 = arith.maximumf %min3A_2927, %select_n3A_2991 : vector<16xf32>
        %min3A_3013 = arith.minimumf %min3A_2923, %max3A_3012 : vector<16xf32>
        %broadcast_in_dim3A_3014 = vector.broadcast %add3A_2978 : i32 to vector<16xi32>
        %select_n3A_3015 = arith.select %lt3A_2992, %select_n3A_2929, %broadcast_in_dim3A_3014 : vector<16xi1>, vector<16xi32>
        %select_n3A_3016 = arith.select %lt3A_2993, %select_n3A_3015, %select_n3A_2926 : vector<16xi1>, vector<16xi32>
        %min3A_3017 = arith.minimumf %min3A_2927, %select_n3A_2991 : vector<16xf32>
        %broadcast_in_dim3A_3018 = vector.broadcast %add3A_2978 : i32 to vector<16xi32>
        %select_n3A_3019 = arith.select %lt3A_2992, %broadcast_in_dim3A_3018, %select_n3A_2929 : vector<16xi1>, vector<16xi32>
        %add3A_3020 = vector.broadcast %squeeze3A_2976 : f32 to vector<16xf32>
        %add3A_3021 = arith.addf %get3A_57, %add3A_3020 : vector<16xf32>
        %mul3A_3022 = vector.broadcast %squeeze3A_2972 : f32 to vector<16xf32>
        %mul3A_3023 = arith.mulf %mul3A_46, %mul3A_3022 : vector<16xf32>
        %mul3A_3024 = vector.broadcast %squeeze3A_2974 : f32 to vector<16xf32>
        %mul3A_3025 = arith.mulf %mul3A_53, %mul3A_3024 : vector<16xf32>
        %add3A_3026 = arith.addf %mul3A_3023, %mul3A_3025 : vector<16xf32>
        %add3A_3027 = arith.addf %add3A_3021, %add3A_3026 : vector<16xf32>
        %eq3A_3028 = vector.broadcast %add3A_2978 : i32 to vector<16xi32>
        %eq3A_3029 = arith.cmpi eq, %add3A_59, %eq3A_3028 : vector<16xi32>
        %jit3A_3030 = arith.constant 1.000000e+09 : f32
        %broadcast_in_dim3A_3031 = vector.broadcast %jit3A_3030 : f32 to vector<16xf32>
        %select_n3A_3032 = arith.select %eq3A_3029, %broadcast_in_dim3A_3031, %add3A_3027 : vector<16xi1>, vector<16xf32>
        %lt3A_3033 = arith.cmpf olt, %select_n3A_3032, %min3A_2968 : vector<16xf32>
        %lt3A_3034 = arith.cmpf olt, %select_n3A_3032, %min3A_2964 : vector<16xf32>
        %lt3A_3035 = arith.cmpf olt, %select_n3A_3032, %min3A_2959 : vector<16xf32>
        %lt3A_3036 = arith.cmpf olt, %select_n3A_3032, %min3A_2954 : vector<16xf32>
        %lt3A_3037 = arith.cmpf olt, %select_n3A_3032, %min3A_2949 : vector<16xf32>
        %max3A_3038 = arith.maximumf %min3A_2954, %select_n3A_3032 : vector<16xf32>
        %min3A_3039 = arith.minimumf %min3A_2949, %max3A_3038 : vector<16xf32>
        %broadcast_in_dim3A_3040 = vector.broadcast %add3A_2978 : i32 to vector<16xi32>
        %select_n3A_3041 = arith.select %lt3A_3036, %select_n3A_2957, %broadcast_in_dim3A_3040 : vector<16xi1>, vector<16xi32>
        %select_n3A_3042 = arith.select %lt3A_3037, %select_n3A_3041, %select_n3A_2952 : vector<16xi1>, vector<16xi32>
        %max3A_3043 = arith.maximumf %min3A_2959, %select_n3A_3032 : vector<16xf32>
        %min3A_3044 = arith.minimumf %min3A_2954, %max3A_3043 : vector<16xf32>
        %broadcast_in_dim3A_3045 = vector.broadcast %add3A_2978 : i32 to vector<16xi32>
        %select_n3A_3046 = arith.select %lt3A_3035, %select_n3A_2962, %broadcast_in_dim3A_3045 : vector<16xi1>, vector<16xi32>
        %select_n3A_3047 = arith.select %lt3A_3036, %select_n3A_3046, %select_n3A_2957 : vector<16xi1>, vector<16xi32>
        %max3A_3048 = arith.maximumf %min3A_2964, %select_n3A_3032 : vector<16xf32>
        %min3A_3049 = arith.minimumf %min3A_2959, %max3A_3048 : vector<16xf32>
        %broadcast_in_dim3A_3050 = vector.broadcast %add3A_2978 : i32 to vector<16xi32>
        %select_n3A_3051 = arith.select %lt3A_3034, %select_n3A_2967, %broadcast_in_dim3A_3050 : vector<16xi1>, vector<16xi32>
        %select_n3A_3052 = arith.select %lt3A_3035, %select_n3A_3051, %select_n3A_2962 : vector<16xi1>, vector<16xi32>
        %max3A_3053 = arith.maximumf %min3A_2968, %select_n3A_3032 : vector<16xf32>
        %min3A_3054 = arith.minimumf %min3A_2964, %max3A_3053 : vector<16xf32>
        %broadcast_in_dim3A_3055 = vector.broadcast %add3A_2978 : i32 to vector<16xi32>
        %select_n3A_3056 = arith.select %lt3A_3033, %select_n3A_2970, %broadcast_in_dim3A_3055 : vector<16xi1>, vector<16xi32>
        %select_n3A_3057 = arith.select %lt3A_3034, %select_n3A_3056, %select_n3A_2967 : vector<16xi1>, vector<16xi32>
        %min3A_3058 = arith.minimumf %min3A_2968, %select_n3A_3032 : vector<16xf32>
        %broadcast_in_dim3A_3059 = vector.broadcast %add3A_2978 : i32 to vector<16xi32>
        %select_n3A_3060 = arith.select %lt3A_3033, %broadcast_in_dim3A_3059, %select_n3A_2970 : vector<16xi1>, vector<16xi32>
        scf.yield %min3A_3017, %min3A_3013, %min3A_3008, %min3A_3003, %min3A_2998, %min3A_3058, %min3A_3054, %min3A_3049, %min3A_3044, %min3A_3039, %select_n3A_3019, %select_n3A_3016, %select_n3A_3011, %select_n3A_3006, %select_n3A_3001, %select_n3A_3060, %select_n3A_3057, %select_n3A_3052, %select_n3A_3047, %select_n3A_3042 : vector<16xf32>, vector<16xf32>, vector<16xf32>, vector<16xf32>, vector<16xf32>, vector<16xf32>, vector<16xf32>, vector<16xf32>, vector<16xf32>, vector<16xf32>, vector<16xi32>, vector<16xi32>, vector<16xi32>, vector<16xi32>, vector<16xi32>, vector<16xi32>, vector<16xi32>, vector<16xi32>, vector<16xi32>, vector<16xi32>
      }
      %scan3A_68 = arith.constant 64 : i32
      %swap3A = arith.constant 0 : i32
      %swap3A_69 = arith.index_cast %add3A_16 : i32 to index
      %swap3A_70 = arith.index_cast %swap3A : i32 to index
      %swap3A_71 = arith.constant 0 : index
      %swap3A_72 = tpu.vector_load %arg9[%swap3A_69, %swap3A_70, %swap3A_71] {strides = array<i32>} : memref<32x5x32xi32, #tpu.memory_space<vmem>>, vector<1x1x16xi32>,
      %swap3A_73 = vector.shape_cast %swap3A_72 : vector<1x1x16xi32> to vector<16xi32>
      %swap3A_74 = vector.shape_cast %scan3A_67#10 : vector<16xi32> to vector<1x1x16xi32>
      tpu.vector_store %arg9[%swap3A_69, %swap3A_70, %swap3A_71], %swap3A_74 {strides = array<i32>} : memref<32x5x32xi32, #tpu.memory_space<vmem>>, vector<1x1x16xi32>,
      %swap3A_75 = arith.constant 1 : i32
      %swap3A_76 = arith.index_cast %add3A_16 : i32 to index
      %swap3A_77 = arith.index_cast %swap3A_75 : i32 to index
      %swap3A_78 = arith.constant 0 : index
      %swap3A_79 = tpu.vector_load %arg9[%swap3A_76, %swap3A_77, %swap3A_78] {strides = array<i32>} : memref<32x5x32xi32, #tpu.memory_space<vmem>>, vector<1x1x16xi32>,
      %swap3A_80 = vector.shape_cast %swap3A_79 : vector<1x1x16xi32> to vector<16xi32>
      %swap3A_81 = vector.shape_cast %scan3A_67#11 : vector<16xi32> to vector<1x1x16xi32>
      tpu.vector_store %arg9[%swap3A_76, %swap3A_77, %swap3A_78], %swap3A_81 {strides = array<i32>} : memref<32x5x32xi32, #tpu.memory_space<vmem>>, vector<1x1x16xi32>,
      %swap3A_82 = arith.constant 2 : i32
      %swap3A_83 = arith.index_cast %add3A_16 : i32 to index
      %swap3A_84 = arith.index_cast %swap3A_82 : i32 to index
      %swap3A_85 = arith.constant 0 : index
      %swap3A_86 = tpu.vector_load %arg9[%swap3A_83, %swap3A_84, %swap3A_85] {strides = array<i32>} : memref<32x5x32xi32, #tpu.memory_space<vmem>>, vector<1x1x16xi32>,
      %swap3A_87 = vector.shape_cast %swap3A_86 : vector<1x1x16xi32> to vector<16xi32>
      %swap3A_88 = vector.shape_cast %scan3A_67#12 : vector<16xi32> to vector<1x1x16xi32>
      tpu.vector_store %arg9[%swap3A_83, %swap3A_84, %swap3A_85], %swap3A_88 {strides = array<i32>} : memref<32x5x32xi32, #tpu.memory_space<vmem>>, vector<1x1x16xi32>,
      %swap3A_89 = arith.constant 3 : i32
      %swap3A_90 = arith.index_cast %add3A_16 : i32 to index
      %swap3A_91 = arith.index_cast %swap3A_89 : i32 to index
      %swap3A_92 = arith.constant 0 : index
      %swap3A_93 = tpu.vector_load %arg9[%swap3A_90, %swap3A_91, %swap3A_92] {strides = array<i32>} : memref<32x5x32xi32, #tpu.memory_space<vmem>>, vector<1x1x16xi32>,
      %swap3A_94 = vector.shape_cast %swap3A_93 : vector<1x1x16xi32> to vector<16xi32>
      %swap3A_95 = vector.shape_cast %scan3A_67#13 : vector<16xi32> to vector<1x1x16xi32>
      tpu.vector_store %arg9[%swap3A_90, %swap3A_91, %swap3A_92], %swap3A_95 {strides = array<i32>} : memref<32x5x32xi32, #tpu.memory_space<vmem>>, vector<1x1x16xi32>,
      %swap3A_96 = arith.constant 4 : i32
      %swap3A_97 = arith.index_cast %add3A_16 : i32 to index
      %swap3A_98 = arith.index_cast %swap3A_96 : i32 to index
      %swap3A_99 = arith.constant 0 : index
      %swap3A_100 = tpu.vector_load %arg9[%swap3A_97, %swap3A_98, %swap3A_99] {strides = array<i32>} : memref<32x5x32xi32, #tpu.memory_space<vmem>>, vector<1x1x16xi32>,
      %swap3A_101 = vector.shape_cast %swap3A_100 : vector<1x1x16xi32> to vector<16xi32>
      %swap3A_102 = vector.shape_cast %scan3A_67#14 : vector<16xi32> to vector<1x1x16xi32>
      tpu.vector_store %arg9[%swap3A_97, %swap3A_98, %swap3A_99], %swap3A_102 {strides = array<i32>} : memref<32x5x32xi32, #tpu.memory_space<vmem>>, vector<1x1x16xi32>,
      %swap3A_103 = arith.constant 0 : i32
      %swap3A_104 = arith.index_cast %add3A_16 : i32 to index
      %swap3A_105 = arith.index_cast %swap3A_103 : i32 to index
      %swap3A_106 = arith.constant 16 : index
      %swap3A_107 = tpu.vector_load %arg9[%swap3A_104, %swap3A_105, %swap3A_106] {strides = array<i32>} : memref<32x5x32xi32, #tpu.memory_space<vmem>>, vector<1x1x16xi32>,
      %swap3A_108 = vector.shape_cast %swap3A_107 : vector<1x1x16xi32> to vector<16xi32>
      %swap3A_109 = vector.shape_cast %scan3A_67#15 : vector<16xi32> to vector<1x1x16xi32>
      tpu.vector_store %arg9[%swap3A_104, %swap3A_105, %swap3A_106], %swap3A_109 {strides = array<i32>} : memref<32x5x32xi32, #tpu.memory_space<vmem>>, vector<1x1x16xi32>,
      %swap3A_110 = arith.constant 1 : i32
      %swap3A_111 = arith.index_cast %add3A_16 : i32 to index
      %swap3A_112 = arith.index_cast %swap3A_110 : i32 to index
      %swap3A_113 = arith.constant 16 : index
      %swap3A_114 = tpu.vector_load %arg9[%swap3A_111, %swap3A_112, %swap3A_113] {strides = array<i32>} : memref<32x5x32xi32, #tpu.memory_space<vmem>>, vector<1x1x16xi32>,
      %swap3A_115 = vector.shape_cast %swap3A_114 : vector<1x1x16xi32> to vector<16xi32>
      %swap3A_116 = vector.shape_cast %scan3A_67#16 : vector<16xi32> to vector<1x1x16xi32>
      tpu.vector_store %arg9[%swap3A_111, %swap3A_112, %swap3A_113], %swap3A_116 {strides = array<i32>} : memref<32x5x32xi32, #tpu.memory_space<vmem>>, vector<1x1x16xi32>,
      %swap3A_117 = arith.constant 2 : i32
      %swap3A_118 = arith.index_cast %add3A_16 : i32 to index
      %swap3A_119 = arith.index_cast %swap3A_117 : i32 to index
      %swap3A_120 = arith.constant 16 : index
      %swap3A_121 = tpu.vector_load %arg9[%swap3A_118, %swap3A_119, %swap3A_120] {strides = array<i32>} : memref<32x5x32xi32, #tpu.memory_space<vmem>>, vector<1x1x16xi32>,
      %swap3A_122 = vector.shape_cast %swap3A_121 : vector<1x1x16xi32> to vector<16xi32>
      %swap3A_123 = vector.shape_cast %scan3A_67#17 : vector<16xi32> to vector<1x1x16xi32>
      tpu.vector_store %arg9[%swap3A_118, %swap3A_119, %swap3A_120], %swap3A_123 {strides = array<i32>} : memref<32x5x32xi32, #tpu.memory_space<vmem>>, vector<1x1x16xi32>,
      %swap3A_124 = arith.constant 3 : i32
      %swap3A_125 = arith.index_cast %add3A_16 : i32 to index
      %swap3A_126 = arith.index_cast %swap3A_124 : i32 to index
      %swap3A_127 = arith.constant 16 : index
      %swap3A_128 = tpu.vector_load %arg9[%swap3A_125, %swap3A_126, %swap3A_127] {strides = array<i32>} : memref<32x5x32xi32, #tpu.memory_space<vmem>>, vector<1x1x16xi32>,
      %swap3A_129 = vector.shape_cast %swap3A_128 : vector<1x1x16xi32> to vector<16xi32>
      %swap3A_130 = vector.shape_cast %scan3A_67#18 : vector<16xi32> to vector<1x1x16xi32>
      tpu.vector_store %arg9[%swap3A_125, %swap3A_126, %swap3A_127], %swap3A_130 {strides = array<i32>} : memref<32x5x32xi32, #tpu.memory_space<vmem>>, vector<1x1x16xi32>,
      %swap3A_131 = arith.constant 4 : i32
      %swap3A_132 = arith.index_cast %add3A_16 : i32 to index
      %swap3A_133 = arith.index_cast %swap3A_131 : i32 to index
      %swap3A_134 = arith.constant 16 : index
      %swap3A_135 = tpu.vector_load %arg9[%swap3A_132, %swap3A_133, %swap3A_134] {strides = array<i32>} : memref<32x5x32xi32, #tpu.memory_space<vmem>>, vector<1x1x16xi32>,
      %swap3A_136 = vector.shape_cast %swap3A_135 : vector<1x1x16xi32> to vector<16xi32>
      %swap3A_137 = vector.shape_cast %scan3A_67#19 : vector<16xi32> to vector<1x1x16xi32>
      tpu.vector_store %arg9[%swap3A_132, %swap3A_133, %swap3A_134], %swap3A_137 {strides = array<i32>} : memref<32x5x32xi32, #tpu.memory_space<vmem>>, vector<1x1x16xi32>,
    }
    %scan3A_11 = arith.constant 32 : i32
    "tpu.region"() ({
      %run_scoped3A = tpu.sem_alloc : memref<!tpu.dma_semaphore, #tpu.memory_space<semaphore_mem>>
      %dma_start3A = arith.constant 0 : i32
      %dma_start3A_12 = arith.constant 0 : i32
      %dma_start3A_13 = arith.constant 0 : i32
      %dma_start3A_14 = tpu.memref_slice %arg5[%add3A, %dma_start3A, %dma_start3A_12, %dma_start3A_13] : memref<32x32x5x32xi32, #tpu.memory_space<hbm>> -> memref<1x32x5x32xi32, #tpu.memory_space<hbm>>
      %dma_start3A_15 = tpu.memref_squeeze %dma_start3A_14 : memref<1x32x5x32xi32, #tpu.memory_space<hbm>> -> memref<32x5x32xi32, #tpu.memory_space<hbm>>
      %dma_start3A_16 = arith.constant 0 : i32
      %dma_start3A_17 = arith.constant 0 : i32
      %dma_start3A_18 = arith.constant 0 : i32
      %dma_start3A_19 = tpu.memref_slice %arg5[%add3A, %dma_start3A_16, %dma_start3A_17, %dma_start3A_18] : memref<32x32x5x32xi32, #tpu.memory_space<hbm>> -> memref<1x32x5x32xi32, #tpu.memory_space<hbm>>
      %dma_start3A_20 = tpu.memref_squeeze %dma_start3A_19 : memref<1x32x5x32xi32, #tpu.memory_space<hbm>> -> memref<32x5x32xi32, #tpu.memory_space<hbm>>
      tpu.enqueue_dma source(%arg9 : memref<32x5x32xi32, #tpu.memory_space<vmem>>) target(%dma_start3A_20 : memref<32x5x32xi32, #tpu.memory_space<hbm>>) target_semaphore(%run_scoped3A : memref<!tpu.dma_semaphore, #tpu.memory_space<semaphore_mem>>)
      %dma_wait3A = arith.constant 0 : i32
      %dma_wait3A_21 = arith.constant 0 : i32
      %dma_wait3A_22 = arith.constant 0 : i32
      %dma_wait3A_23 = tpu.memref_slice %arg5[%add3A, %dma_wait3A, %dma_wait3A_21, %dma_wait3A_22] : memref<32x32x5x32xi32, #tpu.memory_space<hbm>> -> memref<1x32x5x32xi32, #tpu.memory_space<hbm>>
      %dma_wait3A_24 = tpu.memref_squeeze %dma_wait3A_23 : memref<1x32x5x32xi32, #tpu.memory_space<hbm>> -> memref<32x5x32xi32, #tpu.memory_space<hbm>>
      %dma_wait3A_25 = arith.constant 0 : i32
      %dma_wait3A_26 = arith.constant 0 : i32
      %dma_wait3A_27 = arith.constant 0 : i32
      %dma_wait3A_28 = tpu.memref_slice %arg5[%add3A, %dma_wait3A_25, %dma_wait3A_26, %dma_wait3A_27] : memref<32x32x5x32xi32, #tpu.memory_space<hbm>> -> memref<1x32x5x32xi32, #tpu.memory_space<hbm>>
      %dma_wait3A_29 = tpu.memref_squeeze %dma_wait3A_28 : memref<1x32x5x32xi32, #tpu.memory_space<hbm>> -> memref<32x5x32xi32, #tpu.memory_space<hbm>>
      tpu.wait_dma2 semaphore(%run_scoped3A : memref<!tpu.dma_semaphore, #tpu.memory_space<semaphore_mem>>) src(%arg9 : memref<32x5x32xi32, #tpu.memory_space<vmem>>) dst(%dma_wait3A_29 : memref<32x5x32xi32, #tpu.memory_space<hbm>>)
      tpu.yield
    }) : () -> ()
    return
  }
}

module attributes {stable_mosaic.version = 14 : i64} {
  func.func @_enc_body(%arg0: i32, %arg1: memref<1x8x128xf32, #tpu.memory_space<vmem>>, %arg2: memref<1x8x128xf32, #tpu.memory_space<vmem>>, %arg3: memref<1x8x128xf32, #tpu.memory_space<vmem>>, %arg4: memref<1xf32, #tpu.memory_space<smem>>, %arg5: memref<32x2xf32, #tpu.memory_space<smem>>, %arg6: memref<32x2xf32, #tpu.memory_space<smem>>, %arg7: memref<6x2xf32, #tpu.memory_space<smem>>, %arg8: memref<2xf32, #tpu.memory_space<smem>>, %arg9: memref<6x16xf32, #tpu.memory_space<smem>>, %arg10: memref<16xf32, #tpu.memory_space<smem>>, %arg11: memref<16x1xf32, #tpu.memory_space<smem>>, %arg12: memref<1xf32, #tpu.memory_space<smem>>, %arg13: memref<1x6x8x128xf32, #tpu.memory_space<vmem>>, %arg14: memref<1x2x8x128xf32, #tpu.memory_space<vmem>>) attributes {dimension_semantics = [#tpu.dimension_semantics<arbitrary>], iteration_bounds = array<i64: 32>, scalar_prefetch = 0 : i64, scratch_operands = 0 : i64, tpu.core_type = #tpu.core_type<tc>, window_params = [{transform_indices = @transform_0, window_bounds = array<i64: 1, 8, 128>}, {transform_indices = @transform_1, window_bounds = array<i64: 1, 8, 128>}, {transform_indices = @transform_2, window_bounds = array<i64: 1, 8, 128>}, {transform_indices = @transform_3, window_bounds = array<i64: 1>}, {transform_indices = @transform_4, window_bounds = array<i64: 32, 2>}, {transform_indices = @transform_5, window_bounds = array<i64: 32, 2>}, {transform_indices = @transform_6, window_bounds = array<i64: 6, 2>}, {transform_indices = @transform_7, window_bounds = array<i64: 2>}, {transform_indices = @transform_8, window_bounds = array<i64: 6, 16>}, {transform_indices = @transform_9, window_bounds = array<i64: 16>}, {transform_indices = @transform_10, window_bounds = array<i64: 16, 1>}, {transform_indices = @transform_11, window_bounds = array<i64: 1>}, {transform_indices = @transform_12, window_bounds = array<i64: 1, 6, 8, 128>}, {transform_indices = @transform_13, window_bounds = array<i64: 1, 2, 8, 128>}]} {
    %get3A = arith.constant 0 : index
    %get3A_0 = arith.constant 0 : index
    %get3A_1 = arith.constant 0 : index
    %get3A_2 = vector.load %arg1[%get3A, %get3A_0, %get3A_1] : memref<1x8x128xf32, #tpu.memory_space<vmem>>, vector<1x8x128xf32>
    %get3A_3 = vector.shape_cast %get3A_2 : vector<1x8x128xf32> to vector<8x128xf32>
    %get3A_4 = arith.constant 0 : index
    %get3A_5 = arith.constant 0 : index
    %get3A_6 = arith.constant 0 : index
    %get3A_7 = vector.load %arg2[%get3A_4, %get3A_5, %get3A_6] : memref<1x8x128xf32, #tpu.memory_space<vmem>>, vector<1x8x128xf32>
    %get3A_8 = vector.shape_cast %get3A_7 : vector<1x8x128xf32> to vector<8x128xf32>
    %get3A_9 = arith.constant 0 : index
    %get3A_10 = arith.constant 0 : index
    %get3A_11 = arith.constant 0 : index
    %get3A_12 = vector.load %arg3[%get3A_9, %get3A_10, %get3A_11] : memref<1x8x128xf32, #tpu.memory_space<vmem>>, vector<1x8x128xf32>
    %get3A_13 = vector.shape_cast %get3A_12 : vector<1x8x128xf32> to vector<8x128xf32>
    %get3A_14 = arith.constant 0 : index
    %get3A_15 = memref.load %arg4[%get3A_14] : memref<1xf32, #tpu.memory_space<smem>>
    %get3A_16 = arith.index_cast %arg0 : i32 to index
    %get3A_17 = arith.constant 0 : index
    %get3A_18 = memref.load %arg5[%get3A_16, %get3A_17] : memref<32x2xf32, #tpu.memory_space<smem>>
    %get3A_19 = arith.index_cast %arg0 : i32 to index
    %get3A_20 = arith.constant 1 : index
    %get3A_21 = memref.load %arg5[%get3A_19, %get3A_20] : memref<32x2xf32, #tpu.memory_space<smem>>
    %get3A_22 = arith.index_cast %arg0 : i32 to index
    %get3A_23 = arith.constant 0 : index
    %get3A_24 = memref.load %arg6[%get3A_22, %get3A_23] : memref<32x2xf32, #tpu.memory_space<smem>>
    %get3A_25 = arith.index_cast %arg0 : i32 to index
    %get3A_26 = arith.constant 1 : index
    %get3A_27 = memref.load %arg6[%get3A_25, %get3A_26] : memref<32x2xf32, #tpu.memory_space<smem>>
    %sub3A = vector.broadcast %get3A_24 : f32 to vector<8x128xf32>
    %sub3A_28 = arith.subf %get3A_3, %sub3A : vector<8x128xf32>
    %sub3A_29 = vector.broadcast %get3A_27 : f32 to vector<8x128xf32>
    %sub3A_30 = arith.subf %get3A_8, %sub3A_29 : vector<8x128xf32>
    %mul3A = arith.mulf %sub3A_28, %sub3A_28 : vector<8x128xf32>
    %mul3A_31 = arith.mulf %sub3A_30, %sub3A_30 : vector<8x128xf32>
    %add3A = arith.addf %mul3A, %mul3A_31 : vector<8x128xf32>
    %add3A_32 = arith.constant 9.99999996E-13 : f32
    %add3A_33 = vector.broadcast %add3A_32 : f32 to vector<8x128xf32>
    %add3A_34 = arith.addf %add3A, %add3A_33 : vector<8x128xf32>
    %sqrt3A = math.sqrt %add3A_34 : vector<8x128xf32>
    %sub3A_35 = vector.broadcast %get3A_18 : f32 to vector<8x128xf32>
    %sub3A_36 = arith.subf %get3A_3, %sub3A_35 : vector<8x128xf32>
    %sub3A_37 = vector.broadcast %get3A_21 : f32 to vector<8x128xf32>
    %sub3A_38 = arith.subf %get3A_8, %sub3A_37 : vector<8x128xf32>
    %mul3A_39 = arith.mulf %sub3A_36, %sub3A_36 : vector<8x128xf32>
    %mul3A_40 = arith.mulf %sub3A_38, %sub3A_38 : vector<8x128xf32>
    %add3A_41 = arith.addf %mul3A_39, %mul3A_40 : vector<8x128xf32>
    %add3A_42 = arith.constant 9.99999996E-13 : f32
    %add3A_43 = vector.broadcast %add3A_42 : f32 to vector<8x128xf32>
    %add3A_44 = arith.addf %add3A_41, %add3A_43 : vector<8x128xf32>
    %sqrt3A_45 = math.sqrt %add3A_44 : vector<8x128xf32>
    %iota3A = tpu.iota {dimensions = array<i32: 0>} : vector<8x128xi32>
    %mul3A_46 = arith.constant 128 : i32
    %mul3A_47 = vector.broadcast %mul3A_46 : i32 to vector<8x128xi32>
    %mul3A_48 = arith.muli %iota3A, %mul3A_47 : vector<8x128xi32>
    %iota3A_49 = tpu.iota {dimensions = array<i32: 1>} : vector<8x128xi32>
    %add3A_50 = arith.addi %mul3A_48, %iota3A_49 : vector<8x128xi32>
    %eq3A = arith.constant 0 : i32
    %eq3A_51 = vector.broadcast %eq3A : i32 to vector<8x128xi32>
    %eq3A_52 = arith.cmpi eq, %add3A_50, %eq3A_51 : vector<8x128xi32>
    %jit3A = arith.constant 1.000000e+00 : f32
    %jit3A_53 = arith.constant 0.000000e+00 : f32
    %broadcast_in_dim3A = vector.broadcast %jit3A : f32 to vector<8x128xf32>
    %broadcast_in_dim3A_54 = vector.broadcast %jit3A_53 : f32 to vector<8x128xf32>
    %select_n3A = arith.select %eq3A_52, %broadcast_in_dim3A, %broadcast_in_dim3A_54 : vector<8x128xi1>, vector<8x128xf32>
    %div3A = vector.broadcast %get3A_15 : f32 to vector<8x128xf32>
    %div3A_55 = arith.divf %get3A_13, %div3A : vector<8x128xf32>
    %swap3A = arith.constant 0 : index
    %swap3A_56 = arith.constant 0 : index
    %swap3A_57 = arith.constant 0 : index
    %swap3A_58 = arith.constant 0 : index
    %swap3A_59 = vector.load %arg13[%swap3A, %swap3A_56, %swap3A_57, %swap3A_58] : memref<1x6x8x128xf32, #tpu.memory_space<vmem>>, vector<1x1x8x128xf32>
    %swap3A_60 = vector.shape_cast %swap3A_59 : vector<1x1x8x128xf32> to vector<8x128xf32>
    %swap3A_61 = vector.shape_cast %get3A_3 : vector<8x128xf32> to vector<1x1x8x128xf32>
    tpu.vector_store %arg13[%swap3A, %swap3A_56, %swap3A_57, %swap3A_58], %swap3A_61 {strides = array<i32>} : memref<1x6x8x128xf32, #tpu.memory_space<vmem>>, vector<1x1x8x128xf32>,
    %swap3A_62 = arith.constant 0 : index
    %swap3A_63 = arith.constant 1 : index
    %swap3A_64 = arith.constant 0 : index
    %swap3A_65 = arith.constant 0 : index
    %swap3A_66 = vector.load %arg13[%swap3A_62, %swap3A_63, %swap3A_64, %swap3A_65] : memref<1x6x8x128xf32, #tpu.memory_space<vmem>>, vector<1x1x8x128xf32>
    %swap3A_67 = vector.shape_cast %swap3A_66 : vector<1x1x8x128xf32> to vector<8x128xf32>
    %swap3A_68 = vector.shape_cast %get3A_8 : vector<8x128xf32> to vector<1x1x8x128xf32>
    tpu.vector_store %arg13[%swap3A_62, %swap3A_63, %swap3A_64, %swap3A_65], %swap3A_68 {strides = array<i32>} : memref<1x6x8x128xf32, #tpu.memory_space<vmem>>, vector<1x1x8x128xf32>,
    %swap3A_69 = arith.constant 0 : index
    %swap3A_70 = arith.constant 2 : index
    %swap3A_71 = arith.constant 0 : index
    %swap3A_72 = arith.constant 0 : index
    %swap3A_73 = vector.load %arg13[%swap3A_69, %swap3A_70, %swap3A_71, %swap3A_72] : memref<1x6x8x128xf32, #tpu.memory_space<vmem>>, vector<1x1x8x128xf32>
    %swap3A_74 = vector.shape_cast %swap3A_73 : vector<1x1x8x128xf32> to vector<8x128xf32>
    %swap3A_75 = vector.shape_cast %div3A_55 : vector<8x128xf32> to vector<1x1x8x128xf32>
    tpu.vector_store %arg13[%swap3A_69, %swap3A_70, %swap3A_71, %swap3A_72], %swap3A_75 {strides = array<i32>} : memref<1x6x8x128xf32, #tpu.memory_space<vmem>>, vector<1x1x8x128xf32>,
    %swap3A_76 = arith.constant 0 : index
    %swap3A_77 = arith.constant 3 : index
    %swap3A_78 = arith.constant 0 : index
    %swap3A_79 = arith.constant 0 : index
    %swap3A_80 = vector.load %arg13[%swap3A_76, %swap3A_77, %swap3A_78, %swap3A_79] : memref<1x6x8x128xf32, #tpu.memory_space<vmem>>, vector<1x1x8x128xf32>
    %swap3A_81 = vector.shape_cast %swap3A_80 : vector<1x1x8x128xf32> to vector<8x128xf32>
    %swap3A_82 = vector.shape_cast %sqrt3A : vector<8x128xf32> to vector<1x1x8x128xf32>
    tpu.vector_store %arg13[%swap3A_76, %swap3A_77, %swap3A_78, %swap3A_79], %swap3A_82 {strides = array<i32>} : memref<1x6x8x128xf32, #tpu.memory_space<vmem>>, vector<1x1x8x128xf32>,
    %swap3A_83 = arith.constant 0 : index
    %swap3A_84 = arith.constant 4 : index
    %swap3A_85 = arith.constant 0 : index
    %swap3A_86 = arith.constant 0 : index
    %swap3A_87 = vector.load %arg13[%swap3A_83, %swap3A_84, %swap3A_85, %swap3A_86] : memref<1x6x8x128xf32, #tpu.memory_space<vmem>>, vector<1x1x8x128xf32>
    %swap3A_88 = vector.shape_cast %swap3A_87 : vector<1x1x8x128xf32> to vector<8x128xf32>
    %swap3A_89 = vector.shape_cast %select_n3A : vector<8x128xf32> to vector<1x1x8x128xf32>
    tpu.vector_store %arg13[%swap3A_83, %swap3A_84, %swap3A_85, %swap3A_86], %swap3A_89 {strides = array<i32>} : memref<1x6x8x128xf32, #tpu.memory_space<vmem>>, vector<1x1x8x128xf32>,
    %swap3A_90 = arith.constant 0 : index
    %swap3A_91 = arith.constant 5 : index
    %swap3A_92 = arith.constant 0 : index
    %swap3A_93 = arith.constant 0 : index
    %swap3A_94 = vector.load %arg13[%swap3A_90, %swap3A_91, %swap3A_92, %swap3A_93] : memref<1x6x8x128xf32, #tpu.memory_space<vmem>>, vector<1x1x8x128xf32>
    %swap3A_95 = vector.shape_cast %swap3A_94 : vector<1x1x8x128xf32> to vector<8x128xf32>
    %swap3A_96 = vector.shape_cast %sqrt3A_45 : vector<8x128xf32> to vector<1x1x8x128xf32>
    tpu.vector_store %arg13[%swap3A_90, %swap3A_91, %swap3A_92, %swap3A_93], %swap3A_96 {strides = array<i32>} : memref<1x6x8x128xf32, #tpu.memory_space<vmem>>, vector<1x1x8x128xf32>,
    %bitcast_convert_type3A = tpu.bitcast %get3A_3 : vector<8x128xf32> -> vector<8x128xi32>
    %shift_right_arithmetic3A = arith.constant 16 : i32
    %shift_right_arithmetic3A_97 = vector.broadcast %shift_right_arithmetic3A : i32 to vector<8x128xi32>
    %shift_right_arithmetic3A_98 = arith.shrsi %bitcast_convert_type3A, %shift_right_arithmetic3A_97 : vector<8x128xi32>
    %and3A = arith.constant 1 : i32
    %and3A_99 = vector.broadcast %and3A : i32 to vector<8x128xi32>
    %and3A_100 = arith.andi %shift_right_arithmetic3A_98, %and3A_99 : vector<8x128xi32>
    %add3A_101 = arith.constant 32767 : i32
    %add3A_102 = vector.broadcast %add3A_101 : i32 to vector<8x128xi32>
    %add3A_103 = arith.addi %add3A_102, %and3A_100 : vector<8x128xi32>
    %add3A_104 = arith.addi %bitcast_convert_type3A, %add3A_103 : vector<8x128xi32>
    %and3A_105 = arith.constant -65536 : i32
    %and3A_106 = vector.broadcast %and3A_105 : i32 to vector<8x128xi32>
    %and3A_107 = arith.andi %add3A_104, %and3A_106 : vector<8x128xi32>
    %bitcast_convert_type3A_108 = tpu.bitcast %and3A_107 : vector<8x128xi32> -> vector<8x128xf32>
    %bitcast_convert_type3A_109 = tpu.bitcast %get3A_8 : vector<8x128xf32> -> vector<8x128xi32>
    %shift_right_arithmetic3A_110 = arith.constant 16 : i32
    %shift_right_arithmetic3A_111 = vector.broadcast %shift_right_arithmetic3A_110 : i32 to vector<8x128xi32>
    %shift_right_arithmetic3A_112 = arith.shrsi %bitcast_convert_type3A_109, %shift_right_arithmetic3A_111 : vector<8x128xi32>
    %and3A_113 = arith.constant 1 : i32
    %and3A_114 = vector.broadcast %and3A_113 : i32 to vector<8x128xi32>
    %and3A_115 = arith.andi %shift_right_arithmetic3A_112, %and3A_114 : vector<8x128xi32>
    %add3A_116 = arith.constant 32767 : i32
    %add3A_117 = vector.broadcast %add3A_116 : i32 to vector<8x128xi32>
    %add3A_118 = arith.addi %add3A_117, %and3A_115 : vector<8x128xi32>
    %add3A_119 = arith.addi %bitcast_convert_type3A_109, %add3A_118 : vector<8x128xi32>
    %and3A_120 = arith.constant -65536 : i32
    %and3A_121 = vector.broadcast %and3A_120 : i32 to vector<8x128xi32>
    %and3A_122 = arith.andi %add3A_119, %and3A_121 : vector<8x128xi32>
    %bitcast_convert_type3A_123 = tpu.bitcast %and3A_122 : vector<8x128xi32> -> vector<8x128xf32>
    %bitcast_convert_type3A_124 = tpu.bitcast %div3A_55 : vector<8x128xf32> -> vector<8x128xi32>
    %shift_right_arithmetic3A_125 = arith.constant 16 : i32
    %shift_right_arithmetic3A_126 = vector.broadcast %shift_right_arithmetic3A_125 : i32 to vector<8x128xi32>
    %shift_right_arithmetic3A_127 = arith.shrsi %bitcast_convert_type3A_124, %shift_right_arithmetic3A_126 : vector<8x128xi32>
    %and3A_128 = arith.constant 1 : i32
    %and3A_129 = vector.broadcast %and3A_128 : i32 to vector<8x128xi32>
    %and3A_130 = arith.andi %shift_right_arithmetic3A_127, %and3A_129 : vector<8x128xi32>
    %add3A_131 = arith.constant 32767 : i32
    %add3A_132 = vector.broadcast %add3A_131 : i32 to vector<8x128xi32>
    %add3A_133 = arith.addi %add3A_132, %and3A_130 : vector<8x128xi32>
    %add3A_134 = arith.addi %bitcast_convert_type3A_124, %add3A_133 : vector<8x128xi32>
    %and3A_135 = arith.constant -65536 : i32
    %and3A_136 = vector.broadcast %and3A_135 : i32 to vector<8x128xi32>
    %and3A_137 = arith.andi %add3A_134, %and3A_136 : vector<8x128xi32>
    %bitcast_convert_type3A_138 = tpu.bitcast %and3A_137 : vector<8x128xi32> -> vector<8x128xf32>
    %bitcast_convert_type3A_139 = tpu.bitcast %sqrt3A : vector<8x128xf32> -> vector<8x128xi32>
    %shift_right_arithmetic3A_140 = arith.constant 16 : i32
    %shift_right_arithmetic3A_141 = vector.broadcast %shift_right_arithmetic3A_140 : i32 to vector<8x128xi32>
    %shift_right_arithmetic3A_142 = arith.shrsi %bitcast_convert_type3A_139, %shift_right_arithmetic3A_141 : vector<8x128xi32>
    %and3A_143 = arith.constant 1 : i32
    %and3A_144 = vector.broadcast %and3A_143 : i32 to vector<8x128xi32>
    %and3A_145 = arith.andi %shift_right_arithmetic3A_142, %and3A_144 : vector<8x128xi32>
    %add3A_146 = arith.constant 32767 : i32
    %add3A_147 = vector.broadcast %add3A_146 : i32 to vector<8x128xi32>
    %add3A_148 = arith.addi %add3A_147, %and3A_145 : vector<8x128xi32>
    %add3A_149 = arith.addi %bitcast_convert_type3A_139, %add3A_148 : vector<8x128xi32>
    %and3A_150 = arith.constant -65536 : i32
    %and3A_151 = vector.broadcast %and3A_150 : i32 to vector<8x128xi32>
    %and3A_152 = arith.andi %add3A_149, %and3A_151 : vector<8x128xi32>
    %bitcast_convert_type3A_153 = tpu.bitcast %and3A_152 : vector<8x128xi32> -> vector<8x128xf32>
    %bitcast_convert_type3A_154 = tpu.bitcast %select_n3A : vector<8x128xf32> -> vector<8x128xi32>
    %shift_right_arithmetic3A_155 = arith.constant 16 : i32
    %shift_right_arithmetic3A_156 = vector.broadcast %shift_right_arithmetic3A_155 : i32 to vector<8x128xi32>
    %shift_right_arithmetic3A_157 = arith.shrsi %bitcast_convert_type3A_154, %shift_right_arithmetic3A_156 : vector<8x128xi32>
    %and3A_158 = arith.constant 1 : i32
    %and3A_159 = vector.broadcast %and3A_158 : i32 to vector<8x128xi32>
    %and3A_160 = arith.andi %shift_right_arithmetic3A_157, %and3A_159 : vector<8x128xi32>
    %add3A_161 = arith.constant 32767 : i32
    %add3A_162 = vector.broadcast %add3A_161 : i32 to vector<8x128xi32>
    %add3A_163 = arith.addi %add3A_162, %and3A_160 : vector<8x128xi32>
    %add3A_164 = arith.addi %bitcast_convert_type3A_154, %add3A_163 : vector<8x128xi32>
    %and3A_165 = arith.constant -65536 : i32
    %and3A_166 = vector.broadcast %and3A_165 : i32 to vector<8x128xi32>
    %and3A_167 = arith.andi %add3A_164, %and3A_166 : vector<8x128xi32>
    %bitcast_convert_type3A_168 = tpu.bitcast %and3A_167 : vector<8x128xi32> -> vector<8x128xf32>
    %bitcast_convert_type3A_169 = tpu.bitcast %sqrt3A_45 : vector<8x128xf32> -> vector<8x128xi32>
    %shift_right_arithmetic3A_170 = arith.constant 16 : i32
    %shift_right_arithmetic3A_171 = vector.broadcast %shift_right_arithmetic3A_170 : i32 to vector<8x128xi32>
    %shift_right_arithmetic3A_172 = arith.shrsi %bitcast_convert_type3A_169, %shift_right_arithmetic3A_171 : vector<8x128xi32>
    %and3A_173 = arith.constant 1 : i32
    %and3A_174 = vector.broadcast %and3A_173 : i32 to vector<8x128xi32>
    %and3A_175 = arith.andi %shift_right_arithmetic3A_172, %and3A_174 : vector<8x128xi32>
    %add3A_176 = arith.constant 32767 : i32
    %add3A_177 = vector.broadcast %add3A_176 : i32 to vector<8x128xi32>
    %add3A_178 = arith.addi %add3A_177, %and3A_175 : vector<8x128xi32>
    %add3A_179 = arith.addi %bitcast_convert_type3A_169, %add3A_178 : vector<8x128xi32>
    %and3A_180 = arith.constant -65536 : i32
    %and3A_181 = vector.broadcast %and3A_180 : i32 to vector<8x128xi32>
    %and3A_182 = arith.andi %add3A_179, %and3A_181 : vector<8x128xi32>
    %bitcast_convert_type3A_183 = tpu.bitcast %and3A_182 : vector<8x128xi32> -> vector<8x128xf32>
    %get3A_184 = arith.constant 0 : index
    %get3A_185 = arith.constant 0 : index
    %get3A_186 = memref.load %arg7[%get3A_184, %get3A_185] : memref<6x2xf32, #tpu.memory_space<smem>>
    %mul3A_187 = vector.broadcast %get3A_186 : f32 to vector<8x128xf32>
    %mul3A_188 = arith.mulf %bitcast_convert_type3A_108, %mul3A_187 : vector<8x128xf32>
    %get3A_189 = arith.constant 0 : index
    %get3A_190 = arith.constant 1 : index
    %get3A_191 = memref.load %arg7[%get3A_189, %get3A_190] : memref<6x2xf32, #tpu.memory_space<smem>>
    %mul3A_192 = vector.broadcast %get3A_191 : f32 to vector<8x128xf32>
    %mul3A_193 = arith.mulf %bitcast_convert_type3A_108, %mul3A_192 : vector<8x128xf32>
    %get3A_194 = arith.constant 1 : index
    %get3A_195 = arith.constant 0 : index
    %get3A_196 = memref.load %arg7[%get3A_194, %get3A_195] : memref<6x2xf32, #tpu.memory_space<smem>>
    %mul3A_197 = vector.broadcast %get3A_196 : f32 to vector<8x128xf32>
    %mul3A_198 = arith.mulf %bitcast_convert_type3A_123, %mul3A_197 : vector<8x128xf32>
    %add3A_199 = arith.addf %mul3A_188, %mul3A_198 : vector<8x128xf32>
    %get3A_200 = arith.constant 1 : index
    %get3A_201 = arith.constant 1 : index
    %get3A_202 = memref.load %arg7[%get3A_200, %get3A_201] : memref<6x2xf32, #tpu.memory_space<smem>>
    %mul3A_203 = vector.broadcast %get3A_202 : f32 to vector<8x128xf32>
    %mul3A_204 = arith.mulf %bitcast_convert_type3A_123, %mul3A_203 : vector<8x128xf32>
    %add3A_205 = arith.addf %mul3A_193, %mul3A_204 : vector<8x128xf32>
    %get3A_206 = arith.constant 2 : index
    %get3A_207 = arith.constant 0 : index
    %get3A_208 = memref.load %arg7[%get3A_206, %get3A_207] : memref<6x2xf32, #tpu.memory_space<smem>>
    %mul3A_209 = vector.broadcast %get3A_208 : f32 to vector<8x128xf32>
    %mul3A_210 = arith.mulf %bitcast_convert_type3A_138, %mul3A_209 : vector<8x128xf32>
    %add3A_211 = arith.addf %add3A_199, %mul3A_210 : vector<8x128xf32>
    %get3A_212 = arith.constant 2 : index
    %get3A_213 = arith.constant 1 : index
    %get3A_214 = memref.load %arg7[%get3A_212, %get3A_213] : memref<6x2xf32, #tpu.memory_space<smem>>
    %mul3A_215 = vector.broadcast %get3A_214 : f32 to vector<8x128xf32>
    %mul3A_216 = arith.mulf %bitcast_convert_type3A_138, %mul3A_215 : vector<8x128xf32>
    %add3A_217 = arith.addf %add3A_205, %mul3A_216 : vector<8x128xf32>
    %get3A_218 = arith.constant 3 : index
    %get3A_219 = arith.constant 0 : index
    %get3A_220 = memref.load %arg7[%get3A_218, %get3A_219] : memref<6x2xf32, #tpu.memory_space<smem>>
    %mul3A_221 = vector.broadcast %get3A_220 : f32 to vector<8x128xf32>
    %mul3A_222 = arith.mulf %bitcast_convert_type3A_153, %mul3A_221 : vector<8x128xf32>
    %add3A_223 = arith.addf %add3A_211, %mul3A_222 : vector<8x128xf32>
    %get3A_224 = arith.constant 3 : index
    %get3A_225 = arith.constant 1 : index
    %get3A_226 = memref.load %arg7[%get3A_224, %get3A_225] : memref<6x2xf32, #tpu.memory_space<smem>>
    %mul3A_227 = vector.broadcast %get3A_226 : f32 to vector<8x128xf32>
    %mul3A_228 = arith.mulf %bitcast_convert_type3A_153, %mul3A_227 : vector<8x128xf32>
    %add3A_229 = arith.addf %add3A_217, %mul3A_228 : vector<8x128xf32>
    %get3A_230 = arith.constant 4 : index
    %get3A_231 = arith.constant 0 : index
    %get3A_232 = memref.load %arg7[%get3A_230, %get3A_231] : memref<6x2xf32, #tpu.memory_space<smem>>
    %mul3A_233 = vector.broadcast %get3A_232 : f32 to vector<8x128xf32>
    %mul3A_234 = arith.mulf %bitcast_convert_type3A_168, %mul3A_233 : vector<8x128xf32>
    %add3A_235 = arith.addf %add3A_223, %mul3A_234 : vector<8x128xf32>
    %get3A_236 = arith.constant 4 : index
    %get3A_237 = arith.constant 1 : index
    %get3A_238 = memref.load %arg7[%get3A_236, %get3A_237] : memref<6x2xf32, #tpu.memory_space<smem>>
    %mul3A_239 = vector.broadcast %get3A_238 : f32 to vector<8x128xf32>
    %mul3A_240 = arith.mulf %bitcast_convert_type3A_168, %mul3A_239 : vector<8x128xf32>
    %add3A_241 = arith.addf %add3A_229, %mul3A_240 : vector<8x128xf32>
    %get3A_242 = arith.constant 5 : index
    %get3A_243 = arith.constant 0 : index
    %get3A_244 = memref.load %arg7[%get3A_242, %get3A_243] : memref<6x2xf32, #tpu.memory_space<smem>>
    %mul3A_245 = vector.broadcast %get3A_244 : f32 to vector<8x128xf32>
    %mul3A_246 = arith.mulf %bitcast_convert_type3A_183, %mul3A_245 : vector<8x128xf32>
    %add3A_247 = arith.addf %add3A_235, %mul3A_246 : vector<8x128xf32>
    %get3A_248 = arith.constant 5 : index
    %get3A_249 = arith.constant 1 : index
    %get3A_250 = memref.load %arg7[%get3A_248, %get3A_249] : memref<6x2xf32, #tpu.memory_space<smem>>
    %mul3A_251 = vector.broadcast %get3A_250 : f32 to vector<8x128xf32>
    %mul3A_252 = arith.mulf %bitcast_convert_type3A_183, %mul3A_251 : vector<8x128xf32>
    %add3A_253 = arith.addf %add3A_241, %mul3A_252 : vector<8x128xf32>
    %get3A_254 = arith.constant 0 : index
    %get3A_255 = memref.load %arg8[%get3A_254] : memref<2xf32, #tpu.memory_space<smem>>
    %add3A_256 = vector.broadcast %get3A_255 : f32 to vector<8x128xf32>
    %add3A_257 = arith.addf %add3A_247, %add3A_256 : vector<8x128xf32>
    %get3A_258 = arith.constant 1 : index
    %get3A_259 = memref.load %arg8[%get3A_258] : memref<2xf32, #tpu.memory_space<smem>>
    %add3A_260 = vector.broadcast %get3A_259 : f32 to vector<8x128xf32>
    %add3A_261 = arith.addf %add3A_253, %add3A_260 : vector<8x128xf32>
    %mul3A_262 = arith.mulf %add3A_257, %add3A_257 : vector<8x128xf32>
    %mul3A_263 = arith.mulf %add3A_261, %add3A_261 : vector<8x128xf32>
    %add3A_264 = arith.addf %mul3A_262, %mul3A_263 : vector<8x128xf32>
    %sqrt3A_265 = math.sqrt %add3A_264 : vector<8x128xf32>
    %add3A_266 = arith.constant 9.99999993E-9 : f32
    %add3A_267 = vector.broadcast %add3A_266 : f32 to vector<8x128xf32>
    %add3A_268 = arith.addf %sqrt3A_265, %add3A_267 : vector<8x128xf32>
    %div3A_269 = arith.divf %add3A_257, %add3A_268 : vector<8x128xf32>
    %div3A_270 = arith.divf %add3A_261, %add3A_268 : vector<8x128xf32>
    %broadcast_in_dim3A_271 = arith.constant 0.000000e+00 : f32
    %broadcast_in_dim3A_272 = vector.broadcast %broadcast_in_dim3A_271 : f32 to vector<8x128xf32>
    %get3A_273 = arith.constant 0 : index
    %get3A_274 = memref.load %arg12[%get3A_273] : memref<1xf32, #tpu.memory_space<smem>>
    %add3A_275 = vector.broadcast %get3A_274 : f32 to vector<8x128xf32>
    %add3A_276 = arith.addf %broadcast_in_dim3A_272, %add3A_275 : vector<8x128xf32>
    %get3A_277 = arith.constant 0 : index
    %get3A_278 = arith.constant 0 : index
    %get3A_279 = memref.load %arg9[%get3A_277, %get3A_278] : memref<6x16xf32, #tpu.memory_space<smem>>
    %mul3A_280 = vector.broadcast %get3A_279 : f32 to vector<8x128xf32>
    %mul3A_281 = arith.mulf %bitcast_convert_type3A_108, %mul3A_280 : vector<8x128xf32>
    %get3A_282 = arith.constant 1 : index
    %get3A_283 = arith.constant 0 : index
    %get3A_284 = memref.load %arg9[%get3A_282, %get3A_283] : memref<6x16xf32, #tpu.memory_space<smem>>
    %mul3A_285 = vector.broadcast %get3A_284 : f32 to vector<8x128xf32>
    %mul3A_286 = arith.mulf %bitcast_convert_type3A_123, %mul3A_285 : vector<8x128xf32>
    %add3A_287 = arith.addf %mul3A_281, %mul3A_286 : vector<8x128xf32>
    %get3A_288 = arith.constant 2 : index
    %get3A_289 = arith.constant 0 : index
    %get3A_290 = memref.load %arg9[%get3A_288, %get3A_289] : memref<6x16xf32, #tpu.memory_space<smem>>
    %mul3A_291 = vector.broadcast %get3A_290 : f32 to vector<8x128xf32>
    %mul3A_292 = arith.mulf %bitcast_convert_type3A_138, %mul3A_291 : vector<8x128xf32>
    %add3A_293 = arith.addf %add3A_287, %mul3A_292 : vector<8x128xf32>
    %get3A_294 = arith.constant 3 : index
    %get3A_295 = arith.constant 0 : index
    %get3A_296 = memref.load %arg9[%get3A_294, %get3A_295] : memref<6x16xf32, #tpu.memory_space<smem>>
    %mul3A_297 = vector.broadcast %get3A_296 : f32 to vector<8x128xf32>
    %mul3A_298 = arith.mulf %bitcast_convert_type3A_153, %mul3A_297 : vector<8x128xf32>
    %add3A_299 = arith.addf %add3A_293, %mul3A_298 : vector<8x128xf32>
    %get3A_300 = arith.constant 4 : index
    %get3A_301 = arith.constant 0 : index
    %get3A_302 = memref.load %arg9[%get3A_300, %get3A_301] : memref<6x16xf32, #tpu.memory_space<smem>>
    %mul3A_303 = vector.broadcast %get3A_302 : f32 to vector<8x128xf32>
    %mul3A_304 = arith.mulf %bitcast_convert_type3A_168, %mul3A_303 : vector<8x128xf32>
    %add3A_305 = arith.addf %add3A_299, %mul3A_304 : vector<8x128xf32>
    %get3A_306 = arith.constant 5 : index
    %get3A_307 = arith.constant 0 : index
    %get3A_308 = memref.load %arg9[%get3A_306, %get3A_307] : memref<6x16xf32, #tpu.memory_space<smem>>
    %mul3A_309 = vector.broadcast %get3A_308 : f32 to vector<8x128xf32>
    %mul3A_310 = arith.mulf %bitcast_convert_type3A_183, %mul3A_309 : vector<8x128xf32>
    %add3A_311 = arith.addf %add3A_305, %mul3A_310 : vector<8x128xf32>
    %get3A_312 = arith.constant 0 : index
    %get3A_313 = memref.load %arg10[%get3A_312] : memref<16xf32, #tpu.memory_space<smem>>
    %add3A_314 = vector.broadcast %get3A_313 : f32 to vector<8x128xf32>
    %add3A_315 = arith.addf %add3A_311, %add3A_314 : vector<8x128xf32>
    %tanh3A = math.tanh %add3A_315 : vector<8x128xf32>
    %bitcast_convert_type3A_316 = tpu.bitcast %tanh3A : vector<8x128xf32> -> vector<8x128xi32>
    %shift_right_arithmetic3A_317 = arith.constant 16 : i32
    %shift_right_arithmetic3A_318 = vector.broadcast %shift_right_arithmetic3A_317 : i32 to vector<8x128xi32>
    %shift_right_arithmetic3A_319 = arith.shrsi %bitcast_convert_type3A_316, %shift_right_arithmetic3A_318 : vector<8x128xi32>
    %and3A_320 = arith.constant 1 : i32
    %and3A_321 = vector.broadcast %and3A_320 : i32 to vector<8x128xi32>
    %and3A_322 = arith.andi %shift_right_arithmetic3A_319, %and3A_321 : vector<8x128xi32>
    %add3A_323 = arith.constant 32767 : i32
    %add3A_324 = vector.broadcast %add3A_323 : i32 to vector<8x128xi32>
    %add3A_325 = arith.addi %add3A_324, %and3A_322 : vector<8x128xi32>
    %add3A_326 = arith.addi %bitcast_convert_type3A_316, %add3A_325 : vector<8x128xi32>
    %and3A_327 = arith.constant -65536 : i32
    %and3A_328 = vector.broadcast %and3A_327 : i32 to vector<8x128xi32>
    %and3A_329 = arith.andi %add3A_326, %and3A_328 : vector<8x128xi32>
    %bitcast_convert_type3A_330 = tpu.bitcast %and3A_329 : vector<8x128xi32> -> vector<8x128xf32>
    %get3A_331 = arith.constant 0 : index
    %get3A_332 = arith.constant 0 : index
    %get3A_333 = memref.load %arg11[%get3A_331, %get3A_332] : memref<16x1xf32, #tpu.memory_space<smem>>
    %mul3A_334 = vector.broadcast %get3A_333 : f32 to vector<8x128xf32>
    %mul3A_335 = arith.mulf %bitcast_convert_type3A_330, %mul3A_334 : vector<8x128xf32>
    %add3A_336 = arith.addf %add3A_276, %mul3A_335 : vector<8x128xf32>
    %get3A_337 = arith.constant 0 : index
    %get3A_338 = arith.constant 1 : index
    %get3A_339 = memref.load %arg9[%get3A_337, %get3A_338] : memref<6x16xf32, #tpu.memory_space<smem>>
    %mul3A_340 = vector.broadcast %get3A_339 : f32 to vector<8x128xf32>
    %mul3A_341 = arith.mulf %bitcast_convert_type3A_108, %mul3A_340 : vector<8x128xf32>
    %get3A_342 = arith.constant 1 : index
    %get3A_343 = arith.constant 1 : index
    %get3A_344 = memref.load %arg9[%get3A_342, %get3A_343] : memref<6x16xf32, #tpu.memory_space<smem>>
    %mul3A_345 = vector.broadcast %get3A_344 : f32 to vector<8x128xf32>
    %mul3A_346 = arith.mulf %bitcast_convert_type3A_123, %mul3A_345 : vector<8x128xf32>
    %add3A_347 = arith.addf %mul3A_341, %mul3A_346 : vector<8x128xf32>
    %get3A_348 = arith.constant 2 : index
    %get3A_349 = arith.constant 1 : index
    %get3A_350 = memref.load %arg9[%get3A_348, %get3A_349] : memref<6x16xf32, #tpu.memory_space<smem>>
    %mul3A_351 = vector.broadcast %get3A_350 : f32 to vector<8x128xf32>
    %mul3A_352 = arith.mulf %bitcast_convert_type3A_138, %mul3A_351 : vector<8x128xf32>
    %add3A_353 = arith.addf %add3A_347, %mul3A_352 : vector<8x128xf32>
    %get3A_354 = arith.constant 3 : index
    %get3A_355 = arith.constant 1 : index
    %get3A_356 = memref.load %arg9[%get3A_354, %get3A_355] : memref<6x16xf32, #tpu.memory_space<smem>>
    %mul3A_357 = vector.broadcast %get3A_356 : f32 to vector<8x128xf32>
    %mul3A_358 = arith.mulf %bitcast_convert_type3A_153, %mul3A_357 : vector<8x128xf32>
    %add3A_359 = arith.addf %add3A_353, %mul3A_358 : vector<8x128xf32>
    %get3A_360 = arith.constant 4 : index
    %get3A_361 = arith.constant 1 : index
    %get3A_362 = memref.load %arg9[%get3A_360, %get3A_361] : memref<6x16xf32, #tpu.memory_space<smem>>
    %mul3A_363 = vector.broadcast %get3A_362 : f32 to vector<8x128xf32>
    %mul3A_364 = arith.mulf %bitcast_convert_type3A_168, %mul3A_363 : vector<8x128xf32>
    %add3A_365 = arith.addf %add3A_359, %mul3A_364 : vector<8x128xf32>
    %get3A_366 = arith.constant 5 : index
    %get3A_367 = arith.constant 1 : index
    %get3A_368 = memref.load %arg9[%get3A_366, %get3A_367] : memref<6x16xf32, #tpu.memory_space<smem>>
    %mul3A_369 = vector.broadcast %get3A_368 : f32 to vector<8x128xf32>
    %mul3A_370 = arith.mulf %bitcast_convert_type3A_183, %mul3A_369 : vector<8x128xf32>
    %add3A_371 = arith.addf %add3A_365, %mul3A_370 : vector<8x128xf32>
    %get3A_372 = arith.constant 1 : index
    %get3A_373 = memref.load %arg10[%get3A_372] : memref<16xf32, #tpu.memory_space<smem>>
    %add3A_374 = vector.broadcast %get3A_373 : f32 to vector<8x128xf32>
    %add3A_375 = arith.addf %add3A_371, %add3A_374 : vector<8x128xf32>
    %tanh3A_376 = math.tanh %add3A_375 : vector<8x128xf32>
    %bitcast_convert_type3A_377 = tpu.bitcast %tanh3A_376 : vector<8x128xf32> -> vector<8x128xi32>
    %shift_right_arithmetic3A_378 = arith.constant 16 : i32
    %shift_right_arithmetic3A_379 = vector.broadcast %shift_right_arithmetic3A_378 : i32 to vector<8x128xi32>
    %shift_right_arithmetic3A_380 = arith.shrsi %bitcast_convert_type3A_377, %shift_right_arithmetic3A_379 : vector<8x128xi32>
    %and3A_381 = arith.constant 1 : i32
    %and3A_382 = vector.broadcast %and3A_381 : i32 to vector<8x128xi32>
    %and3A_383 = arith.andi %shift_right_arithmetic3A_380, %and3A_382 : vector<8x128xi32>
    %add3A_384 = arith.constant 32767 : i32
    %add3A_385 = vector.broadcast %add3A_384 : i32 to vector<8x128xi32>
    %add3A_386 = arith.addi %add3A_385, %and3A_383 : vector<8x128xi32>
    %add3A_387 = arith.addi %bitcast_convert_type3A_377, %add3A_386 : vector<8x128xi32>
    %and3A_388 = arith.constant -65536 : i32
    %and3A_389 = vector.broadcast %and3A_388 : i32 to vector<8x128xi32>
    %and3A_390 = arith.andi %add3A_387, %and3A_389 : vector<8x128xi32>
    %bitcast_convert_type3A_391 = tpu.bitcast %and3A_390 : vector<8x128xi32> -> vector<8x128xf32>
    %get3A_392 = arith.constant 1 : index
    %get3A_393 = arith.constant 0 : index
    %get3A_394 = memref.load %arg11[%get3A_392, %get3A_393] : memref<16x1xf32, #tpu.memory_space<smem>>
    %mul3A_395 = vector.broadcast %get3A_394 : f32 to vector<8x128xf32>
    %mul3A_396 = arith.mulf %bitcast_convert_type3A_391, %mul3A_395 : vector<8x128xf32>
    %add3A_397 = arith.addf %add3A_336, %mul3A_396 : vector<8x128xf32>
    %get3A_398 = arith.constant 0 : index
    %get3A_399 = arith.constant 2 : index
    %get3A_400 = memref.load %arg9[%get3A_398, %get3A_399] : memref<6x16xf32, #tpu.memory_space<smem>>
    %mul3A_401 = vector.broadcast %get3A_400 : f32 to vector<8x128xf32>
    %mul3A_402 = arith.mulf %bitcast_convert_type3A_108, %mul3A_401 : vector<8x128xf32>
    %get3A_403 = arith.constant 1 : index
    %get3A_404 = arith.constant 2 : index
    %get3A_405 = memref.load %arg9[%get3A_403, %get3A_404] : memref<6x16xf32, #tpu.memory_space<smem>>
    %mul3A_406 = vector.broadcast %get3A_405 : f32 to vector<8x128xf32>
    %mul3A_407 = arith.mulf %bitcast_convert_type3A_123, %mul3A_406 : vector<8x128xf32>
    %add3A_408 = arith.addf %mul3A_402, %mul3A_407 : vector<8x128xf32>
    %get3A_409 = arith.constant 2 : index
    %get3A_410 = arith.constant 2 : index
    %get3A_411 = memref.load %arg9[%get3A_409, %get3A_410] : memref<6x16xf32, #tpu.memory_space<smem>>
    %mul3A_412 = vector.broadcast %get3A_411 : f32 to vector<8x128xf32>
    %mul3A_413 = arith.mulf %bitcast_convert_type3A_138, %mul3A_412 : vector<8x128xf32>
    %add3A_414 = arith.addf %add3A_408, %mul3A_413 : vector<8x128xf32>
    %get3A_415 = arith.constant 3 : index
    %get3A_416 = arith.constant 2 : index
    %get3A_417 = memref.load %arg9[%get3A_415, %get3A_416] : memref<6x16xf32, #tpu.memory_space<smem>>
    %mul3A_418 = vector.broadcast %get3A_417 : f32 to vector<8x128xf32>
    %mul3A_419 = arith.mulf %bitcast_convert_type3A_153, %mul3A_418 : vector<8x128xf32>
    %add3A_420 = arith.addf %add3A_414, %mul3A_419 : vector<8x128xf32>
    %get3A_421 = arith.constant 4 : index
    %get3A_422 = arith.constant 2 : index
    %get3A_423 = memref.load %arg9[%get3A_421, %get3A_422] : memref<6x16xf32, #tpu.memory_space<smem>>
    %mul3A_424 = vector.broadcast %get3A_423 : f32 to vector<8x128xf32>
    %mul3A_425 = arith.mulf %bitcast_convert_type3A_168, %mul3A_424 : vector<8x128xf32>
    %add3A_426 = arith.addf %add3A_420, %mul3A_425 : vector<8x128xf32>
    %get3A_427 = arith.constant 5 : index
    %get3A_428 = arith.constant 2 : index
    %get3A_429 = memref.load %arg9[%get3A_427, %get3A_428] : memref<6x16xf32, #tpu.memory_space<smem>>
    %mul3A_430 = vector.broadcast %get3A_429 : f32 to vector<8x128xf32>
    %mul3A_431 = arith.mulf %bitcast_convert_type3A_183, %mul3A_430 : vector<8x128xf32>
    %add3A_432 = arith.addf %add3A_426, %mul3A_431 : vector<8x128xf32>
    %get3A_433 = arith.constant 2 : index
    %get3A_434 = memref.load %arg10[%get3A_433] : memref<16xf32, #tpu.memory_space<smem>>
    %add3A_435 = vector.broadcast %get3A_434 : f32 to vector<8x128xf32>
    %add3A_436 = arith.addf %add3A_432, %add3A_435 : vector<8x128xf32>
    %tanh3A_437 = math.tanh %add3A_436 : vector<8x128xf32>
    %bitcast_convert_type3A_438 = tpu.bitcast %tanh3A_437 : vector<8x128xf32> -> vector<8x128xi32>
    %shift_right_arithmetic3A_439 = arith.constant 16 : i32
    %shift_right_arithmetic3A_440 = vector.broadcast %shift_right_arithmetic3A_439 : i32 to vector<8x128xi32>
    %shift_right_arithmetic3A_441 = arith.shrsi %bitcast_convert_type3A_438, %shift_right_arithmetic3A_440 : vector<8x128xi32>
    %and3A_442 = arith.constant 1 : i32
    %and3A_443 = vector.broadcast %and3A_442 : i32 to vector<8x128xi32>
    %and3A_444 = arith.andi %shift_right_arithmetic3A_441, %and3A_443 : vector<8x128xi32>
    %add3A_445 = arith.constant 32767 : i32
    %add3A_446 = vector.broadcast %add3A_445 : i32 to vector<8x128xi32>
    %add3A_447 = arith.addi %add3A_446, %and3A_444 : vector<8x128xi32>
    %add3A_448 = arith.addi %bitcast_convert_type3A_438, %add3A_447 : vector<8x128xi32>
    %and3A_449 = arith.constant -65536 : i32
    %and3A_450 = vector.broadcast %and3A_449 : i32 to vector<8x128xi32>
    %and3A_451 = arith.andi %add3A_448, %and3A_450 : vector<8x128xi32>
    %bitcast_convert_type3A_452 = tpu.bitcast %and3A_451 : vector<8x128xi32> -> vector<8x128xf32>
    %get3A_453 = arith.constant 2 : index
    %get3A_454 = arith.constant 0 : index
    %get3A_455 = memref.load %arg11[%get3A_453, %get3A_454] : memref<16x1xf32, #tpu.memory_space<smem>>
    %mul3A_456 = vector.broadcast %get3A_455 : f32 to vector<8x128xf32>
    %mul3A_457 = arith.mulf %bitcast_convert_type3A_452, %mul3A_456 : vector<8x128xf32>
    %add3A_458 = arith.addf %add3A_397, %mul3A_457 : vector<8x128xf32>
    %get3A_459 = arith.constant 0 : index
    %get3A_460 = arith.constant 3 : index
    %get3A_461 = memref.load %arg9[%get3A_459, %get3A_460] : memref<6x16xf32, #tpu.memory_space<smem>>
    %mul3A_462 = vector.broadcast %get3A_461 : f32 to vector<8x128xf32>
    %mul3A_463 = arith.mulf %bitcast_convert_type3A_108, %mul3A_462 : vector<8x128xf32>
    %get3A_464 = arith.constant 1 : index
    %get3A_465 = arith.constant 3 : index
    %get3A_466 = memref.load %arg9[%get3A_464, %get3A_465] : memref<6x16xf32, #tpu.memory_space<smem>>
    %mul3A_467 = vector.broadcast %get3A_466 : f32 to vector<8x128xf32>
    %mul3A_468 = arith.mulf %bitcast_convert_type3A_123, %mul3A_467 : vector<8x128xf32>
    %add3A_469 = arith.addf %mul3A_463, %mul3A_468 : vector<8x128xf32>
    %get3A_470 = arith.constant 2 : index
    %get3A_471 = arith.constant 3 : index
    %get3A_472 = memref.load %arg9[%get3A_470, %get3A_471] : memref<6x16xf32, #tpu.memory_space<smem>>
    %mul3A_473 = vector.broadcast %get3A_472 : f32 to vector<8x128xf32>
    %mul3A_474 = arith.mulf %bitcast_convert_type3A_138, %mul3A_473 : vector<8x128xf32>
    %add3A_475 = arith.addf %add3A_469, %mul3A_474 : vector<8x128xf32>
    %get3A_476 = arith.constant 3 : index
    %get3A_477 = arith.constant 3 : index
    %get3A_478 = memref.load %arg9[%get3A_476, %get3A_477] : memref<6x16xf32, #tpu.memory_space<smem>>
    %mul3A_479 = vector.broadcast %get3A_478 : f32 to vector<8x128xf32>
    %mul3A_480 = arith.mulf %bitcast_convert_type3A_153, %mul3A_479 : vector<8x128xf32>
    %add3A_481 = arith.addf %add3A_475, %mul3A_480 : vector<8x128xf32>
    %get3A_482 = arith.constant 4 : index
    %get3A_483 = arith.constant 3 : index
    %get3A_484 = memref.load %arg9[%get3A_482, %get3A_483] : memref<6x16xf32, #tpu.memory_space<smem>>
    %mul3A_485 = vector.broadcast %get3A_484 : f32 to vector<8x128xf32>
    %mul3A_486 = arith.mulf %bitcast_convert_type3A_168, %mul3A_485 : vector<8x128xf32>
    %add3A_487 = arith.addf %add3A_481, %mul3A_486 : vector<8x128xf32>
    %get3A_488 = arith.constant 5 : index
    %get3A_489 = arith.constant 3 : index
    %get3A_490 = memref.load %arg9[%get3A_488, %get3A_489] : memref<6x16xf32, #tpu.memory_space<smem>>
    %mul3A_491 = vector.broadcast %get3A_490 : f32 to vector<8x128xf32>
    %mul3A_492 = arith.mulf %bitcast_convert_type3A_183, %mul3A_491 : vector<8x128xf32>
    %add3A_493 = arith.addf %add3A_487, %mul3A_492 : vector<8x128xf32>
    %get3A_494 = arith.constant 3 : index
    %get3A_495 = memref.load %arg10[%get3A_494] : memref<16xf32, #tpu.memory_space<smem>>
    %add3A_496 = vector.broadcast %get3A_495 : f32 to vector<8x128xf32>
    %add3A_497 = arith.addf %add3A_493, %add3A_496 : vector<8x128xf32>
    %tanh3A_498 = math.tanh %add3A_497 : vector<8x128xf32>
    %bitcast_convert_type3A_499 = tpu.bitcast %tanh3A_498 : vector<8x128xf32> -> vector<8x128xi32>
    %shift_right_arithmetic3A_500 = arith.constant 16 : i32
    %shift_right_arithmetic3A_501 = vector.broadcast %shift_right_arithmetic3A_500 : i32 to vector<8x128xi32>
    %shift_right_arithmetic3A_502 = arith.shrsi %bitcast_convert_type3A_499, %shift_right_arithmetic3A_501 : vector<8x128xi32>
    %and3A_503 = arith.constant 1 : i32
    %and3A_504 = vector.broadcast %and3A_503 : i32 to vector<8x128xi32>
    %and3A_505 = arith.andi %shift_right_arithmetic3A_502, %and3A_504 : vector<8x128xi32>
    %add3A_506 = arith.constant 32767 : i32
    %add3A_507 = vector.broadcast %add3A_506 : i32 to vector<8x128xi32>
    %add3A_508 = arith.addi %add3A_507, %and3A_505 : vector<8x128xi32>
    %add3A_509 = arith.addi %bitcast_convert_type3A_499, %add3A_508 : vector<8x128xi32>
    %and3A_510 = arith.constant -65536 : i32
    %and3A_511 = vector.broadcast %and3A_510 : i32 to vector<8x128xi32>
    %and3A_512 = arith.andi %add3A_509, %and3A_511 : vector<8x128xi32>
    %bitcast_convert_type3A_513 = tpu.bitcast %and3A_512 : vector<8x128xi32> -> vector<8x128xf32>
    %get3A_514 = arith.constant 3 : index
    %get3A_515 = arith.constant 0 : index
    %get3A_516 = memref.load %arg11[%get3A_514, %get3A_515] : memref<16x1xf32, #tpu.memory_space<smem>>
    %mul3A_517 = vector.broadcast %get3A_516 : f32 to vector<8x128xf32>
    %mul3A_518 = arith.mulf %bitcast_convert_type3A_513, %mul3A_517 : vector<8x128xf32>
    %add3A_519 = arith.addf %add3A_458, %mul3A_518 : vector<8x128xf32>
    %get3A_520 = arith.constant 0 : index
    %get3A_521 = arith.constant 4 : index
    %get3A_522 = memref.load %arg9[%get3A_520, %get3A_521] : memref<6x16xf32, #tpu.memory_space<smem>>
    %mul3A_523 = vector.broadcast %get3A_522 : f32 to vector<8x128xf32>
    %mul3A_524 = arith.mulf %bitcast_convert_type3A_108, %mul3A_523 : vector<8x128xf32>
    %get3A_525 = arith.constant 1 : index
    %get3A_526 = arith.constant 4 : index
    %get3A_527 = memref.load %arg9[%get3A_525, %get3A_526] : memref<6x16xf32, #tpu.memory_space<smem>>
    %mul3A_528 = vector.broadcast %get3A_527 : f32 to vector<8x128xf32>
    %mul3A_529 = arith.mulf %bitcast_convert_type3A_123, %mul3A_528 : vector<8x128xf32>
    %add3A_530 = arith.addf %mul3A_524, %mul3A_529 : vector<8x128xf32>
    %get3A_531 = arith.constant 2 : index
    %get3A_532 = arith.constant 4 : index
    %get3A_533 = memref.load %arg9[%get3A_531, %get3A_532] : memref<6x16xf32, #tpu.memory_space<smem>>
    %mul3A_534 = vector.broadcast %get3A_533 : f32 to vector<8x128xf32>
    %mul3A_535 = arith.mulf %bitcast_convert_type3A_138, %mul3A_534 : vector<8x128xf32>
    %add3A_536 = arith.addf %add3A_530, %mul3A_535 : vector<8x128xf32>
    %get3A_537 = arith.constant 3 : index
    %get3A_538 = arith.constant 4 : index
    %get3A_539 = memref.load %arg9[%get3A_537, %get3A_538] : memref<6x16xf32, #tpu.memory_space<smem>>
    %mul3A_540 = vector.broadcast %get3A_539 : f32 to vector<8x128xf32>
    %mul3A_541 = arith.mulf %bitcast_convert_type3A_153, %mul3A_540 : vector<8x128xf32>
    %add3A_542 = arith.addf %add3A_536, %mul3A_541 : vector<8x128xf32>
    %get3A_543 = arith.constant 4 : index
    %get3A_544 = arith.constant 4 : index
    %get3A_545 = memref.load %arg9[%get3A_543, %get3A_544] : memref<6x16xf32, #tpu.memory_space<smem>>
    %mul3A_546 = vector.broadcast %get3A_545 : f32 to vector<8x128xf32>
    %mul3A_547 = arith.mulf %bitcast_convert_type3A_168, %mul3A_546 : vector<8x128xf32>
    %add3A_548 = arith.addf %add3A_542, %mul3A_547 : vector<8x128xf32>
    %get3A_549 = arith.constant 5 : index
    %get3A_550 = arith.constant 4 : index
    %get3A_551 = memref.load %arg9[%get3A_549, %get3A_550] : memref<6x16xf32, #tpu.memory_space<smem>>
    %mul3A_552 = vector.broadcast %get3A_551 : f32 to vector<8x128xf32>
    %mul3A_553 = arith.mulf %bitcast_convert_type3A_183, %mul3A_552 : vector<8x128xf32>
    %add3A_554 = arith.addf %add3A_548, %mul3A_553 : vector<8x128xf32>
    %get3A_555 = arith.constant 4 : index
    %get3A_556 = memref.load %arg10[%get3A_555] : memref<16xf32, #tpu.memory_space<smem>>
    %add3A_557 = vector.broadcast %get3A_556 : f32 to vector<8x128xf32>
    %add3A_558 = arith.addf %add3A_554, %add3A_557 : vector<8x128xf32>
    %tanh3A_559 = math.tanh %add3A_558 : vector<8x128xf32>
    %bitcast_convert_type3A_560 = tpu.bitcast %tanh3A_559 : vector<8x128xf32> -> vector<8x128xi32>
    %shift_right_arithmetic3A_561 = arith.constant 16 : i32
    %shift_right_arithmetic3A_562 = vector.broadcast %shift_right_arithmetic3A_561 : i32 to vector<8x128xi32>
    %shift_right_arithmetic3A_563 = arith.shrsi %bitcast_convert_type3A_560, %shift_right_arithmetic3A_562 : vector<8x128xi32>
    %and3A_564 = arith.constant 1 : i32
    %and3A_565 = vector.broadcast %and3A_564 : i32 to vector<8x128xi32>
    %and3A_566 = arith.andi %shift_right_arithmetic3A_563, %and3A_565 : vector<8x128xi32>
    %add3A_567 = arith.constant 32767 : i32
    %add3A_568 = vector.broadcast %add3A_567 : i32 to vector<8x128xi32>
    %add3A_569 = arith.addi %add3A_568, %and3A_566 : vector<8x128xi32>
    %add3A_570 = arith.addi %bitcast_convert_type3A_560, %add3A_569 : vector<8x128xi32>
    %and3A_571 = arith.constant -65536 : i32
    %and3A_572 = vector.broadcast %and3A_571 : i32 to vector<8x128xi32>
    %and3A_573 = arith.andi %add3A_570, %and3A_572 : vector<8x128xi32>
    %bitcast_convert_type3A_574 = tpu.bitcast %and3A_573 : vector<8x128xi32> -> vector<8x128xf32>
    %get3A_575 = arith.constant 4 : index
    %get3A_576 = arith.constant 0 : index
    %get3A_577 = memref.load %arg11[%get3A_575, %get3A_576] : memref<16x1xf32, #tpu.memory_space<smem>>
    %mul3A_578 = vector.broadcast %get3A_577 : f32 to vector<8x128xf32>
    %mul3A_579 = arith.mulf %bitcast_convert_type3A_574, %mul3A_578 : vector<8x128xf32>
    %add3A_580 = arith.addf %add3A_519, %mul3A_579 : vector<8x128xf32>
    %get3A_581 = arith.constant 0 : index
    %get3A_582 = arith.constant 5 : index
    %get3A_583 = memref.load %arg9[%get3A_581, %get3A_582] : memref<6x16xf32, #tpu.memory_space<smem>>
    %mul3A_584 = vector.broadcast %get3A_583 : f32 to vector<8x128xf32>
    %mul3A_585 = arith.mulf %bitcast_convert_type3A_108, %mul3A_584 : vector<8x128xf32>
    %get3A_586 = arith.constant 1 : index
    %get3A_587 = arith.constant 5 : index
    %get3A_588 = memref.load %arg9[%get3A_586, %get3A_587] : memref<6x16xf32, #tpu.memory_space<smem>>
    %mul3A_589 = vector.broadcast %get3A_588 : f32 to vector<8x128xf32>
    %mul3A_590 = arith.mulf %bitcast_convert_type3A_123, %mul3A_589 : vector<8x128xf32>
    %add3A_591 = arith.addf %mul3A_585, %mul3A_590 : vector<8x128xf32>
    %get3A_592 = arith.constant 2 : index
    %get3A_593 = arith.constant 5 : index
    %get3A_594 = memref.load %arg9[%get3A_592, %get3A_593] : memref<6x16xf32, #tpu.memory_space<smem>>
    %mul3A_595 = vector.broadcast %get3A_594 : f32 to vector<8x128xf32>
    %mul3A_596 = arith.mulf %bitcast_convert_type3A_138, %mul3A_595 : vector<8x128xf32>
    %add3A_597 = arith.addf %add3A_591, %mul3A_596 : vector<8x128xf32>
    %get3A_598 = arith.constant 3 : index
    %get3A_599 = arith.constant 5 : index
    %get3A_600 = memref.load %arg9[%get3A_598, %get3A_599] : memref<6x16xf32, #tpu.memory_space<smem>>
    %mul3A_601 = vector.broadcast %get3A_600 : f32 to vector<8x128xf32>
    %mul3A_602 = arith.mulf %bitcast_convert_type3A_153, %mul3A_601 : vector<8x128xf32>
    %add3A_603 = arith.addf %add3A_597, %mul3A_602 : vector<8x128xf32>
    %get3A_604 = arith.constant 4 : index
    %get3A_605 = arith.constant 5 : index
    %get3A_606 = memref.load %arg9[%get3A_604, %get3A_605] : memref<6x16xf32, #tpu.memory_space<smem>>
    %mul3A_607 = vector.broadcast %get3A_606 : f32 to vector<8x128xf32>
    %mul3A_608 = arith.mulf %bitcast_convert_type3A_168, %mul3A_607 : vector<8x128xf32>
    %add3A_609 = arith.addf %add3A_603, %mul3A_608 : vector<8x128xf32>
    %get3A_610 = arith.constant 5 : index
    %get3A_611 = arith.constant 5 : index
    %get3A_612 = memref.load %arg9[%get3A_610, %get3A_611] : memref<6x16xf32, #tpu.memory_space<smem>>
    %mul3A_613 = vector.broadcast %get3A_612 : f32 to vector<8x128xf32>
    %mul3A_614 = arith.mulf %bitcast_convert_type3A_183, %mul3A_613 : vector<8x128xf32>
    %add3A_615 = arith.addf %add3A_609, %mul3A_614 : vector<8x128xf32>
    %get3A_616 = arith.constant 5 : index
    %get3A_617 = memref.load %arg10[%get3A_616] : memref<16xf32, #tpu.memory_space<smem>>
    %add3A_618 = vector.broadcast %get3A_617 : f32 to vector<8x128xf32>
    %add3A_619 = arith.addf %add3A_615, %add3A_618 : vector<8x128xf32>
    %tanh3A_620 = math.tanh %add3A_619 : vector<8x128xf32>
    %bitcast_convert_type3A_621 = tpu.bitcast %tanh3A_620 : vector<8x128xf32> -> vector<8x128xi32>
    %shift_right_arithmetic3A_622 = arith.constant 16 : i32
    %shift_right_arithmetic3A_623 = vector.broadcast %shift_right_arithmetic3A_622 : i32 to vector<8x128xi32>
    %shift_right_arithmetic3A_624 = arith.shrsi %bitcast_convert_type3A_621, %shift_right_arithmetic3A_623 : vector<8x128xi32>
    %and3A_625 = arith.constant 1 : i32
    %and3A_626 = vector.broadcast %and3A_625 : i32 to vector<8x128xi32>
    %and3A_627 = arith.andi %shift_right_arithmetic3A_624, %and3A_626 : vector<8x128xi32>
    %add3A_628 = arith.constant 32767 : i32
    %add3A_629 = vector.broadcast %add3A_628 : i32 to vector<8x128xi32>
    %add3A_630 = arith.addi %add3A_629, %and3A_627 : vector<8x128xi32>
    %add3A_631 = arith.addi %bitcast_convert_type3A_621, %add3A_630 : vector<8x128xi32>
    %and3A_632 = arith.constant -65536 : i32
    %and3A_633 = vector.broadcast %and3A_632 : i32 to vector<8x128xi32>
    %and3A_634 = arith.andi %add3A_631, %and3A_633 : vector<8x128xi32>
    %bitcast_convert_type3A_635 = tpu.bitcast %and3A_634 : vector<8x128xi32> -> vector<8x128xf32>
    %get3A_636 = arith.constant 5 : index
    %get3A_637 = arith.constant 0 : index
    %get3A_638 = memref.load %arg11[%get3A_636, %get3A_637] : memref<16x1xf32, #tpu.memory_space<smem>>
    %mul3A_639 = vector.broadcast %get3A_638 : f32 to vector<8x128xf32>
    %mul3A_640 = arith.mulf %bitcast_convert_type3A_635, %mul3A_639 : vector<8x128xf32>
    %add3A_641 = arith.addf %add3A_580, %mul3A_640 : vector<8x128xf32>
    %get3A_642 = arith.constant 0 : index
    %get3A_643 = arith.constant 6 : index
    %get3A_644 = memref.load %arg9[%get3A_642, %get3A_643] : memref<6x16xf32, #tpu.memory_space<smem>>
    %mul3A_645 = vector.broadcast %get3A_644 : f32 to vector<8x128xf32>
    %mul3A_646 = arith.mulf %bitcast_convert_type3A_108, %mul3A_645 : vector<8x128xf32>
    %get3A_647 = arith.constant 1 : index
    %get3A_648 = arith.constant 6 : index
    %get3A_649 = memref.load %arg9[%get3A_647, %get3A_648] : memref<6x16xf32, #tpu.memory_space<smem>>
    %mul3A_650 = vector.broadcast %get3A_649 : f32 to vector<8x128xf32>
    %mul3A_651 = arith.mulf %bitcast_convert_type3A_123, %mul3A_650 : vector<8x128xf32>
    %add3A_652 = arith.addf %mul3A_646, %mul3A_651 : vector<8x128xf32>
    %get3A_653 = arith.constant 2 : index
    %get3A_654 = arith.constant 6 : index
    %get3A_655 = memref.load %arg9[%get3A_653, %get3A_654] : memref<6x16xf32, #tpu.memory_space<smem>>
    %mul3A_656 = vector.broadcast %get3A_655 : f32 to vector<8x128xf32>
    %mul3A_657 = arith.mulf %bitcast_convert_type3A_138, %mul3A_656 : vector<8x128xf32>
    %add3A_658 = arith.addf %add3A_652, %mul3A_657 : vector<8x128xf32>
    %get3A_659 = arith.constant 3 : index
    %get3A_660 = arith.constant 6 : index
    %get3A_661 = memref.load %arg9[%get3A_659, %get3A_660] : memref<6x16xf32, #tpu.memory_space<smem>>
    %mul3A_662 = vector.broadcast %get3A_661 : f32 to vector<8x128xf32>
    %mul3A_663 = arith.mulf %bitcast_convert_type3A_153, %mul3A_662 : vector<8x128xf32>
    %add3A_664 = arith.addf %add3A_658, %mul3A_663 : vector<8x128xf32>
    %get3A_665 = arith.constant 4 : index
    %get3A_666 = arith.constant 6 : index
    %get3A_667 = memref.load %arg9[%get3A_665, %get3A_666] : memref<6x16xf32, #tpu.memory_space<smem>>
    %mul3A_668 = vector.broadcast %get3A_667 : f32 to vector<8x128xf32>
    %mul3A_669 = arith.mulf %bitcast_convert_type3A_168, %mul3A_668 : vector<8x128xf32>
    %add3A_670 = arith.addf %add3A_664, %mul3A_669 : vector<8x128xf32>
    %get3A_671 = arith.constant 5 : index
    %get3A_672 = arith.constant 6 : index
    %get3A_673 = memref.load %arg9[%get3A_671, %get3A_672] : memref<6x16xf32, #tpu.memory_space<smem>>
    %mul3A_674 = vector.broadcast %get3A_673 : f32 to vector<8x128xf32>
    %mul3A_675 = arith.mulf %bitcast_convert_type3A_183, %mul3A_674 : vector<8x128xf32>
    %add3A_676 = arith.addf %add3A_670, %mul3A_675 : vector<8x128xf32>
    %get3A_677 = arith.constant 6 : index
    %get3A_678 = memref.load %arg10[%get3A_677] : memref<16xf32, #tpu.memory_space<smem>>
    %add3A_679 = vector.broadcast %get3A_678 : f32 to vector<8x128xf32>
    %add3A_680 = arith.addf %add3A_676, %add3A_679 : vector<8x128xf32>
    %tanh3A_681 = math.tanh %add3A_680 : vector<8x128xf32>
    %bitcast_convert_type3A_682 = tpu.bitcast %tanh3A_681 : vector<8x128xf32> -> vector<8x128xi32>
    %shift_right_arithmetic3A_683 = arith.constant 16 : i32
    %shift_right_arithmetic3A_684 = vector.broadcast %shift_right_arithmetic3A_683 : i32 to vector<8x128xi32>
    %shift_right_arithmetic3A_685 = arith.shrsi %bitcast_convert_type3A_682, %shift_right_arithmetic3A_684 : vector<8x128xi32>
    %and3A_686 = arith.constant 1 : i32
    %and3A_687 = vector.broadcast %and3A_686 : i32 to vector<8x128xi32>
    %and3A_688 = arith.andi %shift_right_arithmetic3A_685, %and3A_687 : vector<8x128xi32>
    %add3A_689 = arith.constant 32767 : i32
    %add3A_690 = vector.broadcast %add3A_689 : i32 to vector<8x128xi32>
    %add3A_691 = arith.addi %add3A_690, %and3A_688 : vector<8x128xi32>
    %add3A_692 = arith.addi %bitcast_convert_type3A_682, %add3A_691 : vector<8x128xi32>
    %and3A_693 = arith.constant -65536 : i32
    %and3A_694 = vector.broadcast %and3A_693 : i32 to vector<8x128xi32>
    %and3A_695 = arith.andi %add3A_692, %and3A_694 : vector<8x128xi32>
    %bitcast_convert_type3A_696 = tpu.bitcast %and3A_695 : vector<8x128xi32> -> vector<8x128xf32>
    %get3A_697 = arith.constant 6 : index
    %get3A_698 = arith.constant 0 : index
    %get3A_699 = memref.load %arg11[%get3A_697, %get3A_698] : memref<16x1xf32, #tpu.memory_space<smem>>
    %mul3A_700 = vector.broadcast %get3A_699 : f32 to vector<8x128xf32>
    %mul3A_701 = arith.mulf %bitcast_convert_type3A_696, %mul3A_700 : vector<8x128xf32>
    %add3A_702 = arith.addf %add3A_641, %mul3A_701 : vector<8x128xf32>
    %get3A_703 = arith.constant 0 : index
    %get3A_704 = arith.constant 7 : index
    %get3A_705 = memref.load %arg9[%get3A_703, %get3A_704] : memref<6x16xf32, #tpu.memory_space<smem>>
    %mul3A_706 = vector.broadcast %get3A_705 : f32 to vector<8x128xf32>
    %mul3A_707 = arith.mulf %bitcast_convert_type3A_108, %mul3A_706 : vector<8x128xf32>
    %get3A_708 = arith.constant 1 : index
    %get3A_709 = arith.constant 7 : index
    %get3A_710 = memref.load %arg9[%get3A_708, %get3A_709] : memref<6x16xf32, #tpu.memory_space<smem>>
    %mul3A_711 = vector.broadcast %get3A_710 : f32 to vector<8x128xf32>
    %mul3A_712 = arith.mulf %bitcast_convert_type3A_123, %mul3A_711 : vector<8x128xf32>
    %add3A_713 = arith.addf %mul3A_707, %mul3A_712 : vector<8x128xf32>
    %get3A_714 = arith.constant 2 : index
    %get3A_715 = arith.constant 7 : index
    %get3A_716 = memref.load %arg9[%get3A_714, %get3A_715] : memref<6x16xf32, #tpu.memory_space<smem>>
    %mul3A_717 = vector.broadcast %get3A_716 : f32 to vector<8x128xf32>
    %mul3A_718 = arith.mulf %bitcast_convert_type3A_138, %mul3A_717 : vector<8x128xf32>
    %add3A_719 = arith.addf %add3A_713, %mul3A_718 : vector<8x128xf32>
    %get3A_720 = arith.constant 3 : index
    %get3A_721 = arith.constant 7 : index
    %get3A_722 = memref.load %arg9[%get3A_720, %get3A_721] : memref<6x16xf32, #tpu.memory_space<smem>>
    %mul3A_723 = vector.broadcast %get3A_722 : f32 to vector<8x128xf32>
    %mul3A_724 = arith.mulf %bitcast_convert_type3A_153, %mul3A_723 : vector<8x128xf32>
    %add3A_725 = arith.addf %add3A_719, %mul3A_724 : vector<8x128xf32>
    %get3A_726 = arith.constant 4 : index
    %get3A_727 = arith.constant 7 : index
    %get3A_728 = memref.load %arg9[%get3A_726, %get3A_727] : memref<6x16xf32, #tpu.memory_space<smem>>
    %mul3A_729 = vector.broadcast %get3A_728 : f32 to vector<8x128xf32>
    %mul3A_730 = arith.mulf %bitcast_convert_type3A_168, %mul3A_729 : vector<8x128xf32>
    %add3A_731 = arith.addf %add3A_725, %mul3A_730 : vector<8x128xf32>
    %get3A_732 = arith.constant 5 : index
    %get3A_733 = arith.constant 7 : index
    %get3A_734 = memref.load %arg9[%get3A_732, %get3A_733] : memref<6x16xf32, #tpu.memory_space<smem>>
    %mul3A_735 = vector.broadcast %get3A_734 : f32 to vector<8x128xf32>
    %mul3A_736 = arith.mulf %bitcast_convert_type3A_183, %mul3A_735 : vector<8x128xf32>
    %add3A_737 = arith.addf %add3A_731, %mul3A_736 : vector<8x128xf32>
    %get3A_738 = arith.constant 7 : index
    %get3A_739 = memref.load %arg10[%get3A_738] : memref<16xf32, #tpu.memory_space<smem>>
    %add3A_740 = vector.broadcast %get3A_739 : f32 to vector<8x128xf32>
    %add3A_741 = arith.addf %add3A_737, %add3A_740 : vector<8x128xf32>
    %tanh3A_742 = math.tanh %add3A_741 : vector<8x128xf32>
    %bitcast_convert_type3A_743 = tpu.bitcast %tanh3A_742 : vector<8x128xf32> -> vector<8x128xi32>
    %shift_right_arithmetic3A_744 = arith.constant 16 : i32
    %shift_right_arithmetic3A_745 = vector.broadcast %shift_right_arithmetic3A_744 : i32 to vector<8x128xi32>
    %shift_right_arithmetic3A_746 = arith.shrsi %bitcast_convert_type3A_743, %shift_right_arithmetic3A_745 : vector<8x128xi32>
    %and3A_747 = arith.constant 1 : i32
    %and3A_748 = vector.broadcast %and3A_747 : i32 to vector<8x128xi32>
    %and3A_749 = arith.andi %shift_right_arithmetic3A_746, %and3A_748 : vector<8x128xi32>
    %add3A_750 = arith.constant 32767 : i32
    %add3A_751 = vector.broadcast %add3A_750 : i32 to vector<8x128xi32>
    %add3A_752 = arith.addi %add3A_751, %and3A_749 : vector<8x128xi32>
    %add3A_753 = arith.addi %bitcast_convert_type3A_743, %add3A_752 : vector<8x128xi32>
    %and3A_754 = arith.constant -65536 : i32
    %and3A_755 = vector.broadcast %and3A_754 : i32 to vector<8x128xi32>
    %and3A_756 = arith.andi %add3A_753, %and3A_755 : vector<8x128xi32>
    %bitcast_convert_type3A_757 = tpu.bitcast %and3A_756 : vector<8x128xi32> -> vector<8x128xf32>
    %get3A_758 = arith.constant 7 : index
    %get3A_759 = arith.constant 0 : index
    %get3A_760 = memref.load %arg11[%get3A_758, %get3A_759] : memref<16x1xf32, #tpu.memory_space<smem>>
    %mul3A_761 = vector.broadcast %get3A_760 : f32 to vector<8x128xf32>
    %mul3A_762 = arith.mulf %bitcast_convert_type3A_757, %mul3A_761 : vector<8x128xf32>
    %add3A_763 = arith.addf %add3A_702, %mul3A_762 : vector<8x128xf32>
    %get3A_764 = arith.constant 0 : index
    %get3A_765 = arith.constant 8 : index
    %get3A_766 = memref.load %arg9[%get3A_764, %get3A_765] : memref<6x16xf32, #tpu.memory_space<smem>>
    %mul3A_767 = vector.broadcast %get3A_766 : f32 to vector<8x128xf32>
    %mul3A_768 = arith.mulf %bitcast_convert_type3A_108, %mul3A_767 : vector<8x128xf32>
    %get3A_769 = arith.constant 1 : index
    %get3A_770 = arith.constant 8 : index
    %get3A_771 = memref.load %arg9[%get3A_769, %get3A_770] : memref<6x16xf32, #tpu.memory_space<smem>>
    %mul3A_772 = vector.broadcast %get3A_771 : f32 to vector<8x128xf32>
    %mul3A_773 = arith.mulf %bitcast_convert_type3A_123, %mul3A_772 : vector<8x128xf32>
    %add3A_774 = arith.addf %mul3A_768, %mul3A_773 : vector<8x128xf32>
    %get3A_775 = arith.constant 2 : index
    %get3A_776 = arith.constant 8 : index
    %get3A_777 = memref.load %arg9[%get3A_775, %get3A_776] : memref<6x16xf32, #tpu.memory_space<smem>>
    %mul3A_778 = vector.broadcast %get3A_777 : f32 to vector<8x128xf32>
    %mul3A_779 = arith.mulf %bitcast_convert_type3A_138, %mul3A_778 : vector<8x128xf32>
    %add3A_780 = arith.addf %add3A_774, %mul3A_779 : vector<8x128xf32>
    %get3A_781 = arith.constant 3 : index
    %get3A_782 = arith.constant 8 : index
    %get3A_783 = memref.load %arg9[%get3A_781, %get3A_782] : memref<6x16xf32, #tpu.memory_space<smem>>
    %mul3A_784 = vector.broadcast %get3A_783 : f32 to vector<8x128xf32>
    %mul3A_785 = arith.mulf %bitcast_convert_type3A_153, %mul3A_784 : vector<8x128xf32>
    %add3A_786 = arith.addf %add3A_780, %mul3A_785 : vector<8x128xf32>
    %get3A_787 = arith.constant 4 : index
    %get3A_788 = arith.constant 8 : index
    %get3A_789 = memref.load %arg9[%get3A_787, %get3A_788] : memref<6x16xf32, #tpu.memory_space<smem>>
    %mul3A_790 = vector.broadcast %get3A_789 : f32 to vector<8x128xf32>
    %mul3A_791 = arith.mulf %bitcast_convert_type3A_168, %mul3A_790 : vector<8x128xf32>
    %add3A_792 = arith.addf %add3A_786, %mul3A_791 : vector<8x128xf32>
    %get3A_793 = arith.constant 5 : index
    %get3A_794 = arith.constant 8 : index
    %get3A_795 = memref.load %arg9[%get3A_793, %get3A_794] : memref<6x16xf32, #tpu.memory_space<smem>>
    %mul3A_796 = vector.broadcast %get3A_795 : f32 to vector<8x128xf32>
    %mul3A_797 = arith.mulf %bitcast_convert_type3A_183, %mul3A_796 : vector<8x128xf32>
    %add3A_798 = arith.addf %add3A_792, %mul3A_797 : vector<8x128xf32>
    %get3A_799 = arith.constant 8 : index
    %get3A_800 = memref.load %arg10[%get3A_799] : memref<16xf32, #tpu.memory_space<smem>>
    %add3A_801 = vector.broadcast %get3A_800 : f32 to vector<8x128xf32>
    %add3A_802 = arith.addf %add3A_798, %add3A_801 : vector<8x128xf32>
    %tanh3A_803 = math.tanh %add3A_802 : vector<8x128xf32>
    %bitcast_convert_type3A_804 = tpu.bitcast %tanh3A_803 : vector<8x128xf32> -> vector<8x128xi32>
    %shift_right_arithmetic3A_805 = arith.constant 16 : i32
    %shift_right_arithmetic3A_806 = vector.broadcast %shift_right_arithmetic3A_805 : i32 to vector<8x128xi32>
    %shift_right_arithmetic3A_807 = arith.shrsi %bitcast_convert_type3A_804, %shift_right_arithmetic3A_806 : vector<8x128xi32>
    %and3A_808 = arith.constant 1 : i32
    %and3A_809 = vector.broadcast %and3A_808 : i32 to vector<8x128xi32>
    %and3A_810 = arith.andi %shift_right_arithmetic3A_807, %and3A_809 : vector<8x128xi32>
    %add3A_811 = arith.constant 32767 : i32
    %add3A_812 = vector.broadcast %add3A_811 : i32 to vector<8x128xi32>
    %add3A_813 = arith.addi %add3A_812, %and3A_810 : vector<8x128xi32>
    %add3A_814 = arith.addi %bitcast_convert_type3A_804, %add3A_813 : vector<8x128xi32>
    %and3A_815 = arith.constant -65536 : i32
    %and3A_816 = vector.broadcast %and3A_815 : i32 to vector<8x128xi32>
    %and3A_817 = arith.andi %add3A_814, %and3A_816 : vector<8x128xi32>
    %bitcast_convert_type3A_818 = tpu.bitcast %and3A_817 : vector<8x128xi32> -> vector<8x128xf32>
    %get3A_819 = arith.constant 8 : index
    %get3A_820 = arith.constant 0 : index
    %get3A_821 = memref.load %arg11[%get3A_819, %get3A_820] : memref<16x1xf32, #tpu.memory_space<smem>>
    %mul3A_822 = vector.broadcast %get3A_821 : f32 to vector<8x128xf32>
    %mul3A_823 = arith.mulf %bitcast_convert_type3A_818, %mul3A_822 : vector<8x128xf32>
    %add3A_824 = arith.addf %add3A_763, %mul3A_823 : vector<8x128xf32>
    %get3A_825 = arith.constant 0 : index
    %get3A_826 = arith.constant 9 : index
    %get3A_827 = memref.load %arg9[%get3A_825, %get3A_826] : memref<6x16xf32, #tpu.memory_space<smem>>
    %mul3A_828 = vector.broadcast %get3A_827 : f32 to vector<8x128xf32>
    %mul3A_829 = arith.mulf %bitcast_convert_type3A_108, %mul3A_828 : vector<8x128xf32>
    %get3A_830 = arith.constant 1 : index
    %get3A_831 = arith.constant 9 : index
    %get3A_832 = memref.load %arg9[%get3A_830, %get3A_831] : memref<6x16xf32, #tpu.memory_space<smem>>
    %mul3A_833 = vector.broadcast %get3A_832 : f32 to vector<8x128xf32>
    %mul3A_834 = arith.mulf %bitcast_convert_type3A_123, %mul3A_833 : vector<8x128xf32>
    %add3A_835 = arith.addf %mul3A_829, %mul3A_834 : vector<8x128xf32>
    %get3A_836 = arith.constant 2 : index
    %get3A_837 = arith.constant 9 : index
    %get3A_838 = memref.load %arg9[%get3A_836, %get3A_837] : memref<6x16xf32, #tpu.memory_space<smem>>
    %mul3A_839 = vector.broadcast %get3A_838 : f32 to vector<8x128xf32>
    %mul3A_840 = arith.mulf %bitcast_convert_type3A_138, %mul3A_839 : vector<8x128xf32>
    %add3A_841 = arith.addf %add3A_835, %mul3A_840 : vector<8x128xf32>
    %get3A_842 = arith.constant 3 : index
    %get3A_843 = arith.constant 9 : index
    %get3A_844 = memref.load %arg9[%get3A_842, %get3A_843] : memref<6x16xf32, #tpu.memory_space<smem>>
    %mul3A_845 = vector.broadcast %get3A_844 : f32 to vector<8x128xf32>
    %mul3A_846 = arith.mulf %bitcast_convert_type3A_153, %mul3A_845 : vector<8x128xf32>
    %add3A_847 = arith.addf %add3A_841, %mul3A_846 : vector<8x128xf32>
    %get3A_848 = arith.constant 4 : index
    %get3A_849 = arith.constant 9 : index
    %get3A_850 = memref.load %arg9[%get3A_848, %get3A_849] : memref<6x16xf32, #tpu.memory_space<smem>>
    %mul3A_851 = vector.broadcast %get3A_850 : f32 to vector<8x128xf32>
    %mul3A_852 = arith.mulf %bitcast_convert_type3A_168, %mul3A_851 : vector<8x128xf32>
    %add3A_853 = arith.addf %add3A_847, %mul3A_852 : vector<8x128xf32>
    %get3A_854 = arith.constant 5 : index
    %get3A_855 = arith.constant 9 : index
    %get3A_856 = memref.load %arg9[%get3A_854, %get3A_855] : memref<6x16xf32, #tpu.memory_space<smem>>
    %mul3A_857 = vector.broadcast %get3A_856 : f32 to vector<8x128xf32>
    %mul3A_858 = arith.mulf %bitcast_convert_type3A_183, %mul3A_857 : vector<8x128xf32>
    %add3A_859 = arith.addf %add3A_853, %mul3A_858 : vector<8x128xf32>
    %get3A_860 = arith.constant 9 : index
    %get3A_861 = memref.load %arg10[%get3A_860] : memref<16xf32, #tpu.memory_space<smem>>
    %add3A_862 = vector.broadcast %get3A_861 : f32 to vector<8x128xf32>
    %add3A_863 = arith.addf %add3A_859, %add3A_862 : vector<8x128xf32>
    %tanh3A_864 = math.tanh %add3A_863 : vector<8x128xf32>
    %bitcast_convert_type3A_865 = tpu.bitcast %tanh3A_864 : vector<8x128xf32> -> vector<8x128xi32>
    %shift_right_arithmetic3A_866 = arith.constant 16 : i32
    %shift_right_arithmetic3A_867 = vector.broadcast %shift_right_arithmetic3A_866 : i32 to vector<8x128xi32>
    %shift_right_arithmetic3A_868 = arith.shrsi %bitcast_convert_type3A_865, %shift_right_arithmetic3A_867 : vector<8x128xi32>
    %and3A_869 = arith.constant 1 : i32
    %and3A_870 = vector.broadcast %and3A_869 : i32 to vector<8x128xi32>
    %and3A_871 = arith.andi %shift_right_arithmetic3A_868, %and3A_870 : vector<8x128xi32>
    %add3A_872 = arith.constant 32767 : i32
    %add3A_873 = vector.broadcast %add3A_872 : i32 to vector<8x128xi32>
    %add3A_874 = arith.addi %add3A_873, %and3A_871 : vector<8x128xi32>
    %add3A_875 = arith.addi %bitcast_convert_type3A_865, %add3A_874 : vector<8x128xi32>
    %and3A_876 = arith.constant -65536 : i32
    %and3A_877 = vector.broadcast %and3A_876 : i32 to vector<8x128xi32>
    %and3A_878 = arith.andi %add3A_875, %and3A_877 : vector<8x128xi32>
    %bitcast_convert_type3A_879 = tpu.bitcast %and3A_878 : vector<8x128xi32> -> vector<8x128xf32>
    %get3A_880 = arith.constant 9 : index
    %get3A_881 = arith.constant 0 : index
    %get3A_882 = memref.load %arg11[%get3A_880, %get3A_881] : memref<16x1xf32, #tpu.memory_space<smem>>
    %mul3A_883 = vector.broadcast %get3A_882 : f32 to vector<8x128xf32>
    %mul3A_884 = arith.mulf %bitcast_convert_type3A_879, %mul3A_883 : vector<8x128xf32>
    %add3A_885 = arith.addf %add3A_824, %mul3A_884 : vector<8x128xf32>
    %get3A_886 = arith.constant 0 : index
    %get3A_887 = arith.constant 10 : index
    %get3A_888 = memref.load %arg9[%get3A_886, %get3A_887] : memref<6x16xf32, #tpu.memory_space<smem>>
    %mul3A_889 = vector.broadcast %get3A_888 : f32 to vector<8x128xf32>
    %mul3A_890 = arith.mulf %bitcast_convert_type3A_108, %mul3A_889 : vector<8x128xf32>
    %get3A_891 = arith.constant 1 : index
    %get3A_892 = arith.constant 10 : index
    %get3A_893 = memref.load %arg9[%get3A_891, %get3A_892] : memref<6x16xf32, #tpu.memory_space<smem>>
    %mul3A_894 = vector.broadcast %get3A_893 : f32 to vector<8x128xf32>
    %mul3A_895 = arith.mulf %bitcast_convert_type3A_123, %mul3A_894 : vector<8x128xf32>
    %add3A_896 = arith.addf %mul3A_890, %mul3A_895 : vector<8x128xf32>
    %get3A_897 = arith.constant 2 : index
    %get3A_898 = arith.constant 10 : index
    %get3A_899 = memref.load %arg9[%get3A_897, %get3A_898] : memref<6x16xf32, #tpu.memory_space<smem>>
    %mul3A_900 = vector.broadcast %get3A_899 : f32 to vector<8x128xf32>
    %mul3A_901 = arith.mulf %bitcast_convert_type3A_138, %mul3A_900 : vector<8x128xf32>
    %add3A_902 = arith.addf %add3A_896, %mul3A_901 : vector<8x128xf32>
    %get3A_903 = arith.constant 3 : index
    %get3A_904 = arith.constant 10 : index
    %get3A_905 = memref.load %arg9[%get3A_903, %get3A_904] : memref<6x16xf32, #tpu.memory_space<smem>>
    %mul3A_906 = vector.broadcast %get3A_905 : f32 to vector<8x128xf32>
    %mul3A_907 = arith.mulf %bitcast_convert_type3A_153, %mul3A_906 : vector<8x128xf32>
    %add3A_908 = arith.addf %add3A_902, %mul3A_907 : vector<8x128xf32>
    %get3A_909 = arith.constant 4 : index
    %get3A_910 = arith.constant 10 : index
    %get3A_911 = memref.load %arg9[%get3A_909, %get3A_910] : memref<6x16xf32, #tpu.memory_space<smem>>
    %mul3A_912 = vector.broadcast %get3A_911 : f32 to vector<8x128xf32>
    %mul3A_913 = arith.mulf %bitcast_convert_type3A_168, %mul3A_912 : vector<8x128xf32>
    %add3A_914 = arith.addf %add3A_908, %mul3A_913 : vector<8x128xf32>
    %get3A_915 = arith.constant 5 : index
    %get3A_916 = arith.constant 10 : index
    %get3A_917 = memref.load %arg9[%get3A_915, %get3A_916] : memref<6x16xf32, #tpu.memory_space<smem>>
    %mul3A_918 = vector.broadcast %get3A_917 : f32 to vector<8x128xf32>
    %mul3A_919 = arith.mulf %bitcast_convert_type3A_183, %mul3A_918 : vector<8x128xf32>
    %add3A_920 = arith.addf %add3A_914, %mul3A_919 : vector<8x128xf32>
    %get3A_921 = arith.constant 10 : index
    %get3A_922 = memref.load %arg10[%get3A_921] : memref<16xf32, #tpu.memory_space<smem>>
    %add3A_923 = vector.broadcast %get3A_922 : f32 to vector<8x128xf32>
    %add3A_924 = arith.addf %add3A_920, %add3A_923 : vector<8x128xf32>
    %tanh3A_925 = math.tanh %add3A_924 : vector<8x128xf32>
    %bitcast_convert_type3A_926 = tpu.bitcast %tanh3A_925 : vector<8x128xf32> -> vector<8x128xi32>
    %shift_right_arithmetic3A_927 = arith.constant 16 : i32
    %shift_right_arithmetic3A_928 = vector.broadcast %shift_right_arithmetic3A_927 : i32 to vector<8x128xi32>
    %shift_right_arithmetic3A_929 = arith.shrsi %bitcast_convert_type3A_926, %shift_right_arithmetic3A_928 : vector<8x128xi32>
    %and3A_930 = arith.constant 1 : i32
    %and3A_931 = vector.broadcast %and3A_930 : i32 to vector<8x128xi32>
    %and3A_932 = arith.andi %shift_right_arithmetic3A_929, %and3A_931 : vector<8x128xi32>
    %add3A_933 = arith.constant 32767 : i32
    %add3A_934 = vector.broadcast %add3A_933 : i32 to vector<8x128xi32>
    %add3A_935 = arith.addi %add3A_934, %and3A_932 : vector<8x128xi32>
    %add3A_936 = arith.addi %bitcast_convert_type3A_926, %add3A_935 : vector<8x128xi32>
    %and3A_937 = arith.constant -65536 : i32
    %and3A_938 = vector.broadcast %and3A_937 : i32 to vector<8x128xi32>
    %and3A_939 = arith.andi %add3A_936, %and3A_938 : vector<8x128xi32>
    %bitcast_convert_type3A_940 = tpu.bitcast %and3A_939 : vector<8x128xi32> -> vector<8x128xf32>
    %get3A_941 = arith.constant 10 : index
    %get3A_942 = arith.constant 0 : index
    %get3A_943 = memref.load %arg11[%get3A_941, %get3A_942] : memref<16x1xf32, #tpu.memory_space<smem>>
    %mul3A_944 = vector.broadcast %get3A_943 : f32 to vector<8x128xf32>
    %mul3A_945 = arith.mulf %bitcast_convert_type3A_940, %mul3A_944 : vector<8x128xf32>
    %add3A_946 = arith.addf %add3A_885, %mul3A_945 : vector<8x128xf32>
    %get3A_947 = arith.constant 0 : index
    %get3A_948 = arith.constant 11 : index
    %get3A_949 = memref.load %arg9[%get3A_947, %get3A_948] : memref<6x16xf32, #tpu.memory_space<smem>>
    %mul3A_950 = vector.broadcast %get3A_949 : f32 to vector<8x128xf32>
    %mul3A_951 = arith.mulf %bitcast_convert_type3A_108, %mul3A_950 : vector<8x128xf32>
    %get3A_952 = arith.constant 1 : index
    %get3A_953 = arith.constant 11 : index
    %get3A_954 = memref.load %arg9[%get3A_952, %get3A_953] : memref<6x16xf32, #tpu.memory_space<smem>>
    %mul3A_955 = vector.broadcast %get3A_954 : f32 to vector<8x128xf32>
    %mul3A_956 = arith.mulf %bitcast_convert_type3A_123, %mul3A_955 : vector<8x128xf32>
    %add3A_957 = arith.addf %mul3A_951, %mul3A_956 : vector<8x128xf32>
    %get3A_958 = arith.constant 2 : index
    %get3A_959 = arith.constant 11 : index
    %get3A_960 = memref.load %arg9[%get3A_958, %get3A_959] : memref<6x16xf32, #tpu.memory_space<smem>>
    %mul3A_961 = vector.broadcast %get3A_960 : f32 to vector<8x128xf32>
    %mul3A_962 = arith.mulf %bitcast_convert_type3A_138, %mul3A_961 : vector<8x128xf32>
    %add3A_963 = arith.addf %add3A_957, %mul3A_962 : vector<8x128xf32>
    %get3A_964 = arith.constant 3 : index
    %get3A_965 = arith.constant 11 : index
    %get3A_966 = memref.load %arg9[%get3A_964, %get3A_965] : memref<6x16xf32, #tpu.memory_space<smem>>
    %mul3A_967 = vector.broadcast %get3A_966 : f32 to vector<8x128xf32>
    %mul3A_968 = arith.mulf %bitcast_convert_type3A_153, %mul3A_967 : vector<8x128xf32>
    %add3A_969 = arith.addf %add3A_963, %mul3A_968 : vector<8x128xf32>
    %get3A_970 = arith.constant 4 : index
    %get3A_971 = arith.constant 11 : index
    %get3A_972 = memref.load %arg9[%get3A_970, %get3A_971] : memref<6x16xf32, #tpu.memory_space<smem>>
    %mul3A_973 = vector.broadcast %get3A_972 : f32 to vector<8x128xf32>
    %mul3A_974 = arith.mulf %bitcast_convert_type3A_168, %mul3A_973 : vector<8x128xf32>
    %add3A_975 = arith.addf %add3A_969, %mul3A_974 : vector<8x128xf32>
    %get3A_976 = arith.constant 5 : index
    %get3A_977 = arith.constant 11 : index
    %get3A_978 = memref.load %arg9[%get3A_976, %get3A_977] : memref<6x16xf32, #tpu.memory_space<smem>>
    %mul3A_979 = vector.broadcast %get3A_978 : f32 to vector<8x128xf32>
    %mul3A_980 = arith.mulf %bitcast_convert_type3A_183, %mul3A_979 : vector<8x128xf32>
    %add3A_981 = arith.addf %add3A_975, %mul3A_980 : vector<8x128xf32>
    %get3A_982 = arith.constant 11 : index
    %get3A_983 = memref.load %arg10[%get3A_982] : memref<16xf32, #tpu.memory_space<smem>>
    %add3A_984 = vector.broadcast %get3A_983 : f32 to vector<8x128xf32>
    %add3A_985 = arith.addf %add3A_981, %add3A_984 : vector<8x128xf32>
    %tanh3A_986 = math.tanh %add3A_985 : vector<8x128xf32>
    %bitcast_convert_type3A_987 = tpu.bitcast %tanh3A_986 : vector<8x128xf32> -> vector<8x128xi32>
    %shift_right_arithmetic3A_988 = arith.constant 16 : i32
    %shift_right_arithmetic3A_989 = vector.broadcast %shift_right_arithmetic3A_988 : i32 to vector<8x128xi32>
    %shift_right_arithmetic3A_990 = arith.shrsi %bitcast_convert_type3A_987, %shift_right_arithmetic3A_989 : vector<8x128xi32>
    %and3A_991 = arith.constant 1 : i32
    %and3A_992 = vector.broadcast %and3A_991 : i32 to vector<8x128xi32>
    %and3A_993 = arith.andi %shift_right_arithmetic3A_990, %and3A_992 : vector<8x128xi32>
    %add3A_994 = arith.constant 32767 : i32
    %add3A_995 = vector.broadcast %add3A_994 : i32 to vector<8x128xi32>
    %add3A_996 = arith.addi %add3A_995, %and3A_993 : vector<8x128xi32>
    %add3A_997 = arith.addi %bitcast_convert_type3A_987, %add3A_996 : vector<8x128xi32>
    %and3A_998 = arith.constant -65536 : i32
    %and3A_999 = vector.broadcast %and3A_998 : i32 to vector<8x128xi32>
    %and3A_1000 = arith.andi %add3A_997, %and3A_999 : vector<8x128xi32>
    %bitcast_convert_type3A_1001 = tpu.bitcast %and3A_1000 : vector<8x128xi32> -> vector<8x128xf32>
    %get3A_1002 = arith.constant 11 : index
    %get3A_1003 = arith.constant 0 : index
    %get3A_1004 = memref.load %arg11[%get3A_1002, %get3A_1003] : memref<16x1xf32, #tpu.memory_space<smem>>
    %mul3A_1005 = vector.broadcast %get3A_1004 : f32 to vector<8x128xf32>
    %mul3A_1006 = arith.mulf %bitcast_convert_type3A_1001, %mul3A_1005 : vector<8x128xf32>
    %add3A_1007 = arith.addf %add3A_946, %mul3A_1006 : vector<8x128xf32>
    %get3A_1008 = arith.constant 0 : index
    %get3A_1009 = arith.constant 12 : index
    %get3A_1010 = memref.load %arg9[%get3A_1008, %get3A_1009] : memref<6x16xf32, #tpu.memory_space<smem>>
    %mul3A_1011 = vector.broadcast %get3A_1010 : f32 to vector<8x128xf32>
    %mul3A_1012 = arith.mulf %bitcast_convert_type3A_108, %mul3A_1011 : vector<8x128xf32>
    %get3A_1013 = arith.constant 1 : index
    %get3A_1014 = arith.constant 12 : index
    %get3A_1015 = memref.load %arg9[%get3A_1013, %get3A_1014] : memref<6x16xf32, #tpu.memory_space<smem>>
    %mul3A_1016 = vector.broadcast %get3A_1015 : f32 to vector<8x128xf32>
    %mul3A_1017 = arith.mulf %bitcast_convert_type3A_123, %mul3A_1016 : vector<8x128xf32>
    %add3A_1018 = arith.addf %mul3A_1012, %mul3A_1017 : vector<8x128xf32>
    %get3A_1019 = arith.constant 2 : index
    %get3A_1020 = arith.constant 12 : index
    %get3A_1021 = memref.load %arg9[%get3A_1019, %get3A_1020] : memref<6x16xf32, #tpu.memory_space<smem>>
    %mul3A_1022 = vector.broadcast %get3A_1021 : f32 to vector<8x128xf32>
    %mul3A_1023 = arith.mulf %bitcast_convert_type3A_138, %mul3A_1022 : vector<8x128xf32>
    %add3A_1024 = arith.addf %add3A_1018, %mul3A_1023 : vector<8x128xf32>
    %get3A_1025 = arith.constant 3 : index
    %get3A_1026 = arith.constant 12 : index
    %get3A_1027 = memref.load %arg9[%get3A_1025, %get3A_1026] : memref<6x16xf32, #tpu.memory_space<smem>>
    %mul3A_1028 = vector.broadcast %get3A_1027 : f32 to vector<8x128xf32>
    %mul3A_1029 = arith.mulf %bitcast_convert_type3A_153, %mul3A_1028 : vector<8x128xf32>
    %add3A_1030 = arith.addf %add3A_1024, %mul3A_1029 : vector<8x128xf32>
    %get3A_1031 = arith.constant 4 : index
    %get3A_1032 = arith.constant 12 : index
    %get3A_1033 = memref.load %arg9[%get3A_1031, %get3A_1032] : memref<6x16xf32, #tpu.memory_space<smem>>
    %mul3A_1034 = vector.broadcast %get3A_1033 : f32 to vector<8x128xf32>
    %mul3A_1035 = arith.mulf %bitcast_convert_type3A_168, %mul3A_1034 : vector<8x128xf32>
    %add3A_1036 = arith.addf %add3A_1030, %mul3A_1035 : vector<8x128xf32>
    %get3A_1037 = arith.constant 5 : index
    %get3A_1038 = arith.constant 12 : index
    %get3A_1039 = memref.load %arg9[%get3A_1037, %get3A_1038] : memref<6x16xf32, #tpu.memory_space<smem>>
    %mul3A_1040 = vector.broadcast %get3A_1039 : f32 to vector<8x128xf32>
    %mul3A_1041 = arith.mulf %bitcast_convert_type3A_183, %mul3A_1040 : vector<8x128xf32>
    %add3A_1042 = arith.addf %add3A_1036, %mul3A_1041 : vector<8x128xf32>
    %get3A_1043 = arith.constant 12 : index
    %get3A_1044 = memref.load %arg10[%get3A_1043] : memref<16xf32, #tpu.memory_space<smem>>
    %add3A_1045 = vector.broadcast %get3A_1044 : f32 to vector<8x128xf32>
    %add3A_1046 = arith.addf %add3A_1042, %add3A_1045 : vector<8x128xf32>
    %tanh3A_1047 = math.tanh %add3A_1046 : vector<8x128xf32>
    %bitcast_convert_type3A_1048 = tpu.bitcast %tanh3A_1047 : vector<8x128xf32> -> vector<8x128xi32>
    %shift_right_arithmetic3A_1049 = arith.constant 16 : i32
    %shift_right_arithmetic3A_1050 = vector.broadcast %shift_right_arithmetic3A_1049 : i32 to vector<8x128xi32>
    %shift_right_arithmetic3A_1051 = arith.shrsi %bitcast_convert_type3A_1048, %shift_right_arithmetic3A_1050 : vector<8x128xi32>
    %and3A_1052 = arith.constant 1 : i32
    %and3A_1053 = vector.broadcast %and3A_1052 : i32 to vector<8x128xi32>
    %and3A_1054 = arith.andi %shift_right_arithmetic3A_1051, %and3A_1053 : vector<8x128xi32>
    %add3A_1055 = arith.constant 32767 : i32
    %add3A_1056 = vector.broadcast %add3A_1055 : i32 to vector<8x128xi32>
    %add3A_1057 = arith.addi %add3A_1056, %and3A_1054 : vector<8x128xi32>
    %add3A_1058 = arith.addi %bitcast_convert_type3A_1048, %add3A_1057 : vector<8x128xi32>
    %and3A_1059 = arith.constant -65536 : i32
    %and3A_1060 = vector.broadcast %and3A_1059 : i32 to vector<8x128xi32>
    %and3A_1061 = arith.andi %add3A_1058, %and3A_1060 : vector<8x128xi32>
    %bitcast_convert_type3A_1062 = tpu.bitcast %and3A_1061 : vector<8x128xi32> -> vector<8x128xf32>
    %get3A_1063 = arith.constant 12 : index
    %get3A_1064 = arith.constant 0 : index
    %get3A_1065 = memref.load %arg11[%get3A_1063, %get3A_1064] : memref<16x1xf32, #tpu.memory_space<smem>>
    %mul3A_1066 = vector.broadcast %get3A_1065 : f32 to vector<8x128xf32>
    %mul3A_1067 = arith.mulf %bitcast_convert_type3A_1062, %mul3A_1066 : vector<8x128xf32>
    %add3A_1068 = arith.addf %add3A_1007, %mul3A_1067 : vector<8x128xf32>
    %get3A_1069 = arith.constant 0 : index
    %get3A_1070 = arith.constant 13 : index
    %get3A_1071 = memref.load %arg9[%get3A_1069, %get3A_1070] : memref<6x16xf32, #tpu.memory_space<smem>>
    %mul3A_1072 = vector.broadcast %get3A_1071 : f32 to vector<8x128xf32>
    %mul3A_1073 = arith.mulf %bitcast_convert_type3A_108, %mul3A_1072 : vector<8x128xf32>
    %get3A_1074 = arith.constant 1 : index
    %get3A_1075 = arith.constant 13 : index
    %get3A_1076 = memref.load %arg9[%get3A_1074, %get3A_1075] : memref<6x16xf32, #tpu.memory_space<smem>>
    %mul3A_1077 = vector.broadcast %get3A_1076 : f32 to vector<8x128xf32>
    %mul3A_1078 = arith.mulf %bitcast_convert_type3A_123, %mul3A_1077 : vector<8x128xf32>
    %add3A_1079 = arith.addf %mul3A_1073, %mul3A_1078 : vector<8x128xf32>
    %get3A_1080 = arith.constant 2 : index
    %get3A_1081 = arith.constant 13 : index
    %get3A_1082 = memref.load %arg9[%get3A_1080, %get3A_1081] : memref<6x16xf32, #tpu.memory_space<smem>>
    %mul3A_1083 = vector.broadcast %get3A_1082 : f32 to vector<8x128xf32>
    %mul3A_1084 = arith.mulf %bitcast_convert_type3A_138, %mul3A_1083 : vector<8x128xf32>
    %add3A_1085 = arith.addf %add3A_1079, %mul3A_1084 : vector<8x128xf32>
    %get3A_1086 = arith.constant 3 : index
    %get3A_1087 = arith.constant 13 : index
    %get3A_1088 = memref.load %arg9[%get3A_1086, %get3A_1087] : memref<6x16xf32, #tpu.memory_space<smem>>
    %mul3A_1089 = vector.broadcast %get3A_1088 : f32 to vector<8x128xf32>
    %mul3A_1090 = arith.mulf %bitcast_convert_type3A_153, %mul3A_1089 : vector<8x128xf32>
    %add3A_1091 = arith.addf %add3A_1085, %mul3A_1090 : vector<8x128xf32>
    %get3A_1092 = arith.constant 4 : index
    %get3A_1093 = arith.constant 13 : index
    %get3A_1094 = memref.load %arg9[%get3A_1092, %get3A_1093] : memref<6x16xf32, #tpu.memory_space<smem>>
    %mul3A_1095 = vector.broadcast %get3A_1094 : f32 to vector<8x128xf32>
    %mul3A_1096 = arith.mulf %bitcast_convert_type3A_168, %mul3A_1095 : vector<8x128xf32>
    %add3A_1097 = arith.addf %add3A_1091, %mul3A_1096 : vector<8x128xf32>
    %get3A_1098 = arith.constant 5 : index
    %get3A_1099 = arith.constant 13 : index
    %get3A_1100 = memref.load %arg9[%get3A_1098, %get3A_1099] : memref<6x16xf32, #tpu.memory_space<smem>>
    %mul3A_1101 = vector.broadcast %get3A_1100 : f32 to vector<8x128xf32>
    %mul3A_1102 = arith.mulf %bitcast_convert_type3A_183, %mul3A_1101 : vector<8x128xf32>
    %add3A_1103 = arith.addf %add3A_1097, %mul3A_1102 : vector<8x128xf32>
    %get3A_1104 = arith.constant 13 : index
    %get3A_1105 = memref.load %arg10[%get3A_1104] : memref<16xf32, #tpu.memory_space<smem>>
    %add3A_1106 = vector.broadcast %get3A_1105 : f32 to vector<8x128xf32>
    %add3A_1107 = arith.addf %add3A_1103, %add3A_1106 : vector<8x128xf32>
    %tanh3A_1108 = math.tanh %add3A_1107 : vector<8x128xf32>
    %bitcast_convert_type3A_1109 = tpu.bitcast %tanh3A_1108 : vector<8x128xf32> -> vector<8x128xi32>
    %shift_right_arithmetic3A_1110 = arith.constant 16 : i32
    %shift_right_arithmetic3A_1111 = vector.broadcast %shift_right_arithmetic3A_1110 : i32 to vector<8x128xi32>
    %shift_right_arithmetic3A_1112 = arith.shrsi %bitcast_convert_type3A_1109, %shift_right_arithmetic3A_1111 : vector<8x128xi32>
    %and3A_1113 = arith.constant 1 : i32
    %and3A_1114 = vector.broadcast %and3A_1113 : i32 to vector<8x128xi32>
    %and3A_1115 = arith.andi %shift_right_arithmetic3A_1112, %and3A_1114 : vector<8x128xi32>
    %add3A_1116 = arith.constant 32767 : i32
    %add3A_1117 = vector.broadcast %add3A_1116 : i32 to vector<8x128xi32>
    %add3A_1118 = arith.addi %add3A_1117, %and3A_1115 : vector<8x128xi32>
    %add3A_1119 = arith.addi %bitcast_convert_type3A_1109, %add3A_1118 : vector<8x128xi32>
    %and3A_1120 = arith.constant -65536 : i32
    %and3A_1121 = vector.broadcast %and3A_1120 : i32 to vector<8x128xi32>
    %and3A_1122 = arith.andi %add3A_1119, %and3A_1121 : vector<8x128xi32>
    %bitcast_convert_type3A_1123 = tpu.bitcast %and3A_1122 : vector<8x128xi32> -> vector<8x128xf32>
    %get3A_1124 = arith.constant 13 : index
    %get3A_1125 = arith.constant 0 : index
    %get3A_1126 = memref.load %arg11[%get3A_1124, %get3A_1125] : memref<16x1xf32, #tpu.memory_space<smem>>
    %mul3A_1127 = vector.broadcast %get3A_1126 : f32 to vector<8x128xf32>
    %mul3A_1128 = arith.mulf %bitcast_convert_type3A_1123, %mul3A_1127 : vector<8x128xf32>
    %add3A_1129 = arith.addf %add3A_1068, %mul3A_1128 : vector<8x128xf32>
    %get3A_1130 = arith.constant 0 : index
    %get3A_1131 = arith.constant 14 : index
    %get3A_1132 = memref.load %arg9[%get3A_1130, %get3A_1131] : memref<6x16xf32, #tpu.memory_space<smem>>
    %mul3A_1133 = vector.broadcast %get3A_1132 : f32 to vector<8x128xf32>
    %mul3A_1134 = arith.mulf %bitcast_convert_type3A_108, %mul3A_1133 : vector<8x128xf32>
    %get3A_1135 = arith.constant 1 : index
    %get3A_1136 = arith.constant 14 : index
    %get3A_1137 = memref.load %arg9[%get3A_1135, %get3A_1136] : memref<6x16xf32, #tpu.memory_space<smem>>
    %mul3A_1138 = vector.broadcast %get3A_1137 : f32 to vector<8x128xf32>
    %mul3A_1139 = arith.mulf %bitcast_convert_type3A_123, %mul3A_1138 : vector<8x128xf32>
    %add3A_1140 = arith.addf %mul3A_1134, %mul3A_1139 : vector<8x128xf32>
    %get3A_1141 = arith.constant 2 : index
    %get3A_1142 = arith.constant 14 : index
    %get3A_1143 = memref.load %arg9[%get3A_1141, %get3A_1142] : memref<6x16xf32, #tpu.memory_space<smem>>
    %mul3A_1144 = vector.broadcast %get3A_1143 : f32 to vector<8x128xf32>
    %mul3A_1145 = arith.mulf %bitcast_convert_type3A_138, %mul3A_1144 : vector<8x128xf32>
    %add3A_1146 = arith.addf %add3A_1140, %mul3A_1145 : vector<8x128xf32>
    %get3A_1147 = arith.constant 3 : index
    %get3A_1148 = arith.constant 14 : index
    %get3A_1149 = memref.load %arg9[%get3A_1147, %get3A_1148] : memref<6x16xf32, #tpu.memory_space<smem>>
    %mul3A_1150 = vector.broadcast %get3A_1149 : f32 to vector<8x128xf32>
    %mul3A_1151 = arith.mulf %bitcast_convert_type3A_153, %mul3A_1150 : vector<8x128xf32>
    %add3A_1152 = arith.addf %add3A_1146, %mul3A_1151 : vector<8x128xf32>
    %get3A_1153 = arith.constant 4 : index
    %get3A_1154 = arith.constant 14 : index
    %get3A_1155 = memref.load %arg9[%get3A_1153, %get3A_1154] : memref<6x16xf32, #tpu.memory_space<smem>>
    %mul3A_1156 = vector.broadcast %get3A_1155 : f32 to vector<8x128xf32>
    %mul3A_1157 = arith.mulf %bitcast_convert_type3A_168, %mul3A_1156 : vector<8x128xf32>
    %add3A_1158 = arith.addf %add3A_1152, %mul3A_1157 : vector<8x128xf32>
    %get3A_1159 = arith.constant 5 : index
    %get3A_1160 = arith.constant 14 : index
    %get3A_1161 = memref.load %arg9[%get3A_1159, %get3A_1160] : memref<6x16xf32, #tpu.memory_space<smem>>
    %mul3A_1162 = vector.broadcast %get3A_1161 : f32 to vector<8x128xf32>
    %mul3A_1163 = arith.mulf %bitcast_convert_type3A_183, %mul3A_1162 : vector<8x128xf32>
    %add3A_1164 = arith.addf %add3A_1158, %mul3A_1163 : vector<8x128xf32>
    %get3A_1165 = arith.constant 14 : index
    %get3A_1166 = memref.load %arg10[%get3A_1165] : memref<16xf32, #tpu.memory_space<smem>>
    %add3A_1167 = vector.broadcast %get3A_1166 : f32 to vector<8x128xf32>
    %add3A_1168 = arith.addf %add3A_1164, %add3A_1167 : vector<8x128xf32>
    %tanh3A_1169 = math.tanh %add3A_1168 : vector<8x128xf32>
    %bitcast_convert_type3A_1170 = tpu.bitcast %tanh3A_1169 : vector<8x128xf32> -> vector<8x128xi32>
    %shift_right_arithmetic3A_1171 = arith.constant 16 : i32
    %shift_right_arithmetic3A_1172 = vector.broadcast %shift_right_arithmetic3A_1171 : i32 to vector<8x128xi32>
    %shift_right_arithmetic3A_1173 = arith.shrsi %bitcast_convert_type3A_1170, %shift_right_arithmetic3A_1172 : vector<8x128xi32>
    %and3A_1174 = arith.constant 1 : i32
    %and3A_1175 = vector.broadcast %and3A_1174 : i32 to vector<8x128xi32>
    %and3A_1176 = arith.andi %shift_right_arithmetic3A_1173, %and3A_1175 : vector<8x128xi32>
    %add3A_1177 = arith.constant 32767 : i32
    %add3A_1178 = vector.broadcast %add3A_1177 : i32 to vector<8x128xi32>
    %add3A_1179 = arith.addi %add3A_1178, %and3A_1176 : vector<8x128xi32>
    %add3A_1180 = arith.addi %bitcast_convert_type3A_1170, %add3A_1179 : vector<8x128xi32>
    %and3A_1181 = arith.constant -65536 : i32
    %and3A_1182 = vector.broadcast %and3A_1181 : i32 to vector<8x128xi32>
    %and3A_1183 = arith.andi %add3A_1180, %and3A_1182 : vector<8x128xi32>
    %bitcast_convert_type3A_1184 = tpu.bitcast %and3A_1183 : vector<8x128xi32> -> vector<8x128xf32>
    %get3A_1185 = arith.constant 14 : index
    %get3A_1186 = arith.constant 0 : index
    %get3A_1187 = memref.load %arg11[%get3A_1185, %get3A_1186] : memref<16x1xf32, #tpu.memory_space<smem>>
    %mul3A_1188 = vector.broadcast %get3A_1187 : f32 to vector<8x128xf32>
    %mul3A_1189 = arith.mulf %bitcast_convert_type3A_1184, %mul3A_1188 : vector<8x128xf32>
    %add3A_1190 = arith.addf %add3A_1129, %mul3A_1189 : vector<8x128xf32>
    %get3A_1191 = arith.constant 0 : index
    %get3A_1192 = arith.constant 15 : index
    %get3A_1193 = memref.load %arg9[%get3A_1191, %get3A_1192] : memref<6x16xf32, #tpu.memory_space<smem>>
    %mul3A_1194 = vector.broadcast %get3A_1193 : f32 to vector<8x128xf32>
    %mul3A_1195 = arith.mulf %bitcast_convert_type3A_108, %mul3A_1194 : vector<8x128xf32>
    %get3A_1196 = arith.constant 1 : index
    %get3A_1197 = arith.constant 15 : index
    %get3A_1198 = memref.load %arg9[%get3A_1196, %get3A_1197] : memref<6x16xf32, #tpu.memory_space<smem>>
    %mul3A_1199 = vector.broadcast %get3A_1198 : f32 to vector<8x128xf32>
    %mul3A_1200 = arith.mulf %bitcast_convert_type3A_123, %mul3A_1199 : vector<8x128xf32>
    %add3A_1201 = arith.addf %mul3A_1195, %mul3A_1200 : vector<8x128xf32>
    %get3A_1202 = arith.constant 2 : index
    %get3A_1203 = arith.constant 15 : index
    %get3A_1204 = memref.load %arg9[%get3A_1202, %get3A_1203] : memref<6x16xf32, #tpu.memory_space<smem>>
    %mul3A_1205 = vector.broadcast %get3A_1204 : f32 to vector<8x128xf32>
    %mul3A_1206 = arith.mulf %bitcast_convert_type3A_138, %mul3A_1205 : vector<8x128xf32>
    %add3A_1207 = arith.addf %add3A_1201, %mul3A_1206 : vector<8x128xf32>
    %get3A_1208 = arith.constant 3 : index
    %get3A_1209 = arith.constant 15 : index
    %get3A_1210 = memref.load %arg9[%get3A_1208, %get3A_1209] : memref<6x16xf32, #tpu.memory_space<smem>>
    %mul3A_1211 = vector.broadcast %get3A_1210 : f32 to vector<8x128xf32>
    %mul3A_1212 = arith.mulf %bitcast_convert_type3A_153, %mul3A_1211 : vector<8x128xf32>
    %add3A_1213 = arith.addf %add3A_1207, %mul3A_1212 : vector<8x128xf32>
    %get3A_1214 = arith.constant 4 : index
    %get3A_1215 = arith.constant 15 : index
    %get3A_1216 = memref.load %arg9[%get3A_1214, %get3A_1215] : memref<6x16xf32, #tpu.memory_space<smem>>
    %mul3A_1217 = vector.broadcast %get3A_1216 : f32 to vector<8x128xf32>
    %mul3A_1218 = arith.mulf %bitcast_convert_type3A_168, %mul3A_1217 : vector<8x128xf32>
    %add3A_1219 = arith.addf %add3A_1213, %mul3A_1218 : vector<8x128xf32>
    %get3A_1220 = arith.constant 5 : index
    %get3A_1221 = arith.constant 15 : index
    %get3A_1222 = memref.load %arg9[%get3A_1220, %get3A_1221] : memref<6x16xf32, #tpu.memory_space<smem>>
    %mul3A_1223 = vector.broadcast %get3A_1222 : f32 to vector<8x128xf32>
    %mul3A_1224 = arith.mulf %bitcast_convert_type3A_183, %mul3A_1223 : vector<8x128xf32>
    %add3A_1225 = arith.addf %add3A_1219, %mul3A_1224 : vector<8x128xf32>
    %get3A_1226 = arith.constant 15 : index
    %get3A_1227 = memref.load %arg10[%get3A_1226] : memref<16xf32, #tpu.memory_space<smem>>
    %add3A_1228 = vector.broadcast %get3A_1227 : f32 to vector<8x128xf32>
    %add3A_1229 = arith.addf %add3A_1225, %add3A_1228 : vector<8x128xf32>
    %tanh3A_1230 = math.tanh %add3A_1229 : vector<8x128xf32>
    %bitcast_convert_type3A_1231 = tpu.bitcast %tanh3A_1230 : vector<8x128xf32> -> vector<8x128xi32>
    %shift_right_arithmetic3A_1232 = arith.constant 16 : i32
    %shift_right_arithmetic3A_1233 = vector.broadcast %shift_right_arithmetic3A_1232 : i32 to vector<8x128xi32>
    %shift_right_arithmetic3A_1234 = arith.shrsi %bitcast_convert_type3A_1231, %shift_right_arithmetic3A_1233 : vector<8x128xi32>
    %and3A_1235 = arith.constant 1 : i32
    %and3A_1236 = vector.broadcast %and3A_1235 : i32 to vector<8x128xi32>
    %and3A_1237 = arith.andi %shift_right_arithmetic3A_1234, %and3A_1236 : vector<8x128xi32>
    %add3A_1238 = arith.constant 32767 : i32
    %add3A_1239 = vector.broadcast %add3A_1238 : i32 to vector<8x128xi32>
    %add3A_1240 = arith.addi %add3A_1239, %and3A_1237 : vector<8x128xi32>
    %add3A_1241 = arith.addi %bitcast_convert_type3A_1231, %add3A_1240 : vector<8x128xi32>
    %and3A_1242 = arith.constant -65536 : i32
    %and3A_1243 = vector.broadcast %and3A_1242 : i32 to vector<8x128xi32>
    %and3A_1244 = arith.andi %add3A_1241, %and3A_1243 : vector<8x128xi32>
    %bitcast_convert_type3A_1245 = tpu.bitcast %and3A_1244 : vector<8x128xi32> -> vector<8x128xf32>
    %get3A_1246 = arith.constant 15 : index
    %get3A_1247 = arith.constant 0 : index
    %get3A_1248 = memref.load %arg11[%get3A_1246, %get3A_1247] : memref<16x1xf32, #tpu.memory_space<smem>>
    %mul3A_1249 = vector.broadcast %get3A_1248 : f32 to vector<8x128xf32>
    %mul3A_1250 = arith.mulf %bitcast_convert_type3A_1245, %mul3A_1249 : vector<8x128xf32>
    %add3A_1251 = arith.addf %add3A_1190, %mul3A_1250 : vector<8x128xf32>
    %cos3A = math.cos %add3A_1251 : vector<8x128xf32>
    %sin3A = math.sin %add3A_1251 : vector<8x128xf32>
    %mul3A_1252 = arith.mulf %cos3A, %div3A_269 : vector<8x128xf32>
    %mul3A_1253 = arith.mulf %sin3A, %div3A_270 : vector<8x128xf32>
    %sub3A_1254 = arith.subf %mul3A_1252, %mul3A_1253 : vector<8x128xf32>
    %swap3A_1255 = arith.constant 0 : index
    %swap3A_1256 = arith.constant 0 : index
    %swap3A_1257 = arith.constant 0 : index
    %swap3A_1258 = arith.constant 0 : index
    %swap3A_1259 = vector.load %arg14[%swap3A_1255, %swap3A_1256, %swap3A_1257, %swap3A_1258] : memref<1x2x8x128xf32, #tpu.memory_space<vmem>>, vector<1x1x8x128xf32>
    %swap3A_1260 = vector.shape_cast %swap3A_1259 : vector<1x1x8x128xf32> to vector<8x128xf32>
    %swap3A_1261 = vector.shape_cast %sub3A_1254 : vector<8x128xf32> to vector<1x1x8x128xf32>
    tpu.vector_store %arg14[%swap3A_1255, %swap3A_1256, %swap3A_1257, %swap3A_1258], %swap3A_1261 {strides = array<i32>} : memref<1x2x8x128xf32, #tpu.memory_space<vmem>>, vector<1x1x8x128xf32>,
    %mul3A_1262 = arith.mulf %sin3A, %div3A_269 : vector<8x128xf32>
    %mul3A_1263 = arith.mulf %cos3A, %div3A_270 : vector<8x128xf32>
    %add3A_1264 = arith.addf %mul3A_1262, %mul3A_1263 : vector<8x128xf32>
    %swap3A_1265 = arith.constant 0 : index
    %swap3A_1266 = arith.constant 1 : index
    %swap3A_1267 = arith.constant 0 : index
    %swap3A_1268 = arith.constant 0 : index
    %swap3A_1269 = vector.load %arg14[%swap3A_1265, %swap3A_1266, %swap3A_1267, %swap3A_1268] : memref<1x2x8x128xf32, #tpu.memory_space<vmem>>, vector<1x1x8x128xf32>
    %swap3A_1270 = vector.shape_cast %swap3A_1269 : vector<1x1x8x128xf32> to vector<8x128xf32>
    %swap3A_1271 = vector.shape_cast %add3A_1264 : vector<8x128xf32> to vector<1x1x8x128xf32>
    tpu.vector_store %arg14[%swap3A_1265, %swap3A_1266, %swap3A_1267, %swap3A_1268], %swap3A_1271 {strides = array<i32>} : memref<1x2x8x128xf32, #tpu.memory_space<vmem>>, vector<1x1x8x128xf32>,
    return
  }
  func.func @transform_0(%arg0: i32) -> (i32, i32, i32) {
    %c0_i32 = arith.constant 0 : i32
    %c0_i32_0 = arith.constant 0 : i32
    %c0_i32_1 = arith.constant 0 : i32
    return %arg0, %c0_i32, %c0_i32_0 : i32, i32, i32
  }
  func.func @transform_1(%arg0: i32) -> (i32, i32, i32) {
    %c0_i32 = arith.constant 0 : i32
    %c0_i32_0 = arith.constant 0 : i32
    %c0_i32_1 = arith.constant 0 : i32
    return %arg0, %c0_i32, %c0_i32_0 : i32, i32, i32
  }
  func.func @transform_2(%arg0: i32) -> (i32, i32, i32) {
    %c0_i32 = arith.constant 0 : i32
    %c0_i32_0 = arith.constant 0 : i32
    %c0_i32_1 = arith.constant 0 : i32
    return %arg0, %c0_i32, %c0_i32_0 : i32, i32, i32
  }
  func.func @transform_3(%arg0: i32) -> i32 {
    %c0_i32 = arith.constant 0 : i32
    %c0_i32_0 = arith.constant 0 : i32
    return %c0_i32 : i32
  }
  func.func @transform_4(%arg0: i32) -> (i32, i32) {
    %c0_i32 = arith.constant 0 : i32
    %c0_i32_0 = arith.constant 0 : i32
    %c0_i32_1 = arith.constant 0 : i32
    return %c0_i32, %c0_i32_0 : i32, i32
  }
  func.func @transform_5(%arg0: i32) -> (i32, i32) {
    %c0_i32 = arith.constant 0 : i32
    %c0_i32_0 = arith.constant 0 : i32
    %c0_i32_1 = arith.constant 0 : i32
    return %c0_i32, %c0_i32_0 : i32, i32
  }
  func.func @transform_6(%arg0: i32) -> (i32, i32) {
    %c0_i32 = arith.constant 0 : i32
    %c0_i32_0 = arith.constant 0 : i32
    %c0_i32_1 = arith.constant 0 : i32
    return %c0_i32, %c0_i32_0 : i32, i32
  }
  func.func @transform_7(%arg0: i32) -> i32 {
    %c0_i32 = arith.constant 0 : i32
    %c0_i32_0 = arith.constant 0 : i32
    return %c0_i32 : i32
  }
  func.func @transform_8(%arg0: i32) -> (i32, i32) {
    %c0_i32 = arith.constant 0 : i32
    %c0_i32_0 = arith.constant 0 : i32
    %c0_i32_1 = arith.constant 0 : i32
    return %c0_i32, %c0_i32_0 : i32, i32
  }
  func.func @transform_9(%arg0: i32) -> i32 {
    %c0_i32 = arith.constant 0 : i32
    %c0_i32_0 = arith.constant 0 : i32
    return %c0_i32 : i32
  }
  func.func @transform_10(%arg0: i32) -> (i32, i32) {
    %c0_i32 = arith.constant 0 : i32
    %c0_i32_0 = arith.constant 0 : i32
    %c0_i32_1 = arith.constant 0 : i32
    return %c0_i32, %c0_i32_0 : i32, i32
  }
  func.func @transform_11(%arg0: i32) -> i32 {
    %c0_i32 = arith.constant 0 : i32
    %c0_i32_0 = arith.constant 0 : i32
    return %c0_i32 : i32
  }
  func.func @transform_12(%arg0: i32) -> (i32, i32, i32, i32) {
    %c0_i32 = arith.constant 0 : i32
    %c0_i32_0 = arith.constant 0 : i32
    %c0_i32_1 = arith.constant 0 : i32
    %c0_i32_2 = arith.constant 0 : i32
    return %arg0, %c0_i32, %c0_i32_0, %c0_i32_1 : i32, i32, i32, i32
  }
  func.func @transform_13(%arg0: i32) -> (i32, i32, i32, i32) {
    %c0_i32 = arith.constant 0 : i32
    %c0_i32_0 = arith.constant 0 : i32
    %c0_i32_1 = arith.constant 0 : i32
    %c0_i32_2 = arith.constant 0 : i32
    return %arg0, %c0_i32, %c0_i32_0, %c0_i32_1 : i32, i32, i32, i32
  }
}

</mosaic_0001>

<sc_bundles>
// kernel: kernel.4.cloned.1.call-start
scs
__scs_entry_jumppad:
0x0: {  	(pc) =	sbr.rel $0x88, $3  }
0x1: {  	(tag) =	ssettag $0x0;
	lr =	simm.s32 $0x1  }
0x2: {  	[smem:$0x3F97] =	sst lr;
	_ =	strace $0xD0000000  }
0x3: {  	_ = 	snop  }
0x4: {  	_ = 	snop  }
0x5: {  	_ = 	snop  }
0x6: {  	_ = 	snop  }
0x7: {  	_ = 	snop  }
__scs_overlays_trampoline_lowered:
0x8: {  	[smem:$0x3FA6] =	sst s0  }
0x9: {  	[smem:$0x3FA7] =	sst s1  }
0xa: {  	[smem:$0x3FA8] =	sst s2  }
0xb: {  	[smem:$0x3FA9] =	sst s3  }
0xc: {  	[smem:$0x3FAA] =	sst s4  }
0xd: {  	[smem:$0x3FAB] =	sst s5  }
0xe: {  	[smem:$0x3FAC] =	sst s6  }
0xf: {  	[smem:$0x3FAD] =	sst s7  }
0x10: {  	[smem:$0x3FAE] =	sst s8  }
0x11: {  	[smem:$0x3FAF] =	sst s9;
	s0 =	simm.s32 @!p0 $0x0  }
0x12: {  	s1 =	sld [smem:$0x3F95];
	s0 =	simm.s32 @p0 $0x1  }
0x13: {  	[smem:$0x3FB0] =	sst s0;
	s0 =	simm.s32 @!p1 $0x0  }
0x14: {  	s2 =	sld [smem:$0x3F94];
	s0 =	simm.s32 @p1 $0x1  }
0x15: {  	[smem:$0x3FB1] =	sst s0;
	s0 =	simm.s32 @!p2 $0x0  }
0x16: {  	s3 =	sld [smem:$0x3FDB];
	s0 =	simm.s32 @p2 $0x1  }
0x17: {  	s4 =	simm.s32 $0x1BF5;
	[smem:$0x3FB3] =	sst s0  }
0x18: {  	s0 =	sld [smem:$0x3F96];
	_ =	swait.ge [sflag:s4], $0x0  }
0x19: {  	s7 =	sld [smem:$0x3F97]  }
0x1a: {  	s8 =	sadd.s32 $0xFFFFE003, lr  }
0x1b: {  	s9 =	sadd.s32 $0xFFFFFEF7, lr;
	s5 =	simm.s32 $0xFFFFFFFF;
	p2 =	slt.u32 s8, $0xFFFFF086  }
0x1c: {  	p1 =	slt.u32 s9, $0xF7A;
	s5 =	simm.s32 @!p2 $0x0  }
0x1d: {  	s5 =	simm.s32 @p1 $0x1;
	p0 =	seq.s32 s7, s2  }
0x1e: {  	s7 =	smul.u32 @!p0 $0xF7A, s2;
	p2 =	seq.s32 @!p0 s5, $0x0  }
0x1f: {  	s9 =	smul.u32 $0xF7A, s1;
	s8 =	simm.s32 @!p0 $0x1BF5;
	p2 =	por !p2, p0  }
0x20: {  	[sflag:s8] =	ssyncset.s32 @!p0 $0xFFFFF086;
	s6 =	sadd.s32 @!p0 s3, s7;
	s7 =	simm.s32 @!p0 $0x108  }
0x21: {  	s3 =	sadd.s32 s3, s9;
	s6 =	sadd.s32 @!p0 $0x88, s6;
	s7 =	simm.s32 @p2 $0x1082  }
0x22: {  	[simem:s7], [sflag:s8] =	dma.local @!p0 [hbm:s6], $0xF7A  }
0x23: {  	s9 =	sor.u32 $0xD0000000, s2;
	s6 =	simm.s32 $0x108;
	_ =	swait.ge @!p0 [sflag:s8], $0x0  }
0x24: {  	s3 =	sadd.s32 $0x88, s3;
	s6 =	simm.s32 @!p1 $0x1082;
	[sflag:s4] =	ssyncset.s32 $0xFFFFF086  }
0x25: {  	[simem:s6], [sflag:s4] =	dma.local [hbm:s3], $0xF7A  }
0x26: {  	[smem:$0x3F97] =	sst s1;
	(tag) =	ssettag s2;
	_ =	strace s9  }
0x27: {  	s1 =	sld [smem:$0x3FA7]  }
0x28: {  	s2 =	sld [smem:$0x3FA8]  }
0x29: {  	s4 =	sld [smem:$0x3FAA]  }
0x2a: {  	p0 =	seq.s32 s5, $0x0;
	s5 =	sld [smem:$0x3FAB]  }
0x2b: {  	s6 =	sld [smem:$0x3FAC]  }
0x2c: {  	s7 =	sld [smem:$0x3FAD]  }
0x2d: {  	s3 =	simm.s32 $0x108;
	s8 =	sld [smem:$0x3FAE]  }
0x2e: {  	s3 =	simm.s32 @!p0 $0x1082;
	s9 =	sld [smem:$0x3FAF]  }
0x2f: {  	lr =	sadd.s32 s0, s3;
	s0 =	sld [smem:$0x3FA6]  }
0x30: {  	s3 =	sld [smem:$0x3FA9]  }
0x31: {  	[smem:$0x3FB2] =	sst s10  }
0x32: {  	s10 =	sld [smem:$0x3FB0];
	_ =	sdelay $0x3  }
0x33: {  	p0 =	seq.s32 s10, $0x1;
	s10 =	sld [smem:$0x3FB2];
	_ =	sdelay $0x3  }
0x34: {  	[smem:$0x3FB2] =	sst s10  }
0x35: {  	s10 =	sld [smem:$0x3FB1];
	_ =	sdelay $0x3  }
0x36: {  	p1 =	seq.s32 s10, $0x1;
	s10 =	sld [smem:$0x3FB2];
	_ =	sdelay $0x3  }
0x37: {  	[smem:$0x3FB2] =	sst s10  }
0x38: {  	s10 =	sld [smem:$0x3FB3]  }
0x39: {  	_ = 	snop;
	(pc) =	sbr.ind lr, $3  }
0x3a: {  	_ = 	snop  }
0x3b: {  	_ = 	snop  }
0x3c: {  	p2 =	seq.s32 s10, $0x1;
	s10 =	sld [smem:$0x3FB2]  }
0x3d: {  	_ =	shalt  }
0x3e: {  	_ =	shalt  }
0x3f: {  	_ =	shalt  }
0x40: {  	_ =	shalt  }
0x41: {  	_ =	shalt  }
0x42: {  	_ =	shalt  }
0x43: {  	_ =	shalt  }
0x44: {  	_ =	shalt  }
0x45: {  	_ =	shalt  }
0x46: {  	_ =	shalt  }
0x47: {  	_ =	shalt  }
0x48: {  	_ =	shalt  }
0x49: {  	_ =	shalt  }
0x4a: {  	_ =	shalt  }
0x4b: {  	_ =	shalt  }
0x4c: {  	_ =	shalt  }
0x4d: {  	_ =	shalt  }
0x4e: {  	_ =	shalt  }
0x4f: {  	_ =	shalt  }
0x50: {  	_ =	shalt  }
0x51: {  	_ =	shalt  }
0x52: {  	_ =	shalt  }
0x53: {  	_ =	shalt  }
0x54: {  	_ =	shalt  }
0x55: {  	_ =	shalt  }
0x56: {  	_ =	shalt  }
0x57: {  	_ =	shalt  }
0x58: {  	_ =	shalt  }
0x59: {  	_ =	shalt  }
0x5a: {  	_ =	shalt  }
0x5b: {  	_ =	shalt  }
0x5c: {  	_ =	shalt  }
0x5d: {  	_ =	shalt  }
0x5e: {  	_ =	shalt  }
0x5f: {  	_ =	shalt  }
0x60: {  	_ =	shalt  }
0x61: {  	_ =	shalt  }
0x62: {  	_ =	shalt  }
0x63: {  	_ =	shalt  }
0x64: {  	_ =	shalt  }
0x65: {  	_ =	shalt  }
0x66: {  	_ =	shalt  }
0x67: {  	_ =	shalt  }
0x68: {  	_ =	shalt  }
0x69: {  	_ =	shalt  }
0x6a: {  	_ =	shalt  }
0x6b: {  	_ =	shalt  }
0x6c: {  	_ =	shalt  }
0x6d: {  	_ =	shalt  }
0x6e: {  	_ =	shalt  }
0x6f: {  	_ =	shalt  }
0x70: {  	_ =	shalt  }
0x71: {  	_ =	shalt  }
0x72: {  	_ =	shalt  }
0x73: {  	_ =	shalt  }
0x74: {  	_ =	shalt  }
0x75: {  	_ =	shalt  }
0x76: {  	_ =	shalt  }
0x77: {  	_ =	shalt  }
0x78: {  	_ =	shalt  }
0x79: {  	_ =	shalt  }
0x7a: {  	_ =	shalt  }
0x7b: {  	_ =	shalt  }
0x7c: {  	_ =	shalt  }
0x7d: {  	_ =	shalt  }
0x7e: {  	_ =	shalt  }
0x7f: {  	_ =	shalt  }
0x80: {  	_ =	shalt  }
0x81: {  	_ =	shalt  }
0x82: {  	_ =	shalt  }
0x83: {  	_ =	shalt  }
0x84: {  	_ =	shalt  }
0x85: {  	_ =	shalt  }
0x86: {  	_ =	shalt  }
0x87: {  	_ =	shalt  }
.Lfunc_end0:
.L_simem_size_0:
called_computation_lowered:
.L_overlay_start_0:
0x88: {  	s2 =	sld [smem:$0x3FD9]  }
0x89: {  	s3 =	sld [smem:$0x3FFE];
	_ =	sdelay $0x1  }
0x8a: {  	s1 =	srdreg.scid  }
0x8b: {  	s0 =	sand.u32 $0x1, s1  }
0x8c: {  	s14 =	sshll.u32 s0, $0xA;
	s2 =	sadd.s32 s3, s2  }
0x8d: {  	s2 =	sadd.s32 s2, s14  }
0x8e: {  	[smem:$0x3FBE] =	sst s2  }
0x8f: {  	_ = 	snop  }
0x90: {  	s2 =	sld [smem:$0x3FD0];
	_ =	sdelay $0x2  }
0x91: {  	s15 =	simm.s32 $0xA;
	s4 =	simm.s32 $0x10  }
0x92: {  	[smem:s4], [sflag:s15] =	dma.local [hbm:s2], $0x1  }
0x93: {  	_ =	swait.eq [sflag:s15], $0x1  }
0x94: {  	[sflag:s15] =	ssyncset.done $0x0  }
0x95: {  	[sflag:s15] =	ssyncadd.s32 $0xFFFFFFFF  }
0x96: {  	s16 =	sld [smem:$0x12];
	(tm) =	ssettm $0x1  }
0x97: {  	s17 =	sld [smem:$0x3FFB];
	_ =	sdelay $0x3  }
0x98: {  	_ =	strace s17  }
0x99: {  	s3 =	sld [smem:$0x3FFC];
	_ =	sdelay $0x3  }
0x9a: {  	_ =	strace s3  }
0x9b: {  	s3 =	sld [smem:$0x3FFD];
	_ =	sdelay $0x3  }
0x9c: {  	_ =	strace s3  }
0x9d: {  	_ =	strace $0x8FFFFFFF  }
0x9e: {  	s18 =	sld [smem:$0x3FDB];
	_ =	sdelay $0x1  }
0x9f: {  	s19 =	simm.s32 $_scs_section_size  }
0xa0: {  	s5 =	simm.s32 $_size__tile_overlayer_lowered;
	s6 =	simm.s32 $_tile_overlayer_lowered  }
0xa1: {  	s22 =	simm.s32 $0x1BFF;
	s21 =	sshll.u32 s6, $0x1;
	s3 =	sadd.s32 s19, s18  }
0xa2: {  	s7 =	simm.s32 $0x0;
	s20 =	sshll.u32 s5, $0x1;
	s5 =	sadd.s32 s21, s3  }
0xa3: {  	[timem:s7], [sflag:s22] =	dma.local [hbm:s5], s20  }
0xa4: {  	_ =	swait.ge [sflag:s22], s20  }
0xa5: {  	s4 =	ssub.s32 $0x0, s20;
	[sflag:s22] =	ssyncset.done $0x0  }
0xa6: {  	[sflag:s22] =	ssyncadd.s32 s4;
	_ =	sdelay $0x1  }
0xa7: {  	s23 =	simm.s32 $0x1B8B  }
0xa8: {  	_ =	swait.ge [sflag:s23], $0x1  }
0xa9: {  	[sflag:s23] =	ssyncset.done $0x0  }
0xaa: {  	s25 =	simm.s32 $0x1B8E;
	s24 =	sld [smem:$0x3FFE];
	[sflag:s23] =	ssyncadd.s32 $0xFFFFFFFF  }
0xab: {  	s26 =	simm.s32 $execute0_lowered;
	[smem:$0x3FD2] =	sst s25  }
0xac: {  	s5 =	sshll.u32 s26, $0x1;
	_ =	strace $0x80000046;
	[dreg:$0x1] =	wrdreg $0xFFFFFFFF  }
0xad: {  	s28 =	simm.s32 $_size_execute0_lowered;
	s3 =	sadd.s32 s3, s5;
	[dreg:$0x0] =	wrdreg $0x0  }
0xae: {  	s5 =	sshll.u32 s28, $0x1;
	[dreg:$0x2] =	wrdreg s3  }
0xaf: {  	[dreg:$0x3] =	wrdreg s5  }
0xb0: {  	[dreg:$0x4] =	wrdreg $0xC0  }
0xb1: {  	_ =	task [dreg:s7], $0x5FFFF  }
0xb2: {  	[dreg:$0x1] =	wrdreg $0xFFFFFFFF  }
0xb3: {  	[dreg:$0x0] =	wrdreg $0x60  }
0xb4: {  	[dreg:$0x2] =	wrdreg s24  }
0xb5: {  	[dreg:$0x3] =	wrdreg s16  }
0xb6: {  	[dreg:$0x4] =	wrdreg $0x9  }
0xb7: {  	_ =	task.clear_ibuf [dreg:s7], $0x5FFFF;
	_ =	strace $0x90000046  }
0xb8: {  	s29 =	simm.s32 $0x9;
	_ =	strace $0x80000048  }
0xb9: {  	_ =	swait.ge [sflag:s29], $0x1  }
0xba: {  	[sflag:s29] =	ssyncadd.s32 $0xFFFFFFFF  }
0xbb: {  	_ =	strace $0x90000048  }
0xbc: {  	_ =	sfence  }
0xbd: {  	s30 =	sld [smem:$0x0];
	_ =	sdelay $0x2  }
0xbe: {  	s31 =	sshll.u32 s1, $0xD;
	s1 =	sshrl.u32 s1, $0x2  }
0xbf: {  	s3 =	sand.u32 $0x4000, s31;
	s1 =	sadd.s32 s1, s30  }
0xc0: {  	s0 =	sor.u32 s3, s0;
	s1 =	sshll.u32 s1, $0x11  }
0xc1: {  	s0 =	sor.u32 s1, s0  }
0xc2: {  	s0 =	sadd.s32 $0x8F2B, s0  }
0xc3: {  	[sflag:s0] =	ssyncadd.remote.s32 $0x1  }
0xc4: {  	_ =	sfence.sel $0xFFFF  }
0xc5: {  	[dreg:$0x0] =	wrdreg $0xFFFFFFFF;
	(pc) =	sbr.abs _section_cstart, $3  }
0xc6: {  	[dreg:$0x1] =	wrdreg $0xFFFFFFFF  }
0xc7: {  	_ =	task.clear_ibuf [dreg:s7], $0x2FFFF;
	_ =	strace $0x9FFFFFFF  }
0xc8: {  	(tm) =	ssettm $0x7FFFFFFF  }
0xc9: {  	_ =	shalt  }
tec
execute0_lowered:
.L_overlay_start_1:
0x0: {  	(tag) =	ssettag $0x1  }
0x1: {  	s6 =	rddreg [dreg:$0x0]  }
0x2: {  	s2 =	rddreg [dreg:$0x1]  }
0x3: {  	s0 =	rddreg [dreg:$0x2];
	s4 =	srdreg.scid  }
0x4: {  	s1 =	stileid.u32;
	s3 =	simm.s32 $0x0;
	s7 =	sand.u32 $0x1, s4  }
0x5: {  	s28 =	sshll.u32 s1, $0x1;
	[smem:$0x7FF] =	sst s3;
	s4 =	sadd.s32 $0x2800, s6  }
0x6: {  	s5 =	sadd.s32 $0x1800, s6;
	s30 =	sshll.u32 s1, $0x9;
	s8 =	sor.u32 s7, s28  }
0x7: {  	_ =	strace $0x80000047;
	s29 =	ssub.s32 $0x2, s7;
	s9 =	sshll.u32 s8, $0xC  }
0x8: {  	s11 =	sshll.u32 s8, $0x5;
	s31 =	sshrl.u32 s29, $0x1;
	s9 =	sadd.s32 s9, s6  }
0x9: {  	v1 =	vlaneseq.u32;
	s12 =	sor.u32 $0x10, s11;
	s7 =	sor.u32 s11, s30;
	s13 =	ssub.s32 s29, s31  }
0xa: {  	v0 =	vor.u32 s11, v1;
	s11 =	simm.s32 $0x8000;
	s10 =	sor.u32 s12, s30;
	s6 =	sand.u32 $0x1C60, s7  }
0xb: {  	s8 =	sadd.s32 $0x3800, s9;
	s9 =	smax.u32 s13, $0x1;
	v1 =	vor.u32 s12, v1;
	s12 =	simm.s32 $0x10000  }
0xc: {  	s13 =	simm.s32 $0x0;
	s7 =	sand.u32 $0x1C70, s10;
	s10 =	simm.s32 $0x1  }
.LBB2_1:
0xd: {  	[tilespmem:s3], [sflag:$0x1] =	stream.linear.gather [hbm4b:s4+s3], $0x8000, $0x38;
	v63 =	vld [tilespmem:$0x0]  }
0xe: {  	_ =	swait.ge [sflag:s10], $0x8000  }
0xf: {  	[sflag:s10] =	ssyncset.done $0x0  }
0x10: {  	[sflag:s10] =	ssyncadd.s32 $0xFFFF8000  }
0x11: {  	[tilespmem:s11], [sflag:$0x1] =	stream.linear.gather [hbm4b:s2+s3], $0x8000, $0x38;
	v63 =	vld [tilespmem:$0x0]  }
0x12: {  	_ =	swait.ge [sflag:s10], $0x8000  }
0x13: {  	[sflag:s10] =	ssyncset.done $0x0  }
0x14: {  	[sflag:s10] =	ssyncadd.s32 $0xFFFF8000  }
0x15: {  	[tilespmem:s12], [sflag:$0x1] =	stream.linear.gather [hbm4b:s5+s3], $0x8000, $0x38;
	v63 =	vld [tilespmem:$0x0]  }
0x16: {  	_ =	swait.ge [sflag:s10], $0x8000  }
0x17: {  	[sflag:s10] =	ssyncset.done $0x0  }
0x18: {  	s15 =	simm.s32 $0x0;
	[sflag:s10] =	ssyncadd.s32 $0xFFFF8000  }
.LBB2_2:
0x19: {  	s14 =	sshll.u32 s15, $0xA;
	s16 =	sshll.u32 s15, $0x7  }
0x1a: {  	s17 =	simm.s32 $0x0;
	s14 =	sand.u32 $0x6000, s14;
	s16 =	sand.u32 $0x380, s16  }
0x1b: {  	s31 =	sand.u32 $0x1C00, s17;
	s16 =	sor.u32 s14, s16  }
0x1c: {  	s17 =	sand.u32 $0x70, s17;
	s14 =	sor.u32 s31, s16  }
0x1d: {  	s14 =	sor.u32 s17, s14  }
0x1e: {  	v2 =	vld [tilespmem:s14+$0x0]  }
0x1f: {  	v3 =	vld [tilespmem:s14+$0x8000];
	_ =	sdelay $0x3  }
0x20: {  	v4 =	vshrl.u32 v2, $0x10  }
0x21: {  	v5 =	vshrl.u32 v3, $0x10;
	v4 =	vand.u32 $0x1, v4  }
0x22: {  	s17 =	simm.s32 $0x80;
	v2 =	vadd.s32 v4, v2;
	v4 =	vand.u32 $0x1, v5  }
0x23: {  	s18 =	simm.s32 $0x10;
	s20 =	sand.u32 $0x1C00, s17;
	v2 =	vadd.s32 $0x7FFF, v2;
	v3 =	vadd.s32 v4, v3  }
0x24: {  	s19 =	sand.u32 $0x70, s18;
	s18 =	simm.s32 $0x20;
	s20 =	sor.u32 s20, s16;
	v2 =	vand.u32 $0xFFFF0000, v2;
	v3 =	vadd.s32 $0x7FFF, v3  }
.LBB2_3:
0x25: {  	p0 =	sne.s32 s18, $0x3F0;
	s19 =	sor.u32 s19, s20;
	[tilespmem:s14+$0x0] =	vst v2;
	v2 =	vand.u32 $0xFFFF0000, v3  }
0x26: {  	v3 =	vld [tilespmem:s19+$0x0];
	[tilespmem:s14+$0x8000] =	vst v2;
	s14 =	smov.u32 s19  }
0x27: {  	v2 =	vld [tilespmem:s14+$0x8000];
	_ =	sdelay $0x3  }
.Ltmp0:
0x28: {  	v4 =	vshrl.u32 v3, $0x10;
	(pc) =	sbr.rel @p0 .LBB2_3-.Ltmp0, $4  }
0x29: {  	v4 =	vand.u32 $0x1, v4;
	v5 =	vshrl.u32 v2, $0x10  }
0x2a: {  	s17 =	sadd.s32 $0x80, s17;
	v3 =	vadd.s32 v4, v3;
	v4 =	vand.u32 $0x1, v5  }
0x2b: {  	s20 =	sand.u32 $0x1C00, s17;
	v3 =	vadd.s32 $0x7FFF, v3;
	v4 =	vadd.s32 v4, v2  }
0x2c: {  	s19 =	sand.u32 $0x70, s18;
	s18 =	sadd.s32 $0x10, s18;
	s20 =	sor.u32 s20, s16;
	v2 =	vand.u32 $0xFFFF0000, v3;
	v3 =	vadd.s32 $0x7FFF, v4  }
0x2d: {  	s16 =	sor.u32 s19, s20;
	[tilespmem:s14+$0x0] =	vst v2;
	v2 =	vand.u32 $0xFFFF0000, v3  }
0x2e: {  	v3 =	vld [tilespmem:s16+$0x0];
	[tilespmem:s14+$0x8000] =	vst v2  }
0x2f: {  	v2 =	vld [tilespmem:s16+$0x8000];
	_ =	sdelay $0x3  }
0x30: {  	s15 =	sadd.s32 $0x1, s15;
	v4 =	vshrl.u32 v3, $0x10  }
0x31: {  	p0 =	sne.s32 s15, $0x20;
	v4 =	vand.u32 $0x1, v4;
	v5 =	vshrl.u32 v2, $0x10  }
.Ltmp1:
0x32: {  	v3 =	vadd.s32 v4, v3;
	v62 =	vand.u32 $0x1, v5;
	(pc) =	sbr.rel @p0 .LBB2_2-.Ltmp1, $4  }
0x33: {  	v3 =	vadd.s32 $0x7FFF, v3;
	v2 =	vadd.s32 v62, v2  }
0x34: {  	v3 =	vand.u32 $0xFFFF0000, v3;
	v2 =	vadd.s32 $0x7FFF, v2  }
0x35: {  	[tilespmem:s16+$0x0] =	vst v3;
	v2 =	vand.u32 $0xFFFF0000, v2  }
0x36: {  	s14 =	simm.s32 $0x0;
	[tilespmem:s16+$0x8000] =	vst v2  }
.LBB2_5:
0x37: {  	s15 =	sshll.u32 s14, $0xA  }
0x38: {  	s17 =	sshll.u32 s14, $0x7;
	s16 =	sand.u32 $0x6000, s15  }
0x39: {  	s17 =	sand.u32 $0x380, s17;
	s18 =	sor.u32 s6, s16  }
0x3a: {  	s18 =	sor.u32 s17, s18  }
0x3b: {  	s19 =	sor.u32 s7, s16;
	v2 =	vld [tilespmem:s18+$0x0]  }
0x3c: {  	v16 =	vimm.f32 $3.000000010e+38;
	v13 =	vimm.s32 $0x0;
	v11 =	vimm.s32 $0x0;
	s19 =	sor.u32 s17, s19;
	v3 =	vld [tilespmem:s18+$0x8000]  }
0x3d: {  	v14 =	vimm.s32 $0x0;
	v15 =	vimm.s32 $0x0;
	v12 =	vimm.s32 $0x0;
	v4 =	vld [tilespmem:s19+$0x0]  }
0x3e: {  	v17 =	vimm.s32 $0x0;
	v19 =	vimm.s32 $0x0;
	v18 =	vimm.s32 $0x0;
	v5 =	vld [tilespmem:s19+$0x8000]  }
0x3f: {  	v21 =	vimm.s32 $0x0;
	v24 =	vimm.s32 $0x0;
	v22 =	vimm.f32 $3.000000010e+38  }
0x40: {  	v20 =	vimm.f32 $3.000000010e+38;
	v23 =	vimm.f32 $3.000000010e+38;
	v25 =	vimm.f32 $3.000000010e+38  }
0x41: {  	v26 =	vimm.f32 $3.000000010e+38;
	v27 =	vimm.f32 $3.000000010e+38;
	v28 =	vimm.f32 $3.000000010e+38  }
0x42: {  	v29 =	vimm.f32 $3.000000010e+38;
	s16 =	sor.u32 s16, s17;
	v6 =	vld [tilespmem:s18+$0x10000];
	v2 =	vmul.f32 $-2.000000000e+00, v2;
	v3 =	vmul.f32 $-2.000000000e+00, v3  }
0x43: {  	v30 =	vimm.f32 $3.000000010e+38;
	s17 =	simm.s32 $0xFFFFFFFE;
	v7 =	vld [tilespmem:s19+$0x10000];
	s18 =	simm.s32 $0x1F;
	s19 =	simm.s32 $0x0;
	v4 =	vmul.f32 $-2.000000000e+00, v4;
	v5 =	vmul.f32 $-2.000000000e+00, v5  }
.LBB2_6:
0x44: {  	s21 =	sadd.s32 $0xFFFFFFE1, s18  }
0x45: {  	s22 =	sand.u32 $0x60, s21  }
0x46: {  	s20 =	sand.u32 $0x1C00, s19;
	s22 =	sor.u32 s16, s22  }
0x47: {  	s22 =	sor.u32 s20, s22  }
0x48: {  	v9 =	vld [tilespmem:s22+$0x0]  }
0x49: {  	v10 =	vld [tilespmem:s22+$0x8000]  }
0x4a: {  	v8 =	vld [tilespmem:s22+$0x10000];
	_ =	sdelay $0x3  }
0x4b: {  	v31 =	vbroadcast v9, $0x0;
	v32 =	vbroadcast v10, $0x0  }
0x4c: {  	v33 =	vbroadcast v8, $0x0  }
0x4d: {  	v34 =	vmul.f32 v31, v2;
	v35 =	vmul.f32 v32, v3  }
0x4e: {  	vm0 =	veq.s32 v0, s21;
	v31 =	vmul.f32 v31, v4;
	v32 =	vmul.f32 v32, v5  }
0x4f: {  	v48 =	vbroadcast v9, $0x1;
	v36 =	vadd.f32 v33, v6;
	v33 =	vadd.f32 v33, v7  }
0x50: {  	s29 =	sadd.s32 $0xFFFFFFE2, s18;
	v49 =	vbroadcast v10, $0x1;
	v34 =	vadd.f32 v35, v34;
	v31 =	vadd.f32 v32, v31  }
0x51: {  	vm14 =	veq.s32 v0, s29;
	v50 =	vbroadcast v8, $0x1;
	v52 =	vmul.f32 v48, v2  }
0x52: {  	v37 =	vmul.f32 v49, v3;
	v34 =	vadd.f32 v34, v36;
	v31 =	vadd.f32 v31, v33  }
0x53: {  	v54 =	vadd.f32 v50, v6;
	v35 =	vmul.f32 v49, v5;
	v32 =	vadd.f32 v50, v7  }
0x54: {  	v36 =	vadd.f32 v37, v52;
	v34 =	vsel vm0, $0x4E6E6B28, v34;
	vm9 =	vlt.f32 v31, v25  }
0x55: {  	vm10 =	vlt.f32 v31, v23;
	vm11 =	vlt.f32 v31, v20;
	vm12 =	vlt.f32 v31, v22  }
0x56: {  	vm13 =	vlt.f32 v31, v16;
	v46 =	vmax.f32 v22, v31;
	v51 =	vmax.f32 v20, v31  }
0x57: {  	v38 =	vmax.f32 v23, v31;
	v55 =	vmax.f32 v25, v31;
	v36 =	vadd.f32 v36, v54  }
0x58: {  	v25 =	vmin.f32 v25, v31;
	vm0 =	vlt.f32 v34, v30;
	vm1 =	vlt.f32 v34, v29  }
0x59: {  	vm2 =	vlt.f32 v34, v28;
	vm3 =	vlt.f32 v34, v27;
	vm4 =	vlt.f32 v34, v26  }
0x5a: {  	v61 =	vmax.f32 v27, v34;
	v40 =	vmax.f32 v28, v34;
	v42 =	vmax.f32 v29, v34  }
0x5b: {  	v44 =	vmax.f32 v30, v34;
	v30 =	vmin.f32 v30, v34;
	v47 =	vnsel vm12, s21, v11  }
0x5c: {  	v16 =	vmin.f32 v16, v46;
	v22 =	vmin.f32 v22, v51;
	v53 =	vnsel vm11, s21, v14  }
0x5d: {  	v39 =	vnsel vm10, s21, v15;
	v20 =	vmin.f32 v20, v38;
	v56 =	vnsel vm9, s21, v12  }
0x5e: {  	v23 =	vmin.f32 v23, v55;
	v12 =	vsel vm9, s21, v12;
	v34 =	vmul.f32 v48, v4  }
0x5f: {  	v62 =	vnsel vm3, s21, v19;
	v26 =	vmin.f32 v26, v61;
	v41 =	vnsel vm2, s21, v18  }
0x60: {  	v27 =	vmin.f32 v27, v40;
	v43 =	vnsel vm1, s21, v21;
	v28 =	vmin.f32 v28, v42  }
0x61: {  	v29 =	vmin.f32 v29, v44;
	v45 =	vnsel vm0, s21, v24;
	v24 =	vsel vm0, s21, v24  }
0x62: {  	v13 =	vsel vm13, v47, v13;
	v11 =	vsel vm12, v53, v11;
	v14 =	vsel vm11, v39, v14  }
0x63: {  	v15 =	vsel vm10, v56, v15;
	v31 =	vsel vm14, $0x4E6E6B28, v36;
	v42 =	vbroadcast v9, $0x2  }
0x64: {  	v44 =	vbroadcast v8, $0x2;
	v17 =	vsel vm4, v62, v17;
	v19 =	vsel vm3, v41, v19  }
0x65: {  	v18 =	vsel vm2, v43, v18;
	v21 =	vsel vm1, v45, v21;
	vm15 =	vlt.f32 v31, v30  }
0x66: {  	vm1 =	vlt.f32 v31, v29;
	vm8 =	vlt.f32 v31, v27;
	vm9 =	vlt.f32 v31, v26  }
0x67: {  	v57 =	vmax.f32 v27, v31;
	vm10 =	vlt.f32 v31, v28;
	v59 =	vmax.f32 v28, v31  }
0x68: {  	v61 =	vmax.f32 v29, v31;
	v34 =	vadd.f32 v35, v34;
	v40 =	vmax.f32 v30, v31  }
0x69: {  	v30 =	vmin.f32 v30, v31;
	v43 =	vbroadcast v10, $0x2;
	v58 =	vnsel vm8, s29, v19  }
0x6a: {  	v26 =	vmin.f32 v26, v57;
	v27 =	vmin.f32 v27, v59;
	v60 =	vnsel vm10, s29, v18  }
0x6b: {  	v62 =	vnsel vm1, s29, v21;
	v28 =	vmin.f32 v28, v61;
	v41 =	vnsel vm15, s29, v24  }
0x6c: {  	v29 =	vmin.f32 v29, v40;
	v24 =	vsel vm15, s29, v24;
	v46 =	vmul.f32 v42, v2  }
0x6d: {  	v49 =	vadd.f32 v44, v6;
	v33 =	vmul.f32 v42, v4;
	v35 =	vadd.f32 v44, v7  }
0x6e: {  	v61 =	vbroadcast v8, $0x3;
	v17 =	vsel vm9, v58, v17;
	v19 =	vsel vm8, v60, v19  }
0x6f: {  	s30 =	sadd.s32 $0xFFFFFFE3, s18;
	v18 =	vsel vm10, v62, v18;
	v32 =	vadd.f32 v34, v32;
	v21 =	vsel vm1, v41, v21  }
0x70: {  	v47 =	vmul.f32 v43, v3;
	vm8 =	veq.s32 v0, s30;
	v34 =	vmul.f32 v43, v5  }
0x71: {  	v58 =	vbroadcast v10, $0x3;
	vm11 =	vlt.f32 v32, v25;
	vm12 =	vlt.f32 v32, v23  }
0x72: {  	vm13 =	vlt.f32 v32, v20;
	vm14 =	vlt.f32 v32, v22;
	vm15 =	vlt.f32 v32, v16  }
0x73: {  	v31 =	vmax.f32 v22, v32;
	v45 =	vmax.f32 v20, v32;
	v48 =	vmax.f32 v23, v32  }
0x74: {  	v37 =	vadd.f32 v47, v46;
	v33 =	vadd.f32 v34, v33;
	v43 =	vmul.f32 v58, v3  }
0x75: {  	v16 =	vmin.f32 v16, v31;
	v31 =	vnsel vm14, s29, v11;
	v22 =	vmin.f32 v22, v45  }
0x76: {  	v20 =	vmin.f32 v20, v48;
	v13 =	vsel vm15, v31, v13;
	v31 =	vnsel vm13, s29, v14  }
0x77: {  	v33 =	vadd.f32 v33, v35;
	v11 =	vsel vm14, v31, v11;
	v31 =	vnsel vm12, s29, v15  }
0x78: {  	v45 =	vadd.f32 v61, v6;
	v50 =	vadd.f32 v37, v49;
	v14 =	vsel vm13, v31, v14  }
0x79: {  	v31 =	vmax.f32 v25, v32;
	v25 =	vmin.f32 v25, v32;
	vm15 =	vlt.f32 v33, v20  }
0x7a: {  	v59 =	vmax.f32 v22, v33;
	v62 =	vmax.f32 v20, v33;
	v32 =	vmul.f32 v58, v5  }
0x7b: {  	v23 =	vmin.f32 v23, v31;
	v31 =	vnsel vm11, s29, v12;
	v12 =	vsel vm11, s29, v12  }
0x7c: {  	vm13 =	vlt.f32 v33, v25;
	v44 =	vnsel vm15, s30, v14;
	v15 =	vsel vm12, v31, v15  }
0x7d: {  	v31 =	vsel vm8, $0x4E6E6B28, v50;
	vm14 =	vlt.f32 v33, v23;
	vm8 =	vlt.f32 v33, v22  }
0x7e: {  	v22 =	vmin.f32 v22, v62;
	v47 =	vmax.f32 v23, v33;
	v50 =	vmax.f32 v25, v33  }
0x7f: {  	v25 =	vmin.f32 v25, v33;
	v62 =	vbroadcast v9, $0x4;
	vm9 =	vlt.f32 v31, v30  }
0x80: {  	vm10 =	vlt.f32 v31, v29;
	vm2 =	vlt.f32 v31, v28;
	vm11 =	vlt.f32 v31, v27  }
0x81: {  	v51 =	vmax.f32 v27, v31;
	vm12 =	vlt.f32 v31, v26;
	v36 =	vmax.f32 v28, v31  }
0x82: {  	v54 =	vmax.f32 v29, v31;
	v56 =	vmax.f32 v30, v31;
	v30 =	vmin.f32 v30, v31  }
0x83: {  	v31 =	vbroadcast v9, $0x3;
	v60 =	vnsel vm8, s30, v11;
	v11 =	vsel vm8, v44, v11  }
0x84: {  	v48 =	vnsel vm14, s30, v15;
	v20 =	vmin.f32 v20, v47;
	v23 =	vmin.f32 v23, v50  }
0x85: {  	v26 =	vmin.f32 v26, v51;
	v52 =	vnsel vm11, s30, v19;
	v27 =	vmin.f32 v27, v36  }
0x86: {  	v53 =	vnsel vm2, s30, v18;
	v28 =	vmin.f32 v28, v54;
	v55 =	vnsel vm10, s30, v21  }
0x87: {  	v57 =	vnsel vm9, s30, v24;
	v29 =	vmin.f32 v29, v56;
	v24 =	vsel vm9, s30, v24  }
0x88: {  	vm9 =	vlt.f32 v33, v16;
	v16 =	vmin.f32 v16, v59;
	v14 =	vsel vm15, v48, v14  }
0x89: {  	v51 =	vnsel vm13, s30, v12;
	v12 =	vsel vm13, s30, v12;
	v36 =	vadd.f32 v61, v7  }
0x8a: {  	v17 =	vsel vm12, v52, v17;
	v42 =	vmul.f32 v31, v2;
	v31 =	vmul.f32 v31, v4  }
0x8b: {  	v19 =	vsel vm11, v53, v19;
	v18 =	vsel vm2, v55, v18;
	v21 =	vsel vm10, v57, v21  }
0x8c: {  	s31 =	sadd.s32 $0xFFFFFFE4, s18;
	v13 =	vsel vm9, v60, v13;
	v46 =	vadd.f32 v43, v42;
	v31 =	vadd.f32 v32, v31  }
0x8d: {  	vm10 =	veq.s32 v0, s31;
	v42 =	vbroadcast v10, $0x4;
	v43 =	vbroadcast v8, $0x4  }
0x8e: {  	v15 =	vsel vm14, v51, v15;
	v49 =	vadd.f32 v46, v45;
	v31 =	vadd.f32 v31, v36  }
0x8f: {  	v45 =	vmul.f32 v62, v2;
	v46 =	vmul.f32 v42, v3;
	v50 =	vadd.f32 v43, v6  }
0x90: {  	v35 =	vmul.f32 v42, v5;
	v32 =	vadd.f32 v43, v7;
	v42 =	vbroadcast v8, $0x5  }
0x91: {  	v34 =	vsel vm10, $0x4E6E6B28, v49;
	vm15 =	vlt.f32 v31, v25;
	vm8 =	vlt.f32 v31, v23  }
0x92: {  	vm9 =	vlt.f32 v31, v20;
	vm10 =	vlt.f32 v31, v22;
	v60 =	vmax.f32 v22, v31  }
0x93: {  	v44 =	vmax.f32 v20, v31;
	v48 =	vmax.f32 v23, v31;
	v36 =	vadd.f32 v46, v45  }
0x94: {  	v51 =	vmax.f32 v25, v31;
	v25 =	vmin.f32 v25, v31;
	vm11 =	vlt.f32 v34, v30  }
0x95: {  	vm12 =	vlt.f32 v34, v29;
	vm2 =	vlt.f32 v34, v28;
	vm13 =	vlt.f32 v34, v27  }
0x96: {  	vm14 =	vlt.f32 v34, v26;
	v52 =	vmax.f32 v27, v34;
	v54 =	vmax.f32 v28, v34  }
0x97: {  	v56 =	vmax.f32 v29, v34;
	v58 =	vmax.f32 v30, v34;
	v30 =	vmin.f32 v30, v34  }
0x98: {  	v61 =	vnsel vm10, s31, v11;
	v22 =	vmin.f32 v22, v44;
	v47 =	vnsel vm9, s31, v14  }
0x99: {  	v49 =	vnsel vm8, s31, v15;
	v20 =	vmin.f32 v20, v48;
	v23 =	vmin.f32 v23, v51  }
0x9a: {  	v34 =	vmul.f32 v62, v4;
	v62 =	vbroadcast v10, $0x5;
	v53 =	vnsel vm13, s31, v19  }
0x9b: {  	v26 =	vmin.f32 v26, v52;
	v55 =	vnsel vm2, s31, v18;
	v27 =	vmin.f32 v27, v54  }
0x9c: {  	v57 =	vnsel vm12, s31, v21;
	v28 =	vmin.f32 v28, v56;
	v29 =	vmin.f32 v29, v58  }
0x9d: {  	v59 =	vnsel vm11, s31, v24;
	v24 =	vsel vm11, s31, v24;
	vm11 =	vlt.f32 v31, v16  }
0x9e: {  	v16 =	vmin.f32 v16, v60;
	v11 =	vsel vm10, v47, v11;
	v14 =	vsel vm9, v49, v14  }
0x9f: {  	v52 =	vnsel vm15, s31, v12;
	v36 =	vadd.f32 v36, v50;
	v12 =	vsel vm15, s31, v12  }
0xa0: {  	v47 =	vadd.f32 v42, v6;
	v17 =	vsel vm14, v53, v17;
	v19 =	vsel vm13, v55, v19  }
0xa1: {  	s23 =	sadd.s32 $0xFFFFFFE5, s18;
	v18 =	vsel vm2, v57, v18;
	v21 =	vsel vm12, v59, v21;
	v13 =	vsel vm11, v61, v13  }
0xa2: {  	v15 =	vsel vm8, v52, v15;
	vm12 =	veq.s32 v0, s23;
	v34 =	vadd.f32 v35, v34  }
0xa3: {  	v61 =	vbroadcast v9, $0x5;
	v45 =	vmul.f32 v62, v3;
	v31 =	vsel vm12, $0x4E6E6B28, v36  }
0xa4: {  	v35 =	vadd.f32 v42, v7;
	vm13 =	vlt.f32 v31, v30;
	vm1 =	vlt.f32 v31, v29  }
0xa5: {  	vm14 =	vlt.f32 v31, v27;
	vm15 =	vlt.f32 v31, v26;
	v53 =	vmax.f32 v27, v31  }
0xa6: {  	vm8 =	vlt.f32 v31, v28;
	v55 =	vmax.f32 v28, v31;
	v57 =	vmax.f32 v29, v31  }
0xa7: {  	v59 =	vmax.f32 v30, v31;
	v32 =	vadd.f32 v34, v32;
	v44 =	vmul.f32 v61, v2  }
0xa8: {  	v30 =	vmin.f32 v30, v31;
	v33 =	vmul.f32 v61, v4;
	v34 =	vmul.f32 v62, v5  }
0xa9: {  	v54 =	vnsel vm14, s23, v19;
	v26 =	vmin.f32 v26, v53;
	v27 =	vmin.f32 v27, v55  }
0xaa: {  	v56 =	vnsel vm8, s23, v18;
	v58 =	vnsel vm1, s23, v21;
	v28 =	vmin.f32 v28, v57  }
0xab: {  	v60 =	vnsel vm13, s23, v24;
	v29 =	vmin.f32 v29, v59;
	v24 =	vsel vm13, s23, v24  }
0xac: {  	v59 =	vbroadcast v8, $0x6;
	v17 =	vsel vm15, v54, v17;
	v19 =	vsel vm14, v56, v19  }
0xad: {  	v18 =	vsel vm8, v58, v18;
	v21 =	vsel vm1, v60, v21;
	vm9 =	vlt.f32 v32, v25  }
0xae: {  	vm10 =	vlt.f32 v32, v23;
	vm11 =	vlt.f32 v32, v20;
	vm12 =	vlt.f32 v32, v22  }
0xaf: {  	s22 =	sadd.s32 $0xFFFFFFE6, s18;
	vm13 =	vlt.f32 v32, v16;
	v31 =	vmax.f32 v22, v32;
	v43 =	vmax.f32 v20, v32  }
0xb0: {  	v46 =	vmax.f32 v23, v32;
	v37 =	vadd.f32 v45, v44;
	vm14 =	veq.s32 v0, s22  }
0xb1: {  	v33 =	vadd.f32 v34, v33;
	v56 =	vbroadcast v10, $0x6;
	v16 =	vmin.f32 v16, v31  }
0xb2: {  	v31 =	vnsel vm12, s23, v11;
	v22 =	vmin.f32 v22, v43;
	v20 =	vmin.f32 v20, v46  }
0xb3: {  	v43 =	vadd.f32 v59, v6;
	v13 =	vsel vm13, v31, v13;
	v31 =	vnsel vm11, s23, v14  }
0xb4: {  	v33 =	vadd.f32 v33, v35;
	v11 =	vsel vm12, v31, v11;
	v31 =	vnsel vm10, s23, v15  }
0xb5: {  	v48 =	vadd.f32 v37, v47;
	v62 =	vmul.f32 v56, v3;
	v14 =	vsel vm11, v31, v14  }
0xb6: {  	v31 =	vmax.f32 v25, v32;
	v25 =	vmin.f32 v25, v32;
	vm13 =	vlt.f32 v33, v20  }
0xb7: {  	v57 =	vmax.f32 v22, v33;
	v60 =	vmax.f32 v20, v33;
	v32 =	vmul.f32 v56, v5  }
0xb8: {  	v23 =	vmin.f32 v23, v31;
	v31 =	vnsel vm9, s23, v12;
	v12 =	vsel vm9, s23, v12  }
0xb9: {  	vm11 =	vlt.f32 v33, v25;
	v42 =	vnsel vm13, s22, v14;
	v15 =	vsel vm10, v31, v15  }
0xba: {  	v31 =	vsel vm14, $0x4E6E6B28, v48;
	vm12 =	vlt.f32 v33, v23;
	vm14 =	vlt.f32 v33, v22  }
0xbb: {  	v22 =	vmin.f32 v22, v60;
	v45 =	vmax.f32 v23, v33;
	v48 =	vmax.f32 v25, v33  }
0xbc: {  	v25 =	vmin.f32 v25, v33;
	v60 =	vbroadcast v9, $0x7;
	vm15 =	vlt.f32 v31, v30  }
0xbd: {  	vm8 =	vlt.f32 v31, v29;
	vm2 =	vlt.f32 v31, v28;
	vm9 =	vlt.f32 v31, v27  }
0xbe: {  	v49 =	vmax.f32 v27, v31;
	vm10 =	vlt.f32 v31, v26;
	v36 =	vmax.f32 v28, v31  }
0xbf: {  	v52 =	vmax.f32 v29, v31;
	v54 =	vmax.f32 v30, v31;
	v30 =	vmin.f32 v30, v31  }
0xc0: {  	v31 =	vbroadcast v9, $0x6;
	v58 =	vnsel vm14, s22, v11;
	v11 =	vsel vm14, v42, v11  }
0xc1: {  	v46 =	vnsel vm12, s22, v15;
	v20 =	vmin.f32 v20, v45;
	v23 =	vmin.f32 v23, v48  }
0xc2: {  	v26 =	vmin.f32 v26, v49;
	v50 =	vnsel vm9, s22, v19;
	v27 =	vmin.f32 v27, v36  }
0xc3: {  	v51 =	vnsel vm2, s22, v18;
	v28 =	vmin.f32 v28, v52;
	v53 =	vnsel vm8, s22, v21  }
0xc4: {  	v55 =	vnsel vm15, s22, v24;
	v29 =	vmin.f32 v29, v54;
	v24 =	vsel vm15, s22, v24  }
0xc5: {  	vm15 =	vlt.f32 v33, v16;
	v16 =	vmin.f32 v16, v57;
	v14 =	vsel vm13, v46, v14  }
0xc6: {  	v49 =	vnsel vm11, s22, v12;
	v12 =	vsel vm11, s22, v12;
	v36 =	vadd.f32 v59, v7  }
0xc7: {  	v42 =	vmul.f32 v60, v2;
	v17 =	vsel vm10, v50, v17;
	v61 =	vmul.f32 v31, v2  }
0xc8: {  	v19 =	vsel vm9, v51, v19;
	v18 =	vsel vm2, v53, v18;
	v31 =	vmul.f32 v31, v4  }
0xc9: {  	s24 =	sadd.s32 $0xFFFFFFE7, s18;
	v21 =	vsel vm8, v55, v21;
	v13 =	vsel vm15, v58, v13;
	v44 =	vadd.f32 v62, v61  }
0xca: {  	vm8 =	veq.s32 v0, s24;
	v31 =	vadd.f32 v32, v31;
	v61 =	vbroadcast v10, $0x7  }
0xcb: {  	s22 =	sadd.s32 $0xFFFFFFEF, s18;
	v15 =	vsel vm12, v49, v15;
	v62 =	vbroadcast v8, $0x7;
	v47 =	vadd.f32 v44, v43  }
0xcc: {  	vm7 =	veq.s32 v0, s22;
	v31 =	vadd.f32 v31, v36;
	v43 =	vmul.f32 v61, v3  }
0xcd: {  	v35 =	vmul.f32 v61, v5;
	v32 =	vadd.f32 v62, v7;
	v34 =	vsel vm8, $0x4E6E6B28, v47  }
0xce: {  	vm13 =	vlt.f32 v31, v25;
	vm14 =	vlt.f32 v31, v23;
	vm15 =	vlt.f32 v31, v20  }
0xcf: {  	vm8 =	vlt.f32 v31, v22;
	v58 =	vmax.f32 v22, v31;
	v41 =	vmax.f32 v20, v31  }
0xd0: {  	v45 =	vmax.f32 v23, v31;
	v36 =	vadd.f32 v43, v42;
	v47 =	vadd.f32 v62, v6  }
0xd1: {  	v48 =	vmax.f32 v25, v31;
	v25 =	vmin.f32 v25, v31;
	vm9 =	vlt.f32 v34, v30  }
0xd2: {  	vm10 =	vlt.f32 v34, v29;
	vm2 =	vlt.f32 v34, v28;
	vm11 =	vlt.f32 v34, v27  }
0xd3: {  	vm12 =	vlt.f32 v34, v26;
	v50 =	vmax.f32 v27, v34;
	v52 =	vmax.f32 v28, v34  }
0xd4: {  	v54 =	vmax.f32 v29, v34;
	v56 =	vmax.f32 v30, v34;
	v30 =	vmin.f32 v30, v34  }
0xd5: {  	v59 =	vnsel vm8, s24, v11;
	v22 =	vmin.f32 v22, v41;
	v44 =	vnsel vm15, s24, v14  }
0xd6: {  	v46 =	vnsel vm14, s24, v15;
	v20 =	vmin.f32 v20, v45;
	v49 =	vnsel vm13, s24, v12  }
0xd7: {  	v23 =	vmin.f32 v23, v48;
	v12 =	vsel vm13, s24, v12;
	v34 =	vmul.f32 v60, v4  }
0xd8: {  	v60 =	vbroadcast v8, $0x8;
	v51 =	vnsel vm11, s24, v19;
	v26 =	vmin.f32 v26, v50  }
0xd9: {  	v53 =	vnsel vm2, s24, v18;
	v27 =	vmin.f32 v27, v52;
	v55 =	vnsel vm10, s24, v21  }
0xda: {  	v28 =	vmin.f32 v28, v54;
	v29 =	vmin.f32 v29, v56;
	v57 =	vnsel vm9, s24, v24  }
0xdb: {  	v24 =	vsel vm9, s24, v24;
	vm9 =	vlt.f32 v31, v16;
	v16 =	vmin.f32 v16, v58  }
0xdc: {  	v11 =	vsel vm8, v44, v11;
	v14 =	vsel vm15, v46, v14;
	v36 =	vadd.f32 v36, v47  }
0xdd: {  	v15 =	vsel vm14, v49, v15;
	v58 =	vbroadcast v9, $0x8;
	v17 =	vsel vm12, v51, v17  }
0xde: {  	s25 =	sadd.s32 $0xFFFFFFE8, s18;
	v19 =	vsel vm11, v53, v19;
	v18 =	vsel vm2, v55, v18;
	v21 =	vsel vm10, v57, v21  }
0xdf: {  	v13 =	vsel vm9, v59, v13;
	vm10 =	veq.s32 v0, s25;
	v34 =	vadd.f32 v35, v34  }
0xe0: {  	v59 =	vbroadcast v10, $0x8;
	v44 =	vadd.f32 v60, v6;
	v35 =	vadd.f32 v60, v7  }
0xe1: {  	v31 =	vsel vm10, $0x4E6E6B28, v36;
	v62 =	vmul.f32 v58, v2;
	v33 =	vmul.f32 v58, v4  }
0xe2: {  	vm11 =	vlt.f32 v31, v30;
	vm1 =	vlt.f32 v31, v29;
	vm12 =	vlt.f32 v31, v27  }
0xe3: {  	vm13 =	vlt.f32 v31, v26;
	v50 =	vmax.f32 v27, v31;
	vm14 =	vlt.f32 v31, v28  }
0xe4: {  	v52 =	vmax.f32 v28, v31;
	v54 =	vmax.f32 v29, v31;
	v56 =	vmax.f32 v30, v31  }
0xe5: {  	v32 =	vadd.f32 v34, v32;
	v30 =	vmin.f32 v30, v31;
	v42 =	vmul.f32 v59, v3  }
0xe6: {  	v34 =	vmul.f32 v59, v5;
	v51 =	vnsel vm12, s25, v19;
	v26 =	vmin.f32 v26, v50  }
0xe7: {  	v27 =	vmin.f32 v27, v52;
	v53 =	vnsel vm14, s25, v18;
	v55 =	vnsel vm1, s25, v21  }
0xe8: {  	v28 =	vmin.f32 v28, v54;
	v57 =	vnsel vm11, s25, v24;
	v29 =	vmin.f32 v29, v56  }
0xe9: {  	v24 =	vsel vm11, s25, v24;
	v56 =	vbroadcast v8, $0x9;
	v17 =	vsel vm13, v51, v17  }
0xea: {  	v19 =	vsel vm12, v53, v19;
	v18 =	vsel vm14, v55, v18;
	v21 =	vsel vm1, v57, v21  }
0xeb: {  	vm15 =	vlt.f32 v32, v25;
	vm8 =	vlt.f32 v32, v23;
	vm9 =	vlt.f32 v32, v20  }
0xec: {  	vm10 =	vlt.f32 v32, v22;
	vm11 =	vlt.f32 v32, v16;
	v31 =	vmax.f32 v22, v32  }
0xed: {  	s26 =	sadd.s32 $0xFFFFFFE9, s18;
	v61 =	vmax.f32 v20, v32;
	v43 =	vmax.f32 v23, v32;
	v37 =	vadd.f32 v42, v62  }
0xee: {  	vm12 =	veq.s32 v0, s26;
	v33 =	vadd.f32 v34, v33;
	v53 =	vbroadcast v10, $0x9  }
0xef: {  	v16 =	vmin.f32 v16, v31;
	v31 =	vnsel vm10, s25, v11;
	v22 =	vmin.f32 v22, v61  }
0xf0: {  	v20 =	vmin.f32 v20, v43;
	v61 =	vadd.f32 v56, v6;
	v13 =	vsel vm11, v31, v13  }
0xf1: {  	v31 =	vnsel vm9, s25, v14;
	v45 =	vadd.f32 v37, v44;
	v33 =	vadd.f32 v33, v35  }
0xf2: {  	v59 =	vmul.f32 v53, v3;
	v11 =	vsel vm10, v31, v11;
	v31 =	vnsel vm8, s25, v15  }
0xf3: {  	v14 =	vsel vm9, v31, v14;
	v31 =	vmax.f32 v25, v32;
	v25 =	vmin.f32 v25, v32  }
0xf4: {  	vm11 =	vlt.f32 v33, v20;
	v54 =	vmax.f32 v22, v33;
	v57 =	vmax.f32 v20, v33  }
0xf5: {  	v32 =	vmul.f32 v53, v5;
	v23 =	vmin.f32 v23, v31;
	v31 =	vnsel vm15, s25, v12  }
0xf6: {  	v12 =	vsel vm15, s25, v12;
	vm9 =	vlt.f32 v33, v25;
	v60 =	vnsel vm11, s26, v14  }
0xf7: {  	v43 =	vmax.f32 v25, v33;
	v25 =	vmin.f32 v25, v33;
	v15 =	vsel vm8, v31, v15  }
0xf8: {  	v31 =	vsel vm12, $0x4E6E6B28, v45;
	vm10 =	vlt.f32 v33, v23;
	vm12 =	vlt.f32 v33, v22  }
0xf9: {  	v22 =	vmin.f32 v22, v57;
	v40 =	vmax.f32 v23, v33;
	v44 =	vnsel vm9, s26, v12  }
0xfa: {  	v23 =	vmin.f32 v23, v43;
	v12 =	vsel vm9, s26, v12;
	v57 =	vbroadcast v8, $0xA  }
0xfb: {  	vm13 =	vlt.f32 v31, v30;
	vm14 =	vlt.f32 v31, v29;
	vm2 =	vlt.f32 v31, v28  }
0xfc: {  	vm15 =	vlt.f32 v31, v27;
	v46 =	vmax.f32 v27, v31;
	vm8 =	vlt.f32 v31, v26  }
0xfd: {  	v36 =	vmax.f32 v28, v31;
	v49 =	vmax.f32 v29, v31;
	v51 =	vmax.f32 v30, v31  }
0xfe: {  	v30 =	vmin.f32 v30, v31;
	v31 =	vbroadcast v9, $0x9;
	v55 =	vnsel vm12, s26, v11  }
0xff: {  	v11 =	vsel vm12, v60, v11;
	v41 =	vnsel vm10, s26, v15;
	v20 =	vmin.f32 v20, v40  }
0x100: {  	v15 =	vsel vm10, v44, v15;
	v26 =	vmin.f32 v26, v46;
	v47 =	vnsel vm15, s26, v19  }
0x101: {  	v27 =	vmin.f32 v27, v36;
	v48 =	vnsel vm2, s26, v18;
	v28 =	vmin.f32 v28, v49  }
0x102: {  	v50 =	vnsel vm14, s26, v21;
	v52 =	vnsel vm13, s26, v24;
	v29 =	vmin.f32 v29, v51  }
0x103: {  	v24 =	vsel vm13, s26, v24;
	vm13 =	vlt.f32 v33, v16;
	v16 =	vmin.f32 v16, v54  }
0x104: {  	v14 =	vsel vm11, v41, v14;
	v36 =	vadd.f32 v56, v7;
	v56 =	vbroadcast v10, $0xA  }
0x105: {  	v43 =	vadd.f32 v57, v6;
	v17 =	vsel vm8, v47, v17;
	v58 =	vmul.f32 v31, v2  }
0x106: {  	v19 =	vsel vm15, v48, v19;
	v18 =	vsel vm2, v50, v18;
	v31 =	vmul.f32 v31, v4  }
0x107: {  	s28 =	sadd.s32 $0xFFFFFFEA, s18;
	v13 =	vsel vm13, v55, v13;
	v55 =	vbroadcast v9, $0xA;
	v62 =	vadd.f32 v59, v58  }
0x108: {  	v21 =	vsel vm14, v52, v21;
	vm14 =	veq.s32 v0, s28;
	v31 =	vadd.f32 v32, v31  }
0x109: {  	v60 =	vmul.f32 v56, v3;
	v59 =	vmul.f32 v55, v2;
	v42 =	vadd.f32 v62, v61  }
0x10a: {  	v35 =	vmul.f32 v56, v5;
	v56 =	vbroadcast v8, $0xB;
	v31 =	vadd.f32 v31, v36  }
0x10b: {  	v32 =	vadd.f32 v57, v7;
	v36 =	vadd.f32 v60, v59;
	v34 =	vsel vm14, $0x4E6E6B28, v42  }
0x10c: {  	vm11 =	vlt.f32 v31, v25;
	vm12 =	vlt.f32 v31, v23;
	vm13 =	vlt.f32 v31, v20  }
0x10d: {  	vm14 =	vlt.f32 v31, v22;
	v53 =	vmax.f32 v22, v31;
	v58 =	vmax.f32 v20, v31  }
0x10e: {  	v62 =	vmax.f32 v23, v31;
	v44 =	vmax.f32 v25, v31;
	v36 =	vadd.f32 v36, v43  }
0x10f: {  	v25 =	vmin.f32 v25, v31;
	vm15 =	vlt.f32 v34, v30;
	vm8 =	vlt.f32 v34, v29  }
0x110: {  	vm2 =	vlt.f32 v34, v28;
	vm9 =	vlt.f32 v34, v27;
	vm10 =	vlt.f32 v34, v26  }
0x111: {  	v45 =	vmax.f32 v27, v34;
	v47 =	vmax.f32 v28, v34;
	v49 =	vmax.f32 v29, v34  }
0x112: {  	v51 =	vmax.f32 v30, v34;
	v30 =	vmin.f32 v30, v34;
	v54 =	vnsel vm14, s28, v11  }
0x113: {  	v22 =	vmin.f32 v22, v58;
	v61 =	vnsel vm13, s28, v14;
	v42 =	vnsel vm12, s28, v15  }
0x114: {  	v20 =	vmin.f32 v20, v62;
	v23 =	vmin.f32 v23, v44;
	v34 =	vmul.f32 v55, v4  }
0x115: {  	v55 =	vbroadcast v10, $0xB;
	v46 =	vnsel vm9, s28, v19;
	v26 =	vmin.f32 v26, v45  }
0x116: {  	v48 =	vnsel vm2, s28, v18;
	v27 =	vmin.f32 v27, v47;
	v50 =	vnsel vm8, s28, v21  }
0x117: {  	v28 =	vmin.f32 v28, v49;
	v29 =	vmin.f32 v29, v51;
	v52 =	vnsel vm15, s28, v24  }
0x118: {  	v24 =	vsel vm15, s28, v24;
	vm15 =	vlt.f32 v31, v16;
	v16 =	vmin.f32 v16, v53  }
0x119: {  	v11 =	vsel vm14, v61, v11;
	v14 =	vsel vm13, v42, v14;
	v45 =	vnsel vm11, s28, v12  }
0x11a: {  	v12 =	vsel vm11, s28, v12;
	v61 =	vadd.f32 v56, v6;
	v17 =	vsel vm10, v46, v17  }
0x11b: {  	s29 =	sadd.s32 $0xFFFFFFEB, s18;
	v19 =	vsel vm9, v48, v19;
	v18 =	vsel vm2, v50, v18;
	v21 =	vsel vm8, v52, v21  }
0x11c: {  	v13 =	vsel vm15, v54, v13;
	v15 =	vsel vm12, v45, v15;
	vm8 =	veq.s32 v0, s29  }
0x11d: {  	v34 =	vadd.f32 v35, v34;
	v54 =	vbroadcast v9, $0xB;
	v31 =	vsel vm8, $0x4E6E6B28, v36  }
0x11e: {  	v59 =	vmul.f32 v55, v3;
	v35 =	vadd.f32 v56, v7;
	vm9 =	vlt.f32 v31, v30  }
0x11f: {  	vm1 =	vlt.f32 v31, v29;
	vm10 =	vlt.f32 v31, v27;
	vm11 =	vlt.f32 v31, v26  }
0x120: {  	v46 =	vmax.f32 v27, v31;
	vm12 =	vlt.f32 v31, v28;
	v48 =	vmax.f32 v28, v31  }
0x121: {  	v50 =	vmax.f32 v29, v31;
	v52 =	vmax.f32 v30, v31;
	v32 =	vadd.f32 v34, v32  }
0x122: {  	v30 =	vmin.f32 v30, v31;
	v58 =	vmul.f32 v54, v2;
	v33 =	vmul.f32 v54, v4  }
0x123: {  	v34 =	vmul.f32 v55, v5;
	v47 =	vnsel vm10, s29, v19;
	v26 =	vmin.f32 v26, v46  }
0x124: {  	v27 =	vmin.f32 v27, v48;
	v49 =	vnsel vm12, s29, v18;
	v51 =	vnsel vm1, s29, v21  }
0x125: {  	v28 =	vmin.f32 v28, v50;
	v53 =	vnsel vm9, s29, v24;
	v29 =	vmin.f32 v29, v52  }
0x126: {  	v24 =	vsel vm9, s29, v24;
	v50 =	vbroadcast v8, $0xC;
	v17 =	vsel vm11, v47, v17  }
0x127: {  	v19 =	vsel vm10, v49, v19;
	v18 =	vsel vm12, v51, v18;
	v21 =	vsel vm1, v53, v21  }
0x128: {  	vm13 =	vlt.f32 v32, v25;
	vm14 =	vlt.f32 v32, v23;
	vm15 =	vlt.f32 v32, v20  }
0x129: {  	vm8 =	vlt.f32 v32, v22;
	vm9 =	vlt.f32 v32, v16;
	v31 =	vmax.f32 v22, v32  }
0x12a: {  	s30 =	sadd.s32 $0xFFFFFFEC, s18;
	v57 =	vmax.f32 v20, v32;
	v60 =	vmax.f32 v23, v32;
	v37 =	vadd.f32 v59, v58  }
0x12b: {  	vm10 =	veq.s32 v0, s30;
	v33 =	vadd.f32 v34, v33;
	v47 =	vbroadcast v10, $0xC  }
0x12c: {  	v16 =	vmin.f32 v16, v31;
	v31 =	vnsel vm8, s29, v11;
	v22 =	vmin.f32 v22, v57  }
0x12d: {  	v20 =	vmin.f32 v20, v60;
	v55 =	vadd.f32 v50, v6;
	v13 =	vsel vm9, v31, v13  }
0x12e: {  	v31 =	vnsel vm15, s29, v14;
	v62 =	vadd.f32 v37, v61;
	v33 =	vadd.f32 v33, v35  }
0x12f: {  	v53 =	vmul.f32 v47, v3;
	v11 =	vsel vm8, v31, v11;
	v31 =	vnsel vm14, s29, v15  }
0x130: {  	v14 =	vsel vm15, v31, v14;
	v31 =	vmax.f32 v25, v32;
	v25 =	vmin.f32 v25, v32  }
0x131: {  	vm9 =	vlt.f32 v33, v20;
	v48 =	vmax.f32 v22, v33;
	v51 =	vmax.f32 v20, v33  }
0x132: {  	v32 =	vmul.f32 v47, v5;
	v47 =	vbroadcast v10, $0xD;
	v23 =	vmin.f32 v23, v31  }
0x133: {  	v31 =	vnsel vm13, s29, v12;
	v12 =	vsel vm13, s29, v12;
	vm15 =	vlt.f32 v33, v25  }
0x134: {  	v54 =	vnsel vm9, s30, v14;
	v60 =	vmax.f32 v25, v33;
	v25 =	vmin.f32 v25, v33  }
0x135: {  	v15 =	vsel vm14, v31, v15;
	v31 =	vsel vm10, $0x4E6E6B28, v62;
	vm8 =	vlt.f32 v33, v23  }
0x136: {  	vm10 =	vlt.f32 v33, v22;
	v22 =	vmin.f32 v22, v51;
	v57 =	vmax.f32 v23, v33  }
0x137: {  	v61 =	vnsel vm15, s30, v12;
	v23 =	vmin.f32 v23, v60;
	v12 =	vsel vm15, s30, v12  }
0x138: {  	v51 =	vmul.f32 v47, v3;
	v35 =	vmul.f32 v47, v5;
	vm11 =	vlt.f32 v31, v30  }
0x139: {  	vm12 =	vlt.f32 v31, v29;
	vm2 =	vlt.f32 v31, v28;
	vm13 =	vlt.f32 v31, v27  }
0x13a: {  	v40 =	vmax.f32 v27, v31;
	vm14 =	vlt.f32 v31, v26;
	v36 =	vmax.f32 v28, v31  }
0x13b: {  	v43 =	vmax.f32 v29, v31;
	v45 =	vmax.f32 v30, v31;
	v30 =	vmin.f32 v30, v31  }
0x13c: {  	v31 =	vbroadcast v9, $0xC;
	v49 =	vnsel vm10, s30, v11;
	v11 =	vsel vm10, v54, v11  }
0x13d: {  	v58 =	vnsel vm8, s30, v15;
	v20 =	vmin.f32 v20, v57;
	v15 =	vsel vm8, v61, v15  }
0x13e: {  	v26 =	vmin.f32 v26, v40;
	v41 =	vnsel vm13, s30, v19;
	v27 =	vmin.f32 v27, v36  }
0x13f: {  	v42 =	vnsel vm2, s30, v18;
	v28 =	vmin.f32 v28, v43;
	v44 =	vnsel vm12, s30, v21  }
0x140: {  	v46 =	vnsel vm11, s30, v24;
	v29 =	vmin.f32 v29, v45;
	v24 =	vsel vm11, s30, v24  }
0x141: {  	vm11 =	vlt.f32 v33, v16;
	v16 =	vmin.f32 v16, v48;
	v14 =	vsel vm9, v58, v14  }
0x142: {  	v36 =	vadd.f32 v50, v7;
	v52 =	vmul.f32 v31, v2;
	v31 =	vmul.f32 v31, v4  }
0x143: {  	v48 =	vbroadcast v8, $0xD;
	v21 =	vsel vm12, v46, v21;
	v46 =	vbroadcast v9, $0xD  }
0x144: {  	v17 =	vsel vm14, v41, v17;
	v56 =	vadd.f32 v53, v52;
	v31 =	vadd.f32 v32, v31  }
0x145: {  	v19 =	vsel vm13, v42, v19;
	v18 =	vsel vm2, v44, v18;
	v50 =	vmul.f32 v46, v2  }
0x146: {  	s31 =	sadd.s32 $0xFFFFFFED, s18;
	v13 =	vsel vm11, v49, v13;
	v59 =	vadd.f32 v56, v55;
	v31 =	vadd.f32 v31, v36  }
0x147: {  	vm12 =	veq.s32 v0, s31;
	v32 =	vadd.f32 v48, v7;
	v36 =	vadd.f32 v51, v50  }
0x148: {  	v55 =	vadd.f32 v48, v6;
	v34 =	vsel vm12, $0x4E6E6B28, v59;
	vm9 =	vlt.f32 v31, v25  }
0x149: {  	vm10 =	vlt.f32 v31, v23;
	vm11 =	vlt.f32 v31, v20;
	vm12 =	vlt.f32 v31, v22  }
0x14a: {  	v44 =	vmax.f32 v22, v31;
	v49 =	vmax.f32 v20, v31;
	v53 =	vmax.f32 v23, v31  }
0x14b: {  	v56 =	vmax.f32 v25, v31;
	v36 =	vadd.f32 v36, v55;
	v25 =	vmin.f32 v25, v31  }
0x14c: {  	vm13 =	vlt.f32 v34, v30;
	vm14 =	vlt.f32 v34, v29;
	vm2 =	vlt.f32 v34, v28  }
0x14d: {  	vm15 =	vlt.f32 v34, v27;
	vm8 =	vlt.f32 v34, v26;
	v62 =	vmax.f32 v27, v34  }
0x14e: {  	v38 =	vmax.f32 v28, v34;
	v40 =	vmax.f32 v29, v34;
	v42 =	vmax.f32 v30, v34  }
0x14f: {  	v30 =	vmin.f32 v30, v34;
	v45 =	vnsel vm12, s31, v11;
	v22 =	vmin.f32 v22, v49  }
0x150: {  	v52 =	vnsel vm11, s31, v14;
	v54 =	vnsel vm10, s31, v15;
	v20 =	vmin.f32 v20, v53  }
0x151: {  	v57 =	vnsel vm9, s31, v12;
	v23 =	vmin.f32 v23, v56;
	v12 =	vsel vm9, s31, v12  }
0x152: {  	v34 =	vmul.f32 v46, v4;
	v37 =	vnsel vm15, s31, v19;
	v26 =	vmin.f32 v26, v62  }
0x153: {  	v39 =	vnsel vm2, s31, v18;
	v27 =	vmin.f32 v27, v38;
	v41 =	vnsel vm14, s31, v21  }
0x154: {  	v28 =	vmin.f32 v28, v40;
	v29 =	vmin.f32 v29, v42;
	v43 =	vnsel vm13, s31, v24  }
0x155: {  	v24 =	vsel vm13, s31, v24;
	vm13 =	vlt.f32 v31, v16;
	v16 =	vmin.f32 v16, v44  }
0x156: {  	v11 =	vsel vm12, v52, v11;
	v14 =	vsel vm11, v54, v14;
	v15 =	vsel vm10, v57, v15  }
0x157: {  	v44 =	vbroadcast v10, $0xE;
	v10 =	vbroadcast v10, $0xF;
	v17 =	vsel vm8, v37, v17  }
0x158: {  	s21 =	sadd.s32 $0xFFFFFFEE, s18;
	v19 =	vsel vm15, v39, v19;
	v18 =	vsel vm2, v41, v18;
	v21 =	vsel vm14, v43, v21  }
0x159: {  	v13 =	vsel vm13, v45, v13;
	vm14 =	veq.s32 v0, s21;
	v43 =	vbroadcast v9, $0xE  }
0x15a: {  	v34 =	vadd.f32 v35, v34;
	v45 =	vbroadcast v8, $0xE;
	v9 =	vbroadcast v9, $0xF  }
0x15b: {  	v8 =	vbroadcast v8, $0xF;
	v31 =	vsel vm14, $0x4E6E6B28, v36;
	v48 =	vmul.f32 v44, v3  }
0x15c: {  	vm15 =	vlt.f32 v31, v30;
	vm1 =	vlt.f32 v31, v29;
	vm8 =	vlt.f32 v31, v27  }
0x15d: {  	vm9 =	vlt.f32 v31, v26;
	v58 =	vmax.f32 v27, v31;
	vm10 =	vlt.f32 v31, v28  }
0x15e: {  	v60 =	vmax.f32 v28, v31;
	v62 =	vmax.f32 v29, v31;
	v41 =	vmax.f32 v30, v31  }
0x15f: {  	v32 =	vadd.f32 v34, v32;
	v30 =	vmin.f32 v30, v31;
	v47 =	vmul.f32 v43, v2  }
0x160: {  	v50 =	vadd.f32 v45, v6;
	v33 =	vmul.f32 v43, v4;
	v34 =	vmul.f32 v44, v5  }
0x161: {  	v35 =	vadd.f32 v45, v7;
	v39 =	vadd.f32 v8, v6;
	v59 =	vnsel vm8, s21, v19  }
0x162: {  	v26 =	vmin.f32 v26, v58;
	v27 =	vmin.f32 v27, v60;
	v61 =	vnsel vm10, s21, v18  }
0x163: {  	v40 =	vnsel vm1, s21, v21;
	v28 =	vmin.f32 v28, v62;
	v42 =	vnsel vm15, s21, v24  }
0x164: {  	v29 =	vmin.f32 v29, v41;
	v24 =	vsel vm15, s21, v24;
	v62 =	vmul.f32 v10, v3  }
0x165: {  	v10 =	vmul.f32 v10, v5;
	v17 =	vsel vm9, v59, v17;
	v19 =	vsel vm8, v61, v19  }
0x166: {  	v18 =	vsel vm10, v40, v18;
	v21 =	vsel vm1, v42, v21;
	vm11 =	vlt.f32 v32, v25  }
0x167: {  	vm12 =	vlt.f32 v32, v23;
	vm13 =	vlt.f32 v32, v20;
	vm14 =	vlt.f32 v32, v22  }
0x168: {  	vm15 =	vlt.f32 v32, v16;
	v31 =	vmax.f32 v22, v32;
	v46 =	vmax.f32 v20, v32  }
0x169: {  	v49 =	vmax.f32 v23, v32;
	v37 =	vadd.f32 v48, v47;
	v33 =	vadd.f32 v34, v33  }
0x16a: {  	v61 =	vmul.f32 v9, v2;
	v9 =	vmul.f32 v9, v4;
	v16 =	vmin.f32 v16, v31  }
0x16b: {  	v31 =	vnsel vm14, s21, v11;
	v22 =	vmin.f32 v22, v46;
	v20 =	vmin.f32 v20, v49  }
0x16c: {  	v13 =	vsel vm15, v31, v13;
	v51 =	vadd.f32 v37, v50;
	v33 =	vadd.f32 v33, v35  }
0x16d: {  	v31 =	vnsel vm13, s21, v14;
	v40 =	vadd.f32 v62, v61;
	v50 =	vadd.f32 v8, v7  }
0x16e: {  	v10 =	vadd.f32 v10, v9;
	v11 =	vsel vm14, v31, v11;
	v31 =	vnsel vm12, s21, v15  }
0x16f: {  	v14 =	vsel vm13, v31, v14;
	v31 =	vmax.f32 v25, v32;
	v25 =	vmin.f32 v25, v32  }
0x170: {  	vm14 =	vlt.f32 v33, v20;
	vm15 =	vlt.f32 v33, v22;
	v60 =	vmax.f32 v20, v33  }
0x171: {  	v23 =	vmin.f32 v23, v31;
	v31 =	vnsel vm11, s21, v12;
	v12 =	vsel vm11, s21, v12  }
0x172: {  	v59 =	vnsel vm15, s22, v11;
	v42 =	vmax.f32 v25, v33;
	v15 =	vsel vm12, v31, v15  }
0x173: {  	v31 =	vsel vm7, $0x4E6E6B28, v51;
	vm12 =	vlt.f32 v33, v25;
	vm13 =	vlt.f32 v33, v23  }
0x174: {  	v25 =	vmin.f32 v25, v33;
	vm8 =	vlt.f32 v31, v30;
	vm9 =	vlt.f32 v31, v29  }
0x175: {  	s25 =	sadd.s32 $0xFFFFFFF1, s18;
	vm2 =	vlt.f32 v31, v28;
	vm10 =	vlt.f32 v31, v27;
	v52 =	vmax.f32 v27, v31  }
0x176: {  	s26 =	sand.u32 $0x70, s25;
	vm11 =	vlt.f32 v31, v26;
	v36 =	vmax.f32 v28, v31;
	v55 =	vmax.f32 v29, v31  }
0x177: {  	s23 =	sor.u32 s16, s26;
	v57 =	vmax.f32 v30, v31;
	v30 =	vmin.f32 v30, v31;
	v31 =	vmax.f32 v22, v33  }
0x178: {  	s20 =	sor.u32 s20, s23;
	v22 =	vmin.f32 v22, v60;
	v41 =	vnsel vm13, s22, v15;
	v43 =	vnsel vm12, s22, v12  }
0x179: {  	v8 =	vld [tilespmem:s20+$0x0];
	v12 =	vsel vm12, s22, v12;
	v26 =	vmin.f32 v26, v52;
	v53 =	vnsel vm10, s22, v19  }
0x17a: {  	v27 =	vmin.f32 v27, v36;
	v54 =	vnsel vm2, s22, v18;
	v28 =	vmin.f32 v28, v55  }
0x17b: {  	v56 =	vnsel vm9, s22, v21;
	v58 =	vnsel vm8, s22, v24;
	v29 =	vmin.f32 v29, v57  }
0x17c: {  	v9 =	vld [tilespmem:s20+$0x8000];
	v24 =	vsel vm8, s22, v24;
	vm8 =	vlt.f32 v33, v16;
	v16 =	vmin.f32 v16, v31  }
0x17d: {  	v31 =	vnsel vm14, s22, v14;
	v14 =	vsel vm14, v41, v14;
	v15 =	vsel vm13, v43, v15  }
0x17e: {  	v55 =	vbroadcast v8, $0x0;
	v17 =	vsel vm11, v53, v17;
	v19 =	vsel vm10, v54, v19  }
0x17f: {  	s24 =	sadd.s32 $0xFFFFFFF0, s18;
	v18 =	vsel vm2, v56, v18;
	v21 =	vsel vm9, v58, v21;
	v13 =	vsel vm8, v59, v13  }
0x180: {  	v11 =	vsel vm15, v31, v11;
	v31 =	vmax.f32 v23, v33;
	vm9 =	veq.s32 v0, s24  }
0x181: {  	v23 =	vmin.f32 v23, v42;
	v53 =	vadd.f32 v10, v50;
	v56 =	vbroadcast v9, $0x0  }
0x182: {  	v20 =	vmin.f32 v20, v31;
	v31 =	vadd.f32 v40, v39;
	v58 =	vmul.f32 v55, v2  }
0x183: {  	v34 =	vmul.f32 v55, v4;
	vm14 =	vlt.f32 v53, v25;
	vm15 =	vlt.f32 v53, v23  }
0x184: {  	vm8 =	vlt.f32 v53, v20;
	v57 =	vmax.f32 v20, v53;
	v59 =	vmul.f32 v56, v3  }
0x185: {  	v61 =	vmax.f32 v23, v53;
	v41 =	vmax.f32 v25, v53;
	v25 =	vmin.f32 v25, v53  }
0x186: {  	v35 =	vmul.f32 v56, v5;
	v31 =	vsel vm9, $0x4E6E6B28, v31;
	vm9 =	vlt.f32 v53, v22  }
0x187: {  	v60 =	vnsel vm8, s24, v14;
	v62 =	vnsel vm15, s24, v15;
	v20 =	vmin.f32 v20, v61  }
0x188: {  	v42 =	vnsel vm14, s24, v12;
	v23 =	vmin.f32 v23, v41;
	v12 =	vsel vm14, s24, v12  }
0x189: {  	vm10 =	vlt.f32 v31, v30;
	vm11 =	vlt.f32 v31, v29;
	vm2 =	vlt.f32 v31, v28  }
0x18a: {  	vm12 =	vlt.f32 v31, v27;
	vm13 =	vlt.f32 v31, v26;
	v44 =	vmax.f32 v27, v31  }
0x18b: {  	v46 =	vmax.f32 v28, v31;
	v48 =	vmax.f32 v29, v31;
	v51 =	vmax.f32 v30, v31  }
0x18c: {  	v30 =	vmin.f32 v30, v31;
	v31 =	vmax.f32 v22, v53;
	v54 =	vnsel vm9, s24, v11  }
0x18d: {  	v10 =	vld [tilespmem:s20+$0x10000];
	v22 =	vmin.f32 v22, v57;
	v36 =	vadd.f32 v59, v58;
	v11 =	vsel vm9, v60, v11  }
0x18e: {  	v14 =	vsel vm8, v62, v14;
	v15 =	vsel vm15, v42, v15;
	v34 =	vadd.f32 v35, v34  }
0x18f: {  	vm8 =	veq.s32 v1, s25;
	v45 =	vnsel vm12, s24, v19;
	v26 =	vmin.f32 v26, v44  }
0x190: {  	v47 =	vnsel vm2, s24, v18;
	v27 =	vmin.f32 v27, v46;
	v49 =	vnsel vm11, s24, v21  }
0x191: {  	v28 =	vmin.f32 v28, v48;
	v52 =	vnsel vm10, s24, v24;
	v24 =	vsel vm10, s24, v24  }
0x192: {  	vm10 =	vlt.f32 v53, v16;
	v16 =	vmin.f32 v16, v31;
	v31 =	vbroadcast v10, $0x0  }
0x193: {  	v29 =	vmin.f32 v29, v51;
	v53 =	vbroadcast v9, $0x1;
	v55 =	vbroadcast v10, $0x1  }
0x194: {  	v17 =	vsel vm13, v45, v17;
	v19 =	vsel vm12, v47, v19;
	v18 =	vsel vm2, v49, v18  }
0x195: {  	v21 =	vsel vm11, v52, v21;
	v52 =	vbroadcast v8, $0x1;
	v40 =	vadd.f32 v31, v6  }
0x196: {  	v13 =	vsel vm10, v54, v13;
	v31 =	vadd.f32 v31, v7;
	v58 =	vmul.f32 v53, v3  }
0x197: {  	v61 =	vadd.f32 v55, v6;
	v57 =	vmul.f32 v52, v2;
	v36 =	vadd.f32 v36, v40  }
0x198: {  	v33 =	vmul.f32 v52, v4;
	v31 =	vadd.f32 v34, v31;
	v34 =	vmul.f32 v53, v5  }
0x199: {  	v53 =	vbroadcast v10, $0x2;
	v37 =	vadd.f32 v58, v57;
	vm11 =	vlt.f32 v36, v30  }
0x19a: {  	vm12 =	vlt.f32 v36, v29;
	vm13 =	vlt.f32 v36, v28;
	vm14 =	vlt.f32 v36, v27  }
0x19b: {  	v43 =	vmax.f32 v27, v36;
	vm15 =	vlt.f32 v36, v26;
	v45 =	vmax.f32 v28, v36  }
0x19c: {  	v47 =	vmax.f32 v29, v36;
	v49 =	vmax.f32 v30, v36;
	v30 =	vmin.f32 v30, v36  }
0x19d: {  	v31 =	vsel vm8, $0x4E6E6B28, v31;
	v33 =	vadd.f32 v34, v33;
	v35 =	vadd.f32 v53, v7  }
0x19e: {  	v26 =	vmin.f32 v26, v43;
	v44 =	vnsel vm14, s25, v19;
	v27 =	vmin.f32 v27, v45  }
0x19f: {  	v46 =	vnsel vm13, s25, v18;
	v28 =	vmin.f32 v28, v47;
	v48 =	vnsel vm12, s25, v21  }
0x1a0: {  	v29 =	vmin.f32 v29, v49;
	v50 =	vnsel vm11, s25, v24;
	v24 =	vsel vm11, s25, v24  }
0x1a1: {  	vm9 =	vlt.f32 v31, v25;
	vm10 =	vlt.f32 v31, v23;
	vm2 =	vlt.f32 v31, v20  }
0x1a2: {  	vm11 =	vlt.f32 v31, v22;
	v51 =	vmax.f32 v22, v31;
	v56 =	vmax.f32 v20, v31  }
0x1a3: {  	v60 =	vmax.f32 v23, v31;
	v40 =	vmax.f32 v25, v31;
	v37 =	vadd.f32 v37, v61  }
0x1a4: {  	v25 =	vmin.f32 v25, v31;
	v17 =	vsel vm15, v44, v17;
	v19 =	vsel vm14, v46, v19  }
0x1a5: {  	v18 =	vsel vm13, v48, v18;
	v21 =	vsel vm12, v50, v21;
	vm12 =	vlt.f32 v31, v16  }
0x1a6: {  	v16 =	vmin.f32 v16, v51;
	v54 =	vnsel vm11, s25, v11;
	v22 =	vmin.f32 v22, v56  }
0x1a7: {  	v59 =	vnsel vm2, s25, v14;
	v20 =	vmin.f32 v20, v60;
	v62 =	vnsel vm10, s25, v15  }
0x1a8: {  	v41 =	vnsel vm9, s25, v12;
	v23 =	vmin.f32 v23, v40;
	v12 =	vsel vm9, s25, v12  }
0x1a9: {  	v44 =	vadd.f32 v55, v7;
	v50 =	vbroadcast v8, $0x2;
	v51 =	vbroadcast v9, $0x2  }
0x1aa: {  	v13 =	vsel vm12, v54, v13;
	v11 =	vsel vm11, v59, v11;
	v14 =	vsel vm2, v62, v14  }
0x1ab: {  	v15 =	vsel vm10, v41, v15;
	vm13 =	vlt.f32 v37, v30;
	vm14 =	vlt.f32 v37, v29  }
0x1ac: {  	vm15 =	vlt.f32 v37, v28;
	vm8 =	vlt.f32 v37, v27;
	vm9 =	vlt.f32 v37, v26  }
0x1ad: {  	s28 =	sadd.s32 $0xFFFFFFF2, s18;
	v31 =	vmax.f32 v27, v37;
	v43 =	vmax.f32 v28, v37;
	v46 =	vmax.f32 v30, v37  }
0x1ae: {  	vm10 =	veq.s32 v1, s28;
	v30 =	vmin.f32 v30, v37;
	v59 =	vadd.f32 v53, v6  }
0x1af: {  	v42 =	vnsel vm8, s28, v19;
	v26 =	vmin.f32 v26, v31;
	v27 =	vmin.f32 v27, v43  }
0x1b0: {  	v31 =	vnsel vm15, s28, v18;
	v45 =	vnsel vm14, s28, v21;
	v47 =	vnsel vm13, s28, v24  }
0x1b1: {  	v24 =	vsel vm13, s28, v24;
	v55 =	vmul.f32 v50, v2;
	v56 =	vmul.f32 v51, v3  }
0x1b2: {  	v41 =	vmul.f32 v50, v4;
	v17 =	vsel vm9, v42, v17;
	v19 =	vsel vm8, v31, v19  }
0x1b3: {  	v31 =	vmax.f32 v29, v37;
	v21 =	vsel vm14, v47, v21;
	v42 =	vmul.f32 v51, v5  }
0x1b4: {  	v47 =	vbroadcast v8, $0x3;
	v28 =	vmin.f32 v28, v31;
	v31 =	vadd.f32 v33, v44  }
0x1b5: {  	v18 =	vsel vm15, v45, v18;
	v29 =	vmin.f32 v29, v46;
	v37 =	vadd.f32 v56, v55  }
0x1b6: {  	v32 =	vadd.f32 v42, v41;
	v51 =	vmul.f32 v47, v2;
	v31 =	vsel vm10, $0x4E6E6B28, v31  }
0x1b7: {  	v34 =	vmul.f32 v47, v4;
	v62 =	vadd.f32 v37, v59;
	vm11 =	vlt.f32 v31, v25  }
0x1b8: {  	vm12 =	vlt.f32 v31, v23;
	vm2 =	vlt.f32 v31, v20;
	v48 =	vmax.f32 v22, v31  }
0x1b9: {  	vm13 =	vlt.f32 v31, v22;
	vm14 =	vlt.f32 v31, v16;
	v52 =	vmax.f32 v20, v31  }
0x1ba: {  	v57 =	vmax.f32 v23, v31;
	v60 =	vmax.f32 v25, v31;
	v25 =	vmin.f32 v25, v31  }
0x1bb: {  	v32 =	vadd.f32 v32, v35;
	v16 =	vmin.f32 v16, v48;
	v49 =	vnsel vm13, s28, v11  }
0x1bc: {  	v54 =	vnsel vm2, s28, v14;
	v22 =	vmin.f32 v22, v52;
	v58 =	vnsel vm12, s28, v15  }
0x1bd: {  	v20 =	vmin.f32 v20, v57;
	v23 =	vmin.f32 v23, v60;
	v61 =	vnsel vm11, s28, v12  }
0x1be: {  	v12 =	vsel vm11, s28, v12;
	vm15 =	vlt.f32 v62, v30;
	vm8 =	vlt.f32 v62, v29  }
0x1bf: {  	vm9 =	vlt.f32 v62, v27;
	vm10 =	vlt.f32 v62, v26;
	v31 =	vmax.f32 v27, v62  }
0x1c0: {  	vm11 =	vlt.f32 v62, v28;
	v43 =	vmax.f32 v29, v62;
	v48 =	vbroadcast v9, $0x3  }
0x1c1: {  	s29 =	sadd.s32 $0xFFFFFFF3, s18;
	v13 =	vsel vm14, v49, v13;
	v11 =	vsel vm13, v54, v11;
	v14 =	vsel vm2, v58, v14  }
0x1c2: {  	v15 =	vsel vm12, v61, v15;
	v40 =	vnsel vm9, s29, v19;
	v26 =	vmin.f32 v26, v31  }
0x1c3: {  	v31 =	vmax.f32 v28, v62;
	v44 =	vnsel vm8, s29, v21;
	v28 =	vmin.f32 v28, v43  }
0x1c4: {  	v45 =	vnsel vm15, s29, v24;
	vm12 =	veq.s32 v1, s29;
	v49 =	vbroadcast v10, $0x3  }
0x1c5: {  	v24 =	vsel vm15, s29, v24;
	v61 =	vbroadcast v8, $0x4;
	v43 =	vbroadcast v10, $0x4  }
0x1c6: {  	v17 =	vsel vm10, v40, v17;
	v27 =	vmin.f32 v27, v31;
	v31 =	vnsel vm11, s29, v18  }
0x1c7: {  	v18 =	vsel vm11, v44, v18;
	v21 =	vsel vm8, v45, v21;
	v52 =	vmul.f32 v48, v3  }
0x1c8: {  	v35 =	vmul.f32 v48, v5;
	v19 =	vsel vm9, v31, v19;
	v31 =	vmax.f32 v30, v62  }
0x1c9: {  	v30 =	vmin.f32 v30, v62;
	v62 =	vbroadcast v9, $0x4;
	v45 =	vmul.f32 v61, v2  }
0x1ca: {  	v56 =	vadd.f32 v49, v6;
	v33 =	vmul.f32 v61, v4;
	v61 =	vbroadcast v8, $0x5  }
0x1cb: {  	v29 =	vmin.f32 v29, v31;
	v31 =	vsel vm12, $0x4E6E6B28, v32;
	v36 =	vadd.f32 v52, v51  }
0x1cc: {  	v34 =	vadd.f32 v35, v34;
	vm13 =	vlt.f32 v31, v25;
	vm1 =	vlt.f32 v31, v23  }
0x1cd: {  	vm14 =	vlt.f32 v31, v20;
	vm15 =	vlt.f32 v31, v22;
	vm8 =	vlt.f32 v31, v16  }
0x1ce: {  	v32 =	vmax.f32 v22, v31;
	v50 =	vmax.f32 v20, v31;
	v54 =	vmax.f32 v23, v31  }
0x1cf: {  	v57 =	vmax.f32 v25, v31;
	v25 =	vmin.f32 v25, v31;
	v46 =	vnsel vm15, s29, v11  }
0x1d0: {  	v16 =	vmin.f32 v16, v32;
	v22 =	vmin.f32 v22, v50;
	v53 =	vnsel vm14, s29, v14  }
0x1d1: {  	v55 =	vnsel vm1, s29, v15;
	v20 =	vmin.f32 v20, v54;
	v58 =	vnsel vm13, s29, v12  }
0x1d2: {  	v36 =	vadd.f32 v36, v56;
	v23 =	vmin.f32 v23, v57;
	v12 =	vsel vm13, s29, v12  }
0x1d3: {  	v32 =	vadd.f32 v49, v7;
	v49 =	vadd.f32 v43, v6;
	v13 =	vsel vm8, v46, v13  }
0x1d4: {  	s30 =	sadd.s32 $0xFFFFFFF4, s18;
	v11 =	vsel vm15, v53, v11;
	v14 =	vsel vm14, v55, v14;
	v15 =	vsel vm1, v58, v15  }
0x1d5: {  	vm14 =	veq.s32 v1, s30;
	v46 =	vmul.f32 v62, v3;
	v55 =	vadd.f32 v43, v7  }
0x1d6: {  	v43 =	vbroadcast v10, $0x5;
	vm9 =	vlt.f32 v36, v30;
	vm10 =	vlt.f32 v36, v29  }
0x1d7: {  	vm11 =	vlt.f32 v36, v28;
	vm12 =	vlt.f32 v36, v27;
	v31 =	vmax.f32 v27, v36  }
0x1d8: {  	vm13 =	vlt.f32 v36, v26;
	v59 =	vmax.f32 v28, v36;
	v60 =	vmax.f32 v29, v36  }
0x1d9: {  	v32 =	vadd.f32 v34, v32;
	v34 =	vmul.f32 v62, v5;
	v62 =	vbroadcast v9, $0x5  }
0x1da: {  	v26 =	vmin.f32 v26, v31;
	v31 =	vnsel vm12, s30, v19;
	v27 =	vmin.f32 v27, v59  }
0x1db: {  	v28 =	vmin.f32 v28, v60;
	v37 =	vadd.f32 v46, v45;
	v45 =	vmul.f32 v61, v2  }
0x1dc: {  	v35 =	vadd.f32 v43, v7;
	v17 =	vsel vm13, v31, v17;
	v31 =	vnsel vm11, s30, v18  }
0x1dd: {  	v33 =	vadd.f32 v34, v33;
	v46 =	vmul.f32 v62, v3;
	v19 =	vsel vm12, v31, v19  }
0x1de: {  	v31 =	vnsel vm10, s30, v21;
	v37 =	vadd.f32 v37, v49;
	v49 =	vadd.f32 v43, v6  }
0x1df: {  	v18 =	vsel vm11, v31, v18;
	v31 =	vmax.f32 v30, v36;
	v30 =	vmin.f32 v30, v36  }
0x1e0: {  	v29 =	vmin.f32 v29, v31;
	v31 =	vnsel vm9, s30, v24;
	v24 =	vsel vm9, s30, v24  }
0x1e1: {  	vm11 =	vlt.f32 v37, v30;
	vm13 =	vlt.f32 v37, v28;
	v54 =	vmax.f32 v28, v37  }
0x1e2: {  	v57 =	vmax.f32 v30, v37;
	v30 =	vmin.f32 v30, v37;
	v21 =	vsel vm10, v31, v21  }
0x1e3: {  	s31 =	sadd.s32 $0xFFFFFFF5, s18;
	v31 =	vsel vm14, $0x4E6E6B28, v32;
	vm12 =	vlt.f32 v37, v29;
	vm14 =	vlt.f32 v37, v27  }
0x1e4: {  	v58 =	vnsel vm11, s31, v24;
	v24 =	vsel vm11, s31, v24;
	vm15 =	vlt.f32 v31, v25  }
0x1e5: {  	vm8 =	vlt.f32 v31, v23;
	vm2 =	vlt.f32 v31, v20;
	vm9 =	vlt.f32 v31, v22  }
0x1e6: {  	vm10 =	vlt.f32 v31, v16;
	v32 =	vmax.f32 v22, v31;
	v44 =	vmax.f32 v20, v31  }
0x1e7: {  	v48 =	vmax.f32 v23, v31;
	v51 =	vmax.f32 v25, v31;
	v25 =	vmin.f32 v25, v31  }
0x1e8: {  	v31 =	vmax.f32 v27, v37;
	v53 =	vnsel vm14, s31, v19;
	v27 =	vmin.f32 v27, v54  }
0x1e9: {  	v56 =	vnsel vm12, s31, v21;
	v21 =	vsel vm12, v58, v21;
	v54 =	vmul.f32 v61, v4  }
0x1ea: {  	v61 =	vbroadcast v9, $0x6;
	v16 =	vmin.f32 v16, v32;
	v42 =	vnsel vm9, s30, v11  }
0x1eb: {  	v22 =	vmin.f32 v22, v44;
	v47 =	vnsel vm2, s30, v14;
	v20 =	vmin.f32 v20, v48  }
0x1ec: {  	v50 =	vnsel vm8, s30, v15;
	v52 =	vnsel vm15, s30, v12;
	v23 =	vmin.f32 v23, v51  }
0x1ed: {  	v12 =	vsel vm15, s30, v12;
	vm15 =	vlt.f32 v37, v26;
	v26 =	vmin.f32 v26, v31  }
0x1ee: {  	v31 =	vnsel vm13, s31, v18;
	v18 =	vsel vm13, v56, v18;
	v13 =	vsel vm10, v42, v13  }
0x1ef: {  	v11 =	vsel vm9, v47, v11;
	v14 =	vsel vm2, v50, v14;
	v15 =	vsel vm8, v52, v15  }
0x1f0: {  	v17 =	vsel vm15, v53, v17;
	v19 =	vsel vm14, v31, v19;
	v31 =	vmax.f32 v29, v37  }
0x1f1: {  	vm8 =	veq.s32 v1, s31;
	v29 =	vmin.f32 v29, v57;
	v37 =	vadd.f32 v46, v45  }
0x1f2: {  	s30 =	sadd.s32 $0xFFFFFFFE, s18;
	v28 =	vmin.f32 v28, v31;
	v31 =	vadd.f32 v33, v55;
	v55 =	vmul.f32 v62, v5  }
0x1f3: {  	v43 =	vmul.f32 v61, v3;
	vm7 =	veq.s32 v1, s30;
	v62 =	vbroadcast v10, $0x6  }
0x1f4: {  	v52 =	vadd.f32 v37, v49;
	v31 =	vsel vm8, $0x4E6E6B28, v31;
	v32 =	vadd.f32 v55, v54  }
0x1f5: {  	v55 =	vbroadcast v10, $0x7;
	vm9 =	vlt.f32 v31, v25;
	vm10 =	vlt.f32 v31, v23  }
0x1f6: {  	vm2 =	vlt.f32 v31, v20;
	v59 =	vmax.f32 v22, v31;
	vm11 =	vlt.f32 v31, v22  }
0x1f7: {  	vm12 =	vlt.f32 v31, v16;
	v42 =	vmax.f32 v20, v31;
	v47 =	vmax.f32 v23, v31  }
0x1f8: {  	v50 =	vmax.f32 v25, v31;
	v25 =	vmin.f32 v25, v31;
	vm13 =	vlt.f32 v52, v30  }
0x1f9: {  	vm14 =	vlt.f32 v52, v29;
	vm15 =	vlt.f32 v52, v27;
	vm8 =	vlt.f32 v52, v26  }
0x1fa: {  	v31 =	vmax.f32 v27, v52;
	v56 =	vmax.f32 v29, v52;
	v16 =	vmin.f32 v16, v59  }
0x1fb: {  	v60 =	vnsel vm11, s31, v11;
	v44 =	vnsel vm2, s31, v14;
	v22 =	vmin.f32 v22, v42  }
0x1fc: {  	s21 =	sadd.s32 $0xFFFFFFF6, s18;
	v48 =	vnsel vm10, s31, v15;
	v20 =	vmin.f32 v20, v47;
	v23 =	vmin.f32 v23, v50  }
0x1fd: {  	v51 =	vnsel vm9, s31, v12;
	v12 =	vsel vm9, s31, v12;
	v53 =	vnsel vm15, s21, v19  }
0x1fe: {  	vm9 =	vlt.f32 v52, v28;
	v26 =	vmin.f32 v26, v31;
	v31 =	vmax.f32 v28, v52  }
0x1ff: {  	v57 =	vnsel vm14, s21, v21;
	v28 =	vmin.f32 v28, v56;
	v58 =	vnsel vm13, s21, v24  }
0x200: {  	v32 =	vadd.f32 v32, v35;
	v24 =	vsel vm13, s21, v24;
	v47 =	vadd.f32 v62, v6  }
0x201: {  	v35 =	vmul.f32 v61, v5;
	v61 =	vadd.f32 v55, v6;
	v13 =	vsel vm12, v60, v13  }
0x202: {  	v11 =	vsel vm11, v44, v11;
	v14 =	vsel vm2, v48, v14;
	v15 =	vsel vm10, v51, v15  }
0x203: {  	v17 =	vsel vm8, v53, v17;
	v27 =	vmin.f32 v27, v31;
	v31 =	vnsel vm9, s21, v18  }
0x204: {  	v18 =	vsel vm9, v57, v18;
	v21 =	vsel vm14, v58, v21;
	vm10 =	veq.s32 v1, s21  }
0x205: {  	v60 =	vbroadcast v8, $0x6;
	v53 =	vbroadcast v9, $0x7;
	v19 =	vsel vm15, v31, v19  }
0x206: {  	v31 =	vmax.f32 v30, v52;
	v30 =	vmin.f32 v30, v52;
	v52 =	vbroadcast v8, $0x7  }
0x207: {  	v29 =	vmin.f32 v29, v31;
	v31 =	vsel vm10, $0x4E6E6B28, v32;
	v42 =	vmul.f32 v60, v2  }
0x208: {  	v34 =	vmul.f32 v60, v4;
	v58 =	vmul.f32 v53, v3;
	vm11 =	vlt.f32 v31, v25  }
0x209: {  	vm1 =	vlt.f32 v31, v23;
	vm12 =	vlt.f32 v31, v20;
	vm13 =	vlt.f32 v31, v22  }
0x20a: {  	vm14 =	vlt.f32 v31, v16;
	v32 =	vmax.f32 v22, v31;
	v41 =	vmax.f32 v20, v31  }
0x20b: {  	v45 =	vmax.f32 v23, v31;
	v48 =	vmax.f32 v25, v31;
	v25 =	vmin.f32 v25, v31  }
0x20c: {  	v57 =	vmul.f32 v52, v2;
	v33 =	vmul.f32 v52, v4;
	v59 =	vnsel vm13, s21, v11  }
0x20d: {  	v16 =	vmin.f32 v16, v32;
	v22 =	vmin.f32 v22, v41;
	v44 =	vnsel vm12, s21, v14  }
0x20e: {  	v46 =	vnsel vm1, s21, v15;
	v36 =	vadd.f32 v43, v42;
	v20 =	vmin.f32 v20, v45  }
0x20f: {  	v49 =	vnsel vm11, s21, v12;
	v23 =	vmin.f32 v23, v48;
	v12 =	vsel vm11, s21, v12  }
0x210: {  	v32 =	vadd.f32 v62, v7;
	v34 =	vadd.f32 v35, v34;
	v13 =	vsel vm14, v59, v13  }
0x211: {  	s22 =	sadd.s32 $0xFFFFFFF7, s18;
	v11 =	vsel vm13, v44, v11;
	v14 =	vsel vm12, v46, v14;
	v15 =	vsel vm1, v49, v15  }
0x212: {  	vm12 =	veq.s32 v1, s22;
	v37 =	vadd.f32 v58, v57;
	v36 =	vadd.f32 v36, v47  }
0x213: {  	v44 =	vadd.f32 v55, v7;
	v32 =	vadd.f32 v34, v32;
	v34 =	vmul.f32 v53, v5  }
0x214: {  	v53 =	vbroadcast v10, $0x8;
	v37 =	vadd.f32 v37, v61;
	vm15 =	vlt.f32 v36, v30  }
0x215: {  	vm8 =	vlt.f32 v36, v29;
	vm9 =	vlt.f32 v36, v28;
	vm10 =	vlt.f32 v36, v27  }
0x216: {  	v31 =	vmax.f32 v27, v36;
	vm11 =	vlt.f32 v36, v26;
	v50 =	vmax.f32 v28, v36  }
0x217: {  	v51 =	vmax.f32 v29, v36;
	v33 =	vadd.f32 v34, v33;
	v35 =	vadd.f32 v53, v7  }
0x218: {  	v26 =	vmin.f32 v26, v31;
	v31 =	vnsel vm10, s22, v19;
	v27 =	vmin.f32 v27, v50  }
0x219: {  	v28 =	vmin.f32 v28, v51;
	v50 =	vbroadcast v8, $0x8;
	v51 =	vbroadcast v9, $0x8  }
0x21a: {  	v17 =	vsel vm11, v31, v17;
	v31 =	vnsel vm9, s22, v18;
	vm11 =	vlt.f32 v37, v28  }
0x21b: {  	v43 =	vmax.f32 v28, v37;
	v19 =	vsel vm10, v31, v19;
	v31 =	vnsel vm8, s22, v21  }
0x21c: {  	v55 =	vmul.f32 v50, v2;
	v18 =	vsel vm9, v31, v18;
	v31 =	vmax.f32 v30, v36  }
0x21d: {  	v30 =	vmin.f32 v30, v36;
	v29 =	vmin.f32 v29, v31;
	v31 =	vnsel vm15, s22, v24  }
0x21e: {  	v24 =	vsel vm15, s22, v24;
	vm9 =	vlt.f32 v37, v30;
	v46 =	vmax.f32 v30, v37  }
0x21f: {  	s23 =	sadd.s32 $0xFFFFFFF8, s18;
	v30 =	vmin.f32 v30, v37;
	v21 =	vsel vm8, v31, v21;
	v31 =	vsel vm12, $0x4E6E6B28, v32  }
0x220: {  	vm10 =	vlt.f32 v37, v29;
	vm12 =	vlt.f32 v37, v27;
	v47 =	vnsel vm9, s23, v24  }
0x221: {  	v24 =	vsel vm9, s23, v24;
	vm13 =	vlt.f32 v31, v25;
	vm14 =	vlt.f32 v31, v23  }
0x222: {  	vm2 =	vlt.f32 v31, v20;
	vm15 =	vlt.f32 v31, v22;
	vm8 =	vlt.f32 v31, v16  }
0x223: {  	v32 =	vmax.f32 v22, v31;
	v56 =	vmax.f32 v20, v31;
	v60 =	vmax.f32 v23, v31  }
0x224: {  	v40 =	vmax.f32 v25, v31;
	v25 =	vmin.f32 v25, v31;
	v31 =	vmax.f32 v27, v37  }
0x225: {  	v42 =	vnsel vm12, s23, v19;
	v27 =	vmin.f32 v27, v43;
	v45 =	vnsel vm10, s23, v21  }
0x226: {  	v21 =	vsel vm10, v47, v21;
	v47 =	vbroadcast v8, $0x9;
	v16 =	vmin.f32 v16, v32  }
0x227: {  	v54 =	vnsel vm15, s22, v11;
	v22 =	vmin.f32 v22, v56;
	v59 =	vnsel vm2, s22, v14  }
0x228: {  	v20 =	vmin.f32 v20, v60;
	v62 =	vnsel vm14, s22, v15;
	v41 =	vnsel vm13, s22, v12  }
0x229: {  	v23 =	vmin.f32 v23, v40;
	v12 =	vsel vm13, s22, v12;
	vm13 =	vlt.f32 v37, v26  }
0x22a: {  	v26 =	vmin.f32 v26, v31;
	v31 =	vnsel vm11, s23, v18;
	v18 =	vsel vm11, v45, v18  }
0x22b: {  	v56 =	vmul.f32 v51, v3;
	v13 =	vsel vm8, v54, v13;
	v11 =	vsel vm15, v59, v11  }
0x22c: {  	v14 =	vsel vm2, v62, v14;
	v15 =	vsel vm14, v41, v15;
	v17 =	vsel vm13, v42, v17  }
0x22d: {  	v19 =	vsel vm12, v31, v19;
	v31 =	vmax.f32 v29, v37;
	vm14 =	veq.s32 v1, s23  }
0x22e: {  	v59 =	vadd.f32 v53, v6;
	v41 =	vmul.f32 v50, v4;
	v42 =	vmul.f32 v51, v5  }
0x22f: {  	v28 =	vmin.f32 v28, v31;
	v31 =	vadd.f32 v33, v44;
	v37 =	vadd.f32 v56, v55  }
0x230: {  	v29 =	vmin.f32 v29, v46;
	v51 =	vmul.f32 v47, v2;
	v34 =	vmul.f32 v47, v4  }
0x231: {  	v32 =	vadd.f32 v42, v41;
	v31 =	vsel vm14, $0x4E6E6B28, v31;
	v62 =	vadd.f32 v37, v59  }
0x232: {  	vm15 =	vlt.f32 v31, v25;
	vm8 =	vlt.f32 v31, v23;
	vm2 =	vlt.f32 v31, v20  }
0x233: {  	v48 =	vmax.f32 v22, v31;
	vm9 =	vlt.f32 v31, v22;
	vm10 =	vlt.f32 v31, v16  }
0x234: {  	v52 =	vmax.f32 v20, v31;
	v57 =	vmax.f32 v23, v31;
	v60 =	vmax.f32 v25, v31  }
0x235: {  	v25 =	vmin.f32 v25, v31;
	v32 =	vadd.f32 v32, v35;
	v16 =	vmin.f32 v16, v48  }
0x236: {  	v49 =	vnsel vm9, s23, v11;
	v54 =	vnsel vm2, s23, v14;
	v22 =	vmin.f32 v22, v52  }
0x237: {  	v58 =	vnsel vm8, s23, v15;
	v20 =	vmin.f32 v20, v57;
	v23 =	vmin.f32 v23, v60  }
0x238: {  	v61 =	vnsel vm15, s23, v12;
	v12 =	vsel vm15, s23, v12;
	vm11 =	vlt.f32 v62, v30  }
0x239: {  	vm12 =	vlt.f32 v62, v29;
	vm13 =	vlt.f32 v62, v27;
	vm14 =	vlt.f32 v62, v26  }
0x23a: {  	v31 =	vmax.f32 v27, v62;
	vm15 =	vlt.f32 v62, v28;
	v43 =	vmax.f32 v29, v62  }
0x23b: {  	s24 =	sadd.s32 $0xFFFFFFF9, s18;
	v48 =	vbroadcast v9, $0x9;
	v13 =	vsel vm10, v49, v13;
	v11 =	vsel vm9, v54, v11  }
0x23c: {  	v14 =	vsel vm2, v58, v14;
	v15 =	vsel vm8, v61, v15;
	v40 =	vnsel vm13, s24, v19  }
0x23d: {  	v26 =	vmin.f32 v26, v31;
	v31 =	vmax.f32 v28, v62;
	v44 =	vnsel vm12, s24, v21  }
0x23e: {  	v28 =	vmin.f32 v28, v43;
	v45 =	vnsel vm11, s24, v24;
	vm8 =	veq.s32 v1, s24  }
0x23f: {  	v24 =	vsel vm11, s24, v24;
	v49 =	vbroadcast v10, $0x9;
	v61 =	vbroadcast v8, $0xA  }
0x240: {  	v43 =	vbroadcast v10, $0xA;
	v17 =	vsel vm14, v40, v17;
	v27 =	vmin.f32 v27, v31  }
0x241: {  	v31 =	vnsel vm15, s24, v18;
	v18 =	vsel vm15, v44, v18;
	v21 =	vsel vm12, v45, v21  }
0x242: {  	v52 =	vmul.f32 v48, v3;
	v35 =	vmul.f32 v48, v5;
	v19 =	vsel vm13, v31, v19  }
0x243: {  	v31 =	vmax.f32 v30, v62;
	v30 =	vmin.f32 v30, v62;
	v62 =	vbroadcast v9, $0xA  }
0x244: {  	v56 =	vadd.f32 v49, v6;
	v45 =	vmul.f32 v61, v2;
	v33 =	vmul.f32 v61, v4  }
0x245: {  	v61 =	vbroadcast v8, $0xB;
	v29 =	vmin.f32 v29, v31;
	v31 =	vsel vm8, $0x4E6E6B28, v32  }
0x246: {  	v36 =	vadd.f32 v52, v51;
	v34 =	vadd.f32 v35, v34;
	vm9 =	vlt.f32 v31, v25  }
0x247: {  	vm1 =	vlt.f32 v31, v23;
	vm10 =	vlt.f32 v31, v20;
	vm11 =	vlt.f32 v31, v22  }
0x248: {  	vm12 =	vlt.f32 v31, v16;
	v32 =	vmax.f32 v22, v31;
	v50 =	vmax.f32 v20, v31  }
0x249: {  	v54 =	vmax.f32 v23, v31;
	v57 =	vmax.f32 v25, v31;
	v25 =	vmin.f32 v25, v31  }
0x24a: {  	v46 =	vnsel vm11, s24, v11;
	v16 =	vmin.f32 v16, v32;
	v22 =	vmin.f32 v22, v50  }
0x24b: {  	v53 =	vnsel vm10, s24, v14;
	v55 =	vnsel vm1, s24, v15;
	v20 =	vmin.f32 v20, v54  }
0x24c: {  	v58 =	vnsel vm9, s24, v12;
	v36 =	vadd.f32 v36, v56;
	v23 =	vmin.f32 v23, v57  }
0x24d: {  	v12 =	vsel vm9, s24, v12;
	v32 =	vadd.f32 v49, v7;
	v49 =	vadd.f32 v43, v6  }
0x24e: {  	s25 =	sadd.s32 $0xFFFFFFFA, s18;
	v13 =	vsel vm12, v46, v13;
	v11 =	vsel vm11, v53, v11;
	v14 =	vsel vm10, v55, v14  }
0x24f: {  	v15 =	vsel vm1, v58, v15;
	vm10 =	veq.s32 v1, s25;
	v46 =	vmul.f32 v62, v3  }
0x250: {  	v55 =	vadd.f32 v43, v7;
	v43 =	vbroadcast v10, $0xB;
	vm13 =	vlt.f32 v36, v30  }
0x251: {  	vm14 =	vlt.f32 v36, v29;
	vm15 =	vlt.f32 v36, v28;
	vm8 =	vlt.f32 v36, v27  }
0x252: {  	v31 =	vmax.f32 v27, v36;
	vm9 =	vlt.f32 v36, v26;
	v59 =	vmax.f32 v28, v36  }
0x253: {  	v60 =	vmax.f32 v29, v36;
	v32 =	vadd.f32 v34, v32;
	v34 =	vmul.f32 v62, v5  }
0x254: {  	v62 =	vbroadcast v9, $0xB;
	v26 =	vmin.f32 v26, v31;
	v31 =	vnsel vm8, s25, v19  }
0x255: {  	v27 =	vmin.f32 v27, v59;
	v28 =	vmin.f32 v28, v60;
	v37 =	vadd.f32 v46, v45  }
0x256: {  	v45 =	vmul.f32 v61, v2;
	v35 =	vadd.f32 v43, v7;
	v17 =	vsel vm9, v31, v17  }
0x257: {  	v31 =	vnsel vm15, s25, v18;
	v33 =	vadd.f32 v34, v33;
	v46 =	vmul.f32 v62, v3  }
0x258: {  	v19 =	vsel vm8, v31, v19;
	v31 =	vnsel vm14, s25, v21;
	v37 =	vadd.f32 v37, v49  }
0x259: {  	v49 =	vadd.f32 v43, v6;
	v18 =	vsel vm15, v31, v18;
	v31 =	vmax.f32 v30, v36  }
0x25a: {  	v30 =	vmin.f32 v30, v36;
	v29 =	vmin.f32 v29, v31;
	v31 =	vnsel vm13, s25, v24  }
0x25b: {  	v24 =	vsel vm13, s25, v24;
	vm15 =	vlt.f32 v37, v30;
	vm9 =	vlt.f32 v37, v28  }
0x25c: {  	v54 =	vmax.f32 v28, v37;
	v57 =	vmax.f32 v30, v37;
	v30 =	vmin.f32 v30, v37  }
0x25d: {  	s26 =	sadd.s32 $0xFFFFFFFB, s18;
	v21 =	vsel vm14, v31, v21;
	v31 =	vsel vm10, $0x4E6E6B28, v32;
	vm8 =	vlt.f32 v37, v29  }
0x25e: {  	vm10 =	vlt.f32 v37, v27;
	v58 =	vnsel vm15, s26, v24;
	v24 =	vsel vm15, s26, v24  }
0x25f: {  	vm11 =	vlt.f32 v31, v25;
	vm12 =	vlt.f32 v31, v23;
	vm2 =	vlt.f32 v31, v20  }
0x260: {  	vm13 =	vlt.f32 v31, v22;
	vm14 =	vlt.f32 v31, v16;
	v32 =	vmax.f32 v22, v31  }
0x261: {  	v44 =	vmax.f32 v20, v31;
	v48 =	vmax.f32 v23, v31;
	v51 =	vmax.f32 v25, v31  }
0x262: {  	v25 =	vmin.f32 v25, v31;
	v31 =	vmax.f32 v27, v37;
	v53 =	vnsel vm10, s26, v19  }
0x263: {  	v27 =	vmin.f32 v27, v54;
	v56 =	vnsel vm8, s26, v21;
	v21 =	vsel vm8, v58, v21  }
0x264: {  	v54 =	vmul.f32 v61, v4;
	v61 =	vbroadcast v9, $0xC;
	v16 =	vmin.f32 v16, v32  }
0x265: {  	v42 =	vnsel vm13, s25, v11;
	v22 =	vmin.f32 v22, v44;
	v47 =	vnsel vm2, s25, v14  }
0x266: {  	v20 =	vmin.f32 v20, v48;
	v50 =	vnsel vm12, s25, v15;
	v52 =	vnsel vm11, s25, v12  }
0x267: {  	v23 =	vmin.f32 v23, v51;
	v12 =	vsel vm11, s25, v12;
	vm11 =	vlt.f32 v37, v26  }
0x268: {  	v26 =	vmin.f32 v26, v31;
	v31 =	vnsel vm9, s26, v18;
	v18 =	vsel vm9, v56, v18  }
0x269: {  	v13 =	vsel vm14, v42, v13;
	v11 =	vsel vm13, v47, v11;
	v14 =	vsel vm2, v50, v14  }
0x26a: {  	v15 =	vsel vm12, v52, v15;
	v17 =	vsel vm11, v53, v17;
	v19 =	vsel vm10, v31, v19  }
0x26b: {  	v31 =	vmax.f32 v29, v37;
	vm12 =	veq.s32 v1, s26;
	v37 =	vadd.f32 v46, v45  }
0x26c: {  	v28 =	vmin.f32 v28, v31;
	v31 =	vadd.f32 v33, v55;
	v55 =	vmul.f32 v62, v5  }
0x26d: {  	v29 =	vmin.f32 v29, v57;
	v62 =	vbroadcast v10, $0xC;
	v52 =	vadd.f32 v37, v49  }
0x26e: {  	v31 =	vsel vm12, $0x4E6E6B28, v31;
	v32 =	vadd.f32 v55, v54;
	v54 =	vbroadcast v9, $0xD  }
0x26f: {  	vm13 =	vlt.f32 v31, v25;
	vm14 =	vlt.f32 v31, v23;
	vm2 =	vlt.f32 v31, v20  }
0x270: {  	v59 =	vmax.f32 v22, v31;
	vm15 =	vlt.f32 v31, v22;
	vm8 =	vlt.f32 v31, v16  }
0x271: {  	v42 =	vmax.f32 v20, v31;
	v47 =	vmax.f32 v23, v31;
	v50 =	vmax.f32 v25, v31  }
0x272: {  	v25 =	vmin.f32 v25, v31;
	vm9 =	vlt.f32 v52, v30;
	vm10 =	vlt.f32 v52, v29  }
0x273: {  	vm11 =	vlt.f32 v52, v27;
	vm12 =	vlt.f32 v52, v26;
	v31 =	vmax.f32 v27, v52  }
0x274: {  	v56 =	vmax.f32 v29, v52;
	v16 =	vmin.f32 v16, v59;
	v60 =	vnsel vm15, s26, v11  }
0x275: {  	v44 =	vnsel vm2, s26, v14;
	v22 =	vmin.f32 v22, v42;
	v48 =	vnsel vm14, s26, v15  }
0x276: {  	s28 =	sadd.s32 $0xFFFFFFFC, s18;
	v20 =	vmin.f32 v20, v47;
	v23 =	vmin.f32 v23, v50;
	v51 =	vnsel vm13, s26, v12  }
0x277: {  	v12 =	vsel vm13, s26, v12;
	v53 =	vnsel vm11, s28, v19;
	vm13 =	vlt.f32 v52, v28  }
0x278: {  	v26 =	vmin.f32 v26, v31;
	v31 =	vmax.f32 v28, v52;
	v57 =	vnsel vm10, s28, v21  }
0x279: {  	v28 =	vmin.f32 v28, v56;
	v58 =	vnsel vm9, s28, v24;
	v32 =	vadd.f32 v32, v35  }
0x27a: {  	v24 =	vsel vm9, s28, v24;
	v35 =	vmul.f32 v61, v5;
	v56 =	vbroadcast v10, $0xD  }
0x27b: {  	v13 =	vsel vm8, v60, v13;
	v11 =	vsel vm15, v44, v11;
	v14 =	vsel vm2, v48, v14  }
0x27c: {  	v15 =	vsel vm14, v51, v15;
	v17 =	vsel vm12, v53, v17;
	v27 =	vmin.f32 v27, v31  }
0x27d: {  	v31 =	vnsel vm13, s28, v18;
	v18 =	vsel vm13, v57, v18;
	v21 =	vsel vm10, v58, v21  }
0x27e: {  	vm14 =	veq.s32 v1, s28;
	v60 =	vbroadcast v8, $0xC;
	v44 =	vmul.f32 v61, v3  }
0x27f: {  	v48 =	vadd.f32 v62, v6;
	v19 =	vsel vm11, v31, v19;
	v31 =	vmax.f32 v30, v52  }
0x280: {  	v53 =	vbroadcast v8, $0xD;
	v30 =	vmin.f32 v30, v52;
	v29 =	vmin.f32 v29, v31  }
0x281: {  	v31 =	vsel vm14, $0x4E6E6B28, v32;
	v43 =	vmul.f32 v60, v2;
	v34 =	vmul.f32 v60, v4  }
0x282: {  	v58 =	vmul.f32 v53, v2;
	vm15 =	vlt.f32 v31, v25;
	vm1 =	vlt.f32 v31, v23  }
0x283: {  	vm8 =	vlt.f32 v31, v20;
	vm9 =	vlt.f32 v31, v22;
	vm10 =	vlt.f32 v31, v16  }
0x284: {  	v32 =	vmax.f32 v22, v31;
	v42 =	vmax.f32 v20, v31;
	v46 =	vmax.f32 v23, v31  }
0x285: {  	v49 =	vmax.f32 v25, v31;
	v25 =	vmin.f32 v25, v31;
	v59 =	vnsel vm9, s28, v11  }
0x286: {  	v16 =	vmin.f32 v16, v32;
	v22 =	vmin.f32 v22, v42;
	v45 =	vnsel vm8, s28, v14  }
0x287: {  	v47 =	vnsel vm1, s28, v15;
	v36 =	vadd.f32 v44, v43;
	v20 =	vmin.f32 v20, v46  }
0x288: {  	v50 =	vnsel vm15, s28, v12;
	v23 =	vmin.f32 v23, v49;
	v32 =	vadd.f32 v62, v7  }
0x289: {  	v12 =	vsel vm15, s28, v12;
	v34 =	vadd.f32 v35, v34;
	v62 =	vadd.f32 v56, v6  }
0x28a: {  	v44 =	vmul.f32 v54, v5;
	v35 =	vadd.f32 v56, v7;
	v56 =	vbroadcast v9, $0xE  }
0x28b: {  	v9 =	vbroadcast v9, $0xF;
	v13 =	vsel vm10, v59, v13;
	v11 =	vsel vm9, v45, v11  }
0x28c: {  	s29 =	sadd.s32 $0xFFFFFFFD, s18;
	v14 =	vsel vm8, v47, v14;
	v15 =	vsel vm1, v50, v15;
	v59 =	vmul.f32 v54, v3  }
0x28d: {  	vm8 =	veq.s32 v1, s29;
	v36 =	vadd.f32 v36, v48;
	v32 =	vadd.f32 v34, v32  }
0x28e: {  	v33 =	vmul.f32 v56, v5;
	v37 =	vadd.f32 v59, v58;
	v59 =	vbroadcast v10, $0xE  }
0x28f: {  	v10 =	vbroadcast v10, $0xF;
	vm11 =	vlt.f32 v36, v30;
	vm12 =	vlt.f32 v36, v29  }
0x290: {  	vm13 =	vlt.f32 v36, v28;
	vm14 =	vlt.f32 v36, v27;
	v31 =	vmax.f32 v27, v36  }
0x291: {  	vm15 =	vlt.f32 v36, v26;
	v51 =	vmax.f32 v28, v36;
	v52 =	vmax.f32 v29, v36  }
0x292: {  	v26 =	vmin.f32 v26, v31;
	v31 =	vnsel vm14, s29, v19;
	v27 =	vmin.f32 v27, v51  }
0x293: {  	v37 =	vadd.f32 v37, v62;
	v17 =	vsel vm15, v31, v17;
	v31 =	vnsel vm13, s29, v18  }
0x294: {  	v28 =	vmin.f32 v28, v52;
	v62 =	vmul.f32 v56, v3;
	v19 =	vsel vm14, v31, v19  }
0x295: {  	v31 =	vnsel vm12, s29, v21;
	vm14 =	vlt.f32 v37, v26;
	vm15 =	vlt.f32 v37, v28  }
0x296: {  	v45 =	vmax.f32 v27, v37;
	v46 =	vmax.f32 v28, v37;
	v18 =	vsel vm13, v31, v18  }
0x297: {  	v31 =	vmax.f32 v30, v36;
	v30 =	vmin.f32 v30, v36;
	v26 =	vmin.f32 v26, v45  }
0x298: {  	v36 =	vadd.f32 v59, v7;
	v29 =	vmin.f32 v29, v31;
	v31 =	vnsel vm11, s29, v24  }
0x299: {  	v24 =	vsel vm11, s29, v24;
	vm1 =	vlt.f32 v37, v30;
	v47 =	vnsel vm15, s30, v18  }
0x29a: {  	v50 =	vmax.f32 v30, v37;
	v30 =	vmin.f32 v30, v37;
	v21 =	vsel vm12, v31, v21  }
0x29b: {  	v31 =	vsel vm8, $0x4E6E6B28, v32;
	vm12 =	vlt.f32 v37, v27;
	vm13 =	vlt.f32 v37, v29  }
0x29c: {  	v27 =	vmin.f32 v27, v46;
	v48 =	vmax.f32 v29, v37;
	v51 =	vnsel vm1, s30, v24  }
0x29d: {  	v29 =	vmin.f32 v29, v50;
	v24 =	vsel vm1, s30, v24;
	vm0 =	vlt.f32 v31, v25  }
0x29e: {  	vm9 =	vlt.f32 v31, v23;
	vm2 =	vlt.f32 v31, v20;
	vm10 =	vlt.f32 v31, v22  }
0x29f: {  	vm11 =	vlt.f32 v31, v16;
	v32 =	vmax.f32 v22, v31;
	v57 =	vmax.f32 v20, v31  }
0x2a0: {  	v61 =	vmax.f32 v23, v31;
	v42 =	vmax.f32 v25, v31;
	v25 =	vmin.f32 v25, v31  }
0x2a1: {  	v31 =	vnsel vm12, s30, v19;
	v19 =	vsel vm12, v47, v19;
	v49 =	vnsel vm13, s30, v21  }
0x2a2: {  	v28 =	vmin.f32 v28, v48;
	v21 =	vsel vm13, v51, v21;
	v16 =	vmin.f32 v16, v32  }
0x2a3: {  	v55 =	vnsel vm10, s29, v11;
	v22 =	vmin.f32 v22, v57;
	v60 =	vnsel vm2, s29, v14  }
0x2a4: {  	v20 =	vmin.f32 v20, v61;
	v17 =	vsel vm14, v31, v17;
	v31 =	vmul.f32 v53, v4  }
0x2a5: {  	v41 =	vnsel vm9, s29, v15;
	v43 =	vnsel vm0, s29, v12;
	v23 =	vmin.f32 v23, v42  }
0x2a6: {  	v13 =	vsel vm11, v55, v13;
	v55 =	vbroadcast v8, $0xE;
	v31 =	vadd.f32 v44, v31  }
0x2a7: {  	v18 =	vsel vm15, v49, v18;
	v12 =	vsel vm0, s29, v12;
	v11 =	vsel vm10, v60, v11  }
0x2a8: {  	v14 =	vsel vm2, v41, v14;
	v61 =	vmul.f32 v55, v2;
	v31 =	vadd.f32 v31, v35  }
0x2a9: {  	v15 =	vsel vm9, v43, v15;
	v8 =	vbroadcast v8, $0xF;
	v32 =	vmul.f32 v55, v4  }
0x2aa: {  	v44 =	vadd.f32 v59, v6;
	v43 =	vadd.f32 v62, v61;
	v31 =	vsel vm7, $0x4E6E6B28, v31  }
0x2ab: {  	v32 =	vadd.f32 v33, v32;
	vm2 =	vlt.f32 v31, v22;
	vm8 =	vlt.f32 v31, v16  }
0x2ac: {  	vm9 =	vlt.f32 v31, v23;
	v53 =	vmax.f32 v22, v31;
	vm10 =	vlt.f32 v31, v20  }
0x2ad: {  	v54 =	vmax.f32 v20, v31;
	v58 =	vmax.f32 v23, v31;
	v42 =	vmax.f32 v25, v31  }
0x2ae: {  	vm11 =	vlt.f32 v31, v25;
	v45 =	vadd.f32 v43, v44;
	v25 =	vmin.f32 v25, v31  }
0x2af: {  	v32 =	vadd.f32 v32, v36;
	v52 =	vnsel vm2, s30, v11;
	v16 =	vmin.f32 v16, v53  }
0x2b0: {  	v22 =	vmin.f32 v22, v54;
	v57 =	vnsel vm10, s30, v14;
	v60 =	vnsel vm9, s30, v15  }
0x2b1: {  	v20 =	vmin.f32 v20, v58;
	v23 =	vmin.f32 v23, v42;
	v46 =	vnsel vm11, s30, v12  }
0x2b2: {  	v12 =	vsel vm11, s30, v12;
	v53 =	vmul.f32 v8, v2;
	v54 =	vmul.f32 v9, v3  }
0x2b3: {  	v58 =	vadd.f32 v10, v6;
	v8 =	vmul.f32 v8, v4;
	v9 =	vmul.f32 v9, v5  }
0x2b4: {  	v10 =	vadd.f32 v10, v7;
	v13 =	vsel vm8, v52, v13;
	v11 =	vsel vm2, v57, v11  }
0x2b5: {  	v14 =	vsel vm10, v60, v14;
	v15 =	vsel vm9, v46, v15;
	vm12 =	vlt.f32 v45, v30  }
0x2b6: {  	vm13 =	vlt.f32 v45, v29;
	vm14 =	vlt.f32 v45, v27;
	vm15 =	vlt.f32 v45, v26  }
0x2b7: {  	s31 =	sadd.s32 $0xFFFFFFFF, s18;
	v31 =	vmax.f32 v27, v45;
	vm8 =	vlt.f32 v45, v28;
	v48 =	vmax.f32 v29, v45  }
0x2b8: {  	vm9 =	veq.s32 v1, s31;
	v47 =	vnsel vm14, s31, v19;
	v26 =	vmin.f32 v26, v31  }
0x2b9: {  	v31 =	vmax.f32 v28, v45;
	v49 =	vnsel vm13, s31, v21;
	v28 =	vmin.f32 v28, v48  }
0x2ba: {  	v50 =	vnsel vm12, s31, v24;
	v24 =	vsel vm12, s31, v24;
	v33 =	vadd.f32 v54, v53  }
0x2bb: {  	v8 =	vadd.f32 v9, v8;
	v17 =	vsel vm15, v47, v17;
	v27 =	vmin.f32 v27, v31  }
0x2bc: {  	v31 =	vnsel vm8, s31, v18;
	v18 =	vsel vm8, v49, v18;
	v21 =	vsel vm13, v50, v21  }
0x2bd: {  	v19 =	vsel vm14, v31, v19;
	v31 =	vmax.f32 v30, v45;
	v30 =	vmin.f32 v30, v45  }
0x2be: {  	v33 =	vadd.f32 v33, v58;
	v29 =	vmin.f32 v29, v31;
	v31 =	vsel vm9, $0x4E6E6B28, v32  }
0x2bf: {  	v8 =	vadd.f32 v8, v10;
	vm10 =	vlt.f32 v31, v25;
	vm1 =	vlt.f32 v31, v23  }
0x2c0: {  	vm11 =	vlt.f32 v31, v20;
	vm12 =	vlt.f32 v31, v22;
	vm13 =	vlt.f32 v31, v16  }
0x2c1: {  	v32 =	vmax.f32 v22, v31;
	v52 =	vmax.f32 v20, v31;
	v56 =	vmax.f32 v23, v31  }
0x2c2: {  	v59 =	vmax.f32 v25, v31;
	v25 =	vmin.f32 v25, v31;
	vm14 =	vlt.f32 v33, v30  }
0x2c3: {  	vm15 =	vlt.f32 v33, v29;
	vm8 =	vlt.f32 v33, v28;
	vm9 =	vlt.f32 v33, v27  }
0x2c4: {  	v31 =	vmax.f32 v27, v33;
	v61 =	vmax.f32 v28, v33;
	v62 =	vmax.f32 v29, v33  }
0x2c5: {  	v51 =	vnsel vm12, s31, v11;
	v16 =	vmin.f32 v16, v32;
	v22 =	vmin.f32 v22, v52  }
0x2c6: {  	v55 =	vnsel vm11, s31, v14;
	v57 =	vnsel vm1, s31, v15;
	v20 =	vmin.f32 v20, v56  }
0x2c7: {  	v60 =	vnsel vm10, s31, v12;
	v23 =	vmin.f32 v23, v59;
	v12 =	vsel vm10, s31, v12  }
0x2c8: {  	vm10 =	vlt.f32 v33, v26;
	v26 =	vmin.f32 v26, v31;
	v31 =	vnsel vm9, s18, v19  }
0x2c9: {  	v27 =	vmin.f32 v27, v61;
	v28 =	vmin.f32 v28, v62;
	v9 =	vnsel vm15, s18, v21  }
0x2ca: {  	v13 =	vsel vm13, v51, v13;
	v11 =	vsel vm12, v55, v11;
	v14 =	vsel vm11, v57, v14  }
0x2cb: {  	v15 =	vsel vm1, v60, v15;
	v17 =	vsel vm10, v31, v17;
	v31 =	vnsel vm8, s18, v18  }
0x2cc: {  	v18 =	vsel vm8, v9, v18;
	v9 =	vmax.f32 v30, v33;
	vm11 =	veq.s32 v1, s18  }
0x2cd: {  	v30 =	vmin.f32 v30, v33;
	v19 =	vsel vm9, v31, v19;
	v29 =	vmin.f32 v29, v9  }
0x2ce: {  	v9 =	vnsel vm14, s18, v24;
	v8 =	vsel vm11, $0x4E6E6B28, v8;
	v24 =	vsel vm14, s18, v24  }
0x2cf: {  	v21 =	vsel vm15, v9, v21;
	vm12 =	vlt.f32 v8, v25;
	vm13 =	vlt.f32 v8, v23  }
0x2d0: {  	s17 =	sadd.s32 $0x2, s17;
	vm2 =	vlt.f32 v8, v20;
	vm14 =	vlt.f32 v8, v22;
	vm15 =	vlt.f32 v8, v16  }
0x2d1: {  	p0 =	slt.u32 s17, $0x3E;
	v9 =	vmax.f32 v22, v8;
	v31 =	vmax.f32 v20, v8;
	v10 =	vnsel vm14, s18, v11  }
.Ltmp2:
0x2d2: {  	v16 =	vmin.f32 v16, v9;
	v22 =	vmin.f32 v22, v31;
	v9 =	vnsel vm2, s18, v14;
	(pc) =	sbr.rel @p0 .LBB2_6-.Ltmp2, $4  }
0x2d3: {  	v31 =	vnsel vm13, s18, v15;
	v13 =	vsel vm15, v10, v13;
	v10 =	vmax.f32 v23, v8  }
0x2d4: {  	v11 =	vsel vm14, v9, v11;
	v14 =	vsel vm2, v31, v14;
	v9 =	vmax.f32 v25, v8  }
0x2d5: {  	v25 =	vmin.f32 v25, v8;
	v20 =	vmin.f32 v20, v10;
	v10 =	vnsel vm12, s18, v12  }
0x2d6: {  	s19 =	sadd.s32 $0x100, s19;
	v12 =	vsel vm12, s18, v12;
	v23 =	vmin.f32 v23, v9;
	s18 =	sadd.s32 $0x20, s18;
	v15 =	vsel vm13, v10, v15  }
0x2d7: {  	[tilespmem:s15+$0x18000] =	vst v24  }
0x2d8: {  	[tilespmem:s15+$0x18080] =	vst v21  }
0x2d9: {  	[tilespmem:s15+$0x18100] =	vst v18  }
0x2da: {  	[tilespmem:s15+$0x18180] =	vst v19;
	s14 =	sadd.s32 $0x1, s14  }
0x2db: {  	[tilespmem:s15+$0x18200] =	vst v17;
	p0 =	sne.s32 s14, $0x20  }
.Ltmp3:
0x2dc: {  	[tilespmem:s15+$0x18010] =	vst v12;
	(pc) =	sbr.rel @p0 .LBB2_5-.Ltmp3, $4  }
0x2dd: {  	[tilespmem:s15+$0x18090] =	vst v15  }
0x2de: {  	[tilespmem:s15+$0x18110] =	vst v14  }
0x2df: {  	[tilespmem:s15+$0x18190] =	vst v11  }
0x2e0: {  	[tilespmem:s15+$0x18210] =	vst v13  }
0x2e1: {  	s14 =	simm.s32 $0x18000  }
0x2e2: {  	s15 =	simm.s32 $0x80;
	s17 =	sadd.s32 $0x0, s8;
	s16 =	simm.s32 $0x18400  }
.LBB2_9:
0x2e3: {  	[hbm4b:s17+s3] =	stream.linear.scatter [tilespmem:s14], [sflag:$0x1], $0x280, $0x38;
	v63 =	vld [tilespmem:$0x0]  }
0x2e4: {  	s17 =	smov.u32 s15;
	s14 =	smov.u32 s16;
	p0 =	sne.s32 s15, $0xF80  }
.Ltmp4:
0x2e5: {  	s15 =	sadd.s32 $0x80, s15;
	(pc) =	sbr.rel @p0 .LBB2_9-.Ltmp4, $2  }
0x2e6: {  	_ =	sdelay $0x2  }
0x2e7: {  	s16 =	sadd.s32 $0x400, s16;
	s17 =	sadd.s32 s17, s8  }
0x2e8: {  	s13 =	sadd.s32 $0x1, s13  }
0x2e9: {  	p0 =	sne.s32 s13, s9  }
.Ltmp5:
0x2ea: {  	_ = 	snop;
	(pc) =	sbr.rel @p0 .LBB2_1-.Ltmp5, $4  }
0x2eb: {  	[hbm4b:s17+s3] =	stream.linear.scatter [tilespmem:s14], [sflag:$0x1], $0x280, $0x38;
	v63 =	vld [tilespmem:$0x0]  }
0x2ec: {  	_ =	swait.ge [sflag:s10], $0x5000  }
0x2ed: {  	[sflag:s10] =	ssyncset.done $0x0  }
0x2ee: {  	[sflag:s10] =	ssyncadd.s32 $0xFFFFB000  }
0x2ef: {  	_ =	sfence.sel $0x180000  }
0x2f0: {  	[bflag:$0x0] =	sbarrier.arrive $0xFFFF  }
0x2f1: {  	p0 =	sne.s32 s1, $0x0;
	_ =	strace $0x90000047  }
0x2f2: {  	s0 =	sadd.s32 @!p0 $0x100000, s0;
	[bflag:$0x2] =	sbarrier.arrive $0xFFFF  }
0x2f3: {  	[sflag:s0] =	ssyncadd.tile.s32 @!p0 $0x1;
	_ =	shalt  }
.Lfunc_end2:
_tile_overlayer_lowered:
.L_overlay_start_2:
0x2f4: {  	(tag) =	ssettag $0x2  }
0x2f5: {  	s0 =	rddreg [dreg:$0x0];
	s2 =	stileid.u32  }
0x2f6: {  	s1 =	rddreg [dreg:$0x1];
	p0 =	sne.s32 s2, $0x0  }
0x2f7: {  	s3 =	rddreg [dreg:$0x2];
	[bflag:$0x3] =	sbarrier.arrive $0xFFFF;
	s2 =	simm.s32 @!p0 $0x1C01  }
0x2f8: {  	[timem:s3], [sflag:s2] =	dma.local @!p0 [hbm:s0], s1  }
0x2f9: {  	s0 =	simm.s32 @!p0 $0x1  }
0x2fa: {  	_ =	swait.ge @!p0 [sflag:s0], s1  }
0x2fb: {  	s1 =	ssub.s32 @!p0 $0x0, s1;
	[sflag:s0] =	ssyncset.done @!p0 $0x0  }
0x2fc: {  	[sflag:s0] =	ssyncadd.s32 @!p0 s1  }
0x2fd: {  	[bflag:$0x3] =	sbarrier.arrive $0xFFFF  }
0x2fe: {  	_ =	shalt  }

</sc_bundles>
